<compile_context>
chip_gen: v7x
topology: tpu7x:2x2x1
jax: 0.10.2.dev20260603
libtpu: 0.0.44.dev20260713+nightly
codegen_flags: <defaults>
</compile_context>

<pallas_src>
import jax
import jax.numpy as jnp
from jax import lax
from jax.experimental import pallas as pl
from jax.experimental.pallas import tpu as pltpu
from jax.experimental.pallas import tpu_sc as plsc

N = 10000
E = 320000
D = 128
H = 8
C = 16
HC = H * C
TW = HC + 16

NB = 2000
NBLK = N // NB

ECH = 80
NCHUNK = E // ECH
NWORK = 32
_BASE_CH = NCHUNK // NWORK
NPAD = 10240
RPS = NPAD // 16



def _prep_body(x_ref, wp_ref, as_ref, ad_ref, tsrc_ref, tdst_ref,
               pmax_ref, m16_ref):
    hc = jnp.dot(x_ref[...], wp_ref[...])
    a_s = jnp.dot(hc, as_ref[...])
    a_d = jnp.dot(hc, ad_ref[...])
    zeros8 = jnp.zeros((NB, 8), jnp.float32)
    tsrc_ref[...] = jnp.concatenate([hc, a_s, zeros8], axis=1)
    tdst_ref[...] = jnp.concatenate([a_d, zeros8], axis=1)
    cur = jnp.broadcast_to(
        jnp.concatenate([jnp.max(a_s, axis=0), jnp.max(a_d, axis=0)])[None, :],
        (8, 16))
    i = pl.program_id(0)

    @pl.when(i == 0)
    def _():
        pmax_ref[...] = cur

    @pl.when(i > 0)
    def _():
        pmax_ref[...] = jnp.maximum(pmax_ref[...], cur)

    @pl.when(i == NBLK - 1)
    def _():
        pm = pmax_ref[...]
        tot = pm + jnp.roll(pm, -8, axis=1)
        lane = lax.broadcasted_iota(jnp.int32, (8, 16), 1)
        m16_ref[...] = jnp.where(lane < 8, tot, 1e30)


def _prep(x, Wp, A_s, A_d):
    return pl.pallas_call(
        _prep_body,
        grid=(NBLK,),
        in_specs=[
            pl.BlockSpec((NB, D), lambda i: (i, 0)),
            pl.BlockSpec((D, HC), lambda i: (0, 0)),
            pl.BlockSpec((HC, 8), lambda i: (0, 0)),
            pl.BlockSpec((HC, 8), lambda i: (0, 0)),
        ],
        out_specs=[
            pl.BlockSpec((NB, TW), lambda i: (i, 0)),
            pl.BlockSpec((NB, 16), lambda i: (i, 0)),
            pl.BlockSpec((8, 16), lambda i: (0, 0)),
            pl.BlockSpec((8, 16), lambda i: (0, 0)),
        ],
        out_shape=[
            jax.ShapeDtypeStruct((N, TW), jnp.float32),
            jax.ShapeDtypeStruct((N, 16), jnp.float32),
            jax.ShapeDtypeStruct((8, 16), jnp.float32),
            jax.ShapeDtypeStruct((8, 16), jnp.float32),
        ],
    )(x, Wp, A_s, A_d)



def _sc_body(tsrc_hbm, tdst_hbm, ei_hbm, m_hbm, outm_hbm, outd_hbm,
             is00, id00, is01, id01, is10, id10, is11, id11,
             rows0, drows0, rows1, drows1, mvec, acc,
             gsem0, gsem1, isem00, isem01, isem10, isem11):
    cid = lax.axis_index("c")
    sid = lax.axis_index("s")
    wid = sid * 2 + cid
    base = wid * _BASE_CH * ECH

    rowb = (rows0, rows1)
    drowb = (drows0, drows1)
    gsem = (gsem0, gsem1)
    idx = (((is00, id00, isem00), (is01, id01, isem01)),
           ((is10, id10, isem10), (is11, id11, isem11)))

    def fire_idx(k, b, q):
        is_, id_, sem = idx[b][q]
        off = base + k * ECH
        pltpu.async_copy(ei_hbm.at[0, pl.ds(off, ECH)], is_, sem)
        pltpu.async_copy(ei_hbm.at[1, pl.ds(off, ECH)], id_, sem)

    def fire_gather(b, q):
        is_, id_, sem = idx[b][q]
        pltpu.make_async_copy(ei_hbm.at[0, pl.ds(0, ECH)], is_, sem).wait()
        pltpu.make_async_copy(ei_hbm.at[1, pl.ds(0, ECH)], id_, sem).wait()
        pltpu.async_copy(tsrc_hbm.at[is_], rowb[b], gsem[b])
        pltpu.async_copy(tdst_hbm.at[id_], drowb[b], gsem[b])

    def drain_gather(b, q):
        is_, id_, _ = idx[b][q]
        pltpu.make_async_copy(tsrc_hbm.at[is_], rowb[b], gsem[b]).wait()
        pltpu.make_async_copy(tdst_hbm.at[id_], drowb[b], gsem[b]).wait()

    zero16 = jnp.zeros((16,), jnp.float32)

    @pl.loop(0, ECH)
    def _(r):
        for k in range(TW // 16):
            rows1[r, pl.ds(16 * k, 16)] = zero16

    for z in range(RPS // ECH):
        pltpu.async_copy(rows1.at[pl.ds(0, ECH)],
                         acc.at[pl.ds(sid * RPS + z * ECH, ECH)], gsem1)
    for k in range(4):
        fire_idx(k, k % 2, (k // 2) % 2)
    fire_gather(0, 0)
    for z in range(RPS // ECH):
        pltpu.make_async_copy(rows1.at[pl.ds(0, ECH)],
                              acc.at[pl.ds(sid * RPS + z * ECH, ECH)],
                              gsem1).wait()
    fire_gather(1, 0)

    plsc.subcore_barrier()

    pltpu.sync_copy(m_hbm.at[0], mvec)
    m = mvec[...]
    pat = lax.rem(lax.iota(jnp.int32, 16), jnp.full((16,), 8, jnp.int32))
    colv = pat + jnp.full((16,), HC, jnp.int32)

    def compute(b):
        rows_, drows_ = rowb[b], drowb[b]

        @plsc.parallel_loop(0, ECH, unroll=8)
        def _(e):
            a_s = rows_[e, pl.ds(HC, 16)]
            a_d = drows_[e, pl.ds(0, 16)]
            t = a_s + a_d
            lrelu = jnp.maximum(t, 0.2 * t)
            wv = jnp.exp(lrelu - m)
            rows_[e, pl.ds(HC, 16)] = wv
            rowv = jnp.full((16,), e, jnp.int32)
            wt = plsc.load_gather(rows_, [rowv, colv])
            for k in range(H):
                sl = pl.ds(16 * k, 16)
                rows_[e, sl] = rows_[e, sl] * wt

    def scatter(b, q):
        pltpu.sync_copy(rowb[b], acc.at[idx[b][q][1]], add=True)

    @pl.loop(0, (_BASE_CH - 1) // 4)
    def _(u):
        for r in range(4):
            k = 4 * u + r
            b = r % 2
            q = r // 2
            drain_gather(b, q)
            compute(b)
            scatter(b, q)

            @pl.when(k + 4 < _BASE_CH)
            def _():
                fire_idx(k + 4, b, q)

            @pl.when(k + 2 < _BASE_CH)
            def _():
                fire_gather(b, 1 - q)

    drain_gather(0, 0)
    compute(0)
    scatter(0, 0)

    plsc.subcore_barrier()

    for z in range(5):
        r0 = sid * RPS + z * (RPS // 5)
        pltpu.async_copy(acc.at[pl.ds(r0, RPS // 5), pl.ds(0, HC)],
                         outm_hbm.at[cid, pl.ds(r0, RPS // 5)], gsem0)
        pltpu.async_copy(acc.at[pl.ds(r0, RPS // 5), pl.ds(HC, 16)],
                         outd_hbm.at[cid, pl.ds(r0, RPS // 5)], gsem1)
    for z in range(5):
        r0 = sid * RPS + z * (RPS // 5)
        pltpu.make_async_copy(acc.at[pl.ds(r0, RPS // 5), pl.ds(0, HC)],
                              outm_hbm.at[cid, pl.ds(r0, RPS // 5)],
                              gsem0).wait()
        pltpu.make_async_copy(acc.at[pl.ds(r0, RPS // 5), pl.ds(HC, 16)],
                              outd_hbm.at[cid, pl.ds(r0, RPS // 5)],
                              gsem1).wait()


_SC_CP = pltpu.CompilerParams(needs_layout_passes=False,
                              use_tc_tiling_on_sc=False)


def _sc_edges(tsrc, tdst, ei, m16):
    return pl.kernel(
        _sc_body,
        compiler_params=_SC_CP,
        out_type=[jax.ShapeDtypeStruct((2, NPAD, HC), jnp.float32),
                  jax.ShapeDtypeStruct((2, NPAD, 16), jnp.float32)],
        mesh=plsc.VectorSubcoreMesh(core_axis_name="c", subcore_axis_name="s"),
        scratch_types=(
            [pltpu.VMEM((ECH,), jnp.int32)] * 8
            + [
                pltpu.VMEM((ECH, TW), jnp.float32),
                pltpu.VMEM((ECH, 16), jnp.float32),
                pltpu.VMEM((ECH, TW), jnp.float32),
                pltpu.VMEM((ECH, 16), jnp.float32),
                pltpu.VMEM((16,), jnp.float32),
                pltpu.VMEM_SHARED((NPAD, TW), jnp.float32),
            ]
            + [pltpu.SemaphoreType.DMA] * 6
        ),
    )(tsrc, tdst, ei, m16)



def _final_body(pm_ref, pd_ref, tsrc_ref, tdst_ref, m_ref, b_ref, perm_ref,
                t8_ref, o_ref):
    tsrc = tsrc_ref[...]
    asrc = tsrc[:, HC:HC + 8]
    adst = tdst_ref[...][:, :8]
    t = asrc + adst
    lrelu = jnp.maximum(t, 0.2 * t)
    wself = jnp.exp(lrelu - m_ref[0, :8][None, :])
    t8 = t8_ref[...]
    num = pm_ref[0] + pm_ref[1] + tsrc[:, :HC] * jnp.dot(wself, t8)
    rden = 1.0 / (pd_ref[0][:, :8] + pd_ref[1][:, :8] + wself + 1e-16)
    outc = num * jnp.dot(rden, t8)
    o_ref[...] = jnp.dot(outc, perm_ref[...]) + b_ref[0][None, :]


def _final(pm, pd, tsrc, tdst, m16, bias, P, T8):
    return pl.pallas_call(
        _final_body,
        grid=(NBLK,),
        in_specs=[
            pl.BlockSpec((2, NB, HC), lambda i: (0, i, 0)),
            pl.BlockSpec((2, NB, 16), lambda i: (0, i, 0)),
            pl.BlockSpec((NB, TW), lambda i: (i, 0)),
            pl.BlockSpec((NB, 16), lambda i: (i, 0)),
            pl.BlockSpec((8, 16), lambda i: (0, 0)),
            pl.BlockSpec((1, HC), lambda i: (0, 0)),
            pl.BlockSpec((HC, HC), lambda i: (0, 0)),
            pl.BlockSpec((8, HC), lambda i: (0, 0)),
        ],
        out_specs=pl.BlockSpec((NB, HC), lambda i: (i, 0)),
        out_shape=jax.ShapeDtypeStruct((N, HC), jnp.float32),
    )(pm, pd, tsrc, tdst, m16, bias, P, T8)



def kernel(x, edge_index, W, att_src, att_dst, bias):
    idx = jnp.arange(HC, dtype=jnp.int32)
    cmajor_of = (idx % 8) * C + idx // 8
    Wp = W[:, cmajor_of]
    onehot = jax.nn.one_hot(idx % 8, 8, dtype=jnp.float32)
    A_s = att_src.reshape(H, C).T.reshape(HC, 1) * onehot
    A_d = att_dst.reshape(H, C).T.reshape(HC, 1) * onehot
    P = jax.nn.one_hot(cmajor_of, HC, dtype=jnp.float32)
    T8 = jax.nn.one_hot(idx % 8, 8, dtype=jnp.float32).T

    tsrc, tdst, _, m16 = _prep(x, Wp, A_s, A_d)
    pm, pd = _sc_edges(tsrc, tdst, edge_index, m16)
    return _final(pm, pd, tsrc, tdst, m16, bias.reshape(1, HC), P, T8)

# --- scband reference (transcript-rebuilt; emitter-appended) ---
"""Pipeline reference for scband-gatlayer-14353780704047 (READ-ONLY COPY).

The authoritative reference and input builder live on the scoring server;
editing this copy changes nothing except your own understanding.
"""

import jax, jax.numpy as jnp
import numpy as np

N = 10000
E = 320000
D = 128
H = 8
C = 16


def setup_inputs(seed: int = 0) -> dict:
    key = jax.random.key(seed)
    k1, k2, k3, k4, k5 = jax.random.split(key, 5)
    x = jax.random.normal(k1, (N, D), dtype=jnp.float32)
    edge_index = jax.random.randint(k2, (2, E), 0, N, dtype=jnp.int32)
    # learned params of GATConv(in=128, out=16, heads=8, concat=True, bias=True)
    W = jax.random.normal(k3, (D, H * C), dtype=jnp.float32) * 0.05
    att_src = jax.random.normal(k4, (1, H, C), dtype=jnp.float32) * 0.05
    att_dst = jax.random.normal(k5, (1, H, C), dtype=jnp.float32) * 0.05
    bias = jnp.zeros((H * C,), dtype=jnp.float32)
    return {"x": x, "edge_index": edge_index, "W": W, "att_src": att_src, "att_dst": att_dst, "bias": bias}


def reference(x, edge_index, W, att_src, att_dst, bias):
    n = x.shape[0]
    # PyG GATConv default: add self loops
    loop = jnp.arange(n, dtype=edge_index.dtype)
    ei = jnp.concatenate([edge_index, jnp.stack([loop, loop], axis=0)], axis=1)
    src, dst = ei[0], ei[1]
    # linear projection, per-head view
    h = (x @ W).reshape(n, H, C)
    # attention logits: a_l^T h_src + a_r^T h_dst
    a_src = jnp.sum(h * att_src, axis=-1)  # [n, H]
    a_dst = jnp.sum(h * att_dst, axis=-1)  # [n, H]
    alpha = a_src[src] + a_dst[dst]        # [Etot, H] (gather)
    alpha = jax.nn.leaky_relu(alpha, 0.2)
    # segment softmax over incoming edges of each dst node
    amax = jax.ops.segment_max(alpha, dst, num_segments=n)
    alpha = jnp.exp(alpha - amax[dst])
    denom = jax.ops.segment_sum(alpha, dst, num_segments=n)
    alpha = alpha / (denom[dst] + 1e-16)
    # dropout(p=0.1) on alpha is identity in eval mode
    msg = h[src] * alpha[:, :, None]       # gather + weight
    out = jax.ops.segment_sum(msg, dst, num_segments=n)  # scatter-add
    return out.reshape(n, H * C) + bias

if __name__ == "__main__":
    import jax
    _d = setup_inputs()
    print(jax.jit(kernel)(*tuple(_d.values())))

</pallas_src>

<mosaic_0001>
#map = affine_map<(d0, d1) -> (0, 0)>
#map1 = affine_map<(d0, d1) -> (0, 0, 0)>
module attributes {stable_mosaic.version = 14 : i64} {
  func.func @_sc_body(%arg0: i32, %arg1: i32, %arg2: memref<10000x144xf32, #tpu.memory_space<hbm>>, %arg3: memref<10000x16xf32, #tpu.memory_space<hbm>>, %arg4: memref<2x320000xi32, #tpu.memory_space<hbm>>, %arg5: memref<8x16xf32, #tpu.memory_space<hbm>>, %arg6: memref<2x10240x128xf32, #tpu.memory_space<hbm>>, %arg7: memref<2x10240x16xf32, #tpu.memory_space<hbm>>, %arg8: memref<80xi32, #tpu.memory_space<vmem>>, %arg9: memref<80xi32, #tpu.memory_space<vmem>>, %arg10: memref<80xi32, #tpu.memory_space<vmem>>, %arg11: memref<80xi32, #tpu.memory_space<vmem>>, %arg12: memref<80xi32, #tpu.memory_space<vmem>>, %arg13: memref<80xi32, #tpu.memory_space<vmem>>, %arg14: memref<80xi32, #tpu.memory_space<vmem>>, %arg15: memref<80xi32, #tpu.memory_space<vmem>>, %arg16: memref<80x144xf32, #tpu.memory_space<vmem>>, %arg17: memref<80x16xf32, #tpu.memory_space<vmem>>, %arg18: memref<80x144xf32, #tpu.memory_space<vmem>>, %arg19: memref<80x16xf32, #tpu.memory_space<vmem>>, %arg20: memref<16xf32, #tpu.memory_space<vmem>>, %arg21: memref<10240x144xf32, #tpu.memory_space<vmem_shared>>, %arg22: memref<!tpu.dma_semaphore, #tpu.memory_space<semaphore_mem>>, %arg23: memref<!tpu.dma_semaphore, #tpu.memory_space<semaphore_mem>>, %arg24: memref<!tpu.dma_semaphore, #tpu.memory_space<semaphore_mem>>, %arg25: memref<!tpu.dma_semaphore, #tpu.memory_space<semaphore_mem>>, %arg26: memref<!tpu.dma_semaphore, #tpu.memory_space<semaphore_mem>>, %arg27: memref<!tpu.dma_semaphore, #tpu.memory_space<semaphore_mem>>) attributes {dimension_semantics = [#tpu.dimension_semantics<core_parallel>, #tpu.dimension_semantics<subcore_parallel>], iteration_bounds = array<i64: 2, 16>, scalar_prefetch = 0 : i64, scratch_operands = 20 : i64, tpu.core_type = #tpu.core_type<sc_vector_subcore>, window_params = [{transform_indices = #map}, {transform_indices = #map}, {transform_indices = #map}, {transform_indices = #map}, {transform_indices = #map1}, {transform_indices = #map1}]} {
    %mul3A = arith.constant 2 : i32
    %mul3A_0 = arith.muli %arg1, %mul3A : i32
    %add3A = arith.addi %mul3A_0, %arg0 : i32
    %mul3A_1 = arith.constant 125 : i32
    %mul3A_2 = arith.muli %add3A, %mul3A_1 : i32
    %mul3A_3 = arith.constant 80 : i32
    %mul3A_4 = arith.muli %mul3A_2, %mul3A_3 : i32
    %broadcast_in_dim3A = arith.constant 0.000000e+00 : f32
    %broadcast_in_dim3A_5 = vector.broadcast %broadcast_in_dim3A : f32 to vector<16xf32>
    %scan3A = arith.constant 0 : i32
    %scan3A_6 = arith.constant 80 : i32
    %scan3A_7 = arith.addi %scan3A, %scan3A_6 : i32
    %scan3A_8 = arith.constant 1 : i32
    scf.for %scan3A_480 = %scan3A to %scan3A_7 step %scan3A_8  : i32 {
      %mul3A_481 = arith.constant 1 : i32
      %mul3A_482 = arith.muli %scan3A_480, %mul3A_481 : i32
      %add3A_483 = arith.constant 0 : i32
      %add3A_484 = arith.addi %add3A_483, %mul3A_482 : i32
      %swap3A = arith.index_cast %add3A_484 : i32 to index
      %swap3A_485 = arith.constant 0 : index
      %swap3A_486 = tpu.vector_load %arg18[%swap3A, %swap3A_485] {strides = array<i32>} : memref<80x144xf32, #tpu.memory_space<vmem>>, vector<16xf32>,
      tpu.vector_store %arg18[%swap3A, %swap3A_485], %broadcast_in_dim3A_5 {strides = array<i32>} : memref<80x144xf32, #tpu.memory_space<vmem>>, vector<16xf32>,
      %swap3A_487 = arith.index_cast %add3A_484 : i32 to index
      %swap3A_488 = arith.constant 16 : index
      %swap3A_489 = tpu.vector_load %arg18[%swap3A_487, %swap3A_488] {strides = array<i32>} : memref<80x144xf32, #tpu.memory_space<vmem>>, vector<16xf32>,
      tpu.vector_store %arg18[%swap3A_487, %swap3A_488], %broadcast_in_dim3A_5 {strides = array<i32>} : memref<80x144xf32, #tpu.memory_space<vmem>>, vector<16xf32>,
      %swap3A_490 = arith.index_cast %add3A_484 : i32 to index
      %swap3A_491 = arith.constant 32 : index
      %swap3A_492 = tpu.vector_load %arg18[%swap3A_490, %swap3A_491] {strides = array<i32>} : memref<80x144xf32, #tpu.memory_space<vmem>>, vector<16xf32>,
      tpu.vector_store %arg18[%swap3A_490, %swap3A_491], %broadcast_in_dim3A_5 {strides = array<i32>} : memref<80x144xf32, #tpu.memory_space<vmem>>, vector<16xf32>,
      %swap3A_493 = arith.index_cast %add3A_484 : i32 to index
      %swap3A_494 = arith.constant 48 : index
      %swap3A_495 = tpu.vector_load %arg18[%swap3A_493, %swap3A_494] {strides = array<i32>} : memref<80x144xf32, #tpu.memory_space<vmem>>, vector<16xf32>,
      tpu.vector_store %arg18[%swap3A_493, %swap3A_494], %broadcast_in_dim3A_5 {strides = array<i32>} : memref<80x144xf32, #tpu.memory_space<vmem>>, vector<16xf32>,
      %swap3A_496 = arith.index_cast %add3A_484 : i32 to index
      %swap3A_497 = arith.constant 64 : index
      %swap3A_498 = tpu.vector_load %arg18[%swap3A_496, %swap3A_497] {strides = array<i32>} : memref<80x144xf32, #tpu.memory_space<vmem>>, vector<16xf32>,
      tpu.vector_store %arg18[%swap3A_496, %swap3A_497], %broadcast_in_dim3A_5 {strides = array<i32>} : memref<80x144xf32, #tpu.memory_space<vmem>>, vector<16xf32>,
      %swap3A_499 = arith.index_cast %add3A_484 : i32 to index
      %swap3A_500 = arith.constant 80 : index
      %swap3A_501 = tpu.vector_load %arg18[%swap3A_499, %swap3A_500] {strides = array<i32>} : memref<80x144xf32, #tpu.memory_space<vmem>>, vector<16xf32>,
      tpu.vector_store %arg18[%swap3A_499, %swap3A_500], %broadcast_in_dim3A_5 {strides = array<i32>} : memref<80x144xf32, #tpu.memory_space<vmem>>, vector<16xf32>,
      %swap3A_502 = arith.index_cast %add3A_484 : i32 to index
      %swap3A_503 = arith.constant 96 : index
      %swap3A_504 = tpu.vector_load %arg18[%swap3A_502, %swap3A_503] {strides = array<i32>} : memref<80x144xf32, #tpu.memory_space<vmem>>, vector<16xf32>,
      tpu.vector_store %arg18[%swap3A_502, %swap3A_503], %broadcast_in_dim3A_5 {strides = array<i32>} : memref<80x144xf32, #tpu.memory_space<vmem>>, vector<16xf32>,
      %swap3A_505 = arith.index_cast %add3A_484 : i32 to index
      %swap3A_506 = arith.constant 112 : index
      %swap3A_507 = tpu.vector_load %arg18[%swap3A_505, %swap3A_506] {strides = array<i32>} : memref<80x144xf32, #tpu.memory_space<vmem>>, vector<16xf32>,
      tpu.vector_store %arg18[%swap3A_505, %swap3A_506], %broadcast_in_dim3A_5 {strides = array<i32>} : memref<80x144xf32, #tpu.memory_space<vmem>>, vector<16xf32>,
      %swap3A_508 = arith.index_cast %add3A_484 : i32 to index
      %swap3A_509 = arith.constant 128 : index
      %swap3A_510 = tpu.vector_load %arg18[%swap3A_508, %swap3A_509] {strides = array<i32>} : memref<80x144xf32, #tpu.memory_space<vmem>>, vector<16xf32>,
      tpu.vector_store %arg18[%swap3A_508, %swap3A_509], %broadcast_in_dim3A_5 {strides = array<i32>} : memref<80x144xf32, #tpu.memory_space<vmem>>, vector<16xf32>,
    }
    %scan3A_9 = arith.constant 80 : i32
    %mul3A_10 = arith.constant 640 : i32
    %mul3A_11 = arith.muli %arg1, %mul3A_10 : i32
    %add3A_12 = arith.constant 0 : i32
    %add3A_13 = arith.addi %mul3A_11, %add3A_12 : i32
    %dma_start3A = arith.constant 0 : i32
    %dma_start3A_14 = arith.constant 0 : i32
    %dma_start3A_15 = tpu.memref_slice %arg18[%dma_start3A, %dma_start3A_14] : memref<80x144xf32, #tpu.memory_space<vmem>> -> memref<80x144xf32, #tpu.memory_space<vmem>>
    %dma_start3A_16 = arith.constant 0 : i32
    %dma_start3A_17 = tpu.memref_slice %arg21[%add3A_13, %dma_start3A_16] : memref<10240x144xf32, #tpu.memory_space<vmem_shared>> -> memref<80x144xf32, #tpu.memory_space<vmem_shared>>
    %dma_start3A_18 = arith.constant 0 : i32
    %dma_start3A_19 = tpu.memref_slice %arg21[%add3A_13, %dma_start3A_18] : memref<10240x144xf32, #tpu.memory_space<vmem_shared>> -> memref<80x144xf32, #tpu.memory_space<vmem_shared>>
    %dma_start3A_20 = arith.constant 0 : i32
    %dma_start3A_21 = arith.constant 0 : i32
    %dma_start3A_22 = tpu.memref_slice %arg18[%dma_start3A_20, %dma_start3A_21] : memref<80x144xf32, #tpu.memory_space<vmem>> -> memref<80x144xf32, #tpu.memory_space<vmem>>
    tpu.enqueue_dma source(%dma_start3A_22 : memref<80x144xf32, #tpu.memory_space<vmem>>) target(%dma_start3A_19 : memref<80x144xf32, #tpu.memory_space<vmem_shared>>) target_semaphore(%arg23 : memref<!tpu.dma_semaphore, #tpu.memory_space<semaphore_mem>>)
    %mul3A_23 = arith.constant 640 : i32
    %mul3A_24 = arith.muli %arg1, %mul3A_23 : i32
    %add3A_25 = arith.constant 80 : i32
    %add3A_26 = arith.addi %mul3A_24, %add3A_25 : i32
    %dma_start3A_27 = arith.constant 0 : i32
    %dma_start3A_28 = arith.constant 0 : i32
    %dma_start3A_29 = tpu.memref_slice %arg18[%dma_start3A_27, %dma_start3A_28] : memref<80x144xf32, #tpu.memory_space<vmem>> -> memref<80x144xf32, #tpu.memory_space<vmem>>
    %dma_start3A_30 = arith.constant 0 : i32
    %dma_start3A_31 = tpu.memref_slice %arg21[%add3A_26, %dma_start3A_30] : memref<10240x144xf32, #tpu.memory_space<vmem_shared>> -> memref<80x144xf32, #tpu.memory_space<vmem_shared>>
    %dma_start3A_32 = arith.constant 0 : i32
    %dma_start3A_33 = tpu.memref_slice %arg21[%add3A_26, %dma_start3A_32] : memref<10240x144xf32, #tpu.memory_space<vmem_shared>> -> memref<80x144xf32, #tpu.memory_space<vmem_shared>>
    %dma_start3A_34 = arith.constant 0 : i32
    %dma_start3A_35 = arith.constant 0 : i32
    %dma_start3A_36 = tpu.memref_slice %arg18[%dma_start3A_34, %dma_start3A_35] : memref<80x144xf32, #tpu.memory_space<vmem>> -> memref<80x144xf32, #tpu.memory_space<vmem>>
    tpu.enqueue_dma source(%dma_start3A_36 : memref<80x144xf32, #tpu.memory_space<vmem>>) target(%dma_start3A_33 : memref<80x144xf32, #tpu.memory_space<vmem_shared>>) target_semaphore(%arg23 : memref<!tpu.dma_semaphore, #tpu.memory_space<semaphore_mem>>)
    %mul3A_37 = arith.constant 640 : i32
    %mul3A_38 = arith.muli %arg1, %mul3A_37 : i32
    %add3A_39 = arith.constant 160 : i32
    %add3A_40 = arith.addi %mul3A_38, %add3A_39 : i32
    %dma_start3A_41 = arith.constant 0 : i32
    %dma_start3A_42 = arith.constant 0 : i32
    %dma_start3A_43 = tpu.memref_slice %arg18[%dma_start3A_41, %dma_start3A_42] : memref<80x144xf32, #tpu.memory_space<vmem>> -> memref<80x144xf32, #tpu.memory_space<vmem>>
    %dma_start3A_44 = arith.constant 0 : i32
    %dma_start3A_45 = tpu.memref_slice %arg21[%add3A_40, %dma_start3A_44] : memref<10240x144xf32, #tpu.memory_space<vmem_shared>> -> memref<80x144xf32, #tpu.memory_space<vmem_shared>>
    %dma_start3A_46 = arith.constant 0 : i32
    %dma_start3A_47 = tpu.memref_slice %arg21[%add3A_40, %dma_start3A_46] : memref<10240x144xf32, #tpu.memory_space<vmem_shared>> -> memref<80x144xf32, #tpu.memory_space<vmem_shared>>
    %dma_start3A_48 = arith.constant 0 : i32
    %dma_start3A_49 = arith.constant 0 : i32
    %dma_start3A_50 = tpu.memref_slice %arg18[%dma_start3A_48, %dma_start3A_49] : memref<80x144xf32, #tpu.memory_space<vmem>> -> memref<80x144xf32, #tpu.memory_space<vmem>>
    tpu.enqueue_dma source(%dma_start3A_50 : memref<80x144xf32, #tpu.memory_space<vmem>>) target(%dma_start3A_47 : memref<80x144xf32, #tpu.memory_space<vmem_shared>>) target_semaphore(%arg23 : memref<!tpu.dma_semaphore, #tpu.memory_space<semaphore_mem>>)
    %mul3A_51 = arith.constant 640 : i32
    %mul3A_52 = arith.muli %arg1, %mul3A_51 : i32
    %add3A_53 = arith.constant 240 : i32
    %add3A_54 = arith.addi %mul3A_52, %add3A_53 : i32
    %dma_start3A_55 = arith.constant 0 : i32
    %dma_start3A_56 = arith.constant 0 : i32
    %dma_start3A_57 = tpu.memref_slice %arg18[%dma_start3A_55, %dma_start3A_56] : memref<80x144xf32, #tpu.memory_space<vmem>> -> memref<80x144xf32, #tpu.memory_space<vmem>>
    %dma_start3A_58 = arith.constant 0 : i32
    %dma_start3A_59 = tpu.memref_slice %arg21[%add3A_54, %dma_start3A_58] : memref<10240x144xf32, #tpu.memory_space<vmem_shared>> -> memref<80x144xf32, #tpu.memory_space<vmem_shared>>
    %dma_start3A_60 = arith.constant 0 : i32
    %dma_start3A_61 = tpu.memref_slice %arg21[%add3A_54, %dma_start3A_60] : memref<10240x144xf32, #tpu.memory_space<vmem_shared>> -> memref<80x144xf32, #tpu.memory_space<vmem_shared>>
    %dma_start3A_62 = arith.constant 0 : i32
    %dma_start3A_63 = arith.constant 0 : i32
    %dma_start3A_64 = tpu.memref_slice %arg18[%dma_start3A_62, %dma_start3A_63] : memref<80x144xf32, #tpu.memory_space<vmem>> -> memref<80x144xf32, #tpu.memory_space<vmem>>
    tpu.enqueue_dma source(%dma_start3A_64 : memref<80x144xf32, #tpu.memory_space<vmem>>) target(%dma_start3A_61 : memref<80x144xf32, #tpu.memory_space<vmem_shared>>) target_semaphore(%arg23 : memref<!tpu.dma_semaphore, #tpu.memory_space<semaphore_mem>>)
    %mul3A_65 = arith.constant 640 : i32
    %mul3A_66 = arith.muli %arg1, %mul3A_65 : i32
    %add3A_67 = arith.constant 320 : i32
    %add3A_68 = arith.addi %mul3A_66, %add3A_67 : i32
    %dma_start3A_69 = arith.constant 0 : i32
    %dma_start3A_70 = arith.constant 0 : i32
    %dma_start3A_71 = tpu.memref_slice %arg18[%dma_start3A_69, %dma_start3A_70] : memref<80x144xf32, #tpu.memory_space<vmem>> -> memref<80x144xf32, #tpu.memory_space<vmem>>
    %dma_start3A_72 = arith.constant 0 : i32
    %dma_start3A_73 = tpu.memref_slice %arg21[%add3A_68, %dma_start3A_72] : memref<10240x144xf32, #tpu.memory_space<vmem_shared>> -> memref<80x144xf32, #tpu.memory_space<vmem_shared>>
    %dma_start3A_74 = arith.constant 0 : i32
    %dma_start3A_75 = tpu.memref_slice %arg21[%add3A_68, %dma_start3A_74] : memref<10240x144xf32, #tpu.memory_space<vmem_shared>> -> memref<80x144xf32, #tpu.memory_space<vmem_shared>>
    %dma_start3A_76 = arith.constant 0 : i32
    %dma_start3A_77 = arith.constant 0 : i32
    %dma_start3A_78 = tpu.memref_slice %arg18[%dma_start3A_76, %dma_start3A_77] : memref<80x144xf32, #tpu.memory_space<vmem>> -> memref<80x144xf32, #tpu.memory_space<vmem>>
    tpu.enqueue_dma source(%dma_start3A_78 : memref<80x144xf32, #tpu.memory_space<vmem>>) target(%dma_start3A_75 : memref<80x144xf32, #tpu.memory_space<vmem_shared>>) target_semaphore(%arg23 : memref<!tpu.dma_semaphore, #tpu.memory_space<semaphore_mem>>)
    %mul3A_79 = arith.constant 640 : i32
    %mul3A_80 = arith.muli %arg1, %mul3A_79 : i32
    %add3A_81 = arith.constant 400 : i32
    %add3A_82 = arith.addi %mul3A_80, %add3A_81 : i32
    %dma_start3A_83 = arith.constant 0 : i32
    %dma_start3A_84 = arith.constant 0 : i32
    %dma_start3A_85 = tpu.memref_slice %arg18[%dma_start3A_83, %dma_start3A_84] : memref<80x144xf32, #tpu.memory_space<vmem>> -> memref<80x144xf32, #tpu.memory_space<vmem>>
    %dma_start3A_86 = arith.constant 0 : i32
    %dma_start3A_87 = tpu.memref_slice %arg21[%add3A_82, %dma_start3A_86] : memref<10240x144xf32, #tpu.memory_space<vmem_shared>> -> memref<80x144xf32, #tpu.memory_space<vmem_shared>>
    %dma_start3A_88 = arith.constant 0 : i32
    %dma_start3A_89 = tpu.memref_slice %arg21[%add3A_82, %dma_start3A_88] : memref<10240x144xf32, #tpu.memory_space<vmem_shared>> -> memref<80x144xf32, #tpu.memory_space<vmem_shared>>
    %dma_start3A_90 = arith.constant 0 : i32
    %dma_start3A_91 = arith.constant 0 : i32
    %dma_start3A_92 = tpu.memref_slice %arg18[%dma_start3A_90, %dma_start3A_91] : memref<80x144xf32, #tpu.memory_space<vmem>> -> memref<80x144xf32, #tpu.memory_space<vmem>>
    tpu.enqueue_dma source(%dma_start3A_92 : memref<80x144xf32, #tpu.memory_space<vmem>>) target(%dma_start3A_89 : memref<80x144xf32, #tpu.memory_space<vmem_shared>>) target_semaphore(%arg23 : memref<!tpu.dma_semaphore, #tpu.memory_space<semaphore_mem>>)
    %mul3A_93 = arith.constant 640 : i32
    %mul3A_94 = arith.muli %arg1, %mul3A_93 : i32
    %add3A_95 = arith.constant 480 : i32
    %add3A_96 = arith.addi %mul3A_94, %add3A_95 : i32
    %dma_start3A_97 = arith.constant 0 : i32
    %dma_start3A_98 = arith.constant 0 : i32
    %dma_start3A_99 = tpu.memref_slice %arg18[%dma_start3A_97, %dma_start3A_98] : memref<80x144xf32, #tpu.memory_space<vmem>> -> memref<80x144xf32, #tpu.memory_space<vmem>>
    %dma_start3A_100 = arith.constant 0 : i32
    %dma_start3A_101 = tpu.memref_slice %arg21[%add3A_96, %dma_start3A_100] : memref<10240x144xf32, #tpu.memory_space<vmem_shared>> -> memref<80x144xf32, #tpu.memory_space<vmem_shared>>
    %dma_start3A_102 = arith.constant 0 : i32
    %dma_start3A_103 = tpu.memref_slice %arg21[%add3A_96, %dma_start3A_102] : memref<10240x144xf32, #tpu.memory_space<vmem_shared>> -> memref<80x144xf32, #tpu.memory_space<vmem_shared>>
    %dma_start3A_104 = arith.constant 0 : i32
    %dma_start3A_105 = arith.constant 0 : i32
    %dma_start3A_106 = tpu.memref_slice %arg18[%dma_start3A_104, %dma_start3A_105] : memref<80x144xf32, #tpu.memory_space<vmem>> -> memref<80x144xf32, #tpu.memory_space<vmem>>
    tpu.enqueue_dma source(%dma_start3A_106 : memref<80x144xf32, #tpu.memory_space<vmem>>) target(%dma_start3A_103 : memref<80x144xf32, #tpu.memory_space<vmem_shared>>) target_semaphore(%arg23 : memref<!tpu.dma_semaphore, #tpu.memory_space<semaphore_mem>>)
    %mul3A_107 = arith.constant 640 : i32
    %mul3A_108 = arith.muli %arg1, %mul3A_107 : i32
    %add3A_109 = arith.constant 560 : i32
    %add3A_110 = arith.addi %mul3A_108, %add3A_109 : i32
    %dma_start3A_111 = arith.constant 0 : i32
    %dma_start3A_112 = arith.constant 0 : i32
    %dma_start3A_113 = tpu.memref_slice %arg18[%dma_start3A_111, %dma_start3A_112] : memref<80x144xf32, #tpu.memory_space<vmem>> -> memref<80x144xf32, #tpu.memory_space<vmem>>
    %dma_start3A_114 = arith.constant 0 : i32
    %dma_start3A_115 = tpu.memref_slice %arg21[%add3A_110, %dma_start3A_114] : memref<10240x144xf32, #tpu.memory_space<vmem_shared>> -> memref<80x144xf32, #tpu.memory_space<vmem_shared>>
    %dma_start3A_116 = arith.constant 0 : i32
    %dma_start3A_117 = tpu.memref_slice %arg21[%add3A_110, %dma_start3A_116] : memref<10240x144xf32, #tpu.memory_space<vmem_shared>> -> memref<80x144xf32, #tpu.memory_space<vmem_shared>>
    %dma_start3A_118 = arith.constant 0 : i32
    %dma_start3A_119 = arith.constant 0 : i32
    %dma_start3A_120 = tpu.memref_slice %arg18[%dma_start3A_118, %dma_start3A_119] : memref<80x144xf32, #tpu.memory_space<vmem>> -> memref<80x144xf32, #tpu.memory_space<vmem>>
    tpu.enqueue_dma source(%dma_start3A_120 : memref<80x144xf32, #tpu.memory_space<vmem>>) target(%dma_start3A_117 : memref<80x144xf32, #tpu.memory_space<vmem_shared>>) target_semaphore(%arg23 : memref<!tpu.dma_semaphore, #tpu.memory_space<semaphore_mem>>)
    %add3A_121 = arith.constant 0 : i32
    %add3A_122 = arith.addi %mul3A_4, %add3A_121 : i32
    %dma_start3A_123 = arith.constant 0 : i32
    %dma_start3A_124 = tpu.memref_slice %arg4[%dma_start3A_123, %add3A_122] : memref<2x320000xi32, #tpu.memory_space<hbm>> -> memref<1x80xi32, #tpu.memory_space<hbm>>
    %dma_start3A_125 = tpu.memref_squeeze %dma_start3A_124 : memref<1x80xi32, #tpu.memory_space<hbm>> -> memref<80xi32, #tpu.memory_space<hbm>>
    %dma_start3A_126 = tpu.memref_slice %arg4[%dma_start3A_123, %add3A_122] : memref<2x320000xi32, #tpu.memory_space<hbm>> -> memref<1x80xi32, #tpu.memory_space<hbm>>
    %dma_start3A_127 = tpu.memref_squeeze %dma_start3A_126 : memref<1x80xi32, #tpu.memory_space<hbm>> -> memref<80xi32, #tpu.memory_space<hbm>>
    tpu.enqueue_dma source(%dma_start3A_127 : memref<80xi32, #tpu.memory_space<hbm>>) target(%arg8 : memref<80xi32, #tpu.memory_space<vmem>>) target_semaphore(%arg24 : memref<!tpu.dma_semaphore, #tpu.memory_space<semaphore_mem>>)
    %dma_start3A_128 = arith.constant 1 : i32
    %dma_start3A_129 = tpu.memref_slice %arg4[%dma_start3A_128, %add3A_122] : memref<2x320000xi32, #tpu.memory_space<hbm>> -> memref<1x80xi32, #tpu.memory_space<hbm>>
    %dma_start3A_130 = tpu.memref_squeeze %dma_start3A_129 : memref<1x80xi32, #tpu.memory_space<hbm>> -> memref<80xi32, #tpu.memory_space<hbm>>
    %dma_start3A_131 = tpu.memref_slice %arg4[%dma_start3A_128, %add3A_122] : memref<2x320000xi32, #tpu.memory_space<hbm>> -> memref<1x80xi32, #tpu.memory_space<hbm>>
    %dma_start3A_132 = tpu.memref_squeeze %dma_start3A_131 : memref<1x80xi32, #tpu.memory_space<hbm>> -> memref<80xi32, #tpu.memory_space<hbm>>
    tpu.enqueue_dma source(%dma_start3A_132 : memref<80xi32, #tpu.memory_space<hbm>>) target(%arg9 : memref<80xi32, #tpu.memory_space<vmem>>) target_semaphore(%arg24 : memref<!tpu.dma_semaphore, #tpu.memory_space<semaphore_mem>>)
    %add3A_133 = arith.constant 80 : i32
    %add3A_134 = arith.addi %mul3A_4, %add3A_133 : i32
    %dma_start3A_135 = arith.constant 0 : i32
    %dma_start3A_136 = tpu.memref_slice %arg4[%dma_start3A_135, %add3A_134] : memref<2x320000xi32, #tpu.memory_space<hbm>> -> memref<1x80xi32, #tpu.memory_space<hbm>>
    %dma_start3A_137 = tpu.memref_squeeze %dma_start3A_136 : memref<1x80xi32, #tpu.memory_space<hbm>> -> memref<80xi32, #tpu.memory_space<hbm>>
    %dma_start3A_138 = tpu.memref_slice %arg4[%dma_start3A_135, %add3A_134] : memref<2x320000xi32, #tpu.memory_space<hbm>> -> memref<1x80xi32, #tpu.memory_space<hbm>>
    %dma_start3A_139 = tpu.memref_squeeze %dma_start3A_138 : memref<1x80xi32, #tpu.memory_space<hbm>> -> memref<80xi32, #tpu.memory_space<hbm>>
    tpu.enqueue_dma source(%dma_start3A_139 : memref<80xi32, #tpu.memory_space<hbm>>) target(%arg12 : memref<80xi32, #tpu.memory_space<vmem>>) target_semaphore(%arg26 : memref<!tpu.dma_semaphore, #tpu.memory_space<semaphore_mem>>)
    %dma_start3A_140 = arith.constant 1 : i32
    %dma_start3A_141 = tpu.memref_slice %arg4[%dma_start3A_140, %add3A_134] : memref<2x320000xi32, #tpu.memory_space<hbm>> -> memref<1x80xi32, #tpu.memory_space<hbm>>
    %dma_start3A_142 = tpu.memref_squeeze %dma_start3A_141 : memref<1x80xi32, #tpu.memory_space<hbm>> -> memref<80xi32, #tpu.memory_space<hbm>>
    %dma_start3A_143 = tpu.memref_slice %arg4[%dma_start3A_140, %add3A_134] : memref<2x320000xi32, #tpu.memory_space<hbm>> -> memref<1x80xi32, #tpu.memory_space<hbm>>
    %dma_start3A_144 = tpu.memref_squeeze %dma_start3A_143 : memref<1x80xi32, #tpu.memory_space<hbm>> -> memref<80xi32, #tpu.memory_space<hbm>>
    tpu.enqueue_dma source(%dma_start3A_144 : memref<80xi32, #tpu.memory_space<hbm>>) target(%arg13 : memref<80xi32, #tpu.memory_space<vmem>>) target_semaphore(%arg26 : memref<!tpu.dma_semaphore, #tpu.memory_space<semaphore_mem>>)
    %add3A_145 = arith.constant 160 : i32
    %add3A_146 = arith.addi %mul3A_4, %add3A_145 : i32
    %dma_start3A_147 = arith.constant 0 : i32
    %dma_start3A_148 = tpu.memref_slice %arg4[%dma_start3A_147, %add3A_146] : memref<2x320000xi32, #tpu.memory_space<hbm>> -> memref<1x80xi32, #tpu.memory_space<hbm>>
    %dma_start3A_149 = tpu.memref_squeeze %dma_start3A_148 : memref<1x80xi32, #tpu.memory_space<hbm>> -> memref<80xi32, #tpu.memory_space<hbm>>
    %dma_start3A_150 = tpu.memref_slice %arg4[%dma_start3A_147, %add3A_146] : memref<2x320000xi32, #tpu.memory_space<hbm>> -> memref<1x80xi32, #tpu.memory_space<hbm>>
    %dma_start3A_151 = tpu.memref_squeeze %dma_start3A_150 : memref<1x80xi32, #tpu.memory_space<hbm>> -> memref<80xi32, #tpu.memory_space<hbm>>
    tpu.enqueue_dma source(%dma_start3A_151 : memref<80xi32, #tpu.memory_space<hbm>>) target(%arg10 : memref<80xi32, #tpu.memory_space<vmem>>) target_semaphore(%arg25 : memref<!tpu.dma_semaphore, #tpu.memory_space<semaphore_mem>>)
    %dma_start3A_152 = arith.constant 1 : i32
    %dma_start3A_153 = tpu.memref_slice %arg4[%dma_start3A_152, %add3A_146] : memref<2x320000xi32, #tpu.memory_space<hbm>> -> memref<1x80xi32, #tpu.memory_space<hbm>>
    %dma_start3A_154 = tpu.memref_squeeze %dma_start3A_153 : memref<1x80xi32, #tpu.memory_space<hbm>> -> memref<80xi32, #tpu.memory_space<hbm>>
    %dma_start3A_155 = tpu.memref_slice %arg4[%dma_start3A_152, %add3A_146] : memref<2x320000xi32, #tpu.memory_space<hbm>> -> memref<1x80xi32, #tpu.memory_space<hbm>>
    %dma_start3A_156 = tpu.memref_squeeze %dma_start3A_155 : memref<1x80xi32, #tpu.memory_space<hbm>> -> memref<80xi32, #tpu.memory_space<hbm>>
    tpu.enqueue_dma source(%dma_start3A_156 : memref<80xi32, #tpu.memory_space<hbm>>) target(%arg11 : memref<80xi32, #tpu.memory_space<vmem>>) target_semaphore(%arg25 : memref<!tpu.dma_semaphore, #tpu.memory_space<semaphore_mem>>)
    %add3A_157 = arith.constant 240 : i32
    %add3A_158 = arith.addi %mul3A_4, %add3A_157 : i32
    %dma_start3A_159 = arith.constant 0 : i32
    %dma_start3A_160 = tpu.memref_slice %arg4[%dma_start3A_159, %add3A_158] : memref<2x320000xi32, #tpu.memory_space<hbm>> -> memref<1x80xi32, #tpu.memory_space<hbm>>
    %dma_start3A_161 = tpu.memref_squeeze %dma_start3A_160 : memref<1x80xi32, #tpu.memory_space<hbm>> -> memref<80xi32, #tpu.memory_space<hbm>>
    %dma_start3A_162 = tpu.memref_slice %arg4[%dma_start3A_159, %add3A_158] : memref<2x320000xi32, #tpu.memory_space<hbm>> -> memref<1x80xi32, #tpu.memory_space<hbm>>
    %dma_start3A_163 = tpu.memref_squeeze %dma_start3A_162 : memref<1x80xi32, #tpu.memory_space<hbm>> -> memref<80xi32, #tpu.memory_space<hbm>>
    tpu.enqueue_dma source(%dma_start3A_163 : memref<80xi32, #tpu.memory_space<hbm>>) target(%arg14 : memref<80xi32, #tpu.memory_space<vmem>>) target_semaphore(%arg27 : memref<!tpu.dma_semaphore, #tpu.memory_space<semaphore_mem>>)
    %dma_start3A_164 = arith.constant 1 : i32
    %dma_start3A_165 = tpu.memref_slice %arg4[%dma_start3A_164, %add3A_158] : memref<2x320000xi32, #tpu.memory_space<hbm>> -> memref<1x80xi32, #tpu.memory_space<hbm>>
    %dma_start3A_166 = tpu.memref_squeeze %dma_start3A_165 : memref<1x80xi32, #tpu.memory_space<hbm>> -> memref<80xi32, #tpu.memory_space<hbm>>
    %dma_start3A_167 = tpu.memref_slice %arg4[%dma_start3A_164, %add3A_158] : memref<2x320000xi32, #tpu.memory_space<hbm>> -> memref<1x80xi32, #tpu.memory_space<hbm>>
    %dma_start3A_168 = tpu.memref_squeeze %dma_start3A_167 : memref<1x80xi32, #tpu.memory_space<hbm>> -> memref<80xi32, #tpu.memory_space<hbm>>
    tpu.enqueue_dma source(%dma_start3A_168 : memref<80xi32, #tpu.memory_space<hbm>>) target(%arg15 : memref<80xi32, #tpu.memory_space<vmem>>) target_semaphore(%arg27 : memref<!tpu.dma_semaphore, #tpu.memory_space<semaphore_mem>>)
    %dma_wait3A = arith.constant 0 : i32
    %dma_wait3A_169 = arith.constant 0 : i32
    %dma_wait3A_170 = tpu.memref_slice %arg4[%dma_wait3A, %dma_wait3A_169] : memref<2x320000xi32, #tpu.memory_space<hbm>> -> memref<1x80xi32, #tpu.memory_space<hbm>>
    %dma_wait3A_171 = tpu.memref_squeeze %dma_wait3A_170 : memref<1x80xi32, #tpu.memory_space<hbm>> -> memref<80xi32, #tpu.memory_space<hbm>>
    %dma_wait3A_172 = arith.constant 0 : i32
    %dma_wait3A_173 = tpu.memref_slice %arg4[%dma_wait3A, %dma_wait3A_172] : memref<2x320000xi32, #tpu.memory_space<hbm>> -> memref<1x80xi32, #tpu.memory_space<hbm>>
    %dma_wait3A_174 = tpu.memref_squeeze %dma_wait3A_173 : memref<1x80xi32, #tpu.memory_space<hbm>> -> memref<80xi32, #tpu.memory_space<hbm>>
    tpu.wait_dma2 semaphore(%arg24 : memref<!tpu.dma_semaphore, #tpu.memory_space<semaphore_mem>>) src(%dma_wait3A_174 : memref<80xi32, #tpu.memory_space<hbm>>) dst(%arg8 : memref<80xi32, #tpu.memory_space<vmem>>)
    %dma_wait3A_175 = arith.constant 1 : i32
    %dma_wait3A_176 = arith.constant 0 : i32
    %dma_wait3A_177 = tpu.memref_slice %arg4[%dma_wait3A_175, %dma_wait3A_176] : memref<2x320000xi32, #tpu.memory_space<hbm>> -> memref<1x80xi32, #tpu.memory_space<hbm>>
    %dma_wait3A_178 = tpu.memref_squeeze %dma_wait3A_177 : memref<1x80xi32, #tpu.memory_space<hbm>> -> memref<80xi32, #tpu.memory_space<hbm>>
    %dma_wait3A_179 = arith.constant 0 : i32
    %dma_wait3A_180 = tpu.memref_slice %arg4[%dma_wait3A_175, %dma_wait3A_179] : memref<2x320000xi32, #tpu.memory_space<hbm>> -> memref<1x80xi32, #tpu.memory_space<hbm>>
    %dma_wait3A_181 = tpu.memref_squeeze %dma_wait3A_180 : memref<1x80xi32, #tpu.memory_space<hbm>> -> memref<80xi32, #tpu.memory_space<hbm>>
    tpu.wait_dma2 semaphore(%arg24 : memref<!tpu.dma_semaphore, #tpu.memory_space<semaphore_mem>>) src(%dma_wait3A_181 : memref<80xi32, #tpu.memory_space<hbm>>) dst(%arg9 : memref<80xi32, #tpu.memory_space<vmem>>)
    %dma_start3A_182 = arith.constant 0 : i32
    %dma_start3A_183 = arith.constant 0 : i32
    %dma_start3A_184 = tpu.memref_slice %arg2[%dma_start3A_182, %dma_start3A_183] : memref<10000x144xf32, #tpu.memory_space<hbm>> -> memref<10000x144xf32, #tpu.memory_space<hbm>>
    tpu.enqueue_indirect_dma source(%dma_start3A_184 : memref<10000x144xf32, #tpu.memory_space<hbm>>) target(%arg16 : memref<80x144xf32, #tpu.memory_space<vmem>>) offsets(%arg8 : memref<80xi32, #tpu.memory_space<vmem>>) semaphore(%arg22 : memref<!tpu.dma_semaphore, #tpu.memory_space<semaphore_mem>>)
    %dma_start3A_185 = arith.constant 0 : i32
    %dma_start3A_186 = arith.constant 0 : i32
    %dma_start3A_187 = tpu.memref_slice %arg3[%dma_start3A_185, %dma_start3A_186] : memref<10000x16xf32, #tpu.memory_space<hbm>> -> memref<10000x16xf32, #tpu.memory_space<hbm>>
    tpu.enqueue_indirect_dma source(%dma_start3A_187 : memref<10000x16xf32, #tpu.memory_space<hbm>>) target(%arg17 : memref<80x16xf32, #tpu.memory_space<vmem>>) offsets(%arg9 : memref<80xi32, #tpu.memory_space<vmem>>) semaphore(%arg22 : memref<!tpu.dma_semaphore, #tpu.memory_space<semaphore_mem>>)
    %mul3A_188 = arith.constant 640 : i32
    %mul3A_189 = arith.muli %arg1, %mul3A_188 : i32
    %add3A_190 = arith.constant 0 : i32
    %add3A_191 = arith.addi %mul3A_189, %add3A_190 : i32
    %dma_wait3A_192 = arith.constant 0 : i32
    %dma_wait3A_193 = arith.constant 0 : i32
    %dma_wait3A_194 = tpu.memref_slice %arg18[%dma_wait3A_192, %dma_wait3A_193] : memref<80x144xf32, #tpu.memory_space<vmem>> -> memref<80x144xf32, #tpu.memory_space<vmem>>
    %dma_wait3A_195 = arith.constant 0 : i32
    %dma_wait3A_196 = tpu.memref_slice %arg21[%add3A_191, %dma_wait3A_195] : memref<10240x144xf32, #tpu.memory_space<vmem_shared>> -> memref<80x144xf32, #tpu.memory_space<vmem_shared>>
    %dma_wait3A_197 = arith.constant 0 : i32
    %dma_wait3A_198 = tpu.memref_slice %arg21[%add3A_191, %dma_wait3A_197] : memref<10240x144xf32, #tpu.memory_space<vmem_shared>> -> memref<80x144xf32, #tpu.memory_space<vmem_shared>>
    %dma_wait3A_199 = arith.constant 0 : i32
    %dma_wait3A_200 = arith.constant 0 : i32
    %dma_wait3A_201 = tpu.memref_slice %arg18[%dma_wait3A_199, %dma_wait3A_200] : memref<80x144xf32, #tpu.memory_space<vmem>> -> memref<80x144xf32, #tpu.memory_space<vmem>>
    tpu.wait_dma2 semaphore(%arg23 : memref<!tpu.dma_semaphore, #tpu.memory_space<semaphore_mem>>) src(%dma_wait3A_201 : memref<80x144xf32, #tpu.memory_space<vmem>>) dst(%dma_wait3A_198 : memref<80x144xf32, #tpu.memory_space<vmem_shared>>)
    %mul3A_202 = arith.constant 640 : i32
    %mul3A_203 = arith.muli %arg1, %mul3A_202 : i32
    %add3A_204 = arith.constant 80 : i32
    %add3A_205 = arith.addi %mul3A_203, %add3A_204 : i32
    %dma_wait3A_206 = arith.constant 0 : i32
    %dma_wait3A_207 = arith.constant 0 : i32
    %dma_wait3A_208 = tpu.memref_slice %arg18[%dma_wait3A_206, %dma_wait3A_207] : memref<80x144xf32, #tpu.memory_space<vmem>> -> memref<80x144xf32, #tpu.memory_space<vmem>>
    %dma_wait3A_209 = arith.constant 0 : i32
    %dma_wait3A_210 = tpu.memref_slice %arg21[%add3A_205, %dma_wait3A_209] : memref<10240x144xf32, #tpu.memory_space<vmem_shared>> -> memref<80x144xf32, #tpu.memory_space<vmem_shared>>
    %dma_wait3A_211 = arith.constant 0 : i32
    %dma_wait3A_212 = tpu.memref_slice %arg21[%add3A_205, %dma_wait3A_211] : memref<10240x144xf32, #tpu.memory_space<vmem_shared>> -> memref<80x144xf32, #tpu.memory_space<vmem_shared>>
    %dma_wait3A_213 = arith.constant 0 : i32
    %dma_wait3A_214 = arith.constant 0 : i32
    %dma_wait3A_215 = tpu.memref_slice %arg18[%dma_wait3A_213, %dma_wait3A_214] : memref<80x144xf32, #tpu.memory_space<vmem>> -> memref<80x144xf32, #tpu.memory_space<vmem>>
    tpu.wait_dma2 semaphore(%arg23 : memref<!tpu.dma_semaphore, #tpu.memory_space<semaphore_mem>>) src(%dma_wait3A_215 : memref<80x144xf32, #tpu.memory_space<vmem>>) dst(%dma_wait3A_212 : memref<80x144xf32, #tpu.memory_space<vmem_shared>>)
    %mul3A_216 = arith.constant 640 : i32
    %mul3A_217 = arith.muli %arg1, %mul3A_216 : i32
    %add3A_218 = arith.constant 160 : i32
    %add3A_219 = arith.addi %mul3A_217, %add3A_218 : i32
    %dma_wait3A_220 = arith.constant 0 : i32
    %dma_wait3A_221 = arith.constant 0 : i32
    %dma_wait3A_222 = tpu.memref_slice %arg18[%dma_wait3A_220, %dma_wait3A_221] : memref<80x144xf32, #tpu.memory_space<vmem>> -> memref<80x144xf32, #tpu.memory_space<vmem>>
    %dma_wait3A_223 = arith.constant 0 : i32
    %dma_wait3A_224 = tpu.memref_slice %arg21[%add3A_219, %dma_wait3A_223] : memref<10240x144xf32, #tpu.memory_space<vmem_shared>> -> memref<80x144xf32, #tpu.memory_space<vmem_shared>>
    %dma_wait3A_225 = arith.constant 0 : i32
    %dma_wait3A_226 = tpu.memref_slice %arg21[%add3A_219, %dma_wait3A_225] : memref<10240x144xf32, #tpu.memory_space<vmem_shared>> -> memref<80x144xf32, #tpu.memory_space<vmem_shared>>
    %dma_wait3A_227 = arith.constant 0 : i32
    %dma_wait3A_228 = arith.constant 0 : i32
    %dma_wait3A_229 = tpu.memref_slice %arg18[%dma_wait3A_227, %dma_wait3A_228] : memref<80x144xf32, #tpu.memory_space<vmem>> -> memref<80x144xf32, #tpu.memory_space<vmem>>
    tpu.wait_dma2 semaphore(%arg23 : memref<!tpu.dma_semaphore, #tpu.memory_space<semaphore_mem>>) src(%dma_wait3A_229 : memref<80x144xf32, #tpu.memory_space<vmem>>) dst(%dma_wait3A_226 : memref<80x144xf32, #tpu.memory_space<vmem_shared>>)
    %mul3A_230 = arith.constant 640 : i32
    %mul3A_231 = arith.muli %arg1, %mul3A_230 : i32
    %add3A_232 = arith.constant 240 : i32
    %add3A_233 = arith.addi %mul3A_231, %add3A_232 : i32
    %dma_wait3A_234 = arith.constant 0 : i32
    %dma_wait3A_235 = arith.constant 0 : i32
    %dma_wait3A_236 = tpu.memref_slice %arg18[%dma_wait3A_234, %dma_wait3A_235] : memref<80x144xf32, #tpu.memory_space<vmem>> -> memref<80x144xf32, #tpu.memory_space<vmem>>
    %dma_wait3A_237 = arith.constant 0 : i32
    %dma_wait3A_238 = tpu.memref_slice %arg21[%add3A_233, %dma_wait3A_237] : memref<10240x144xf32, #tpu.memory_space<vmem_shared>> -> memref<80x144xf32, #tpu.memory_space<vmem_shared>>
    %dma_wait3A_239 = arith.constant 0 : i32
    %dma_wait3A_240 = tpu.memref_slice %arg21[%add3A_233, %dma_wait3A_239] : memref<10240x144xf32, #tpu.memory_space<vmem_shared>> -> memref<80x144xf32, #tpu.memory_space<vmem_shared>>
    %dma_wait3A_241 = arith.constant 0 : i32
    %dma_wait3A_242 = arith.constant 0 : i32
    %dma_wait3A_243 = tpu.memref_slice %arg18[%dma_wait3A_241, %dma_wait3A_242] : memref<80x144xf32, #tpu.memory_space<vmem>> -> memref<80x144xf32, #tpu.memory_space<vmem>>
    tpu.wait_dma2 semaphore(%arg23 : memref<!tpu.dma_semaphore, #tpu.memory_space<semaphore_mem>>) src(%dma_wait3A_243 : memref<80x144xf32, #tpu.memory_space<vmem>>) dst(%dma_wait3A_240 : memref<80x144xf32, #tpu.memory_space<vmem_shared>>)
    %mul3A_244 = arith.constant 640 : i32
    %mul3A_245 = arith.muli %arg1, %mul3A_244 : i32
    %add3A_246 = arith.constant 320 : i32
    %add3A_247 = arith.addi %mul3A_245, %add3A_246 : i32
    %dma_wait3A_248 = arith.constant 0 : i32
    %dma_wait3A_249 = arith.constant 0 : i32
    %dma_wait3A_250 = tpu.memref_slice %arg18[%dma_wait3A_248, %dma_wait3A_249] : memref<80x144xf32, #tpu.memory_space<vmem>> -> memref<80x144xf32, #tpu.memory_space<vmem>>
    %dma_wait3A_251 = arith.constant 0 : i32
    %dma_wait3A_252 = tpu.memref_slice %arg21[%add3A_247, %dma_wait3A_251] : memref<10240x144xf32, #tpu.memory_space<vmem_shared>> -> memref<80x144xf32, #tpu.memory_space<vmem_shared>>
    %dma_wait3A_253 = arith.constant 0 : i32
    %dma_wait3A_254 = tpu.memref_slice %arg21[%add3A_247, %dma_wait3A_253] : memref<10240x144xf32, #tpu.memory_space<vmem_shared>> -> memref<80x144xf32, #tpu.memory_space<vmem_shared>>
    %dma_wait3A_255 = arith.constant 0 : i32
    %dma_wait3A_256 = arith.constant 0 : i32
    %dma_wait3A_257 = tpu.memref_slice %arg18[%dma_wait3A_255, %dma_wait3A_256] : memref<80x144xf32, #tpu.memory_space<vmem>> -> memref<80x144xf32, #tpu.memory_space<vmem>>
    tpu.wait_dma2 semaphore(%arg23 : memref<!tpu.dma_semaphore, #tpu.memory_space<semaphore_mem>>) src(%dma_wait3A_257 : memref<80x144xf32, #tpu.memory_space<vmem>>) dst(%dma_wait3A_254 : memref<80x144xf32, #tpu.memory_space<vmem_shared>>)
    %mul3A_258 = arith.constant 640 : i32
    %mul3A_259 = arith.muli %arg1, %mul3A_258 : i32
    %add3A_260 = arith.constant 400 : i32
    %add3A_261 = arith.addi %mul3A_259, %add3A_260 : i32
    %dma_wait3A_262 = arith.constant 0 : i32
    %dma_wait3A_263 = arith.constant 0 : i32
    %dma_wait3A_264 = tpu.memref_slice %arg18[%dma_wait3A_262, %dma_wait3A_263] : memref<80x144xf32, #tpu.memory_space<vmem>> -> memref<80x144xf32, #tpu.memory_space<vmem>>
    %dma_wait3A_265 = arith.constant 0 : i32
    %dma_wait3A_266 = tpu.memref_slice %arg21[%add3A_261, %dma_wait3A_265] : memref<10240x144xf32, #tpu.memory_space<vmem_shared>> -> memref<80x144xf32, #tpu.memory_space<vmem_shared>>
    %dma_wait3A_267 = arith.constant 0 : i32
    %dma_wait3A_268 = tpu.memref_slice %arg21[%add3A_261, %dma_wait3A_267] : memref<10240x144xf32, #tpu.memory_space<vmem_shared>> -> memref<80x144xf32, #tpu.memory_space<vmem_shared>>
    %dma_wait3A_269 = arith.constant 0 : i32
    %dma_wait3A_270 = arith.constant 0 : i32
    %dma_wait3A_271 = tpu.memref_slice %arg18[%dma_wait3A_269, %dma_wait3A_270] : memref<80x144xf32, #tpu.memory_space<vmem>> -> memref<80x144xf32, #tpu.memory_space<vmem>>
    tpu.wait_dma2 semaphore(%arg23 : memref<!tpu.dma_semaphore, #tpu.memory_space<semaphore_mem>>) src(%dma_wait3A_271 : memref<80x144xf32, #tpu.memory_space<vmem>>) dst(%dma_wait3A_268 : memref<80x144xf32, #tpu.memory_space<vmem_shared>>)
    %mul3A_272 = arith.constant 640 : i32
    %mul3A_273 = arith.muli %arg1, %mul3A_272 : i32
    %add3A_274 = arith.constant 480 : i32
    %add3A_275 = arith.addi %mul3A_273, %add3A_274 : i32
    %dma_wait3A_276 = arith.constant 0 : i32
    %dma_wait3A_277 = arith.constant 0 : i32
    %dma_wait3A_278 = tpu.memref_slice %arg18[%dma_wait3A_276, %dma_wait3A_277] : memref<80x144xf32, #tpu.memory_space<vmem>> -> memref<80x144xf32, #tpu.memory_space<vmem>>
    %dma_wait3A_279 = arith.constant 0 : i32
    %dma_wait3A_280 = tpu.memref_slice %arg21[%add3A_275, %dma_wait3A_279] : memref<10240x144xf32, #tpu.memory_space<vmem_shared>> -> memref<80x144xf32, #tpu.memory_space<vmem_shared>>
    %dma_wait3A_281 = arith.constant 0 : i32
    %dma_wait3A_282 = tpu.memref_slice %arg21[%add3A_275, %dma_wait3A_281] : memref<10240x144xf32, #tpu.memory_space<vmem_shared>> -> memref<80x144xf32, #tpu.memory_space<vmem_shared>>
    %dma_wait3A_283 = arith.constant 0 : i32
    %dma_wait3A_284 = arith.constant 0 : i32
    %dma_wait3A_285 = tpu.memref_slice %arg18[%dma_wait3A_283, %dma_wait3A_284] : memref<80x144xf32, #tpu.memory_space<vmem>> -> memref<80x144xf32, #tpu.memory_space<vmem>>
    tpu.wait_dma2 semaphore(%arg23 : memref<!tpu.dma_semaphore, #tpu.memory_space<semaphore_mem>>) src(%dma_wait3A_285 : memref<80x144xf32, #tpu.memory_space<vmem>>) dst(%dma_wait3A_282 : memref<80x144xf32, #tpu.memory_space<vmem_shared>>)
    %mul3A_286 = arith.constant 640 : i32
    %mul3A_287 = arith.muli %arg1, %mul3A_286 : i32
    %add3A_288 = arith.constant 560 : i32
    %add3A_289 = arith.addi %mul3A_287, %add3A_288 : i32
    %dma_wait3A_290 = arith.constant 0 : i32
    %dma_wait3A_291 = arith.constant 0 : i32
    %dma_wait3A_292 = tpu.memref_slice %arg18[%dma_wait3A_290, %dma_wait3A_291] : memref<80x144xf32, #tpu.memory_space<vmem>> -> memref<80x144xf32, #tpu.memory_space<vmem>>
    %dma_wait3A_293 = arith.constant 0 : i32
    %dma_wait3A_294 = tpu.memref_slice %arg21[%add3A_289, %dma_wait3A_293] : memref<10240x144xf32, #tpu.memory_space<vmem_shared>> -> memref<80x144xf32, #tpu.memory_space<vmem_shared>>
    %dma_wait3A_295 = arith.constant 0 : i32
    %dma_wait3A_296 = tpu.memref_slice %arg21[%add3A_289, %dma_wait3A_295] : memref<10240x144xf32, #tpu.memory_space<vmem_shared>> -> memref<80x144xf32, #tpu.memory_space<vmem_shared>>
    %dma_wait3A_297 = arith.constant 0 : i32
    %dma_wait3A_298 = arith.constant 0 : i32
    %dma_wait3A_299 = tpu.memref_slice %arg18[%dma_wait3A_297, %dma_wait3A_298] : memref<80x144xf32, #tpu.memory_space<vmem>> -> memref<80x144xf32, #tpu.memory_space<vmem>>
    tpu.wait_dma2 semaphore(%arg23 : memref<!tpu.dma_semaphore, #tpu.memory_space<semaphore_mem>>) src(%dma_wait3A_299 : memref<80x144xf32, #tpu.memory_space<vmem>>) dst(%dma_wait3A_296 : memref<80x144xf32, #tpu.memory_space<vmem_shared>>)
    %dma_wait3A_300 = arith.constant 0 : i32
    %dma_wait3A_301 = arith.constant 0 : i32
    %dma_wait3A_302 = tpu.memref_slice %arg4[%dma_wait3A_300, %dma_wait3A_301] : memref<2x320000xi32, #tpu.memory_space<hbm>> -> memref<1x80xi32, #tpu.memory_space<hbm>>
    %dma_wait3A_303 = tpu.memref_squeeze %dma_wait3A_302 : memref<1x80xi32, #tpu.memory_space<hbm>> -> memref<80xi32, #tpu.memory_space<hbm>>
    %dma_wait3A_304 = arith.constant 0 : i32
    %dma_wait3A_305 = tpu.memref_slice %arg4[%dma_wait3A_300, %dma_wait3A_304] : memref<2x320000xi32, #tpu.memory_space<hbm>> -> memref<1x80xi32, #tpu.memory_space<hbm>>
    %dma_wait3A_306 = tpu.memref_squeeze %dma_wait3A_305 : memref<1x80xi32, #tpu.memory_space<hbm>> -> memref<80xi32, #tpu.memory_space<hbm>>
    tpu.wait_dma2 semaphore(%arg26 : memref<!tpu.dma_semaphore, #tpu.memory_space<semaphore_mem>>) src(%dma_wait3A_306 : memref<80xi32, #tpu.memory_space<hbm>>) dst(%arg12 : memref<80xi32, #tpu.memory_space<vmem>>)
    %dma_wait3A_307 = arith.constant 1 : i32
    %dma_wait3A_308 = arith.constant 0 : i32
    %dma_wait3A_309 = tpu.memref_slice %arg4[%dma_wait3A_307, %dma_wait3A_308] : memref<2x320000xi32, #tpu.memory_space<hbm>> -> memref<1x80xi32, #tpu.memory_space<hbm>>
    %dma_wait3A_310 = tpu.memref_squeeze %dma_wait3A_309 : memref<1x80xi32, #tpu.memory_space<hbm>> -> memref<80xi32, #tpu.memory_space<hbm>>
    %dma_wait3A_311 = arith.constant 0 : i32
    %dma_wait3A_312 = tpu.memref_slice %arg4[%dma_wait3A_307, %dma_wait3A_311] : memref<2x320000xi32, #tpu.memory_space<hbm>> -> memref<1x80xi32, #tpu.memory_space<hbm>>
    %dma_wait3A_313 = tpu.memref_squeeze %dma_wait3A_312 : memref<1x80xi32, #tpu.memory_space<hbm>> -> memref<80xi32, #tpu.memory_space<hbm>>
    tpu.wait_dma2 semaphore(%arg26 : memref<!tpu.dma_semaphore, #tpu.memory_space<semaphore_mem>>) src(%dma_wait3A_313 : memref<80xi32, #tpu.memory_space<hbm>>) dst(%arg13 : memref<80xi32, #tpu.memory_space<vmem>>)
    %dma_start3A_314 = arith.constant 0 : i32
    %dma_start3A_315 = arith.constant 0 : i32
    %dma_start3A_316 = tpu.memref_slice %arg2[%dma_start3A_314, %dma_start3A_315] : memref<10000x144xf32, #tpu.memory_space<hbm>> -> memref<10000x144xf32, #tpu.memory_space<hbm>>
    tpu.enqueue_indirect_dma source(%dma_start3A_316 : memref<10000x144xf32, #tpu.memory_space<hbm>>) target(%arg18 : memref<80x144xf32, #tpu.memory_space<vmem>>) offsets(%arg12 : memref<80xi32, #tpu.memory_space<vmem>>) semaphore(%arg23 : memref<!tpu.dma_semaphore, #tpu.memory_space<semaphore_mem>>)
    %dma_start3A_317 = arith.constant 0 : i32
    %dma_start3A_318 = arith.constant 0 : i32
    %dma_start3A_319 = tpu.memref_slice %arg3[%dma_start3A_317, %dma_start3A_318] : memref<10000x16xf32, #tpu.memory_space<hbm>> -> memref<10000x16xf32, #tpu.memory_space<hbm>>
    tpu.enqueue_indirect_dma source(%dma_start3A_319 : memref<10000x16xf32, #tpu.memory_space<hbm>>) target(%arg19 : memref<80x16xf32, #tpu.memory_space<vmem>>) offsets(%arg13 : memref<80xi32, #tpu.memory_space<vmem>>) semaphore(%arg23 : memref<!tpu.dma_semaphore, #tpu.memory_space<semaphore_mem>>)
    %barrier3A = arith.constant 0 : index
    tpu.barrier barrier_id(%barrier3A)
    %run_scoped3A = arith.constant 0 : i32
    "tpu.region"() ({
      %run_scoped3A_480 = tpu.sem_alloc : memref<!tpu.dma_semaphore, #tpu.memory_space<semaphore_mem>>
      %dma_start3A_481 = arith.constant 0 : i32
      %dma_start3A_482 = tpu.memref_slice %arg5[%run_scoped3A, %dma_start3A_481] : memref<8x16xf32, #tpu.memory_space<hbm>> -> memref<1x16xf32, #tpu.memory_space<hbm>>
      %dma_start3A_483 = tpu.memref_squeeze %dma_start3A_482 : memref<1x16xf32, #tpu.memory_space<hbm>> -> memref<16xf32, #tpu.memory_space<hbm>>
      %dma_start3A_484 = arith.constant 0 : i32
      %dma_start3A_485 = tpu.memref_slice %arg5[%run_scoped3A, %dma_start3A_484] : memref<8x16xf32, #tpu.memory_space<hbm>> -> memref<1x16xf32, #tpu.memory_space<hbm>>
      %dma_start3A_486 = tpu.memref_squeeze %dma_start3A_485 : memref<1x16xf32, #tpu.memory_space<hbm>> -> memref<16xf32, #tpu.memory_space<hbm>>
      tpu.enqueue_dma source(%dma_start3A_486 : memref<16xf32, #tpu.memory_space<hbm>>) target(%arg20 : memref<16xf32, #tpu.memory_space<vmem>>) target_semaphore(%run_scoped3A_480 : memref<!tpu.dma_semaphore, #tpu.memory_space<semaphore_mem>>)
      %dma_wait3A_487 = arith.constant 0 : i32
      %dma_wait3A_488 = tpu.memref_slice %arg5[%run_scoped3A, %dma_wait3A_487] : memref<8x16xf32, #tpu.memory_space<hbm>> -> memref<1x16xf32, #tpu.memory_space<hbm>>
      %dma_wait3A_489 = tpu.memref_squeeze %dma_wait3A_488 : memref<1x16xf32, #tpu.memory_space<hbm>> -> memref<16xf32, #tpu.memory_space<hbm>>
      %dma_wait3A_490 = arith.constant 0 : i32
      %dma_wait3A_491 = tpu.memref_slice %arg5[%run_scoped3A, %dma_wait3A_490] : memref<8x16xf32, #tpu.memory_space<hbm>> -> memref<1x16xf32, #tpu.memory_space<hbm>>
      %dma_wait3A_492 = tpu.memref_squeeze %dma_wait3A_491 : memref<1x16xf32, #tpu.memory_space<hbm>> -> memref<16xf32, #tpu.memory_space<hbm>>
      tpu.wait_dma2 semaphore(%run_scoped3A_480 : memref<!tpu.dma_semaphore, #tpu.memory_space<semaphore_mem>>) src(%dma_wait3A_492 : memref<16xf32, #tpu.memory_space<hbm>>) dst(%arg20 : memref<16xf32, #tpu.memory_space<vmem>>)
      tpu.yield
    }) : () -> ()
    %get3A = arith.constant 0 : index
    %get3A_320 = tpu.vector_load %arg20[%get3A] {strides = array<i32>} : memref<16xf32, #tpu.memory_space<vmem>>, vector<16xf32>,
    %iota3A = tpu.iota {dimensions = array<i32: 0>} : vector<16xi32>
    %broadcast_in_dim3A_321 = arith.constant 8 : i32
    %broadcast_in_dim3A_322 = vector.broadcast %broadcast_in_dim3A_321 : i32 to vector<16xi32>
    %rem3A = arith.remsi %iota3A, %broadcast_in_dim3A_322 : vector<16xi32>
    %broadcast_in_dim3A_323 = arith.constant 128 : i32
    %broadcast_in_dim3A_324 = vector.broadcast %broadcast_in_dim3A_323 : i32 to vector<16xi32>
    %add3A_325 = arith.addi %rem3A, %broadcast_in_dim3A_324 : vector<16xi32>
    %scan3A_326 = arith.constant 0 : i32
    %scan3A_327 = arith.constant 31 : i32
    %scan3A_328 = arith.addi %scan3A_326, %scan3A_327 : i32
    %scan3A_329 = arith.constant 1 : i32
    scf.for %scan3A_480 = %scan3A_326 to %scan3A_328 step %scan3A_329  : i32 {
      %mul3A_481 = arith.constant 1 : i32
      %mul3A_482 = arith.muli %scan3A_480, %mul3A_481 : i32
      %add3A_483 = arith.constant 0 : i32
      %add3A_484 = arith.addi %add3A_483, %mul3A_482 : i32
      %mul3A_485 = arith.constant 4 : i32
      %mul3A_486 = arith.muli %mul3A_485, %add3A_484 : i32
      %add3A_487 = arith.constant 0 : i32
      %add3A_488 = arith.addi %mul3A_486, %add3A_487 : i32
      %dma_wait3A_489 = arith.constant 0 : i32
      %dma_wait3A_490 = arith.constant 0 : i32
      %dma_wait3A_491 = tpu.memref_slice %arg2[%dma_wait3A_489, %dma_wait3A_490] : memref<10000x144xf32, #tpu.memory_space<hbm>> -> memref<10000x144xf32, #tpu.memory_space<hbm>>
      tpu.wait_indirect_dma semaphore(%arg22 : memref<!tpu.dma_semaphore, #tpu.memory_space<semaphore_mem>>) src(%dma_wait3A_491 : memref<10000x144xf32, #tpu.memory_space<hbm>>) dst(%arg16 : memref<80x144xf32, #tpu.memory_space<vmem>>)
      %dma_wait3A_492 = arith.constant 0 : i32
      %dma_wait3A_493 = arith.constant 0 : i32
      %dma_wait3A_494 = tpu.memref_slice %arg3[%dma_wait3A_492, %dma_wait3A_493] : memref<10000x16xf32, #tpu.memory_space<hbm>> -> memref<10000x16xf32, #tpu.memory_space<hbm>>
      tpu.wait_indirect_dma semaphore(%arg22 : memref<!tpu.dma_semaphore, #tpu.memory_space<semaphore_mem>>) src(%dma_wait3A_494 : memref<10000x16xf32, #tpu.memory_space<hbm>>) dst(%arg17 : memref<80x16xf32, #tpu.memory_space<vmem>>)
      %parallel_loop3A_495 = arith.constant 0 : i32
      %parallel_loop3A_496 = arith.constant 80 : i32
      %parallel_loop3A_497 = arith.constant 1 : i32
      scf.for %parallel_loop3A_590 = %parallel_loop3A_495 to %parallel_loop3A_496 step %parallel_loop3A_497  : i32 {
        %parallel_loop3A_591 = arith.index_cast %parallel_loop3A_590 : i32 to index
        %parallel_loop3A_592 = arith.constant 128 : index
        %parallel_loop3A_593 = tpu.vector_load %arg16[%parallel_loop3A_591, %parallel_loop3A_592] {strides = array<i32>} : memref<80x144xf32, #tpu.memory_space<vmem>>, vector<16xf32>,
        %parallel_loop3A_594 = arith.index_cast %parallel_loop3A_590 : i32 to index
        %parallel_loop3A_595 = arith.constant 0 : index
        %parallel_loop3A_596 = tpu.vector_load %arg17[%parallel_loop3A_594, %parallel_loop3A_595] {strides = array<i32>} : memref<80x16xf32, #tpu.memory_space<vmem>>, vector<16xf32>,
        %parallel_loop3A_597 = arith.addf %parallel_loop3A_593, %parallel_loop3A_596 : vector<16xf32>
        %parallel_loop3A_598 = arith.constant 2.000000e-01 : f32
        %parallel_loop3A_599 = vector.broadcast %parallel_loop3A_598 : f32 to vector<16xf32>
        %parallel_loop3A_600 = arith.mulf %parallel_loop3A_599, %parallel_loop3A_597 : vector<16xf32>
        %parallel_loop3A_601 = arith.maximumf %parallel_loop3A_597, %parallel_loop3A_600 : vector<16xf32>
        %parallel_loop3A_602 = arith.subf %parallel_loop3A_601, %get3A_320 : vector<16xf32>
        %parallel_loop3A_603 = math.exp %parallel_loop3A_602 : vector<16xf32>
        %parallel_loop3A_604 = arith.index_cast %parallel_loop3A_590 : i32 to index
        %parallel_loop3A_605 = arith.constant 128 : index
        %parallel_loop3A_606 = tpu.vector_load %arg16[%parallel_loop3A_604, %parallel_loop3A_605] {strides = array<i32>} : memref<80x144xf32, #tpu.memory_space<vmem>>, vector<16xf32>,
        tpu.vector_store %arg16[%parallel_loop3A_604, %parallel_loop3A_605], %parallel_loop3A_603 {strides = array<i32>} : memref<80x144xf32, #tpu.memory_space<vmem>>, vector<16xf32>,
        %parallel_loop3A_607 = vector.broadcast %parallel_loop3A_590 : i32 to vector<16xi32>
        %parallel_loop3A_608 = tpu.vector_load_idx %arg16[%parallel_loop3A_607, %add3A_325] : memref<80x144xf32, #tpu.memory_space<vmem>>[vector<16xi32>, vector<16xi32>], vector<16xf32>,
        %parallel_loop3A_609 = arith.index_cast %parallel_loop3A_590 : i32 to index
        %parallel_loop3A_610 = arith.constant 0 : index
        %parallel_loop3A_611 = tpu.vector_load %arg16[%parallel_loop3A_609, %parallel_loop3A_610] {strides = array<i32>} : memref<80x144xf32, #tpu.memory_space<vmem>>, vector<16xf32>,
        %parallel_loop3A_612 = arith.mulf %parallel_loop3A_611, %parallel_loop3A_608 : vector<16xf32>
        %parallel_loop3A_613 = arith.index_cast %parallel_loop3A_590 : i32 to index
        %parallel_loop3A_614 = arith.constant 0 : index
        %parallel_loop3A_615 = tpu.vector_load %arg16[%parallel_loop3A_613, %parallel_loop3A_614] {strides = array<i32>} : memref<80x144xf32, #tpu.memory_space<vmem>>, vector<16xf32>,
        tpu.vector_store %arg16[%parallel_loop3A_613, %parallel_loop3A_614], %parallel_loop3A_612 {strides = array<i32>} : memref<80x144xf32, #tpu.memory_space<vmem>>, vector<16xf32>,
        %parallel_loop3A_616 = arith.index_cast %parallel_loop3A_590 : i32 to index
        %parallel_loop3A_617 = arith.constant 16 : index
        %parallel_loop3A_618 = tpu.vector_load %arg16[%parallel_loop3A_616, %parallel_loop3A_617] {strides = array<i32>} : memref<80x144xf32, #tpu.memory_space<vmem>>, vector<16xf32>,
        %parallel_loop3A_619 = arith.mulf %parallel_loop3A_618, %parallel_loop3A_608 : vector<16xf32>
        %parallel_loop3A_620 = arith.index_cast %parallel_loop3A_590 : i32 to index
        %parallel_loop3A_621 = arith.constant 16 : index
        %parallel_loop3A_622 = tpu.vector_load %arg16[%parallel_loop3A_620, %parallel_loop3A_621] {strides = array<i32>} : memref<80x144xf32, #tpu.memory_space<vmem>>, vector<16xf32>,
        tpu.vector_store %arg16[%parallel_loop3A_620, %parallel_loop3A_621], %parallel_loop3A_619 {strides = array<i32>} : memref<80x144xf32, #tpu.memory_space<vmem>>, vector<16xf32>,
        %parallel_loop3A_623 = arith.index_cast %parallel_loop3A_590 : i32 to index
        %parallel_loop3A_624 = arith.constant 32 : index
        %parallel_loop3A_625 = tpu.vector_load %arg16[%parallel_loop3A_623, %parallel_loop3A_624] {strides = array<i32>} : memref<80x144xf32, #tpu.memory_space<vmem>>, vector<16xf32>,
        %parallel_loop3A_626 = arith.mulf %parallel_loop3A_625, %parallel_loop3A_608 : vector<16xf32>
        %parallel_loop3A_627 = arith.index_cast %parallel_loop3A_590 : i32 to index
        %parallel_loop3A_628 = arith.constant 32 : index
        %parallel_loop3A_629 = tpu.vector_load %arg16[%parallel_loop3A_627, %parallel_loop3A_628] {strides = array<i32>} : memref<80x144xf32, #tpu.memory_space<vmem>>, vector<16xf32>,
        tpu.vector_store %arg16[%parallel_loop3A_627, %parallel_loop3A_628], %parallel_loop3A_626 {strides = array<i32>} : memref<80x144xf32, #tpu.memory_space<vmem>>, vector<16xf32>,
        %parallel_loop3A_630 = arith.index_cast %parallel_loop3A_590 : i32 to index
        %parallel_loop3A_631 = arith.constant 48 : index
        %parallel_loop3A_632 = tpu.vector_load %arg16[%parallel_loop3A_630, %parallel_loop3A_631] {strides = array<i32>} : memref<80x144xf32, #tpu.memory_space<vmem>>, vector<16xf32>,
        %parallel_loop3A_633 = arith.mulf %parallel_loop3A_632, %parallel_loop3A_608 : vector<16xf32>
        %parallel_loop3A_634 = arith.index_cast %parallel_loop3A_590 : i32 to index
        %parallel_loop3A_635 = arith.constant 48 : index
        %parallel_loop3A_636 = tpu.vector_load %arg16[%parallel_loop3A_634, %parallel_loop3A_635] {strides = array<i32>} : memref<80x144xf32, #tpu.memory_space<vmem>>, vector<16xf32>,
        tpu.vector_store %arg16[%parallel_loop3A_634, %parallel_loop3A_635], %parallel_loop3A_633 {strides = array<i32>} : memref<80x144xf32, #tpu.memory_space<vmem>>, vector<16xf32>,
        %parallel_loop3A_637 = arith.index_cast %parallel_loop3A_590 : i32 to index
        %parallel_loop3A_638 = arith.constant 64 : index
        %parallel_loop3A_639 = tpu.vector_load %arg16[%parallel_loop3A_637, %parallel_loop3A_638] {strides = array<i32>} : memref<80x144xf32, #tpu.memory_space<vmem>>, vector<16xf32>,
        %parallel_loop3A_640 = arith.mulf %parallel_loop3A_639, %parallel_loop3A_608 : vector<16xf32>
        %parallel_loop3A_641 = arith.index_cast %parallel_loop3A_590 : i32 to index
        %parallel_loop3A_642 = arith.constant 64 : index
        %parallel_loop3A_643 = tpu.vector_load %arg16[%parallel_loop3A_641, %parallel_loop3A_642] {strides = array<i32>} : memref<80x144xf32, #tpu.memory_space<vmem>>, vector<16xf32>,
        tpu.vector_store %arg16[%parallel_loop3A_641, %parallel_loop3A_642], %parallel_loop3A_640 {strides = array<i32>} : memref<80x144xf32, #tpu.memory_space<vmem>>, vector<16xf32>,
        %parallel_loop3A_644 = arith.index_cast %parallel_loop3A_590 : i32 to index
        %parallel_loop3A_645 = arith.constant 80 : index
        %parallel_loop3A_646 = tpu.vector_load %arg16[%parallel_loop3A_644, %parallel_loop3A_645] {strides = array<i32>} : memref<80x144xf32, #tpu.memory_space<vmem>>, vector<16xf32>,
        %parallel_loop3A_647 = arith.mulf %parallel_loop3A_646, %parallel_loop3A_608 : vector<16xf32>
        %parallel_loop3A_648 = arith.index_cast %parallel_loop3A_590 : i32 to index
        %parallel_loop3A_649 = arith.constant 80 : index
        %parallel_loop3A_650 = tpu.vector_load %arg16[%parallel_loop3A_648, %parallel_loop3A_649] {strides = array<i32>} : memref<80x144xf32, #tpu.memory_space<vmem>>, vector<16xf32>,
        tpu.vector_store %arg16[%parallel_loop3A_648, %parallel_loop3A_649], %parallel_loop3A_647 {strides = array<i32>} : memref<80x144xf32, #tpu.memory_space<vmem>>, vector<16xf32>,
        %parallel_loop3A_651 = arith.index_cast %parallel_loop3A_590 : i32 to index
        %parallel_loop3A_652 = arith.constant 96 : index
        %parallel_loop3A_653 = tpu.vector_load %arg16[%parallel_loop3A_651, %parallel_loop3A_652] {strides = array<i32>} : memref<80x144xf32, #tpu.memory_space<vmem>>, vector<16xf32>,
        %parallel_loop3A_654 = arith.mulf %parallel_loop3A_653, %parallel_loop3A_608 : vector<16xf32>
        %parallel_loop3A_655 = arith.index_cast %parallel_loop3A_590 : i32 to index
        %parallel_loop3A_656 = arith.constant 96 : index
        %parallel_loop3A_657 = tpu.vector_load %arg16[%parallel_loop3A_655, %parallel_loop3A_656] {strides = array<i32>} : memref<80x144xf32, #tpu.memory_space<vmem>>, vector<16xf32>,
        tpu.vector_store %arg16[%parallel_loop3A_655, %parallel_loop3A_656], %parallel_loop3A_654 {strides = array<i32>} : memref<80x144xf32, #tpu.memory_space<vmem>>, vector<16xf32>,
        %parallel_loop3A_658 = arith.index_cast %parallel_loop3A_590 : i32 to index
        %parallel_loop3A_659 = arith.constant 112 : index
        %parallel_loop3A_660 = tpu.vector_load %arg16[%parallel_loop3A_658, %parallel_loop3A_659] {strides = array<i32>} : memref<80x144xf32, #tpu.memory_space<vmem>>, vector<16xf32>,
        %parallel_loop3A_661 = arith.mulf %parallel_loop3A_660, %parallel_loop3A_608 : vector<16xf32>
        %parallel_loop3A_662 = arith.index_cast %parallel_loop3A_590 : i32 to index
        %parallel_loop3A_663 = arith.constant 112 : index
        %parallel_loop3A_664 = tpu.vector_load %arg16[%parallel_loop3A_662, %parallel_loop3A_663] {strides = array<i32>} : memref<80x144xf32, #tpu.memory_space<vmem>>, vector<16xf32>,
        tpu.vector_store %arg16[%parallel_loop3A_662, %parallel_loop3A_663], %parallel_loop3A_661 {strides = array<i32>} : memref<80x144xf32, #tpu.memory_space<vmem>>, vector<16xf32>,
      } {sc.loop_unroll_factor = 8 : i64, sc.parallel_access}
      "tpu.region"() ({
        %run_scoped3A_590 = tpu.sem_alloc : memref<!tpu.dma_semaphore, #tpu.memory_space<semaphore_mem>>
        %dma_start3A_591 = arith.constant 0 : i32
        %dma_start3A_592 = arith.constant 0 : i32
        %dma_start3A_593 = tpu.memref_slice %arg21[%dma_start3A_591, %dma_start3A_592] : memref<10240x144xf32, #tpu.memory_space<vmem_shared>> -> memref<10240x144xf32, #tpu.memory_space<vmem_shared>>
        tpu.enqueue_indirect_dma source(%arg16 : memref<80x144xf32, #tpu.memory_space<vmem>>) target(%dma_start3A_593 : memref<10240x144xf32, #tpu.memory_space<vmem_shared>>) offsets(%arg9 : memref<80xi32, #tpu.memory_space<vmem>>) semaphore(%run_scoped3A_590 : memref<!tpu.dma_semaphore, #tpu.memory_space<semaphore_mem>>) {add = true}
        %dma_wait3A_594 = arith.constant 0 : i32
        %dma_wait3A_595 = arith.constant 0 : i32
        %dma_wait3A_596 = tpu.memref_slice %arg21[%dma_wait3A_594, %dma_wait3A_595] : memref<10240x144xf32, #tpu.memory_space<vmem_shared>> -> memref<10240x144xf32, #tpu.memory_space<vmem_shared>>
        tpu.wait_indirect_dma semaphore(%run_scoped3A_590 : memref<!tpu.dma_semaphore, #tpu.memory_space<semaphore_mem>>) src(%arg16 : memref<80x144xf32, #tpu.memory_space<vmem>>) dst(%dma_wait3A_596 : memref<10240x144xf32, #tpu.memory_space<vmem_shared>>)
        tpu.yield
      }) : () -> ()
      %add3A_498 = arith.constant 4 : i32
      %add3A_499 = arith.addi %add3A_488, %add3A_498 : i32
      %lt3A = arith.constant 125 : i32
      %lt3A_500 = arith.cmpi slt, %add3A_499, %lt3A : i32
      %convert_element_type3A = arith.extui %lt3A_500 : i1 to i32
      %cond3A = arith.constant 0 : i32
      %cond3A_501 = arith.cmpi ne, %convert_element_type3A, %cond3A : i32
      scf.if %cond3A_501 {
        %add3A_590 = arith.constant 4 : i32
        %add3A_591 = arith.addi %add3A_488, %add3A_590 : i32
        %mul3A_592 = arith.constant 80 : i32
        %mul3A_593 = arith.muli %add3A_591, %mul3A_592 : i32
        %add3A_594 = arith.addi %mul3A_4, %mul3A_593 : i32
        %dma_start3A_595 = arith.constant 0 : i32
        %dma_start3A_596 = tpu.memref_slice %arg4[%dma_start3A_595, %add3A_594] : memref<2x320000xi32, #tpu.memory_space<hbm>> -> memref<1x80xi32, #tpu.memory_space<hbm>>
        %dma_start3A_597 = tpu.memref_squeeze %dma_start3A_596 : memref<1x80xi32, #tpu.memory_space<hbm>> -> memref<80xi32, #tpu.memory_space<hbm>>
        %dma_start3A_598 = tpu.memref_slice %arg4[%dma_start3A_595, %add3A_594] : memref<2x320000xi32, #tpu.memory_space<hbm>> -> memref<1x80xi32, #tpu.memory_space<hbm>>
        %dma_start3A_599 = tpu.memref_squeeze %dma_start3A_598 : memref<1x80xi32, #tpu.memory_space<hbm>> -> memref<80xi32, #tpu.memory_space<hbm>>
        tpu.enqueue_dma source(%dma_start3A_599 : memref<80xi32, #tpu.memory_space<hbm>>) target(%arg8 : memref<80xi32, #tpu.memory_space<vmem>>) target_semaphore(%arg24 : memref<!tpu.dma_semaphore, #tpu.memory_space<semaphore_mem>>)
        %dma_start3A_600 = arith.constant 1 : i32
        %dma_start3A_601 = tpu.memref_slice %arg4[%dma_start3A_600, %add3A_594] : memref<2x320000xi32, #tpu.memory_space<hbm>> -> memref<1x80xi32, #tpu.memory_space<hbm>>
        %dma_start3A_602 = tpu.memref_squeeze %dma_start3A_601 : memref<1x80xi32, #tpu.memory_space<hbm>> -> memref<80xi32, #tpu.memory_space<hbm>>
        %dma_start3A_603 = tpu.memref_slice %arg4[%dma_start3A_600, %add3A_594] : memref<2x320000xi32, #tpu.memory_space<hbm>> -> memref<1x80xi32, #tpu.memory_space<hbm>>
        %dma_start3A_604 = tpu.memref_squeeze %dma_start3A_603 : memref<1x80xi32, #tpu.memory_space<hbm>> -> memref<80xi32, #tpu.memory_space<hbm>>
        tpu.enqueue_dma source(%dma_start3A_604 : memref<80xi32, #tpu.memory_space<hbm>>) target(%arg9 : memref<80xi32, #tpu.memory_space<vmem>>) target_semaphore(%arg24 : memref<!tpu.dma_semaphore, #tpu.memory_space<semaphore_mem>>)
      } else {
      }
      %add3A_502 = arith.constant 2 : i32
      %add3A_503 = arith.addi %add3A_488, %add3A_502 : i32
      %lt3A_504 = arith.constant 125 : i32
      %lt3A_505 = arith.cmpi slt, %add3A_503, %lt3A_504 : i32
      %convert_element_type3A_506 = arith.extui %lt3A_505 : i1 to i32
      %cond3A_507 = arith.constant 0 : i32
      %cond3A_508 = arith.cmpi ne, %convert_element_type3A_506, %cond3A_507 : i32
      scf.if %cond3A_508 {
        %dma_wait3A_590 = arith.constant 0 : i32
        %dma_wait3A_591 = arith.constant 0 : i32
        %dma_wait3A_592 = tpu.memref_slice %arg4[%dma_wait3A_590, %dma_wait3A_591] : memref<2x320000xi32, #tpu.memory_space<hbm>> -> memref<1x80xi32, #tpu.memory_space<hbm>>
        %dma_wait3A_593 = tpu.memref_squeeze %dma_wait3A_592 : memref<1x80xi32, #tpu.memory_space<hbm>> -> memref<80xi32, #tpu.memory_space<hbm>>
        %dma_wait3A_594 = arith.constant 0 : i32
        %dma_wait3A_595 = tpu.memref_slice %arg4[%dma_wait3A_590, %dma_wait3A_594] : memref<2x320000xi32, #tpu.memory_space<hbm>> -> memref<1x80xi32, #tpu.memory_space<hbm>>
        %dma_wait3A_596 = tpu.memref_squeeze %dma_wait3A_595 : memref<1x80xi32, #tpu.memory_space<hbm>> -> memref<80xi32, #tpu.memory_space<hbm>>
        tpu.wait_dma2 semaphore(%arg25 : memref<!tpu.dma_semaphore, #tpu.memory_space<semaphore_mem>>) src(%dma_wait3A_596 : memref<80xi32, #tpu.memory_space<hbm>>) dst(%arg10 : memref<80xi32, #tpu.memory_space<vmem>>)
        %dma_wait3A_597 = arith.constant 1 : i32
        %dma_wait3A_598 = arith.constant 0 : i32
        %dma_wait3A_599 = tpu.memref_slice %arg4[%dma_wait3A_597, %dma_wait3A_598] : memref<2x320000xi32, #tpu.memory_space<hbm>> -> memref<1x80xi32, #tpu.memory_space<hbm>>
        %dma_wait3A_600 = tpu.memref_squeeze %dma_wait3A_599 : memref<1x80xi32, #tpu.memory_space<hbm>> -> memref<80xi32, #tpu.memory_space<hbm>>
        %dma_wait3A_601 = arith.constant 0 : i32
        %dma_wait3A_602 = tpu.memref_slice %arg4[%dma_wait3A_597, %dma_wait3A_601] : memref<2x320000xi32, #tpu.memory_space<hbm>> -> memref<1x80xi32, #tpu.memory_space<hbm>>
        %dma_wait3A_603 = tpu.memref_squeeze %dma_wait3A_602 : memref<1x80xi32, #tpu.memory_space<hbm>> -> memref<80xi32, #tpu.memory_space<hbm>>
        tpu.wait_dma2 semaphore(%arg25 : memref<!tpu.dma_semaphore, #tpu.memory_space<semaphore_mem>>) src(%dma_wait3A_603 : memref<80xi32, #tpu.memory_space<hbm>>) dst(%arg11 : memref<80xi32, #tpu.memory_space<vmem>>)
        %dma_start3A_604 = arith.constant 0 : i32
        %dma_start3A_605 = arith.constant 0 : i32
        %dma_start3A_606 = tpu.memref_slice %arg2[%dma_start3A_604, %dma_start3A_605] : memref<10000x144xf32, #tpu.memory_space<hbm>> -> memref<10000x144xf32, #tpu.memory_space<hbm>>
        tpu.enqueue_indirect_dma source(%dma_start3A_606 : memref<10000x144xf32, #tpu.memory_space<hbm>>) target(%arg16 : memref<80x144xf32, #tpu.memory_space<vmem>>) offsets(%arg10 : memref<80xi32, #tpu.memory_space<vmem>>) semaphore(%arg22 : memref<!tpu.dma_semaphore, #tpu.memory_space<semaphore_mem>>)
        %dma_start3A_607 = arith.constant 0 : i32
        %dma_start3A_608 = arith.constant 0 : i32
        %dma_start3A_609 = tpu.memref_slice %arg3[%dma_start3A_607, %dma_start3A_608] : memref<10000x16xf32, #tpu.memory_space<hbm>> -> memref<10000x16xf32, #tpu.memory_space<hbm>>
        tpu.enqueue_indirect_dma source(%dma_start3A_609 : memref<10000x16xf32, #tpu.memory_space<hbm>>) target(%arg17 : memref<80x16xf32, #tpu.memory_space<vmem>>) offsets(%arg11 : memref<80xi32, #tpu.memory_space<vmem>>) semaphore(%arg22 : memref<!tpu.dma_semaphore, #tpu.memory_space<semaphore_mem>>)
      } else {
      }
      %mul3A_509 = arith.constant 4 : i32
      %mul3A_510 = arith.muli %mul3A_509, %add3A_484 : i32
      %add3A_511 = arith.constant 1 : i32
      %add3A_512 = arith.addi %mul3A_510, %add3A_511 : i32
      %dma_wait3A_513 = arith.constant 0 : i32
      %dma_wait3A_514 = arith.constant 0 : i32
      %dma_wait3A_515 = tpu.memref_slice %arg2[%dma_wait3A_513, %dma_wait3A_514] : memref<10000x144xf32, #tpu.memory_space<hbm>> -> memref<10000x144xf32, #tpu.memory_space<hbm>>
      tpu.wait_indirect_dma semaphore(%arg23 : memref<!tpu.dma_semaphore, #tpu.memory_space<semaphore_mem>>) src(%dma_wait3A_515 : memref<10000x144xf32, #tpu.memory_space<hbm>>) dst(%arg18 : memref<80x144xf32, #tpu.memory_space<vmem>>)
      %dma_wait3A_516 = arith.constant 0 : i32
      %dma_wait3A_517 = arith.constant 0 : i32
      %dma_wait3A_518 = tpu.memref_slice %arg3[%dma_wait3A_516, %dma_wait3A_517] : memref<10000x16xf32, #tpu.memory_space<hbm>> -> memref<10000x16xf32, #tpu.memory_space<hbm>>
      tpu.wait_indirect_dma semaphore(%arg23 : memref<!tpu.dma_semaphore, #tpu.memory_space<semaphore_mem>>) src(%dma_wait3A_518 : memref<10000x16xf32, #tpu.memory_space<hbm>>) dst(%arg19 : memref<80x16xf32, #tpu.memory_space<vmem>>)
      %parallel_loop3A_519 = arith.constant 0 : i32
      %parallel_loop3A_520 = arith.constant 80 : i32
      %parallel_loop3A_521 = arith.constant 1 : i32
      scf.for %parallel_loop3A_590 = %parallel_loop3A_519 to %parallel_loop3A_520 step %parallel_loop3A_521  : i32 {
        %parallel_loop3A_591 = arith.index_cast %parallel_loop3A_590 : i32 to index
        %parallel_loop3A_592 = arith.constant 128 : index
        %parallel_loop3A_593 = tpu.vector_load %arg18[%parallel_loop3A_591, %parallel_loop3A_592] {strides = array<i32>} : memref<80x144xf32, #tpu.memory_space<vmem>>, vector<16xf32>,
        %parallel_loop3A_594 = arith.index_cast %parallel_loop3A_590 : i32 to index
        %parallel_loop3A_595 = arith.constant 0 : index
        %parallel_loop3A_596 = tpu.vector_load %arg19[%parallel_loop3A_594, %parallel_loop3A_595] {strides = array<i32>} : memref<80x16xf32, #tpu.memory_space<vmem>>, vector<16xf32>,
        %parallel_loop3A_597 = arith.addf %parallel_loop3A_593, %parallel_loop3A_596 : vector<16xf32>
        %parallel_loop3A_598 = arith.constant 2.000000e-01 : f32
        %parallel_loop3A_599 = vector.broadcast %parallel_loop3A_598 : f32 to vector<16xf32>
        %parallel_loop3A_600 = arith.mulf %parallel_loop3A_599, %parallel_loop3A_597 : vector<16xf32>
        %parallel_loop3A_601 = arith.maximumf %parallel_loop3A_597, %parallel_loop3A_600 : vector<16xf32>
        %parallel_loop3A_602 = arith.subf %parallel_loop3A_601, %get3A_320 : vector<16xf32>
        %parallel_loop3A_603 = math.exp %parallel_loop3A_602 : vector<16xf32>
        %parallel_loop3A_604 = arith.index_cast %parallel_loop3A_590 : i32 to index
        %parallel_loop3A_605 = arith.constant 128 : index
        %parallel_loop3A_606 = tpu.vector_load %arg18[%parallel_loop3A_604, %parallel_loop3A_605] {strides = array<i32>} : memref<80x144xf32, #tpu.memory_space<vmem>>, vector<16xf32>,
        tpu.vector_store %arg18[%parallel_loop3A_604, %parallel_loop3A_605], %parallel_loop3A_603 {strides = array<i32>} : memref<80x144xf32, #tpu.memory_space<vmem>>, vector<16xf32>,
        %parallel_loop3A_607 = vector.broadcast %parallel_loop3A_590 : i32 to vector<16xi32>
        %parallel_loop3A_608 = tpu.vector_load_idx %arg18[%parallel_loop3A_607, %add3A_325] : memref<80x144xf32, #tpu.memory_space<vmem>>[vector<16xi32>, vector<16xi32>], vector<16xf32>,
        %parallel_loop3A_609 = arith.index_cast %parallel_loop3A_590 : i32 to index
        %parallel_loop3A_610 = arith.constant 0 : index
        %parallel_loop3A_611 = tpu.vector_load %arg18[%parallel_loop3A_609, %parallel_loop3A_610] {strides = array<i32>} : memref<80x144xf32, #tpu.memory_space<vmem>>, vector<16xf32>,
        %parallel_loop3A_612 = arith.mulf %parallel_loop3A_611, %parallel_loop3A_608 : vector<16xf32>
        %parallel_loop3A_613 = arith.index_cast %parallel_loop3A_590 : i32 to index
        %parallel_loop3A_614 = arith.constant 0 : index
        %parallel_loop3A_615 = tpu.vector_load %arg18[%parallel_loop3A_613, %parallel_loop3A_614] {strides = array<i32>} : memref<80x144xf32, #tpu.memory_space<vmem>>, vector<16xf32>,
        tpu.vector_store %arg18[%parallel_loop3A_613, %parallel_loop3A_614], %parallel_loop3A_612 {strides = array<i32>} : memref<80x144xf32, #tpu.memory_space<vmem>>, vector<16xf32>,
        %parallel_loop3A_616 = arith.index_cast %parallel_loop3A_590 : i32 to index
        %parallel_loop3A_617 = arith.constant 16 : index
        %parallel_loop3A_618 = tpu.vector_load %arg18[%parallel_loop3A_616, %parallel_loop3A_617] {strides = array<i32>} : memref<80x144xf32, #tpu.memory_space<vmem>>, vector<16xf32>,
        %parallel_loop3A_619 = arith.mulf %parallel_loop3A_618, %parallel_loop3A_608 : vector<16xf32>
        %parallel_loop3A_620 = arith.index_cast %parallel_loop3A_590 : i32 to index
        %parallel_loop3A_621 = arith.constant 16 : index
        %parallel_loop3A_622 = tpu.vector_load %arg18[%parallel_loop3A_620, %parallel_loop3A_621] {strides = array<i32>} : memref<80x144xf32, #tpu.memory_space<vmem>>, vector<16xf32>,
        tpu.vector_store %arg18[%parallel_loop3A_620, %parallel_loop3A_621], %parallel_loop3A_619 {strides = array<i32>} : memref<80x144xf32, #tpu.memory_space<vmem>>, vector<16xf32>,
        %parallel_loop3A_623 = arith.index_cast %parallel_loop3A_590 : i32 to index
        %parallel_loop3A_624 = arith.constant 32 : index
        %parallel_loop3A_625 = tpu.vector_load %arg18[%parallel_loop3A_623, %parallel_loop3A_624] {strides = array<i32>} : memref<80x144xf32, #tpu.memory_space<vmem>>, vector<16xf32>,
        %parallel_loop3A_626 = arith.mulf %parallel_loop3A_625, %parallel_loop3A_608 : vector<16xf32>
        %parallel_loop3A_627 = arith.index_cast %parallel_loop3A_590 : i32 to index
        %parallel_loop3A_628 = arith.constant 32 : index
        %parallel_loop3A_629 = tpu.vector_load %arg18[%parallel_loop3A_627, %parallel_loop3A_628] {strides = array<i32>} : memref<80x144xf32, #tpu.memory_space<vmem>>, vector<16xf32>,
        tpu.vector_store %arg18[%parallel_loop3A_627, %parallel_loop3A_628], %parallel_loop3A_626 {strides = array<i32>} : memref<80x144xf32, #tpu.memory_space<vmem>>, vector<16xf32>,
        %parallel_loop3A_630 = arith.index_cast %parallel_loop3A_590 : i32 to index
        %parallel_loop3A_631 = arith.constant 48 : index
        %parallel_loop3A_632 = tpu.vector_load %arg18[%parallel_loop3A_630, %parallel_loop3A_631] {strides = array<i32>} : memref<80x144xf32, #tpu.memory_space<vmem>>, vector<16xf32>,
        %parallel_loop3A_633 = arith.mulf %parallel_loop3A_632, %parallel_loop3A_608 : vector<16xf32>
        %parallel_loop3A_634 = arith.index_cast %parallel_loop3A_590 : i32 to index
        %parallel_loop3A_635 = arith.constant 48 : index
        %parallel_loop3A_636 = tpu.vector_load %arg18[%parallel_loop3A_634, %parallel_loop3A_635] {strides = array<i32>} : memref<80x144xf32, #tpu.memory_space<vmem>>, vector<16xf32>,
        tpu.vector_store %arg18[%parallel_loop3A_634, %parallel_loop3A_635], %parallel_loop3A_633 {strides = array<i32>} : memref<80x144xf32, #tpu.memory_space<vmem>>, vector<16xf32>,
        %parallel_loop3A_637 = arith.index_cast %parallel_loop3A_590 : i32 to index
        %parallel_loop3A_638 = arith.constant 64 : index
        %parallel_loop3A_639 = tpu.vector_load %arg18[%parallel_loop3A_637, %parallel_loop3A_638] {strides = array<i32>} : memref<80x144xf32, #tpu.memory_space<vmem>>, vector<16xf32>,
        %parallel_loop3A_640 = arith.mulf %parallel_loop3A_639, %parallel_loop3A_608 : vector<16xf32>
        %parallel_loop3A_641 = arith.index_cast %parallel_loop3A_590 : i32 to index
        %parallel_loop3A_642 = arith.constant 64 : index
        %parallel_loop3A_643 = tpu.vector_load %arg18[%parallel_loop3A_641, %parallel_loop3A_642] {strides = array<i32>} : memref<80x144xf32, #tpu.memory_space<vmem>>, vector<16xf32>,
        tpu.vector_store %arg18[%parallel_loop3A_641, %parallel_loop3A_642], %parallel_loop3A_640 {strides = array<i32>} : memref<80x144xf32, #tpu.memory_space<vmem>>, vector<16xf32>,
        %parallel_loop3A_644 = arith.index_cast %parallel_loop3A_590 : i32 to index
        %parallel_loop3A_645 = arith.constant 80 : index
        %parallel_loop3A_646 = tpu.vector_load %arg18[%parallel_loop3A_644, %parallel_loop3A_645] {strides = array<i32>} : memref<80x144xf32, #tpu.memory_space<vmem>>, vector<16xf32>,
        %parallel_loop3A_647 = arith.mulf %parallel_loop3A_646, %parallel_loop3A_608 : vector<16xf32>
        %parallel_loop3A_648 = arith.index_cast %parallel_loop3A_590 : i32 to index
        %parallel_loop3A_649 = arith.constant 80 : index
        %parallel_loop3A_650 = tpu.vector_load %arg18[%parallel_loop3A_648, %parallel_loop3A_649] {strides = array<i32>} : memref<80x144xf32, #tpu.memory_space<vmem>>, vector<16xf32>,
        tpu.vector_store %arg18[%parallel_loop3A_648, %parallel_loop3A_649], %parallel_loop3A_647 {strides = array<i32>} : memref<80x144xf32, #tpu.memory_space<vmem>>, vector<16xf32>,
        %parallel_loop3A_651 = arith.index_cast %parallel_loop3A_590 : i32 to index
        %parallel_loop3A_652 = arith.constant 96 : index
        %parallel_loop3A_653 = tpu.vector_load %arg18[%parallel_loop3A_651, %parallel_loop3A_652] {strides = array<i32>} : memref<80x144xf32, #tpu.memory_space<vmem>>, vector<16xf32>,
        %parallel_loop3A_654 = arith.mulf %parallel_loop3A_653, %parallel_loop3A_608 : vector<16xf32>
        %parallel_loop3A_655 = arith.index_cast %parallel_loop3A_590 : i32 to index
        %parallel_loop3A_656 = arith.constant 96 : index
        %parallel_loop3A_657 = tpu.vector_load %arg18[%parallel_loop3A_655, %parallel_loop3A_656] {strides = array<i32>} : memref<80x144xf32, #tpu.memory_space<vmem>>, vector<16xf32>,
        tpu.vector_store %arg18[%parallel_loop3A_655, %parallel_loop3A_656], %parallel_loop3A_654 {strides = array<i32>} : memref<80x144xf32, #tpu.memory_space<vmem>>, vector<16xf32>,
        %parallel_loop3A_658 = arith.index_cast %parallel_loop3A_590 : i32 to index
        %parallel_loop3A_659 = arith.constant 112 : index
        %parallel_loop3A_660 = tpu.vector_load %arg18[%parallel_loop3A_658, %parallel_loop3A_659] {strides = array<i32>} : memref<80x144xf32, #tpu.memory_space<vmem>>, vector<16xf32>,
        %parallel_loop3A_661 = arith.mulf %parallel_loop3A_660, %parallel_loop3A_608 : vector<16xf32>
        %parallel_loop3A_662 = arith.index_cast %parallel_loop3A_590 : i32 to index
        %parallel_loop3A_663 = arith.constant 112 : index
        %parallel_loop3A_664 = tpu.vector_load %arg18[%parallel_loop3A_662, %parallel_loop3A_663] {strides = array<i32>} : memref<80x144xf32, #tpu.memory_space<vmem>>, vector<16xf32>,
        tpu.vector_store %arg18[%parallel_loop3A_662, %parallel_loop3A_663], %parallel_loop3A_661 {strides = array<i32>} : memref<80x144xf32, #tpu.memory_space<vmem>>, vector<16xf32>,
      } {sc.loop_unroll_factor = 8 : i64, sc.parallel_access}
      "tpu.region"() ({
        %run_scoped3A_590 = tpu.sem_alloc : memref<!tpu.dma_semaphore, #tpu.memory_space<semaphore_mem>>
        %dma_start3A_591 = arith.constant 0 : i32
        %dma_start3A_592 = arith.constant 0 : i32
        %dma_start3A_593 = tpu.memref_slice %arg21[%dma_start3A_591, %dma_start3A_592] : memref<10240x144xf32, #tpu.memory_space<vmem_shared>> -> memref<10240x144xf32, #tpu.memory_space<vmem_shared>>
        tpu.enqueue_indirect_dma source(%arg18 : memref<80x144xf32, #tpu.memory_space<vmem>>) target(%dma_start3A_593 : memref<10240x144xf32, #tpu.memory_space<vmem_shared>>) offsets(%arg13 : memref<80xi32, #tpu.memory_space<vmem>>) semaphore(%run_scoped3A_590 : memref<!tpu.dma_semaphore, #tpu.memory_space<semaphore_mem>>) {add = true}
        %dma_wait3A_594 = arith.constant 0 : i32
        %dma_wait3A_595 = arith.constant 0 : i32
        %dma_wait3A_596 = tpu.memref_slice %arg21[%dma_wait3A_594, %dma_wait3A_595] : memref<10240x144xf32, #tpu.memory_space<vmem_shared>> -> memref<10240x144xf32, #tpu.memory_space<vmem_shared>>
        tpu.wait_indirect_dma semaphore(%run_scoped3A_590 : memref<!tpu.dma_semaphore, #tpu.memory_space<semaphore_mem>>) src(%arg18 : memref<80x144xf32, #tpu.memory_space<vmem>>) dst(%dma_wait3A_596 : memref<10240x144xf32, #tpu.memory_space<vmem_shared>>)
        tpu.yield
      }) : () -> ()
      %add3A_522 = arith.constant 4 : i32
      %add3A_523 = arith.addi %add3A_512, %add3A_522 : i32
      %lt3A_524 = arith.constant 125 : i32
      %lt3A_525 = arith.cmpi slt, %add3A_523, %lt3A_524 : i32
      %convert_element_type3A_526 = arith.extui %lt3A_525 : i1 to i32
      %cond3A_527 = arith.constant 0 : i32
      %cond3A_528 = arith.cmpi ne, %convert_element_type3A_526, %cond3A_527 : i32
      scf.if %cond3A_528 {
        %add3A_590 = arith.constant 4 : i32
        %add3A_591 = arith.addi %add3A_512, %add3A_590 : i32
        %mul3A_592 = arith.constant 80 : i32
        %mul3A_593 = arith.muli %add3A_591, %mul3A_592 : i32
        %add3A_594 = arith.addi %mul3A_4, %mul3A_593 : i32
        %dma_start3A_595 = arith.constant 0 : i32
        %dma_start3A_596 = tpu.memref_slice %arg4[%dma_start3A_595, %add3A_594] : memref<2x320000xi32, #tpu.memory_space<hbm>> -> memref<1x80xi32, #tpu.memory_space<hbm>>
        %dma_start3A_597 = tpu.memref_squeeze %dma_start3A_596 : memref<1x80xi32, #tpu.memory_space<hbm>> -> memref<80xi32, #tpu.memory_space<hbm>>
        %dma_start3A_598 = tpu.memref_slice %arg4[%dma_start3A_595, %add3A_594] : memref<2x320000xi32, #tpu.memory_space<hbm>> -> memref<1x80xi32, #tpu.memory_space<hbm>>
        %dma_start3A_599 = tpu.memref_squeeze %dma_start3A_598 : memref<1x80xi32, #tpu.memory_space<hbm>> -> memref<80xi32, #tpu.memory_space<hbm>>
        tpu.enqueue_dma source(%dma_start3A_599 : memref<80xi32, #tpu.memory_space<hbm>>) target(%arg12 : memref<80xi32, #tpu.memory_space<vmem>>) target_semaphore(%arg26 : memref<!tpu.dma_semaphore, #tpu.memory_space<semaphore_mem>>)
        %dma_start3A_600 = arith.constant 1 : i32
        %dma_start3A_601 = tpu.memref_slice %arg4[%dma_start3A_600, %add3A_594] : memref<2x320000xi32, #tpu.memory_space<hbm>> -> memref<1x80xi32, #tpu.memory_space<hbm>>
        %dma_start3A_602 = tpu.memref_squeeze %dma_start3A_601 : memref<1x80xi32, #tpu.memory_space<hbm>> -> memref<80xi32, #tpu.memory_space<hbm>>
        %dma_start3A_603 = tpu.memref_slice %arg4[%dma_start3A_600, %add3A_594] : memref<2x320000xi32, #tpu.memory_space<hbm>> -> memref<1x80xi32, #tpu.memory_space<hbm>>
        %dma_start3A_604 = tpu.memref_squeeze %dma_start3A_603 : memref<1x80xi32, #tpu.memory_space<hbm>> -> memref<80xi32, #tpu.memory_space<hbm>>
        tpu.enqueue_dma source(%dma_start3A_604 : memref<80xi32, #tpu.memory_space<hbm>>) target(%arg13 : memref<80xi32, #tpu.memory_space<vmem>>) target_semaphore(%arg26 : memref<!tpu.dma_semaphore, #tpu.memory_space<semaphore_mem>>)
      } else {
      }
      %add3A_529 = arith.constant 2 : i32
      %add3A_530 = arith.addi %add3A_512, %add3A_529 : i32
      %lt3A_531 = arith.constant 125 : i32
      %lt3A_532 = arith.cmpi slt, %add3A_530, %lt3A_531 : i32
      %convert_element_type3A_533 = arith.extui %lt3A_532 : i1 to i32
      %cond3A_534 = arith.constant 0 : i32
      %cond3A_535 = arith.cmpi ne, %convert_element_type3A_533, %cond3A_534 : i32
      scf.if %cond3A_535 {
        %dma_wait3A_590 = arith.constant 0 : i32
        %dma_wait3A_591 = arith.constant 0 : i32
        %dma_wait3A_592 = tpu.memref_slice %arg4[%dma_wait3A_590, %dma_wait3A_591] : memref<2x320000xi32, #tpu.memory_space<hbm>> -> memref<1x80xi32, #tpu.memory_space<hbm>>
        %dma_wait3A_593 = tpu.memref_squeeze %dma_wait3A_592 : memref<1x80xi32, #tpu.memory_space<hbm>> -> memref<80xi32, #tpu.memory_space<hbm>>
        %dma_wait3A_594 = arith.constant 0 : i32
        %dma_wait3A_595 = tpu.memref_slice %arg4[%dma_wait3A_590, %dma_wait3A_594] : memref<2x320000xi32, #tpu.memory_space<hbm>> -> memref<1x80xi32, #tpu.memory_space<hbm>>
        %dma_wait3A_596 = tpu.memref_squeeze %dma_wait3A_595 : memref<1x80xi32, #tpu.memory_space<hbm>> -> memref<80xi32, #tpu.memory_space<hbm>>
        tpu.wait_dma2 semaphore(%arg27 : memref<!tpu.dma_semaphore, #tpu.memory_space<semaphore_mem>>) src(%dma_wait3A_596 : memref<80xi32, #tpu.memory_space<hbm>>) dst(%arg14 : memref<80xi32, #tpu.memory_space<vmem>>)
        %dma_wait3A_597 = arith.constant 1 : i32
        %dma_wait3A_598 = arith.constant 0 : i32
        %dma_wait3A_599 = tpu.memref_slice %arg4[%dma_wait3A_597, %dma_wait3A_598] : memref<2x320000xi32, #tpu.memory_space<hbm>> -> memref<1x80xi32, #tpu.memory_space<hbm>>
        %dma_wait3A_600 = tpu.memref_squeeze %dma_wait3A_599 : memref<1x80xi32, #tpu.memory_space<hbm>> -> memref<80xi32, #tpu.memory_space<hbm>>
        %dma_wait3A_601 = arith.constant 0 : i32
        %dma_wait3A_602 = tpu.memref_slice %arg4[%dma_wait3A_597, %dma_wait3A_601] : memref<2x320000xi32, #tpu.memory_space<hbm>> -> memref<1x80xi32, #tpu.memory_space<hbm>>
        %dma_wait3A_603 = tpu.memref_squeeze %dma_wait3A_602 : memref<1x80xi32, #tpu.memory_space<hbm>> -> memref<80xi32, #tpu.memory_space<hbm>>
        tpu.wait_dma2 semaphore(%arg27 : memref<!tpu.dma_semaphore, #tpu.memory_space<semaphore_mem>>) src(%dma_wait3A_603 : memref<80xi32, #tpu.memory_space<hbm>>) dst(%arg15 : memref<80xi32, #tpu.memory_space<vmem>>)
        %dma_start3A_604 = arith.constant 0 : i32
        %dma_start3A_605 = arith.constant 0 : i32
        %dma_start3A_606 = tpu.memref_slice %arg2[%dma_start3A_604, %dma_start3A_605] : memref<10000x144xf32, #tpu.memory_space<hbm>> -> memref<10000x144xf32, #tpu.memory_space<hbm>>
        tpu.enqueue_indirect_dma source(%dma_start3A_606 : memref<10000x144xf32, #tpu.memory_space<hbm>>) target(%arg18 : memref<80x144xf32, #tpu.memory_space<vmem>>) offsets(%arg14 : memref<80xi32, #tpu.memory_space<vmem>>) semaphore(%arg23 : memref<!tpu.dma_semaphore, #tpu.memory_space<semaphore_mem>>)
        %dma_start3A_607 = arith.constant 0 : i32
        %dma_start3A_608 = arith.constant 0 : i32
        %dma_start3A_609 = tpu.memref_slice %arg3[%dma_start3A_607, %dma_start3A_608] : memref<10000x16xf32, #tpu.memory_space<hbm>> -> memref<10000x16xf32, #tpu.memory_space<hbm>>
        tpu.enqueue_indirect_dma source(%dma_start3A_609 : memref<10000x16xf32, #tpu.memory_space<hbm>>) target(%arg19 : memref<80x16xf32, #tpu.memory_space<vmem>>) offsets(%arg15 : memref<80xi32, #tpu.memory_space<vmem>>) semaphore(%arg23 : memref<!tpu.dma_semaphore, #tpu.memory_space<semaphore_mem>>)
      } else {
      }
      %mul3A_536 = arith.constant 4 : i32
      %mul3A_537 = arith.muli %mul3A_536, %add3A_484 : i32
      %add3A_538 = arith.constant 2 : i32
      %add3A_539 = arith.addi %mul3A_537, %add3A_538 : i32
      %dma_wait3A_540 = arith.constant 0 : i32
      %dma_wait3A_541 = arith.constant 0 : i32
      %dma_wait3A_542 = tpu.memref_slice %arg2[%dma_wait3A_540, %dma_wait3A_541] : memref<10000x144xf32, #tpu.memory_space<hbm>> -> memref<10000x144xf32, #tpu.memory_space<hbm>>
      tpu.wait_indirect_dma semaphore(%arg22 : memref<!tpu.dma_semaphore, #tpu.memory_space<semaphore_mem>>) src(%dma_wait3A_542 : memref<10000x144xf32, #tpu.memory_space<hbm>>) dst(%arg16 : memref<80x144xf32, #tpu.memory_space<vmem>>)
      %dma_wait3A_543 = arith.constant 0 : i32
      %dma_wait3A_544 = arith.constant 0 : i32
      %dma_wait3A_545 = tpu.memref_slice %arg3[%dma_wait3A_543, %dma_wait3A_544] : memref<10000x16xf32, #tpu.memory_space<hbm>> -> memref<10000x16xf32, #tpu.memory_space<hbm>>
      tpu.wait_indirect_dma semaphore(%arg22 : memref<!tpu.dma_semaphore, #tpu.memory_space<semaphore_mem>>) src(%dma_wait3A_545 : memref<10000x16xf32, #tpu.memory_space<hbm>>) dst(%arg17 : memref<80x16xf32, #tpu.memory_space<vmem>>)
      %parallel_loop3A_546 = arith.constant 0 : i32
      %parallel_loop3A_547 = arith.constant 80 : i32
      %parallel_loop3A_548 = arith.constant 1 : i32
      scf.for %parallel_loop3A_590 = %parallel_loop3A_546 to %parallel_loop3A_547 step %parallel_loop3A_548  : i32 {
        %parallel_loop3A_591 = arith.index_cast %parallel_loop3A_590 : i32 to index
        %parallel_loop3A_592 = arith.constant 128 : index
        %parallel_loop3A_593 = tpu.vector_load %arg16[%parallel_loop3A_591, %parallel_loop3A_592] {strides = array<i32>} : memref<80x144xf32, #tpu.memory_space<vmem>>, vector<16xf32>,
        %parallel_loop3A_594 = arith.index_cast %parallel_loop3A_590 : i32 to index
        %parallel_loop3A_595 = arith.constant 0 : index
        %parallel_loop3A_596 = tpu.vector_load %arg17[%parallel_loop3A_594, %parallel_loop3A_595] {strides = array<i32>} : memref<80x16xf32, #tpu.memory_space<vmem>>, vector<16xf32>,
        %parallel_loop3A_597 = arith.addf %parallel_loop3A_593, %parallel_loop3A_596 : vector<16xf32>
        %parallel_loop3A_598 = arith.constant 2.000000e-01 : f32
        %parallel_loop3A_599 = vector.broadcast %parallel_loop3A_598 : f32 to vector<16xf32>
        %parallel_loop3A_600 = arith.mulf %parallel_loop3A_599, %parallel_loop3A_597 : vector<16xf32>
        %parallel_loop3A_601 = arith.maximumf %parallel_loop3A_597, %parallel_loop3A_600 : vector<16xf32>
        %parallel_loop3A_602 = arith.subf %parallel_loop3A_601, %get3A_320 : vector<16xf32>
        %parallel_loop3A_603 = math.exp %parallel_loop3A_602 : vector<16xf32>
        %parallel_loop3A_604 = arith.index_cast %parallel_loop3A_590 : i32 to index
        %parallel_loop3A_605 = arith.constant 128 : index
        %parallel_loop3A_606 = tpu.vector_load %arg16[%parallel_loop3A_604, %parallel_loop3A_605] {strides = array<i32>} : memref<80x144xf32, #tpu.memory_space<vmem>>, vector<16xf32>,
        tpu.vector_store %arg16[%parallel_loop3A_604, %parallel_loop3A_605], %parallel_loop3A_603 {strides = array<i32>} : memref<80x144xf32, #tpu.memory_space<vmem>>, vector<16xf32>,
        %parallel_loop3A_607 = vector.broadcast %parallel_loop3A_590 : i32 to vector<16xi32>
        %parallel_loop3A_608 = tpu.vector_load_idx %arg16[%parallel_loop3A_607, %add3A_325] : memref<80x144xf32, #tpu.memory_space<vmem>>[vector<16xi32>, vector<16xi32>], vector<16xf32>,
        %parallel_loop3A_609 = arith.index_cast %parallel_loop3A_590 : i32 to index
        %parallel_loop3A_610 = arith.constant 0 : index
        %parallel_loop3A_611 = tpu.vector_load %arg16[%parallel_loop3A_609, %parallel_loop3A_610] {strides = array<i32>} : memref<80x144xf32, #tpu.memory_space<vmem>>, vector<16xf32>,
        %parallel_loop3A_612 = arith.mulf %parallel_loop3A_611, %parallel_loop3A_608 : vector<16xf32>
        %parallel_loop3A_613 = arith.index_cast %parallel_loop3A_590 : i32 to index
        %parallel_loop3A_614 = arith.constant 0 : index
        %parallel_loop3A_615 = tpu.vector_load %arg16[%parallel_loop3A_613, %parallel_loop3A_614] {strides = array<i32>} : memref<80x144xf32, #tpu.memory_space<vmem>>, vector<16xf32>,
        tpu.vector_store %arg16[%parallel_loop3A_613, %parallel_loop3A_614], %parallel_loop3A_612 {strides = array<i32>} : memref<80x144xf32, #tpu.memory_space<vmem>>, vector<16xf32>,
        %parallel_loop3A_616 = arith.index_cast %parallel_loop3A_590 : i32 to index
        %parallel_loop3A_617 = arith.constant 16 : index
        %parallel_loop3A_618 = tpu.vector_load %arg16[%parallel_loop3A_616, %parallel_loop3A_617] {strides = array<i32>} : memref<80x144xf32, #tpu.memory_space<vmem>>, vector<16xf32>,
        %parallel_loop3A_619 = arith.mulf %parallel_loop3A_618, %parallel_loop3A_608 : vector<16xf32>
        %parallel_loop3A_620 = arith.index_cast %parallel_loop3A_590 : i32 to index
        %parallel_loop3A_621 = arith.constant 16 : index
        %parallel_loop3A_622 = tpu.vector_load %arg16[%parallel_loop3A_620, %parallel_loop3A_621] {strides = array<i32>} : memref<80x144xf32, #tpu.memory_space<vmem>>, vector<16xf32>,
        tpu.vector_store %arg16[%parallel_loop3A_620, %parallel_loop3A_621], %parallel_loop3A_619 {strides = array<i32>} : memref<80x144xf32, #tpu.memory_space<vmem>>, vector<16xf32>,
        %parallel_loop3A_623 = arith.index_cast %parallel_loop3A_590 : i32 to index
        %parallel_loop3A_624 = arith.constant 32 : index
        %parallel_loop3A_625 = tpu.vector_load %arg16[%parallel_loop3A_623, %parallel_loop3A_624] {strides = array<i32>} : memref<80x144xf32, #tpu.memory_space<vmem>>, vector<16xf32>,
        %parallel_loop3A_626 = arith.mulf %parallel_loop3A_625, %parallel_loop3A_608 : vector<16xf32>
        %parallel_loop3A_627 = arith.index_cast %parallel_loop3A_590 : i32 to index
        %parallel_loop3A_628 = arith.constant 32 : index
        %parallel_loop3A_629 = tpu.vector_load %arg16[%parallel_loop3A_627, %parallel_loop3A_628] {strides = array<i32>} : memref<80x144xf32, #tpu.memory_space<vmem>>, vector<16xf32>,
        tpu.vector_store %arg16[%parallel_loop3A_627, %parallel_loop3A_628], %parallel_loop3A_626 {strides = array<i32>} : memref<80x144xf32, #tpu.memory_space<vmem>>, vector<16xf32>,
        %parallel_loop3A_630 = arith.index_cast %parallel_loop3A_590 : i32 to index
        %parallel_loop3A_631 = arith.constant 48 : index
        %parallel_loop3A_632 = tpu.vector_load %arg16[%parallel_loop3A_630, %parallel_loop3A_631] {strides = array<i32>} : memref<80x144xf32, #tpu.memory_space<vmem>>, vector<16xf32>,
        %parallel_loop3A_633 = arith.mulf %parallel_loop3A_632, %parallel_loop3A_608 : vector<16xf32>
        %parallel_loop3A_634 = arith.index_cast %parallel_loop3A_590 : i32 to index
        %parallel_loop3A_635 = arith.constant 48 : index
        %parallel_loop3A_636 = tpu.vector_load %arg16[%parallel_loop3A_634, %parallel_loop3A_635] {strides = array<i32>} : memref<80x144xf32, #tpu.memory_space<vmem>>, vector<16xf32>,
        tpu.vector_store %arg16[%parallel_loop3A_634, %parallel_loop3A_635], %parallel_loop3A_633 {strides = array<i32>} : memref<80x144xf32, #tpu.memory_space<vmem>>, vector<16xf32>,
        %parallel_loop3A_637 = arith.index_cast %parallel_loop3A_590 : i32 to index
        %parallel_loop3A_638 = arith.constant 64 : index
        %parallel_loop3A_639 = tpu.vector_load %arg16[%parallel_loop3A_637, %parallel_loop3A_638] {strides = array<i32>} : memref<80x144xf32, #tpu.memory_space<vmem>>, vector<16xf32>,
        %parallel_loop3A_640 = arith.mulf %parallel_loop3A_639, %parallel_loop3A_608 : vector<16xf32>
        %parallel_loop3A_641 = arith.index_cast %parallel_loop3A_590 : i32 to index
        %parallel_loop3A_642 = arith.constant 64 : index
        %parallel_loop3A_643 = tpu.vector_load %arg16[%parallel_loop3A_641, %parallel_loop3A_642] {strides = array<i32>} : memref<80x144xf32, #tpu.memory_space<vmem>>, vector<16xf32>,
        tpu.vector_store %arg16[%parallel_loop3A_641, %parallel_loop3A_642], %parallel_loop3A_640 {strides = array<i32>} : memref<80x144xf32, #tpu.memory_space<vmem>>, vector<16xf32>,
        %parallel_loop3A_644 = arith.index_cast %parallel_loop3A_590 : i32 to index
        %parallel_loop3A_645 = arith.constant 80 : index
        %parallel_loop3A_646 = tpu.vector_load %arg16[%parallel_loop3A_644, %parallel_loop3A_645] {strides = array<i32>} : memref<80x144xf32, #tpu.memory_space<vmem>>, vector<16xf32>,
        %parallel_loop3A_647 = arith.mulf %parallel_loop3A_646, %parallel_loop3A_608 : vector<16xf32>
        %parallel_loop3A_648 = arith.index_cast %parallel_loop3A_590 : i32 to index
        %parallel_loop3A_649 = arith.constant 80 : index
        %parallel_loop3A_650 = tpu.vector_load %arg16[%parallel_loop3A_648, %parallel_loop3A_649] {strides = array<i32>} : memref<80x144xf32, #tpu.memory_space<vmem>>, vector<16xf32>,
        tpu.vector_store %arg16[%parallel_loop3A_648, %parallel_loop3A_649], %parallel_loop3A_647 {strides = array<i32>} : memref<80x144xf32, #tpu.memory_space<vmem>>, vector<16xf32>,
        %parallel_loop3A_651 = arith.index_cast %parallel_loop3A_590 : i32 to index
        %parallel_loop3A_652 = arith.constant 96 : index
        %parallel_loop3A_653 = tpu.vector_load %arg16[%parallel_loop3A_651, %parallel_loop3A_652] {strides = array<i32>} : memref<80x144xf32, #tpu.memory_space<vmem>>, vector<16xf32>,
        %parallel_loop3A_654 = arith.mulf %parallel_loop3A_653, %parallel_loop3A_608 : vector<16xf32>
        %parallel_loop3A_655 = arith.index_cast %parallel_loop3A_590 : i32 to index
        %parallel_loop3A_656 = arith.constant 96 : index
        %parallel_loop3A_657 = tpu.vector_load %arg16[%parallel_loop3A_655, %parallel_loop3A_656] {strides = array<i32>} : memref<80x144xf32, #tpu.memory_space<vmem>>, vector<16xf32>,
        tpu.vector_store %arg16[%parallel_loop3A_655, %parallel_loop3A_656], %parallel_loop3A_654 {strides = array<i32>} : memref<80x144xf32, #tpu.memory_space<vmem>>, vector<16xf32>,
        %parallel_loop3A_658 = arith.index_cast %parallel_loop3A_590 : i32 to index
        %parallel_loop3A_659 = arith.constant 112 : index
        %parallel_loop3A_660 = tpu.vector_load %arg16[%parallel_loop3A_658, %parallel_loop3A_659] {strides = array<i32>} : memref<80x144xf32, #tpu.memory_space<vmem>>, vector<16xf32>,
        %parallel_loop3A_661 = arith.mulf %parallel_loop3A_660, %parallel_loop3A_608 : vector<16xf32>
        %parallel_loop3A_662 = arith.index_cast %parallel_loop3A_590 : i32 to index
        %parallel_loop3A_663 = arith.constant 112 : index
        %parallel_loop3A_664 = tpu.vector_load %arg16[%parallel_loop3A_662, %parallel_loop3A_663] {strides = array<i32>} : memref<80x144xf32, #tpu.memory_space<vmem>>, vector<16xf32>,
        tpu.vector_store %arg16[%parallel_loop3A_662, %parallel_loop3A_663], %parallel_loop3A_661 {strides = array<i32>} : memref<80x144xf32, #tpu.memory_space<vmem>>, vector<16xf32>,
      } {sc.loop_unroll_factor = 8 : i64, sc.parallel_access}
      "tpu.region"() ({
        %run_scoped3A_590 = tpu.sem_alloc : memref<!tpu.dma_semaphore, #tpu.memory_space<semaphore_mem>>
        %dma_start3A_591 = arith.constant 0 : i32
        %dma_start3A_592 = arith.constant 0 : i32
        %dma_start3A_593 = tpu.memref_slice %arg21[%dma_start3A_591, %dma_start3A_592] : memref<10240x144xf32, #tpu.memory_space<vmem_shared>> -> memref<10240x144xf32, #tpu.memory_space<vmem_shared>>
        tpu.enqueue_indirect_dma source(%arg16 : memref<80x144xf32, #tpu.memory_space<vmem>>) target(%dma_start3A_593 : memref<10240x144xf32, #tpu.memory_space<vmem_shared>>) offsets(%arg11 : memref<80xi32, #tpu.memory_space<vmem>>) semaphore(%run_scoped3A_590 : memref<!tpu.dma_semaphore, #tpu.memory_space<semaphore_mem>>) {add = true}
        %dma_wait3A_594 = arith.constant 0 : i32
        %dma_wait3A_595 = arith.constant 0 : i32
        %dma_wait3A_596 = tpu.memref_slice %arg21[%dma_wait3A_594, %dma_wait3A_595] : memref<10240x144xf32, #tpu.memory_space<vmem_shared>> -> memref<10240x144xf32, #tpu.memory_space<vmem_shared>>
        tpu.wait_indirect_dma semaphore(%run_scoped3A_590 : memref<!tpu.dma_semaphore, #tpu.memory_space<semaphore_mem>>) src(%arg16 : memref<80x144xf32, #tpu.memory_space<vmem>>) dst(%dma_wait3A_596 : memref<10240x144xf32, #tpu.memory_space<vmem_shared>>)
        tpu.yield
      }) : () -> ()
      %add3A_549 = arith.constant 4 : i32
      %add3A_550 = arith.addi %add3A_539, %add3A_549 : i32
      %lt3A_551 = arith.constant 125 : i32
      %lt3A_552 = arith.cmpi slt, %add3A_550, %lt3A_551 : i32
      %convert_element_type3A_553 = arith.extui %lt3A_552 : i1 to i32
      %cond3A_554 = arith.constant 0 : i32
      %cond3A_555 = arith.cmpi ne, %convert_element_type3A_553, %cond3A_554 : i32
      scf.if %cond3A_555 {
        %add3A_590 = arith.constant 4 : i32
        %add3A_591 = arith.addi %add3A_539, %add3A_590 : i32
        %mul3A_592 = arith.constant 80 : i32
        %mul3A_593 = arith.muli %add3A_591, %mul3A_592 : i32
        %add3A_594 = arith.addi %mul3A_4, %mul3A_593 : i32
        %dma_start3A_595 = arith.constant 0 : i32
        %dma_start3A_596 = tpu.memref_slice %arg4[%dma_start3A_595, %add3A_594] : memref<2x320000xi32, #tpu.memory_space<hbm>> -> memref<1x80xi32, #tpu.memory_space<hbm>>
        %dma_start3A_597 = tpu.memref_squeeze %dma_start3A_596 : memref<1x80xi32, #tpu.memory_space<hbm>> -> memref<80xi32, #tpu.memory_space<hbm>>
        %dma_start3A_598 = tpu.memref_slice %arg4[%dma_start3A_595, %add3A_594] : memref<2x320000xi32, #tpu.memory_space<hbm>> -> memref<1x80xi32, #tpu.memory_space<hbm>>
        %dma_start3A_599 = tpu.memref_squeeze %dma_start3A_598 : memref<1x80xi32, #tpu.memory_space<hbm>> -> memref<80xi32, #tpu.memory_space<hbm>>
        tpu.enqueue_dma source(%dma_start3A_599 : memref<80xi32, #tpu.memory_space<hbm>>) target(%arg10 : memref<80xi32, #tpu.memory_space<vmem>>) target_semaphore(%arg25 : memref<!tpu.dma_semaphore, #tpu.memory_space<semaphore_mem>>)
        %dma_start3A_600 = arith.constant 1 : i32
        %dma_start3A_601 = tpu.memref_slice %arg4[%dma_start3A_600, %add3A_594] : memref<2x320000xi32, #tpu.memory_space<hbm>> -> memref<1x80xi32, #tpu.memory_space<hbm>>
        %dma_start3A_602 = tpu.memref_squeeze %dma_start3A_601 : memref<1x80xi32, #tpu.memory_space<hbm>> -> memref<80xi32, #tpu.memory_space<hbm>>
        %dma_start3A_603 = tpu.memref_slice %arg4[%dma_start3A_600, %add3A_594] : memref<2x320000xi32, #tpu.memory_space<hbm>> -> memref<1x80xi32, #tpu.memory_space<hbm>>
        %dma_start3A_604 = tpu.memref_squeeze %dma_start3A_603 : memref<1x80xi32, #tpu.memory_space<hbm>> -> memref<80xi32, #tpu.memory_space<hbm>>
        tpu.enqueue_dma source(%dma_start3A_604 : memref<80xi32, #tpu.memory_space<hbm>>) target(%arg11 : memref<80xi32, #tpu.memory_space<vmem>>) target_semaphore(%arg25 : memref<!tpu.dma_semaphore, #tpu.memory_space<semaphore_mem>>)
      } else {
      }
      %add3A_556 = arith.constant 2 : i32
      %add3A_557 = arith.addi %add3A_539, %add3A_556 : i32
      %lt3A_558 = arith.constant 125 : i32
      %lt3A_559 = arith.cmpi slt, %add3A_557, %lt3A_558 : i32
      %convert_element_type3A_560 = arith.extui %lt3A_559 : i1 to i32
      %cond3A_561 = arith.constant 0 : i32
      %cond3A_562 = arith.cmpi ne, %convert_element_type3A_560, %cond3A_561 : i32
      scf.if %cond3A_562 {
        %dma_wait3A_590 = arith.constant 0 : i32
        %dma_wait3A_591 = arith.constant 0 : i32
        %dma_wait3A_592 = tpu.memref_slice %arg4[%dma_wait3A_590, %dma_wait3A_591] : memref<2x320000xi32, #tpu.memory_space<hbm>> -> memref<1x80xi32, #tpu.memory_space<hbm>>
        %dma_wait3A_593 = tpu.memref_squeeze %dma_wait3A_592 : memref<1x80xi32, #tpu.memory_space<hbm>> -> memref<80xi32, #tpu.memory_space<hbm>>
        %dma_wait3A_594 = arith.constant 0 : i32
        %dma_wait3A_595 = tpu.memref_slice %arg4[%dma_wait3A_590, %dma_wait3A_594] : memref<2x320000xi32, #tpu.memory_space<hbm>> -> memref<1x80xi32, #tpu.memory_space<hbm>>
        %dma_wait3A_596 = tpu.memref_squeeze %dma_wait3A_595 : memref<1x80xi32, #tpu.memory_space<hbm>> -> memref<80xi32, #tpu.memory_space<hbm>>
        tpu.wait_dma2 semaphore(%arg24 : memref<!tpu.dma_semaphore, #tpu.memory_space<semaphore_mem>>) src(%dma_wait3A_596 : memref<80xi32, #tpu.memory_space<hbm>>) dst(%arg8 : memref<80xi32, #tpu.memory_space<vmem>>)
        %dma_wait3A_597 = arith.constant 1 : i32
        %dma_wait3A_598 = arith.constant 0 : i32
        %dma_wait3A_599 = tpu.memref_slice %arg4[%dma_wait3A_597, %dma_wait3A_598] : memref<2x320000xi32, #tpu.memory_space<hbm>> -> memref<1x80xi32, #tpu.memory_space<hbm>>
        %dma_wait3A_600 = tpu.memref_squeeze %dma_wait3A_599 : memref<1x80xi32, #tpu.memory_space<hbm>> -> memref<80xi32, #tpu.memory_space<hbm>>
        %dma_wait3A_601 = arith.constant 0 : i32
        %dma_wait3A_602 = tpu.memref_slice %arg4[%dma_wait3A_597, %dma_wait3A_601] : memref<2x320000xi32, #tpu.memory_space<hbm>> -> memref<1x80xi32, #tpu.memory_space<hbm>>
        %dma_wait3A_603 = tpu.memref_squeeze %dma_wait3A_602 : memref<1x80xi32, #tpu.memory_space<hbm>> -> memref<80xi32, #tpu.memory_space<hbm>>
        tpu.wait_dma2 semaphore(%arg24 : memref<!tpu.dma_semaphore, #tpu.memory_space<semaphore_mem>>) src(%dma_wait3A_603 : memref<80xi32, #tpu.memory_space<hbm>>) dst(%arg9 : memref<80xi32, #tpu.memory_space<vmem>>)
        %dma_start3A_604 = arith.constant 0 : i32
        %dma_start3A_605 = arith.constant 0 : i32
        %dma_start3A_606 = tpu.memref_slice %arg2[%dma_start3A_604, %dma_start3A_605] : memref<10000x144xf32, #tpu.memory_space<hbm>> -> memref<10000x144xf32, #tpu.memory_space<hbm>>
        tpu.enqueue_indirect_dma source(%dma_start3A_606 : memref<10000x144xf32, #tpu.memory_space<hbm>>) target(%arg16 : memref<80x144xf32, #tpu.memory_space<vmem>>) offsets(%arg8 : memref<80xi32, #tpu.memory_space<vmem>>) semaphore(%arg22 : memref<!tpu.dma_semaphore, #tpu.memory_space<semaphore_mem>>)
        %dma_start3A_607 = arith.constant 0 : i32
        %dma_start3A_608 = arith.constant 0 : i32
        %dma_start3A_609 = tpu.memref_slice %arg3[%dma_start3A_607, %dma_start3A_608] : memref<10000x16xf32, #tpu.memory_space<hbm>> -> memref<10000x16xf32, #tpu.memory_space<hbm>>
        tpu.enqueue_indirect_dma source(%dma_start3A_609 : memref<10000x16xf32, #tpu.memory_space<hbm>>) target(%arg17 : memref<80x16xf32, #tpu.memory_space<vmem>>) offsets(%arg9 : memref<80xi32, #tpu.memory_space<vmem>>) semaphore(%arg22 : memref<!tpu.dma_semaphore, #tpu.memory_space<semaphore_mem>>)
      } else {
      }
      %mul3A_563 = arith.constant 4 : i32
      %mul3A_564 = arith.muli %mul3A_563, %add3A_484 : i32
      %add3A_565 = arith.constant 3 : i32
      %add3A_566 = arith.addi %mul3A_564, %add3A_565 : i32
      %dma_wait3A_567 = arith.constant 0 : i32
      %dma_wait3A_568 = arith.constant 0 : i32
      %dma_wait3A_569 = tpu.memref_slice %arg2[%dma_wait3A_567, %dma_wait3A_568] : memref<10000x144xf32, #tpu.memory_space<hbm>> -> memref<10000x144xf32, #tpu.memory_space<hbm>>
      tpu.wait_indirect_dma semaphore(%arg23 : memref<!tpu.dma_semaphore, #tpu.memory_space<semaphore_mem>>) src(%dma_wait3A_569 : memref<10000x144xf32, #tpu.memory_space<hbm>>) dst(%arg18 : memref<80x144xf32, #tpu.memory_space<vmem>>)
      %dma_wait3A_570 = arith.constant 0 : i32
      %dma_wait3A_571 = arith.constant 0 : i32
      %dma_wait3A_572 = tpu.memref_slice %arg3[%dma_wait3A_570, %dma_wait3A_571] : memref<10000x16xf32, #tpu.memory_space<hbm>> -> memref<10000x16xf32, #tpu.memory_space<hbm>>
      tpu.wait_indirect_dma semaphore(%arg23 : memref<!tpu.dma_semaphore, #tpu.memory_space<semaphore_mem>>) src(%dma_wait3A_572 : memref<10000x16xf32, #tpu.memory_space<hbm>>) dst(%arg19 : memref<80x16xf32, #tpu.memory_space<vmem>>)
      %parallel_loop3A_573 = arith.constant 0 : i32
      %parallel_loop3A_574 = arith.constant 80 : i32
      %parallel_loop3A_575 = arith.constant 1 : i32
      scf.for %parallel_loop3A_590 = %parallel_loop3A_573 to %parallel_loop3A_574 step %parallel_loop3A_575  : i32 {
        %parallel_loop3A_591 = arith.index_cast %parallel_loop3A_590 : i32 to index
        %parallel_loop3A_592 = arith.constant 128 : index
        %parallel_loop3A_593 = tpu.vector_load %arg18[%parallel_loop3A_591, %parallel_loop3A_592] {strides = array<i32>} : memref<80x144xf32, #tpu.memory_space<vmem>>, vector<16xf32>,
        %parallel_loop3A_594 = arith.index_cast %parallel_loop3A_590 : i32 to index
        %parallel_loop3A_595 = arith.constant 0 : index
        %parallel_loop3A_596 = tpu.vector_load %arg19[%parallel_loop3A_594, %parallel_loop3A_595] {strides = array<i32>} : memref<80x16xf32, #tpu.memory_space<vmem>>, vector<16xf32>,
        %parallel_loop3A_597 = arith.addf %parallel_loop3A_593, %parallel_loop3A_596 : vector<16xf32>
        %parallel_loop3A_598 = arith.constant 2.000000e-01 : f32
        %parallel_loop3A_599 = vector.broadcast %parallel_loop3A_598 : f32 to vector<16xf32>
        %parallel_loop3A_600 = arith.mulf %parallel_loop3A_599, %parallel_loop3A_597 : vector<16xf32>
        %parallel_loop3A_601 = arith.maximumf %parallel_loop3A_597, %parallel_loop3A_600 : vector<16xf32>
        %parallel_loop3A_602 = arith.subf %parallel_loop3A_601, %get3A_320 : vector<16xf32>
        %parallel_loop3A_603 = math.exp %parallel_loop3A_602 : vector<16xf32>
        %parallel_loop3A_604 = arith.index_cast %parallel_loop3A_590 : i32 to index
        %parallel_loop3A_605 = arith.constant 128 : index
        %parallel_loop3A_606 = tpu.vector_load %arg18[%parallel_loop3A_604, %parallel_loop3A_605] {strides = array<i32>} : memref<80x144xf32, #tpu.memory_space<vmem>>, vector<16xf32>,
        tpu.vector_store %arg18[%parallel_loop3A_604, %parallel_loop3A_605], %parallel_loop3A_603 {strides = array<i32>} : memref<80x144xf32, #tpu.memory_space<vmem>>, vector<16xf32>,
        %parallel_loop3A_607 = vector.broadcast %parallel_loop3A_590 : i32 to vector<16xi32>
        %parallel_loop3A_608 = tpu.vector_load_idx %arg18[%parallel_loop3A_607, %add3A_325] : memref<80x144xf32, #tpu.memory_space<vmem>>[vector<16xi32>, vector<16xi32>], vector<16xf32>,
        %parallel_loop3A_609 = arith.index_cast %parallel_loop3A_590 : i32 to index
        %parallel_loop3A_610 = arith.constant 0 : index
        %parallel_loop3A_611 = tpu.vector_load %arg18[%parallel_loop3A_609, %parallel_loop3A_610] {strides = array<i32>} : memref<80x144xf32, #tpu.memory_space<vmem>>, vector<16xf32>,
        %parallel_loop3A_612 = arith.mulf %parallel_loop3A_611, %parallel_loop3A_608 : vector<16xf32>
        %parallel_loop3A_613 = arith.index_cast %parallel_loop3A_590 : i32 to index
        %parallel_loop3A_614 = arith.constant 0 : index
        %parallel_loop3A_615 = tpu.vector_load %arg18[%parallel_loop3A_613, %parallel_loop3A_614] {strides = array<i32>} : memref<80x144xf32, #tpu.memory_space<vmem>>, vector<16xf32>,
        tpu.vector_store %arg18[%parallel_loop3A_613, %parallel_loop3A_614], %parallel_loop3A_612 {strides = array<i32>} : memref<80x144xf32, #tpu.memory_space<vmem>>, vector<16xf32>,
        %parallel_loop3A_616 = arith.index_cast %parallel_loop3A_590 : i32 to index
        %parallel_loop3A_617 = arith.constant 16 : index
        %parallel_loop3A_618 = tpu.vector_load %arg18[%parallel_loop3A_616, %parallel_loop3A_617] {strides = array<i32>} : memref<80x144xf32, #tpu.memory_space<vmem>>, vector<16xf32>,
        %parallel_loop3A_619 = arith.mulf %parallel_loop3A_618, %parallel_loop3A_608 : vector<16xf32>
        %parallel_loop3A_620 = arith.index_cast %parallel_loop3A_590 : i32 to index
        %parallel_loop3A_621 = arith.constant 16 : index
        %parallel_loop3A_622 = tpu.vector_load %arg18[%parallel_loop3A_620, %parallel_loop3A_621] {strides = array<i32>} : memref<80x144xf32, #tpu.memory_space<vmem>>, vector<16xf32>,
        tpu.vector_store %arg18[%parallel_loop3A_620, %parallel_loop3A_621], %parallel_loop3A_619 {strides = array<i32>} : memref<80x144xf32, #tpu.memory_space<vmem>>, vector<16xf32>,
        %parallel_loop3A_623 = arith.index_cast %parallel_loop3A_590 : i32 to index
        %parallel_loop3A_624 = arith.constant 32 : index
        %parallel_loop3A_625 = tpu.vector_load %arg18[%parallel_loop3A_623, %parallel_loop3A_624] {strides = array<i32>} : memref<80x144xf32, #tpu.memory_space<vmem>>, vector<16xf32>,
        %parallel_loop3A_626 = arith.mulf %parallel_loop3A_625, %parallel_loop3A_608 : vector<16xf32>
        %parallel_loop3A_627 = arith.index_cast %parallel_loop3A_590 : i32 to index
        %parallel_loop3A_628 = arith.constant 32 : index
        %parallel_loop3A_629 = tpu.vector_load %arg18[%parallel_loop3A_627, %parallel_loop3A_628] {strides = array<i32>} : memref<80x144xf32, #tpu.memory_space<vmem>>, vector<16xf32>,
        tpu.vector_store %arg18[%parallel_loop3A_627, %parallel_loop3A_628], %parallel_loop3A_626 {strides = array<i32>} : memref<80x144xf32, #tpu.memory_space<vmem>>, vector<16xf32>,
        %parallel_loop3A_630 = arith.index_cast %parallel_loop3A_590 : i32 to index
        %parallel_loop3A_631 = arith.constant 48 : index
        %parallel_loop3A_632 = tpu.vector_load %arg18[%parallel_loop3A_630, %parallel_loop3A_631] {strides = array<i32>} : memref<80x144xf32, #tpu.memory_space<vmem>>, vector<16xf32>,
        %parallel_loop3A_633 = arith.mulf %parallel_loop3A_632, %parallel_loop3A_608 : vector<16xf32>
        %parallel_loop3A_634 = arith.index_cast %parallel_loop3A_590 : i32 to index
        %parallel_loop3A_635 = arith.constant 48 : index
        %parallel_loop3A_636 = tpu.vector_load %arg18[%parallel_loop3A_634, %parallel_loop3A_635] {strides = array<i32>} : memref<80x144xf32, #tpu.memory_space<vmem>>, vector<16xf32>,
        tpu.vector_store %arg18[%parallel_loop3A_634, %parallel_loop3A_635], %parallel_loop3A_633 {strides = array<i32>} : memref<80x144xf32, #tpu.memory_space<vmem>>, vector<16xf32>,
        %parallel_loop3A_637 = arith.index_cast %parallel_loop3A_590 : i32 to index
        %parallel_loop3A_638 = arith.constant 64 : index
        %parallel_loop3A_639 = tpu.vector_load %arg18[%parallel_loop3A_637, %parallel_loop3A_638] {strides = array<i32>} : memref<80x144xf32, #tpu.memory_space<vmem>>, vector<16xf32>,
        %parallel_loop3A_640 = arith.mulf %parallel_loop3A_639, %parallel_loop3A_608 : vector<16xf32>
        %parallel_loop3A_641 = arith.index_cast %parallel_loop3A_590 : i32 to index
        %parallel_loop3A_642 = arith.constant 64 : index
        %parallel_loop3A_643 = tpu.vector_load %arg18[%parallel_loop3A_641, %parallel_loop3A_642] {strides = array<i32>} : memref<80x144xf32, #tpu.memory_space<vmem>>, vector<16xf32>,
        tpu.vector_store %arg18[%parallel_loop3A_641, %parallel_loop3A_642], %parallel_loop3A_640 {strides = array<i32>} : memref<80x144xf32, #tpu.memory_space<vmem>>, vector<16xf32>,
        %parallel_loop3A_644 = arith.index_cast %parallel_loop3A_590 : i32 to index
        %parallel_loop3A_645 = arith.constant 80 : index
        %parallel_loop3A_646 = tpu.vector_load %arg18[%parallel_loop3A_644, %parallel_loop3A_645] {strides = array<i32>} : memref<80x144xf32, #tpu.memory_space<vmem>>, vector<16xf32>,
        %parallel_loop3A_647 = arith.mulf %parallel_loop3A_646, %parallel_loop3A_608 : vector<16xf32>
        %parallel_loop3A_648 = arith.index_cast %parallel_loop3A_590 : i32 to index
        %parallel_loop3A_649 = arith.constant 80 : index
        %parallel_loop3A_650 = tpu.vector_load %arg18[%parallel_loop3A_648, %parallel_loop3A_649] {strides = array<i32>} : memref<80x144xf32, #tpu.memory_space<vmem>>, vector<16xf32>,
        tpu.vector_store %arg18[%parallel_loop3A_648, %parallel_loop3A_649], %parallel_loop3A_647 {strides = array<i32>} : memref<80x144xf32, #tpu.memory_space<vmem>>, vector<16xf32>,
        %parallel_loop3A_651 = arith.index_cast %parallel_loop3A_590 : i32 to index
        %parallel_loop3A_652 = arith.constant 96 : index
        %parallel_loop3A_653 = tpu.vector_load %arg18[%parallel_loop3A_651, %parallel_loop3A_652] {strides = array<i32>} : memref<80x144xf32, #tpu.memory_space<vmem>>, vector<16xf32>,
        %parallel_loop3A_654 = arith.mulf %parallel_loop3A_653, %parallel_loop3A_608 : vector<16xf32>
        %parallel_loop3A_655 = arith.index_cast %parallel_loop3A_590 : i32 to index
        %parallel_loop3A_656 = arith.constant 96 : index
        %parallel_loop3A_657 = tpu.vector_load %arg18[%parallel_loop3A_655, %parallel_loop3A_656] {strides = array<i32>} : memref<80x144xf32, #tpu.memory_space<vmem>>, vector<16xf32>,
        tpu.vector_store %arg18[%parallel_loop3A_655, %parallel_loop3A_656], %parallel_loop3A_654 {strides = array<i32>} : memref<80x144xf32, #tpu.memory_space<vmem>>, vector<16xf32>,
        %parallel_loop3A_658 = arith.index_cast %parallel_loop3A_590 : i32 to index
        %parallel_loop3A_659 = arith.constant 112 : index
        %parallel_loop3A_660 = tpu.vector_load %arg18[%parallel_loop3A_658, %parallel_loop3A_659] {strides = array<i32>} : memref<80x144xf32, #tpu.memory_space<vmem>>, vector<16xf32>,
        %parallel_loop3A_661 = arith.mulf %parallel_loop3A_660, %parallel_loop3A_608 : vector<16xf32>
        %parallel_loop3A_662 = arith.index_cast %parallel_loop3A_590 : i32 to index
        %parallel_loop3A_663 = arith.constant 112 : index
        %parallel_loop3A_664 = tpu.vector_load %arg18[%parallel_loop3A_662, %parallel_loop3A_663] {strides = array<i32>} : memref<80x144xf32, #tpu.memory_space<vmem>>, vector<16xf32>,
        tpu.vector_store %arg18[%parallel_loop3A_662, %parallel_loop3A_663], %parallel_loop3A_661 {strides = array<i32>} : memref<80x144xf32, #tpu.memory_space<vmem>>, vector<16xf32>,
      } {sc.loop_unroll_factor = 8 : i64, sc.parallel_access}
      "tpu.region"() ({
        %run_scoped3A_590 = tpu.sem_alloc : memref<!tpu.dma_semaphore, #tpu.memory_space<semaphore_mem>>
        %dma_start3A_591 = arith.constant 0 : i32
        %dma_start3A_592 = arith.constant 0 : i32
        %dma_start3A_593 = tpu.memref_slice %arg21[%dma_start3A_591, %dma_start3A_592] : memref<10240x144xf32, #tpu.memory_space<vmem_shared>> -> memref<10240x144xf32, #tpu.memory_space<vmem_shared>>
        tpu.enqueue_indirect_dma source(%arg18 : memref<80x144xf32, #tpu.memory_space<vmem>>) target(%dma_start3A_593 : memref<10240x144xf32, #tpu.memory_space<vmem_shared>>) offsets(%arg15 : memref<80xi32, #tpu.memory_space<vmem>>) semaphore(%run_scoped3A_590 : memref<!tpu.dma_semaphore, #tpu.memory_space<semaphore_mem>>) {add = true}
        %dma_wait3A_594 = arith.constant 0 : i32
        %dma_wait3A_595 = arith.constant 0 : i32
        %dma_wait3A_596 = tpu.memref_slice %arg21[%dma_wait3A_594, %dma_wait3A_595] : memref<10240x144xf32, #tpu.memory_space<vmem_shared>> -> memref<10240x144xf32, #tpu.memory_space<vmem_shared>>
        tpu.wait_indirect_dma semaphore(%run_scoped3A_590 : memref<!tpu.dma_semaphore, #tpu.memory_space<semaphore_mem>>) src(%arg18 : memref<80x144xf32, #tpu.memory_space<vmem>>) dst(%dma_wait3A_596 : memref<10240x144xf32, #tpu.memory_space<vmem_shared>>)
        tpu.yield
      }) : () -> ()
      %add3A_576 = arith.constant 4 : i32
      %add3A_577 = arith.addi %add3A_566, %add3A_576 : i32
      %lt3A_578 = arith.constant 125 : i32
      %lt3A_579 = arith.cmpi slt, %add3A_577, %lt3A_578 : i32
      %convert_element_type3A_580 = arith.extui %lt3A_579 : i1 to i32
      %cond3A_581 = arith.constant 0 : i32
      %cond3A_582 = arith.cmpi ne, %convert_element_type3A_580, %cond3A_581 : i32
      scf.if %cond3A_582 {
        %add3A_590 = arith.constant 4 : i32
        %add3A_591 = arith.addi %add3A_566, %add3A_590 : i32
        %mul3A_592 = arith.constant 80 : i32
        %mul3A_593 = arith.muli %add3A_591, %mul3A_592 : i32
        %add3A_594 = arith.addi %mul3A_4, %mul3A_593 : i32
        %dma_start3A_595 = arith.constant 0 : i32
        %dma_start3A_596 = tpu.memref_slice %arg4[%dma_start3A_595, %add3A_594] : memref<2x320000xi32, #tpu.memory_space<hbm>> -> memref<1x80xi32, #tpu.memory_space<hbm>>
        %dma_start3A_597 = tpu.memref_squeeze %dma_start3A_596 : memref<1x80xi32, #tpu.memory_space<hbm>> -> memref<80xi32, #tpu.memory_space<hbm>>
        %dma_start3A_598 = tpu.memref_slice %arg4[%dma_start3A_595, %add3A_594] : memref<2x320000xi32, #tpu.memory_space<hbm>> -> memref<1x80xi32, #tpu.memory_space<hbm>>
        %dma_start3A_599 = tpu.memref_squeeze %dma_start3A_598 : memref<1x80xi32, #tpu.memory_space<hbm>> -> memref<80xi32, #tpu.memory_space<hbm>>
        tpu.enqueue_dma source(%dma_start3A_599 : memref<80xi32, #tpu.memory_space<hbm>>) target(%arg14 : memref<80xi32, #tpu.memory_space<vmem>>) target_semaphore(%arg27 : memref<!tpu.dma_semaphore, #tpu.memory_space<semaphore_mem>>)
        %dma_start3A_600 = arith.constant 1 : i32
        %dma_start3A_601 = tpu.memref_slice %arg4[%dma_start3A_600, %add3A_594] : memref<2x320000xi32, #tpu.memory_space<hbm>> -> memref<1x80xi32, #tpu.memory_space<hbm>>
        %dma_start3A_602 = tpu.memref_squeeze %dma_start3A_601 : memref<1x80xi32, #tpu.memory_space<hbm>> -> memref<80xi32, #tpu.memory_space<hbm>>
        %dma_start3A_603 = tpu.memref_slice %arg4[%dma_start3A_600, %add3A_594] : memref<2x320000xi32, #tpu.memory_space<hbm>> -> memref<1x80xi32, #tpu.memory_space<hbm>>
        %dma_start3A_604 = tpu.memref_squeeze %dma_start3A_603 : memref<1x80xi32, #tpu.memory_space<hbm>> -> memref<80xi32, #tpu.memory_space<hbm>>
        tpu.enqueue_dma source(%dma_start3A_604 : memref<80xi32, #tpu.memory_space<hbm>>) target(%arg15 : memref<80xi32, #tpu.memory_space<vmem>>) target_semaphore(%arg27 : memref<!tpu.dma_semaphore, #tpu.memory_space<semaphore_mem>>)
      } else {
      }
      %add3A_583 = arith.constant 2 : i32
      %add3A_584 = arith.addi %add3A_566, %add3A_583 : i32
      %lt3A_585 = arith.constant 125 : i32
      %lt3A_586 = arith.cmpi slt, %add3A_584, %lt3A_585 : i32
      %convert_element_type3A_587 = arith.extui %lt3A_586 : i1 to i32
      %cond3A_588 = arith.constant 0 : i32
      %cond3A_589 = arith.cmpi ne, %convert_element_type3A_587, %cond3A_588 : i32
      scf.if %cond3A_589 {
        %dma_wait3A_590 = arith.constant 0 : i32
        %dma_wait3A_591 = arith.constant 0 : i32
        %dma_wait3A_592 = tpu.memref_slice %arg4[%dma_wait3A_590, %dma_wait3A_591] : memref<2x320000xi32, #tpu.memory_space<hbm>> -> memref<1x80xi32, #tpu.memory_space<hbm>>
        %dma_wait3A_593 = tpu.memref_squeeze %dma_wait3A_592 : memref<1x80xi32, #tpu.memory_space<hbm>> -> memref<80xi32, #tpu.memory_space<hbm>>
        %dma_wait3A_594 = arith.constant 0 : i32
        %dma_wait3A_595 = tpu.memref_slice %arg4[%dma_wait3A_590, %dma_wait3A_594] : memref<2x320000xi32, #tpu.memory_space<hbm>> -> memref<1x80xi32, #tpu.memory_space<hbm>>
        %dma_wait3A_596 = tpu.memref_squeeze %dma_wait3A_595 : memref<1x80xi32, #tpu.memory_space<hbm>> -> memref<80xi32, #tpu.memory_space<hbm>>
        tpu.wait_dma2 semaphore(%arg26 : memref<!tpu.dma_semaphore, #tpu.memory_space<semaphore_mem>>) src(%dma_wait3A_596 : memref<80xi32, #tpu.memory_space<hbm>>) dst(%arg12 : memref<80xi32, #tpu.memory_space<vmem>>)
        %dma_wait3A_597 = arith.constant 1 : i32
        %dma_wait3A_598 = arith.constant 0 : i32
        %dma_wait3A_599 = tpu.memref_slice %arg4[%dma_wait3A_597, %dma_wait3A_598] : memref<2x320000xi32, #tpu.memory_space<hbm>> -> memref<1x80xi32, #tpu.memory_space<hbm>>
        %dma_wait3A_600 = tpu.memref_squeeze %dma_wait3A_599 : memref<1x80xi32, #tpu.memory_space<hbm>> -> memref<80xi32, #tpu.memory_space<hbm>>
        %dma_wait3A_601 = arith.constant 0 : i32
        %dma_wait3A_602 = tpu.memref_slice %arg4[%dma_wait3A_597, %dma_wait3A_601] : memref<2x320000xi32, #tpu.memory_space<hbm>> -> memref<1x80xi32, #tpu.memory_space<hbm>>
        %dma_wait3A_603 = tpu.memref_squeeze %dma_wait3A_602 : memref<1x80xi32, #tpu.memory_space<hbm>> -> memref<80xi32, #tpu.memory_space<hbm>>
        tpu.wait_dma2 semaphore(%arg26 : memref<!tpu.dma_semaphore, #tpu.memory_space<semaphore_mem>>) src(%dma_wait3A_603 : memref<80xi32, #tpu.memory_space<hbm>>) dst(%arg13 : memref<80xi32, #tpu.memory_space<vmem>>)
        %dma_start3A_604 = arith.constant 0 : i32
        %dma_start3A_605 = arith.constant 0 : i32
        %dma_start3A_606 = tpu.memref_slice %arg2[%dma_start3A_604, %dma_start3A_605] : memref<10000x144xf32, #tpu.memory_space<hbm>> -> memref<10000x144xf32, #tpu.memory_space<hbm>>
        tpu.enqueue_indirect_dma source(%dma_start3A_606 : memref<10000x144xf32, #tpu.memory_space<hbm>>) target(%arg18 : memref<80x144xf32, #tpu.memory_space<vmem>>) offsets(%arg12 : memref<80xi32, #tpu.memory_space<vmem>>) semaphore(%arg23 : memref<!tpu.dma_semaphore, #tpu.memory_space<semaphore_mem>>)
        %dma_start3A_607 = arith.constant 0 : i32
        %dma_start3A_608 = arith.constant 0 : i32
        %dma_start3A_609 = tpu.memref_slice %arg3[%dma_start3A_607, %dma_start3A_608] : memref<10000x16xf32, #tpu.memory_space<hbm>> -> memref<10000x16xf32, #tpu.memory_space<hbm>>
        tpu.enqueue_indirect_dma source(%dma_start3A_609 : memref<10000x16xf32, #tpu.memory_space<hbm>>) target(%arg19 : memref<80x16xf32, #tpu.memory_space<vmem>>) offsets(%arg13 : memref<80xi32, #tpu.memory_space<vmem>>) semaphore(%arg23 : memref<!tpu.dma_semaphore, #tpu.memory_space<semaphore_mem>>)
      } else {
      }
    }
    %scan3A_330 = arith.constant 31 : i32
    %dma_wait3A_331 = arith.constant 0 : i32
    %dma_wait3A_332 = arith.constant 0 : i32
    %dma_wait3A_333 = tpu.memref_slice %arg2[%dma_wait3A_331, %dma_wait3A_332] : memref<10000x144xf32, #tpu.memory_space<hbm>> -> memref<10000x144xf32, #tpu.memory_space<hbm>>
    tpu.wait_indirect_dma semaphore(%arg22 : memref<!tpu.dma_semaphore, #tpu.memory_space<semaphore_mem>>) src(%dma_wait3A_333 : memref<10000x144xf32, #tpu.memory_space<hbm>>) dst(%arg16 : memref<80x144xf32, #tpu.memory_space<vmem>>)
    %dma_wait3A_334 = arith.constant 0 : i32
    %dma_wait3A_335 = arith.constant 0 : i32
    %dma_wait3A_336 = tpu.memref_slice %arg3[%dma_wait3A_334, %dma_wait3A_335] : memref<10000x16xf32, #tpu.memory_space<hbm>> -> memref<10000x16xf32, #tpu.memory_space<hbm>>
    tpu.wait_indirect_dma semaphore(%arg22 : memref<!tpu.dma_semaphore, #tpu.memory_space<semaphore_mem>>) src(%dma_wait3A_336 : memref<10000x16xf32, #tpu.memory_space<hbm>>) dst(%arg17 : memref<80x16xf32, #tpu.memory_space<vmem>>)
    %parallel_loop3A = arith.constant 0 : i32
    %parallel_loop3A_337 = arith.constant 80 : i32
    %parallel_loop3A_338 = arith.constant 1 : i32
    scf.for %parallel_loop3A_480 = %parallel_loop3A to %parallel_loop3A_337 step %parallel_loop3A_338  : i32 {
      %parallel_loop3A_481 = arith.index_cast %parallel_loop3A_480 : i32 to index
      %parallel_loop3A_482 = arith.constant 128 : index
      %parallel_loop3A_483 = tpu.vector_load %arg16[%parallel_loop3A_481, %parallel_loop3A_482] {strides = array<i32>} : memref<80x144xf32, #tpu.memory_space<vmem>>, vector<16xf32>,
      %parallel_loop3A_484 = arith.index_cast %parallel_loop3A_480 : i32 to index
      %parallel_loop3A_485 = arith.constant 0 : index
      %parallel_loop3A_486 = tpu.vector_load %arg17[%parallel_loop3A_484, %parallel_loop3A_485] {strides = array<i32>} : memref<80x16xf32, #tpu.memory_space<vmem>>, vector<16xf32>,
      %parallel_loop3A_487 = arith.addf %parallel_loop3A_483, %parallel_loop3A_486 : vector<16xf32>
      %parallel_loop3A_488 = arith.constant 2.000000e-01 : f32
      %parallel_loop3A_489 = vector.broadcast %parallel_loop3A_488 : f32 to vector<16xf32>
      %parallel_loop3A_490 = arith.mulf %parallel_loop3A_489, %parallel_loop3A_487 : vector<16xf32>
      %parallel_loop3A_491 = arith.maximumf %parallel_loop3A_487, %parallel_loop3A_490 : vector<16xf32>
      %parallel_loop3A_492 = arith.subf %parallel_loop3A_491, %get3A_320 : vector<16xf32>
      %parallel_loop3A_493 = math.exp %parallel_loop3A_492 : vector<16xf32>
      %parallel_loop3A_494 = arith.index_cast %parallel_loop3A_480 : i32 to index
      %parallel_loop3A_495 = arith.constant 128 : index
      %parallel_loop3A_496 = tpu.vector_load %arg16[%parallel_loop3A_494, %parallel_loop3A_495] {strides = array<i32>} : memref<80x144xf32, #tpu.memory_space<vmem>>, vector<16xf32>,
      tpu.vector_store %arg16[%parallel_loop3A_494, %parallel_loop3A_495], %parallel_loop3A_493 {strides = array<i32>} : memref<80x144xf32, #tpu.memory_space<vmem>>, vector<16xf32>,
      %parallel_loop3A_497 = vector.broadcast %parallel_loop3A_480 : i32 to vector<16xi32>
      %parallel_loop3A_498 = tpu.vector_load_idx %arg16[%parallel_loop3A_497, %add3A_325] : memref<80x144xf32, #tpu.memory_space<vmem>>[vector<16xi32>, vector<16xi32>], vector<16xf32>,
      %parallel_loop3A_499 = arith.index_cast %parallel_loop3A_480 : i32 to index
      %parallel_loop3A_500 = arith.constant 0 : index
      %parallel_loop3A_501 = tpu.vector_load %arg16[%parallel_loop3A_499, %parallel_loop3A_500] {strides = array<i32>} : memref<80x144xf32, #tpu.memory_space<vmem>>, vector<16xf32>,
      %parallel_loop3A_502 = arith.mulf %parallel_loop3A_501, %parallel_loop3A_498 : vector<16xf32>
      %parallel_loop3A_503 = arith.index_cast %parallel_loop3A_480 : i32 to index
      %parallel_loop3A_504 = arith.constant 0 : index
      %parallel_loop3A_505 = tpu.vector_load %arg16[%parallel_loop3A_503, %parallel_loop3A_504] {strides = array<i32>} : memref<80x144xf32, #tpu.memory_space<vmem>>, vector<16xf32>,
      tpu.vector_store %arg16[%parallel_loop3A_503, %parallel_loop3A_504], %parallel_loop3A_502 {strides = array<i32>} : memref<80x144xf32, #tpu.memory_space<vmem>>, vector<16xf32>,
      %parallel_loop3A_506 = arith.index_cast %parallel_loop3A_480 : i32 to index
      %parallel_loop3A_507 = arith.constant 16 : index
      %parallel_loop3A_508 = tpu.vector_load %arg16[%parallel_loop3A_506, %parallel_loop3A_507] {strides = array<i32>} : memref<80x144xf32, #tpu.memory_space<vmem>>, vector<16xf32>,
      %parallel_loop3A_509 = arith.mulf %parallel_loop3A_508, %parallel_loop3A_498 : vector<16xf32>
      %parallel_loop3A_510 = arith.index_cast %parallel_loop3A_480 : i32 to index
      %parallel_loop3A_511 = arith.constant 16 : index
      %parallel_loop3A_512 = tpu.vector_load %arg16[%parallel_loop3A_510, %parallel_loop3A_511] {strides = array<i32>} : memref<80x144xf32, #tpu.memory_space<vmem>>, vector<16xf32>,
      tpu.vector_store %arg16[%parallel_loop3A_510, %parallel_loop3A_511], %parallel_loop3A_509 {strides = array<i32>} : memref<80x144xf32, #tpu.memory_space<vmem>>, vector<16xf32>,
      %parallel_loop3A_513 = arith.index_cast %parallel_loop3A_480 : i32 to index
      %parallel_loop3A_514 = arith.constant 32 : index
      %parallel_loop3A_515 = tpu.vector_load %arg16[%parallel_loop3A_513, %parallel_loop3A_514] {strides = array<i32>} : memref<80x144xf32, #tpu.memory_space<vmem>>, vector<16xf32>,
      %parallel_loop3A_516 = arith.mulf %parallel_loop3A_515, %parallel_loop3A_498 : vector<16xf32>
      %parallel_loop3A_517 = arith.index_cast %parallel_loop3A_480 : i32 to index
      %parallel_loop3A_518 = arith.constant 32 : index
      %parallel_loop3A_519 = tpu.vector_load %arg16[%parallel_loop3A_517, %parallel_loop3A_518] {strides = array<i32>} : memref<80x144xf32, #tpu.memory_space<vmem>>, vector<16xf32>,
      tpu.vector_store %arg16[%parallel_loop3A_517, %parallel_loop3A_518], %parallel_loop3A_516 {strides = array<i32>} : memref<80x144xf32, #tpu.memory_space<vmem>>, vector<16xf32>,
      %parallel_loop3A_520 = arith.index_cast %parallel_loop3A_480 : i32 to index
      %parallel_loop3A_521 = arith.constant 48 : index
      %parallel_loop3A_522 = tpu.vector_load %arg16[%parallel_loop3A_520, %parallel_loop3A_521] {strides = array<i32>} : memref<80x144xf32, #tpu.memory_space<vmem>>, vector<16xf32>,
      %parallel_loop3A_523 = arith.mulf %parallel_loop3A_522, %parallel_loop3A_498 : vector<16xf32>
      %parallel_loop3A_524 = arith.index_cast %parallel_loop3A_480 : i32 to index
      %parallel_loop3A_525 = arith.constant 48 : index
      %parallel_loop3A_526 = tpu.vector_load %arg16[%parallel_loop3A_524, %parallel_loop3A_525] {strides = array<i32>} : memref<80x144xf32, #tpu.memory_space<vmem>>, vector<16xf32>,
      tpu.vector_store %arg16[%parallel_loop3A_524, %parallel_loop3A_525], %parallel_loop3A_523 {strides = array<i32>} : memref<80x144xf32, #tpu.memory_space<vmem>>, vector<16xf32>,
      %parallel_loop3A_527 = arith.index_cast %parallel_loop3A_480 : i32 to index
      %parallel_loop3A_528 = arith.constant 64 : index
      %parallel_loop3A_529 = tpu.vector_load %arg16[%parallel_loop3A_527, %parallel_loop3A_528] {strides = array<i32>} : memref<80x144xf32, #tpu.memory_space<vmem>>, vector<16xf32>,
      %parallel_loop3A_530 = arith.mulf %parallel_loop3A_529, %parallel_loop3A_498 : vector<16xf32>
      %parallel_loop3A_531 = arith.index_cast %parallel_loop3A_480 : i32 to index
      %parallel_loop3A_532 = arith.constant 64 : index
      %parallel_loop3A_533 = tpu.vector_load %arg16[%parallel_loop3A_531, %parallel_loop3A_532] {strides = array<i32>} : memref<80x144xf32, #tpu.memory_space<vmem>>, vector<16xf32>,
      tpu.vector_store %arg16[%parallel_loop3A_531, %parallel_loop3A_532], %parallel_loop3A_530 {strides = array<i32>} : memref<80x144xf32, #tpu.memory_space<vmem>>, vector<16xf32>,
      %parallel_loop3A_534 = arith.index_cast %parallel_loop3A_480 : i32 to index
      %parallel_loop3A_535 = arith.constant 80 : index
      %parallel_loop3A_536 = tpu.vector_load %arg16[%parallel_loop3A_534, %parallel_loop3A_535] {strides = array<i32>} : memref<80x144xf32, #tpu.memory_space<vmem>>, vector<16xf32>,
      %parallel_loop3A_537 = arith.mulf %parallel_loop3A_536, %parallel_loop3A_498 : vector<16xf32>
      %parallel_loop3A_538 = arith.index_cast %parallel_loop3A_480 : i32 to index
      %parallel_loop3A_539 = arith.constant 80 : index
      %parallel_loop3A_540 = tpu.vector_load %arg16[%parallel_loop3A_538, %parallel_loop3A_539] {strides = array<i32>} : memref<80x144xf32, #tpu.memory_space<vmem>>, vector<16xf32>,
      tpu.vector_store %arg16[%parallel_loop3A_538, %parallel_loop3A_539], %parallel_loop3A_537 {strides = array<i32>} : memref<80x144xf32, #tpu.memory_space<vmem>>, vector<16xf32>,
      %parallel_loop3A_541 = arith.index_cast %parallel_loop3A_480 : i32 to index
      %parallel_loop3A_542 = arith.constant 96 : index
      %parallel_loop3A_543 = tpu.vector_load %arg16[%parallel_loop3A_541, %parallel_loop3A_542] {strides = array<i32>} : memref<80x144xf32, #tpu.memory_space<vmem>>, vector<16xf32>,
      %parallel_loop3A_544 = arith.mulf %parallel_loop3A_543, %parallel_loop3A_498 : vector<16xf32>
      %parallel_loop3A_545 = arith.index_cast %parallel_loop3A_480 : i32 to index
      %parallel_loop3A_546 = arith.constant 96 : index
      %parallel_loop3A_547 = tpu.vector_load %arg16[%parallel_loop3A_545, %parallel_loop3A_546] {strides = array<i32>} : memref<80x144xf32, #tpu.memory_space<vmem>>, vector<16xf32>,
      tpu.vector_store %arg16[%parallel_loop3A_545, %parallel_loop3A_546], %parallel_loop3A_544 {strides = array<i32>} : memref<80x144xf32, #tpu.memory_space<vmem>>, vector<16xf32>,
      %parallel_loop3A_548 = arith.index_cast %parallel_loop3A_480 : i32 to index
      %parallel_loop3A_549 = arith.constant 112 : index
      %parallel_loop3A_550 = tpu.vector_load %arg16[%parallel_loop3A_548, %parallel_loop3A_549] {strides = array<i32>} : memref<80x144xf32, #tpu.memory_space<vmem>>, vector<16xf32>,
      %parallel_loop3A_551 = arith.mulf %parallel_loop3A_550, %parallel_loop3A_498 : vector<16xf32>
      %parallel_loop3A_552 = arith.index_cast %parallel_loop3A_480 : i32 to index
      %parallel_loop3A_553 = arith.constant 112 : index
      %parallel_loop3A_554 = tpu.vector_load %arg16[%parallel_loop3A_552, %parallel_loop3A_553] {strides = array<i32>} : memref<80x144xf32, #tpu.memory_space<vmem>>, vector<16xf32>,
      tpu.vector_store %arg16[%parallel_loop3A_552, %parallel_loop3A_553], %parallel_loop3A_551 {strides = array<i32>} : memref<80x144xf32, #tpu.memory_space<vmem>>, vector<16xf32>,
    } {sc.loop_unroll_factor = 8 : i64, sc.parallel_access}
    "tpu.region"() ({
      %run_scoped3A_480 = tpu.sem_alloc : memref<!tpu.dma_semaphore, #tpu.memory_space<semaphore_mem>>
      %dma_start3A_481 = arith.constant 0 : i32
      %dma_start3A_482 = arith.constant 0 : i32
      %dma_start3A_483 = tpu.memref_slice %arg21[%dma_start3A_481, %dma_start3A_482] : memref<10240x144xf32, #tpu.memory_space<vmem_shared>> -> memref<10240x144xf32, #tpu.memory_space<vmem_shared>>
      tpu.enqueue_indirect_dma source(%arg16 : memref<80x144xf32, #tpu.memory_space<vmem>>) target(%dma_start3A_483 : memref<10240x144xf32, #tpu.memory_space<vmem_shared>>) offsets(%arg9 : memref<80xi32, #tpu.memory_space<vmem>>) semaphore(%run_scoped3A_480 : memref<!tpu.dma_semaphore, #tpu.memory_space<semaphore_mem>>) {add = true}
      %dma_wait3A_484 = arith.constant 0 : i32
      %dma_wait3A_485 = arith.constant 0 : i32
      %dma_wait3A_486 = tpu.memref_slice %arg21[%dma_wait3A_484, %dma_wait3A_485] : memref<10240x144xf32, #tpu.memory_space<vmem_shared>> -> memref<10240x144xf32, #tpu.memory_space<vmem_shared>>
      tpu.wait_indirect_dma semaphore(%run_scoped3A_480 : memref<!tpu.dma_semaphore, #tpu.memory_space<semaphore_mem>>) src(%arg16 : memref<80x144xf32, #tpu.memory_space<vmem>>) dst(%dma_wait3A_486 : memref<10240x144xf32, #tpu.memory_space<vmem_shared>>)
      tpu.yield
    }) : () -> ()
    %barrier3A_339 = arith.constant 0 : index
    tpu.barrier barrier_id(%barrier3A_339)
    %mul3A_340 = arith.constant 640 : i32
    %mul3A_341 = arith.muli %arg1, %mul3A_340 : i32
    %add3A_342 = arith.constant 0 : i32
    %add3A_343 = arith.addi %mul3A_341, %add3A_342 : i32
    %dma_start3A_344 = arith.constant 0 : i32
    %dma_start3A_345 = tpu.memref_slice %arg6[%arg0, %add3A_343, %dma_start3A_344] : memref<2x10240x128xf32, #tpu.memory_space<hbm>> -> memref<1x128x128xf32, #tpu.memory_space<hbm>>
    %dma_start3A_346 = tpu.memref_squeeze %dma_start3A_345 : memref<1x128x128xf32, #tpu.memory_space<hbm>> -> memref<128x128xf32, #tpu.memory_space<hbm>>
    %dma_start3A_347 = arith.constant 0 : i32
    %dma_start3A_348 = tpu.memref_slice %arg21[%add3A_343, %dma_start3A_347] : memref<10240x144xf32, #tpu.memory_space<vmem_shared>> -> memref<128x128xf32, #tpu.memory_space<vmem_shared>>
    tpu.enqueue_dma source(%dma_start3A_348 : memref<128x128xf32, #tpu.memory_space<vmem_shared>>) target(%dma_start3A_346 : memref<128x128xf32, #tpu.memory_space<hbm>>) target_semaphore(%arg22 : memref<!tpu.dma_semaphore, #tpu.memory_space<semaphore_mem>>)
    %dma_start3A_349 = arith.constant 0 : i32
    %dma_start3A_350 = tpu.memref_slice %arg7[%arg0, %add3A_343, %dma_start3A_349] : memref<2x10240x16xf32, #tpu.memory_space<hbm>> -> memref<1x128x16xf32, #tpu.memory_space<hbm>>
    %dma_start3A_351 = tpu.memref_squeeze %dma_start3A_350 : memref<1x128x16xf32, #tpu.memory_space<hbm>> -> memref<128x16xf32, #tpu.memory_space<hbm>>
    %dma_start3A_352 = arith.constant 128 : i32
    %dma_start3A_353 = tpu.memref_slice %arg21[%add3A_343, %dma_start3A_352] : memref<10240x144xf32, #tpu.memory_space<vmem_shared>> -> memref<128x16xf32, #tpu.memory_space<vmem_shared>>
    tpu.enqueue_dma source(%dma_start3A_353 : memref<128x16xf32, #tpu.memory_space<vmem_shared>>) target(%dma_start3A_351 : memref<128x16xf32, #tpu.memory_space<hbm>>) target_semaphore(%arg23 : memref<!tpu.dma_semaphore, #tpu.memory_space<semaphore_mem>>)
    %mul3A_354 = arith.constant 640 : i32
    %mul3A_355 = arith.muli %arg1, %mul3A_354 : i32
    %add3A_356 = arith.constant 128 : i32
    %add3A_357 = arith.addi %mul3A_355, %add3A_356 : i32
    %dma_start3A_358 = arith.constant 0 : i32
    %dma_start3A_359 = tpu.memref_slice %arg6[%arg0, %add3A_357, %dma_start3A_358] : memref<2x10240x128xf32, #tpu.memory_space<hbm>> -> memref<1x128x128xf32, #tpu.memory_space<hbm>>
    %dma_start3A_360 = tpu.memref_squeeze %dma_start3A_359 : memref<1x128x128xf32, #tpu.memory_space<hbm>> -> memref<128x128xf32, #tpu.memory_space<hbm>>
    %dma_start3A_361 = arith.constant 0 : i32
    %dma_start3A_362 = tpu.memref_slice %arg21[%add3A_357, %dma_start3A_361] : memref<10240x144xf32, #tpu.memory_space<vmem_shared>> -> memref<128x128xf32, #tpu.memory_space<vmem_shared>>
    tpu.enqueue_dma source(%dma_start3A_362 : memref<128x128xf32, #tpu.memory_space<vmem_shared>>) target(%dma_start3A_360 : memref<128x128xf32, #tpu.memory_space<hbm>>) target_semaphore(%arg22 : memref<!tpu.dma_semaphore, #tpu.memory_space<semaphore_mem>>)
    %dma_start3A_363 = arith.constant 0 : i32
    %dma_start3A_364 = tpu.memref_slice %arg7[%arg0, %add3A_357, %dma_start3A_363] : memref<2x10240x16xf32, #tpu.memory_space<hbm>> -> memref<1x128x16xf32, #tpu.memory_space<hbm>>
    %dma_start3A_365 = tpu.memref_squeeze %dma_start3A_364 : memref<1x128x16xf32, #tpu.memory_space<hbm>> -> memref<128x16xf32, #tpu.memory_space<hbm>>
    %dma_start3A_366 = arith.constant 128 : i32
    %dma_start3A_367 = tpu.memref_slice %arg21[%add3A_357, %dma_start3A_366] : memref<10240x144xf32, #tpu.memory_space<vmem_shared>> -> memref<128x16xf32, #tpu.memory_space<vmem_shared>>
    tpu.enqueue_dma source(%dma_start3A_367 : memref<128x16xf32, #tpu.memory_space<vmem_shared>>) target(%dma_start3A_365 : memref<128x16xf32, #tpu.memory_space<hbm>>) target_semaphore(%arg23 : memref<!tpu.dma_semaphore, #tpu.memory_space<semaphore_mem>>)
    %mul3A_368 = arith.constant 640 : i32
    %mul3A_369 = arith.muli %arg1, %mul3A_368 : i32
    %add3A_370 = arith.constant 256 : i32
    %add3A_371 = arith.addi %mul3A_369, %add3A_370 : i32
    %dma_start3A_372 = arith.constant 0 : i32
    %dma_start3A_373 = tpu.memref_slice %arg6[%arg0, %add3A_371, %dma_start3A_372] : memref<2x10240x128xf32, #tpu.memory_space<hbm>> -> memref<1x128x128xf32, #tpu.memory_space<hbm>>
    %dma_start3A_374 = tpu.memref_squeeze %dma_start3A_373 : memref<1x128x128xf32, #tpu.memory_space<hbm>> -> memref<128x128xf32, #tpu.memory_space<hbm>>
    %dma_start3A_375 = arith.constant 0 : i32
    %dma_start3A_376 = tpu.memref_slice %arg21[%add3A_371, %dma_start3A_375] : memref<10240x144xf32, #tpu.memory_space<vmem_shared>> -> memref<128x128xf32, #tpu.memory_space<vmem_shared>>
    tpu.enqueue_dma source(%dma_start3A_376 : memref<128x128xf32, #tpu.memory_space<vmem_shared>>) target(%dma_start3A_374 : memref<128x128xf32, #tpu.memory_space<hbm>>) target_semaphore(%arg22 : memref<!tpu.dma_semaphore, #tpu.memory_space<semaphore_mem>>)
    %dma_start3A_377 = arith.constant 0 : i32
    %dma_start3A_378 = tpu.memref_slice %arg7[%arg0, %add3A_371, %dma_start3A_377] : memref<2x10240x16xf32, #tpu.memory_space<hbm>> -> memref<1x128x16xf32, #tpu.memory_space<hbm>>
    %dma_start3A_379 = tpu.memref_squeeze %dma_start3A_378 : memref<1x128x16xf32, #tpu.memory_space<hbm>> -> memref<128x16xf32, #tpu.memory_space<hbm>>
    %dma_start3A_380 = arith.constant 128 : i32
    %dma_start3A_381 = tpu.memref_slice %arg21[%add3A_371, %dma_start3A_380] : memref<10240x144xf32, #tpu.memory_space<vmem_shared>> -> memref<128x16xf32, #tpu.memory_space<vmem_shared>>
    tpu.enqueue_dma source(%dma_start3A_381 : memref<128x16xf32, #tpu.memory_space<vmem_shared>>) target(%dma_start3A_379 : memref<128x16xf32, #tpu.memory_space<hbm>>) target_semaphore(%arg23 : memref<!tpu.dma_semaphore, #tpu.memory_space<semaphore_mem>>)
    %mul3A_382 = arith.constant 640 : i32
    %mul3A_383 = arith.muli %arg1, %mul3A_382 : i32
    %add3A_384 = arith.constant 384 : i32
    %add3A_385 = arith.addi %mul3A_383, %add3A_384 : i32
    %dma_start3A_386 = arith.constant 0 : i32
    %dma_start3A_387 = tpu.memref_slice %arg6[%arg0, %add3A_385, %dma_start3A_386] : memref<2x10240x128xf32, #tpu.memory_space<hbm>> -> memref<1x128x128xf32, #tpu.memory_space<hbm>>
    %dma_start3A_388 = tpu.memref_squeeze %dma_start3A_387 : memref<1x128x128xf32, #tpu.memory_space<hbm>> -> memref<128x128xf32, #tpu.memory_space<hbm>>
    %dma_start3A_389 = arith.constant 0 : i32
    %dma_start3A_390 = tpu.memref_slice %arg21[%add3A_385, %dma_start3A_389] : memref<10240x144xf32, #tpu.memory_space<vmem_shared>> -> memref<128x128xf32, #tpu.memory_space<vmem_shared>>
    tpu.enqueue_dma source(%dma_start3A_390 : memref<128x128xf32, #tpu.memory_space<vmem_shared>>) target(%dma_start3A_388 : memref<128x128xf32, #tpu.memory_space<hbm>>) target_semaphore(%arg22 : memref<!tpu.dma_semaphore, #tpu.memory_space<semaphore_mem>>)
    %dma_start3A_391 = arith.constant 0 : i32
    %dma_start3A_392 = tpu.memref_slice %arg7[%arg0, %add3A_385, %dma_start3A_391] : memref<2x10240x16xf32, #tpu.memory_space<hbm>> -> memref<1x128x16xf32, #tpu.memory_space<hbm>>
    %dma_start3A_393 = tpu.memref_squeeze %dma_start3A_392 : memref<1x128x16xf32, #tpu.memory_space<hbm>> -> memref<128x16xf32, #tpu.memory_space<hbm>>
    %dma_start3A_394 = arith.constant 128 : i32
    %dma_start3A_395 = tpu.memref_slice %arg21[%add3A_385, %dma_start3A_394] : memref<10240x144xf32, #tpu.memory_space<vmem_shared>> -> memref<128x16xf32, #tpu.memory_space<vmem_shared>>
    tpu.enqueue_dma source(%dma_start3A_395 : memref<128x16xf32, #tpu.memory_space<vmem_shared>>) target(%dma_start3A_393 : memref<128x16xf32, #tpu.memory_space<hbm>>) target_semaphore(%arg23 : memref<!tpu.dma_semaphore, #tpu.memory_space<semaphore_mem>>)
    %mul3A_396 = arith.constant 640 : i32
    %mul3A_397 = arith.muli %arg1, %mul3A_396 : i32
    %add3A_398 = arith.constant 512 : i32
    %add3A_399 = arith.addi %mul3A_397, %add3A_398 : i32
    %dma_start3A_400 = arith.constant 0 : i32
    %dma_start3A_401 = tpu.memref_slice %arg6[%arg0, %add3A_399, %dma_start3A_400] : memref<2x10240x128xf32, #tpu.memory_space<hbm>> -> memref<1x128x128xf32, #tpu.memory_space<hbm>>
    %dma_start3A_402 = tpu.memref_squeeze %dma_start3A_401 : memref<1x128x128xf32, #tpu.memory_space<hbm>> -> memref<128x128xf32, #tpu.memory_space<hbm>>
    %dma_start3A_403 = arith.constant 0 : i32
    %dma_start3A_404 = tpu.memref_slice %arg21[%add3A_399, %dma_start3A_403] : memref<10240x144xf32, #tpu.memory_space<vmem_shared>> -> memref<128x128xf32, #tpu.memory_space<vmem_shared>>
    tpu.enqueue_dma source(%dma_start3A_404 : memref<128x128xf32, #tpu.memory_space<vmem_shared>>) target(%dma_start3A_402 : memref<128x128xf32, #tpu.memory_space<hbm>>) target_semaphore(%arg22 : memref<!tpu.dma_semaphore, #tpu.memory_space<semaphore_mem>>)
    %dma_start3A_405 = arith.constant 0 : i32
    %dma_start3A_406 = tpu.memref_slice %arg7[%arg0, %add3A_399, %dma_start3A_405] : memref<2x10240x16xf32, #tpu.memory_space<hbm>> -> memref<1x128x16xf32, #tpu.memory_space<hbm>>
    %dma_start3A_407 = tpu.memref_squeeze %dma_start3A_406 : memref<1x128x16xf32, #tpu.memory_space<hbm>> -> memref<128x16xf32, #tpu.memory_space<hbm>>
    %dma_start3A_408 = arith.constant 128 : i32
    %dma_start3A_409 = tpu.memref_slice %arg21[%add3A_399, %dma_start3A_408] : memref<10240x144xf32, #tpu.memory_space<vmem_shared>> -> memref<128x16xf32, #tpu.memory_space<vmem_shared>>
    tpu.enqueue_dma source(%dma_start3A_409 : memref<128x16xf32, #tpu.memory_space<vmem_shared>>) target(%dma_start3A_407 : memref<128x16xf32, #tpu.memory_space<hbm>>) target_semaphore(%arg23 : memref<!tpu.dma_semaphore, #tpu.memory_space<semaphore_mem>>)
    %mul3A_410 = arith.constant 640 : i32
    %mul3A_411 = arith.muli %arg1, %mul3A_410 : i32
    %add3A_412 = arith.constant 0 : i32
    %add3A_413 = arith.addi %mul3A_411, %add3A_412 : i32
    %dma_wait3A_414 = arith.constant 0 : i32
    %dma_wait3A_415 = tpu.memref_slice %arg6[%arg0, %add3A_413, %dma_wait3A_414] : memref<2x10240x128xf32, #tpu.memory_space<hbm>> -> memref<1x128x128xf32, #tpu.memory_space<hbm>>
    %dma_wait3A_416 = tpu.memref_squeeze %dma_wait3A_415 : memref<1x128x128xf32, #tpu.memory_space<hbm>> -> memref<128x128xf32, #tpu.memory_space<hbm>>
    %dma_wait3A_417 = arith.constant 0 : i32
    %dma_wait3A_418 = tpu.memref_slice %arg21[%add3A_413, %dma_wait3A_417] : memref<10240x144xf32, #tpu.memory_space<vmem_shared>> -> memref<128x128xf32, #tpu.memory_space<vmem_shared>>
    tpu.wait_dma2 semaphore(%arg22 : memref<!tpu.dma_semaphore, #tpu.memory_space<semaphore_mem>>) src(%dma_wait3A_418 : memref<128x128xf32, #tpu.memory_space<vmem_shared>>) dst(%dma_wait3A_416 : memref<128x128xf32, #tpu.memory_space<hbm>>)
    %dma_wait3A_419 = arith.constant 0 : i32
    %dma_wait3A_420 = tpu.memref_slice %arg7[%arg0, %add3A_413, %dma_wait3A_419] : memref<2x10240x16xf32, #tpu.memory_space<hbm>> -> memref<1x128x16xf32, #tpu.memory_space<hbm>>
    %dma_wait3A_421 = tpu.memref_squeeze %dma_wait3A_420 : memref<1x128x16xf32, #tpu.memory_space<hbm>> -> memref<128x16xf32, #tpu.memory_space<hbm>>
    %dma_wait3A_422 = arith.constant 128 : i32
    %dma_wait3A_423 = tpu.memref_slice %arg21[%add3A_413, %dma_wait3A_422] : memref<10240x144xf32, #tpu.memory_space<vmem_shared>> -> memref<128x16xf32, #tpu.memory_space<vmem_shared>>
    tpu.wait_dma2 semaphore(%arg23 : memref<!tpu.dma_semaphore, #tpu.memory_space<semaphore_mem>>) src(%dma_wait3A_423 : memref<128x16xf32, #tpu.memory_space<vmem_shared>>) dst(%dma_wait3A_421 : memref<128x16xf32, #tpu.memory_space<hbm>>)
    %mul3A_424 = arith.constant 640 : i32
    %mul3A_425 = arith.muli %arg1, %mul3A_424 : i32
    %add3A_426 = arith.constant 128 : i32
    %add3A_427 = arith.addi %mul3A_425, %add3A_426 : i32
    %dma_wait3A_428 = arith.constant 0 : i32
    %dma_wait3A_429 = tpu.memref_slice %arg6[%arg0, %add3A_427, %dma_wait3A_428] : memref<2x10240x128xf32, #tpu.memory_space<hbm>> -> memref<1x128x128xf32, #tpu.memory_space<hbm>>
    %dma_wait3A_430 = tpu.memref_squeeze %dma_wait3A_429 : memref<1x128x128xf32, #tpu.memory_space<hbm>> -> memref<128x128xf32, #tpu.memory_space<hbm>>
    %dma_wait3A_431 = arith.constant 0 : i32
    %dma_wait3A_432 = tpu.memref_slice %arg21[%add3A_427, %dma_wait3A_431] : memref<10240x144xf32, #tpu.memory_space<vmem_shared>> -> memref<128x128xf32, #tpu.memory_space<vmem_shared>>
    tpu.wait_dma2 semaphore(%arg22 : memref<!tpu.dma_semaphore, #tpu.memory_space<semaphore_mem>>) src(%dma_wait3A_432 : memref<128x128xf32, #tpu.memory_space<vmem_shared>>) dst(%dma_wait3A_430 : memref<128x128xf32, #tpu.memory_space<hbm>>)
    %dma_wait3A_433 = arith.constant 0 : i32
    %dma_wait3A_434 = tpu.memref_slice %arg7[%arg0, %add3A_427, %dma_wait3A_433] : memref<2x10240x16xf32, #tpu.memory_space<hbm>> -> memref<1x128x16xf32, #tpu.memory_space<hbm>>
    %dma_wait3A_435 = tpu.memref_squeeze %dma_wait3A_434 : memref<1x128x16xf32, #tpu.memory_space<hbm>> -> memref<128x16xf32, #tpu.memory_space<hbm>>
    %dma_wait3A_436 = arith.constant 128 : i32
    %dma_wait3A_437 = tpu.memref_slice %arg21[%add3A_427, %dma_wait3A_436] : memref<10240x144xf32, #tpu.memory_space<vmem_shared>> -> memref<128x16xf32, #tpu.memory_space<vmem_shared>>
    tpu.wait_dma2 semaphore(%arg23 : memref<!tpu.dma_semaphore, #tpu.memory_space<semaphore_mem>>) src(%dma_wait3A_437 : memref<128x16xf32, #tpu.memory_space<vmem_shared>>) dst(%dma_wait3A_435 : memref<128x16xf32, #tpu.memory_space<hbm>>)
    %mul3A_438 = arith.constant 640 : i32
    %mul3A_439 = arith.muli %arg1, %mul3A_438 : i32
    %add3A_440 = arith.constant 256 : i32
    %add3A_441 = arith.addi %mul3A_439, %add3A_440 : i32
    %dma_wait3A_442 = arith.constant 0 : i32
    %dma_wait3A_443 = tpu.memref_slice %arg6[%arg0, %add3A_441, %dma_wait3A_442] : memref<2x10240x128xf32, #tpu.memory_space<hbm>> -> memref<1x128x128xf32, #tpu.memory_space<hbm>>
    %dma_wait3A_444 = tpu.memref_squeeze %dma_wait3A_443 : memref<1x128x128xf32, #tpu.memory_space<hbm>> -> memref<128x128xf32, #tpu.memory_space<hbm>>
    %dma_wait3A_445 = arith.constant 0 : i32
    %dma_wait3A_446 = tpu.memref_slice %arg21[%add3A_441, %dma_wait3A_445] : memref<10240x144xf32, #tpu.memory_space<vmem_shared>> -> memref<128x128xf32, #tpu.memory_space<vmem_shared>>
    tpu.wait_dma2 semaphore(%arg22 : memref<!tpu.dma_semaphore, #tpu.memory_space<semaphore_mem>>) src(%dma_wait3A_446 : memref<128x128xf32, #tpu.memory_space<vmem_shared>>) dst(%dma_wait3A_444 : memref<128x128xf32, #tpu.memory_space<hbm>>)
    %dma_wait3A_447 = arith.constant 0 : i32
    %dma_wait3A_448 = tpu.memref_slice %arg7[%arg0, %add3A_441, %dma_wait3A_447] : memref<2x10240x16xf32, #tpu.memory_space<hbm>> -> memref<1x128x16xf32, #tpu.memory_space<hbm>>
    %dma_wait3A_449 = tpu.memref_squeeze %dma_wait3A_448 : memref<1x128x16xf32, #tpu.memory_space<hbm>> -> memref<128x16xf32, #tpu.memory_space<hbm>>
    %dma_wait3A_450 = arith.constant 128 : i32
    %dma_wait3A_451 = tpu.memref_slice %arg21[%add3A_441, %dma_wait3A_450] : memref<10240x144xf32, #tpu.memory_space<vmem_shared>> -> memref<128x16xf32, #tpu.memory_space<vmem_shared>>
    tpu.wait_dma2 semaphore(%arg23 : memref<!tpu.dma_semaphore, #tpu.memory_space<semaphore_mem>>) src(%dma_wait3A_451 : memref<128x16xf32, #tpu.memory_space<vmem_shared>>) dst(%dma_wait3A_449 : memref<128x16xf32, #tpu.memory_space<hbm>>)
    %mul3A_452 = arith.constant 640 : i32
    %mul3A_453 = arith.muli %arg1, %mul3A_452 : i32
    %add3A_454 = arith.constant 384 : i32
    %add3A_455 = arith.addi %mul3A_453, %add3A_454 : i32
    %dma_wait3A_456 = arith.constant 0 : i32
    %dma_wait3A_457 = tpu.memref_slice %arg6[%arg0, %add3A_455, %dma_wait3A_456] : memref<2x10240x128xf32, #tpu.memory_space<hbm>> -> memref<1x128x128xf32, #tpu.memory_space<hbm>>
    %dma_wait3A_458 = tpu.memref_squeeze %dma_wait3A_457 : memref<1x128x128xf32, #tpu.memory_space<hbm>> -> memref<128x128xf32, #tpu.memory_space<hbm>>
    %dma_wait3A_459 = arith.constant 0 : i32
    %dma_wait3A_460 = tpu.memref_slice %arg21[%add3A_455, %dma_wait3A_459] : memref<10240x144xf32, #tpu.memory_space<vmem_shared>> -> memref<128x128xf32, #tpu.memory_space<vmem_shared>>
    tpu.wait_dma2 semaphore(%arg22 : memref<!tpu.dma_semaphore, #tpu.memory_space<semaphore_mem>>) src(%dma_wait3A_460 : memref<128x128xf32, #tpu.memory_space<vmem_shared>>) dst(%dma_wait3A_458 : memref<128x128xf32, #tpu.memory_space<hbm>>)
    %dma_wait3A_461 = arith.constant 0 : i32
    %dma_wait3A_462 = tpu.memref_slice %arg7[%arg0, %add3A_455, %dma_wait3A_461] : memref<2x10240x16xf32, #tpu.memory_space<hbm>> -> memref<1x128x16xf32, #tpu.memory_space<hbm>>
    %dma_wait3A_463 = tpu.memref_squeeze %dma_wait3A_462 : memref<1x128x16xf32, #tpu.memory_space<hbm>> -> memref<128x16xf32, #tpu.memory_space<hbm>>
    %dma_wait3A_464 = arith.constant 128 : i32
    %dma_wait3A_465 = tpu.memref_slice %arg21[%add3A_455, %dma_wait3A_464] : memref<10240x144xf32, #tpu.memory_space<vmem_shared>> -> memref<128x16xf32, #tpu.memory_space<vmem_shared>>
    tpu.wait_dma2 semaphore(%arg23 : memref<!tpu.dma_semaphore, #tpu.memory_space<semaphore_mem>>) src(%dma_wait3A_465 : memref<128x16xf32, #tpu.memory_space<vmem_shared>>) dst(%dma_wait3A_463 : memref<128x16xf32, #tpu.memory_space<hbm>>)
    %mul3A_466 = arith.constant 640 : i32
    %mul3A_467 = arith.muli %arg1, %mul3A_466 : i32
    %add3A_468 = arith.constant 512 : i32
    %add3A_469 = arith.addi %mul3A_467, %add3A_468 : i32
    %dma_wait3A_470 = arith.constant 0 : i32
    %dma_wait3A_471 = tpu.memref_slice %arg6[%arg0, %add3A_469, %dma_wait3A_470] : memref<2x10240x128xf32, #tpu.memory_space<hbm>> -> memref<1x128x128xf32, #tpu.memory_space<hbm>>
    %dma_wait3A_472 = tpu.memref_squeeze %dma_wait3A_471 : memref<1x128x128xf32, #tpu.memory_space<hbm>> -> memref<128x128xf32, #tpu.memory_space<hbm>>
    %dma_wait3A_473 = arith.constant 0 : i32
    %dma_wait3A_474 = tpu.memref_slice %arg21[%add3A_469, %dma_wait3A_473] : memref<10240x144xf32, #tpu.memory_space<vmem_shared>> -> memref<128x128xf32, #tpu.memory_space<vmem_shared>>
    tpu.wait_dma2 semaphore(%arg22 : memref<!tpu.dma_semaphore, #tpu.memory_space<semaphore_mem>>) src(%dma_wait3A_474 : memref<128x128xf32, #tpu.memory_space<vmem_shared>>) dst(%dma_wait3A_472 : memref<128x128xf32, #tpu.memory_space<hbm>>)
    %dma_wait3A_475 = arith.constant 0 : i32
    %dma_wait3A_476 = tpu.memref_slice %arg7[%arg0, %add3A_469, %dma_wait3A_475] : memref<2x10240x16xf32, #tpu.memory_space<hbm>> -> memref<1x128x16xf32, #tpu.memory_space<hbm>>
    %dma_wait3A_477 = tpu.memref_squeeze %dma_wait3A_476 : memref<1x128x16xf32, #tpu.memory_space<hbm>> -> memref<128x16xf32, #tpu.memory_space<hbm>>
    %dma_wait3A_478 = arith.constant 128 : i32
    %dma_wait3A_479 = tpu.memref_slice %arg21[%add3A_469, %dma_wait3A_478] : memref<10240x144xf32, #tpu.memory_space<vmem_shared>> -> memref<128x16xf32, #tpu.memory_space<vmem_shared>>
    tpu.wait_dma2 semaphore(%arg23 : memref<!tpu.dma_semaphore, #tpu.memory_space<semaphore_mem>>) src(%dma_wait3A_479 : memref<128x16xf32, #tpu.memory_space<vmem_shared>>) dst(%dma_wait3A_477 : memref<128x16xf32, #tpu.memory_space<hbm>>)
    return
  }
}

module attributes {stable_mosaic.version = 14 : i64} {
  func.func @_prep_body(%arg0: i32, %arg1: memref<2000x128xf32, #tpu.memory_space<vmem>>, %arg2: memref<128x128xf32, #tpu.memory_space<vmem>>, %arg3: memref<128x8xf32, #tpu.memory_space<vmem>>, %arg4: memref<128x8xf32, #tpu.memory_space<vmem>>, %arg5: memref<2000x144xf32, #tpu.memory_space<vmem>>, %arg6: memref<2000x16xf32, #tpu.memory_space<vmem>>, %arg7: memref<8x16xf32, #tpu.memory_space<vmem>>, %arg8: memref<8x16xf32, #tpu.memory_space<vmem>>) attributes {dimension_semantics = [#tpu.dimension_semantics<arbitrary>], iteration_bounds = array<i64: 5>, scalar_prefetch = 0 : i64, scratch_operands = 0 : i64, tpu.core_type = #tpu.core_type<tc>, window_params = [{transform_indices = @transform_0, window_bounds = array<i64: 2000, 128>}, {pipeline_mode = #tpu.pipeline_mode<synchronous>, transform_indices = @transform_1, window_bounds = array<i64: 128, 128>}, {pipeline_mode = #tpu.pipeline_mode<synchronous>, transform_indices = @transform_2, window_bounds = array<i64: 128, 8>}, {pipeline_mode = #tpu.pipeline_mode<synchronous>, transform_indices = @transform_3, window_bounds = array<i64: 128, 8>}, {transform_indices = @transform_4, window_bounds = array<i64: 2000, 144>}, {transform_indices = @transform_5, window_bounds = array<i64: 2000, 16>}, {pipeline_mode = #tpu.pipeline_mode<synchronous>, transform_indices = @transform_6, window_bounds = array<i64: 8, 16>}, {pipeline_mode = #tpu.pipeline_mode<synchronous>, transform_indices = @transform_7, window_bounds = array<i64: 8, 16>}]} {
    %get3A = arith.constant 0 : index
    %get3A_0 = arith.constant 0 : index
    %get3A_1 = vector.load %arg1[%get3A, %get3A_0] : memref<2000x128xf32, #tpu.memory_space<vmem>>, vector<2000x128xf32>
    %get3A_2 = arith.constant 0 : index
    %get3A_3 = arith.constant 0 : index
    %get3A_4 = vector.load %arg2[%get3A_2, %get3A_3] : memref<128x128xf32, #tpu.memory_space<vmem>>, vector<128x128xf32>
    %dot_general3A = arith.constant dense<0.000000e+00> : vector<2000x128xf32>
    %dot_general3A_5 = tpu.matmul %get3A_1, %get3A_4, %dot_general3A {dimension_numbers = #tpu.dot_dimension_numbers<[1], [0], [0], [1], [0, 0, 1, 1], [], []>, transpose_lhs_hint = false} : vector<2000x128xf32>, vector<128x128xf32>, vector<2000x128xf32> -> vector<2000x128xf32>
    %get3A_6 = arith.constant 0 : index
    %get3A_7 = arith.constant 0 : index
    %get3A_8 = vector.load %arg3[%get3A_6, %get3A_7] : memref<128x8xf32, #tpu.memory_space<vmem>>, vector<128x8xf32>
    %dot_general3A_9 = arith.constant dense<0.000000e+00> : vector<2000x8xf32>
    %dot_general3A_10 = tpu.matmul %dot_general3A_5, %get3A_8, %dot_general3A_9 {dimension_numbers = #tpu.dot_dimension_numbers<[1], [0], [0], [1], [0, 0, 1, 1], [], []>, transpose_lhs_hint = false} : vector<2000x128xf32>, vector<128x8xf32>, vector<2000x8xf32> -> vector<2000x8xf32>
    %get3A_11 = arith.constant 0 : index
    %get3A_12 = arith.constant 0 : index
    %get3A_13 = vector.load %arg4[%get3A_11, %get3A_12] : memref<128x8xf32, #tpu.memory_space<vmem>>, vector<128x8xf32>
    %dot_general3A_14 = arith.constant dense<0.000000e+00> : vector<2000x8xf32>
    %dot_general3A_15 = tpu.matmul %dot_general3A_5, %get3A_13, %dot_general3A_14 {dimension_numbers = #tpu.dot_dimension_numbers<[1], [0], [0], [1], [0, 0, 1, 1], [], []>, transpose_lhs_hint = false} : vector<2000x128xf32>, vector<128x8xf32>, vector<2000x8xf32> -> vector<2000x8xf32>
    %broadcast_in_dim3A = arith.constant 0.000000e+00 : f32
    %broadcast_in_dim3A_16 = vector.broadcast %broadcast_in_dim3A : f32 to vector<2000x8xf32>
    %concatenate3A = tpu.concatenate %dot_general3A_5, %dot_general3A_10, %broadcast_in_dim3A_16 in 1 : vector<2000x128xf32>, vector<2000x8xf32>, vector<2000x8xf32> -> vector<2000x144xf32>
    %swap3A = arith.constant 0 : index
    %swap3A_17 = arith.constant 0 : index
    %swap3A_18 = vector.load %arg5[%swap3A, %swap3A_17] : memref<2000x144xf32, #tpu.memory_space<vmem>>, vector<2000x144xf32>
    tpu.vector_store %arg5[%swap3A, %swap3A_17], %concatenate3A {strides = array<i32>} : memref<2000x144xf32, #tpu.memory_space<vmem>>, vector<2000x144xf32>,
    %concatenate3A_19 = tpu.concatenate %dot_general3A_15, %broadcast_in_dim3A_16 in 1 : vector<2000x8xf32>, vector<2000x8xf32> -> vector<2000x16xf32>
    %swap3A_20 = arith.constant 0 : index
    %swap3A_21 = arith.constant 0 : index
    %swap3A_22 = vector.load %arg6[%swap3A_20, %swap3A_21] : memref<2000x16xf32, #tpu.memory_space<vmem>>, vector<2000x16xf32>
    tpu.vector_store %arg6[%swap3A_20, %swap3A_21], %concatenate3A_19 {strides = array<i32>} : memref<2000x16xf32, #tpu.memory_space<vmem>>, vector<2000x16xf32>,
    %reduce_max3A = arith.constant dense<0xFF800000> : vector<8xf32>
    %reduce_max3A_23 = vector.multi_reduction <maximumf>, %dot_general3A_10, %reduce_max3A [0] : vector<2000x8xf32> to vector<8xf32>
    %reduce_max3A_24 = arith.constant dense<0xFF800000> : vector<8xf32>
    %reduce_max3A_25 = vector.multi_reduction <maximumf>, %dot_general3A_15, %reduce_max3A_24 [0] : vector<2000x8xf32> to vector<8xf32>
    %concatenate3A_26 = tpu.concatenate %reduce_max3A_23, %reduce_max3A_25 in 0 : vector<8xf32>, vector<8xf32> -> vector<16xf32>
    %broadcast_in_dim3A_27 = vector.shape_cast %concatenate3A_26 : vector<16xf32> to vector<1x16xf32>
    %broadcast_in_dim3A_28 = vector.shape_cast %broadcast_in_dim3A_27 : vector<1x16xf32> to vector<1x16xf32>
    %broadcast_in_dim3A_29 = vector.broadcast %broadcast_in_dim3A_28 : vector<1x16xf32> to vector<8x16xf32>
    %eq3A = arith.constant 0 : i32
    %eq3A_30 = arith.cmpi eq, %arg0, %eq3A : i32
    %convert_element_type3A = arith.extui %eq3A_30 : i1 to i32
    %cond3A = arith.constant 0 : i32
    %cond3A_31 = arith.cmpi ne, %convert_element_type3A, %cond3A : i32
    scf.if %cond3A_31 {
      %swap3A_41 = arith.constant 0 : index
      %swap3A_42 = arith.constant 0 : index
      %swap3A_43 = vector.load %arg7[%swap3A_41, %swap3A_42] : memref<8x16xf32, #tpu.memory_space<vmem>>, vector<8x16xf32>
      tpu.vector_store %arg7[%swap3A_41, %swap3A_42], %broadcast_in_dim3A_29 {strides = array<i32>} : memref<8x16xf32, #tpu.memory_space<vmem>>, vector<8x16xf32>,
    } else {
    }
    %gt3A = arith.constant 0 : i32
    %gt3A_32 = arith.cmpi sgt, %arg0, %gt3A : i32
    %convert_element_type3A_33 = arith.extui %gt3A_32 : i1 to i32
    %cond3A_34 = arith.constant 0 : i32
    %cond3A_35 = arith.cmpi ne, %convert_element_type3A_33, %cond3A_34 : i32
    scf.if %cond3A_35 {
      %get3A_41 = arith.constant 0 : index
      %get3A_42 = arith.constant 0 : index
      %get3A_43 = vector.load %arg7[%get3A_41, %get3A_42] : memref<8x16xf32, #tpu.memory_space<vmem>>, vector<8x16xf32>
      %max3A = arith.maximumf %get3A_43, %broadcast_in_dim3A_29 : vector<8x16xf32>
      %swap3A_44 = arith.constant 0 : index
      %swap3A_45 = arith.constant 0 : index
      %swap3A_46 = vector.load %arg7[%swap3A_44, %swap3A_45] : memref<8x16xf32, #tpu.memory_space<vmem>>, vector<8x16xf32>
      tpu.vector_store %arg7[%swap3A_44, %swap3A_45], %max3A {strides = array<i32>} : memref<8x16xf32, #tpu.memory_space<vmem>>, vector<8x16xf32>,
    } else {
    }
    %eq3A_36 = arith.constant 4 : i32
    %eq3A_37 = arith.cmpi eq, %arg0, %eq3A_36 : i32
    %convert_element_type3A_38 = arith.extui %eq3A_37 : i1 to i32
    %cond3A_39 = arith.constant 0 : i32
    %cond3A_40 = arith.cmpi ne, %convert_element_type3A_38, %cond3A_39 : i32
    scf.if %cond3A_40 {
      %get3A_41 = arith.constant 0 : index
      %get3A_42 = arith.constant 0 : index
      %get3A_43 = vector.load %arg7[%get3A_41, %get3A_42] : memref<8x16xf32, #tpu.memory_space<vmem>>, vector<8x16xf32>
      %slice3A = vector.extract_strided_slice %get3A_43 {offsets = [0, 8], sizes = [8, 8], strides = [1, 1]} : vector<8x16xf32> to vector<8x8xf32>
      %slice3A_44 = vector.extract_strided_slice %get3A_43 {offsets = [0, 0], sizes = [8, 8], strides = [1, 1]} : vector<8x16xf32> to vector<8x8xf32>
      %concatenate3A_45 = tpu.concatenate %slice3A, %slice3A_44 in 1 : vector<8x8xf32>, vector<8x8xf32> -> vector<8x16xf32>
      %add3A = arith.addf %get3A_43, %concatenate3A_45 : vector<8x16xf32>
      %iota3A = tpu.iota {dimensions = array<i32: 1>} : vector<8x16xi32>
      %lt3A = arith.constant 8 : i32
      %lt3A_46 = vector.broadcast %lt3A : i32 to vector<8x16xi32>
      %lt3A_47 = arith.cmpi slt, %iota3A, %lt3A_46 : vector<8x16xi32>
      %jit3A = arith.constant 1.000000e+30 : f32
      %broadcast_in_dim3A_48 = vector.broadcast %jit3A : f32 to vector<8x16xf32>
      %select_n3A = arith.select %lt3A_47, %add3A, %broadcast_in_dim3A_48 : vector<8x16xi1>, vector<8x16xf32>
      %swap3A_49 = arith.constant 0 : index
      %swap3A_50 = arith.constant 0 : index
      %swap3A_51 = vector.load %arg8[%swap3A_49, %swap3A_50] : memref<8x16xf32, #tpu.memory_space<vmem>>, vector<8x16xf32>
      tpu.vector_store %arg8[%swap3A_49, %swap3A_50], %select_n3A {strides = array<i32>} : memref<8x16xf32, #tpu.memory_space<vmem>>, vector<8x16xf32>,
    } else {
    }
    return
  }
  func.func @transform_0(%arg0: i32) -> (i32, i32) {
    %c0_i32 = arith.constant 0 : i32
    %c0_i32_0 = arith.constant 0 : i32
    return %arg0, %c0_i32 : i32, i32
  }
  func.func @transform_1(%arg0: i32) -> (i32, i32) {
    %c0_i32 = arith.constant 0 : i32
    %c0_i32_0 = arith.constant 0 : i32
    %c0_i32_1 = arith.constant 0 : i32
    return %c0_i32, %c0_i32_0 : i32, i32
  }
  func.func @transform_2(%arg0: i32) -> (i32, i32) {
    %c0_i32 = arith.constant 0 : i32
    %c0_i32_0 = arith.constant 0 : i32
    %c0_i32_1 = arith.constant 0 : i32
    return %c0_i32, %c0_i32_0 : i32, i32
  }
  func.func @transform_3(%arg0: i32) -> (i32, i32) {
    %c0_i32 = arith.constant 0 : i32
    %c0_i32_0 = arith.constant 0 : i32
    %c0_i32_1 = arith.constant 0 : i32
    return %c0_i32, %c0_i32_0 : i32, i32
  }
  func.func @transform_4(%arg0: i32) -> (i32, i32) {
    %c0_i32 = arith.constant 0 : i32
    %c0_i32_0 = arith.constant 0 : i32
    return %arg0, %c0_i32 : i32, i32
  }
  func.func @transform_5(%arg0: i32) -> (i32, i32) {
    %c0_i32 = arith.constant 0 : i32
    %c0_i32_0 = arith.constant 0 : i32
    return %arg0, %c0_i32 : i32, i32
  }
  func.func @transform_6(%arg0: i32) -> (i32, i32) {
    %c0_i32 = arith.constant 0 : i32
    %c0_i32_0 = arith.constant 0 : i32
    %c0_i32_1 = arith.constant 0 : i32
    return %c0_i32, %c0_i32_0 : i32, i32
  }
  func.func @transform_7(%arg0: i32) -> (i32, i32) {
    %c0_i32 = arith.constant 0 : i32
    %c0_i32_0 = arith.constant 0 : i32
    %c0_i32_1 = arith.constant 0 : i32
    return %c0_i32, %c0_i32_0 : i32, i32
  }
}

module attributes {stable_mosaic.version = 14 : i64} {
  func.func @_final_body(%arg0: i32, %arg1: memref<2x2000x128xf32, #tpu.memory_space<vmem>>, %arg2: memref<2x2000x16xf32, #tpu.memory_space<vmem>>, %arg3: memref<2000x144xf32, #tpu.memory_space<vmem>>, %arg4: memref<2000x16xf32, #tpu.memory_space<vmem>>, %arg5: memref<8x16xf32, #tpu.memory_space<vmem>>, %arg6: memref<1x128xf32, #tpu.memory_space<vmem>>, %arg7: memref<128x128xf32, #tpu.memory_space<vmem>>, %arg8: memref<8x128xf32, #tpu.memory_space<vmem>>, %arg9: memref<2000x128xf32, #tpu.memory_space<vmem>>) attributes {dimension_semantics = [#tpu.dimension_semantics<arbitrary>], iteration_bounds = array<i64: 5>, scalar_prefetch = 0 : i64, scratch_operands = 0 : i64, tpu.core_type = #tpu.core_type<tc>, window_params = [{transform_indices = @transform_0, window_bounds = array<i64: 2, 2000, 128>}, {transform_indices = @transform_1, window_bounds = array<i64: 2, 2000, 16>}, {transform_indices = @transform_2, window_bounds = array<i64: 2000, 144>}, {transform_indices = @transform_3, window_bounds = array<i64: 2000, 16>}, {pipeline_mode = #tpu.pipeline_mode<synchronous>, transform_indices = @transform_4, window_bounds = array<i64: 8, 16>}, {pipeline_mode = #tpu.pipeline_mode<synchronous>, transform_indices = @transform_5, window_bounds = array<i64: 1, 128>}, {pipeline_mode = #tpu.pipeline_mode<synchronous>, transform_indices = @transform_6, window_bounds = array<i64: 128, 128>}, {pipeline_mode = #tpu.pipeline_mode<synchronous>, transform_indices = @transform_7, window_bounds = array<i64: 8, 128>}, {transform_indices = @transform_8, window_bounds = array<i64: 2000, 128>}]} {
    %get3A = arith.constant 0 : index
    %get3A_0 = arith.constant 0 : index
    %get3A_1 = vector.load %arg3[%get3A, %get3A_0] : memref<2000x144xf32, #tpu.memory_space<vmem>>, vector<2000x144xf32>
    %slice3A = vector.extract_strided_slice %get3A_1 {offsets = [0, 128], sizes = [2000, 8], strides = [1, 1]} : vector<2000x144xf32> to vector<2000x8xf32>
    %get3A_2 = arith.constant 0 : index
    %get3A_3 = arith.constant 0 : index
    %get3A_4 = vector.load %arg4[%get3A_2, %get3A_3] : memref<2000x16xf32, #tpu.memory_space<vmem>>, vector<2000x16xf32>
    %slice3A_5 = vector.extract_strided_slice %get3A_4 {offsets = [0, 0], sizes = [2000, 8], strides = [1, 1]} : vector<2000x16xf32> to vector<2000x8xf32>
    %add3A = arith.addf %slice3A, %slice3A_5 : vector<2000x8xf32>
    %mul3A = arith.constant 2.000000e-01 : f32
    %mul3A_6 = vector.broadcast %mul3A : f32 to vector<2000x8xf32>
    %mul3A_7 = arith.mulf %mul3A_6, %add3A : vector<2000x8xf32>
    %max3A = arith.maximumf %add3A, %mul3A_7 : vector<2000x8xf32>
    %get3A_8 = arith.constant 0 : index
    %get3A_9 = arith.constant 0 : index
    %get3A_10 = vector.load %arg5[%get3A_8, %get3A_9] : memref<8x16xf32, #tpu.memory_space<vmem>>, vector<1x8xf32>
    %get3A_11 = vector.shape_cast %get3A_10 : vector<1x8xf32> to vector<8xf32>
    %broadcast_in_dim3A = vector.shape_cast %get3A_11 : vector<8xf32> to vector<1x8xf32>
    %sub3A = vector.broadcast %broadcast_in_dim3A : vector<1x8xf32> to vector<2000x8xf32>
    %sub3A_12 = arith.subf %max3A, %sub3A : vector<2000x8xf32>
    %exp3A = math.exp %sub3A_12 : vector<2000x8xf32>
    %get3A_13 = arith.constant 0 : index
    %get3A_14 = arith.constant 0 : index
    %get3A_15 = vector.load %arg8[%get3A_13, %get3A_14] : memref<8x128xf32, #tpu.memory_space<vmem>>, vector<8x128xf32>
    %get3A_16 = arith.constant 0 : index
    %get3A_17 = arith.constant 0 : index
    %get3A_18 = arith.constant 0 : index
    %get3A_19 = vector.load %arg1[%get3A_16, %get3A_17, %get3A_18] : memref<2x2000x128xf32, #tpu.memory_space<vmem>>, vector<1x2000x128xf32>
    %get3A_20 = vector.shape_cast %get3A_19 : vector<1x2000x128xf32> to vector<2000x128xf32>
    %get3A_21 = arith.constant 1 : index
    %get3A_22 = arith.constant 0 : index
    %get3A_23 = arith.constant 0 : index
    %get3A_24 = vector.load %arg1[%get3A_21, %get3A_22, %get3A_23] : memref<2x2000x128xf32, #tpu.memory_space<vmem>>, vector<1x2000x128xf32>
    %get3A_25 = vector.shape_cast %get3A_24 : vector<1x2000x128xf32> to vector<2000x128xf32>
    %add3A_26 = arith.addf %get3A_20, %get3A_25 : vector<2000x128xf32>
    %slice3A_27 = vector.extract_strided_slice %get3A_1 {offsets = [0, 0], sizes = [2000, 128], strides = [1, 1]} : vector<2000x144xf32> to vector<2000x128xf32>
    %dot_general3A = arith.constant dense<0.000000e+00> : vector<2000x128xf32>
    %dot_general3A_28 = tpu.matmul %exp3A, %get3A_15, %dot_general3A {dimension_numbers = #tpu.dot_dimension_numbers<[1], [0], [0], [1], [0, 0, 1, 1], [], []>, transpose_lhs_hint = false} : vector<2000x8xf32>, vector<8x128xf32>, vector<2000x128xf32> -> vector<2000x128xf32>
    %mul3A_29 = arith.mulf %slice3A_27, %dot_general3A_28 : vector<2000x128xf32>
    %add3A_30 = arith.addf %add3A_26, %mul3A_29 : vector<2000x128xf32>
    %get3A_31 = arith.constant 0 : index
    %get3A_32 = arith.constant 0 : index
    %get3A_33 = arith.constant 0 : index
    %get3A_34 = vector.load %arg2[%get3A_31, %get3A_32, %get3A_33] : memref<2x2000x16xf32, #tpu.memory_space<vmem>>, vector<1x2000x16xf32>
    %get3A_35 = vector.shape_cast %get3A_34 : vector<1x2000x16xf32> to vector<2000x16xf32>
    %slice3A_36 = vector.extract_strided_slice %get3A_35 {offsets = [0, 0], sizes = [2000, 8], strides = [1, 1]} : vector<2000x16xf32> to vector<2000x8xf32>
    %get3A_37 = arith.constant 1 : index
    %get3A_38 = arith.constant 0 : index
    %get3A_39 = arith.constant 0 : index
    %get3A_40 = vector.load %arg2[%get3A_37, %get3A_38, %get3A_39] : memref<2x2000x16xf32, #tpu.memory_space<vmem>>, vector<1x2000x16xf32>
    %get3A_41 = vector.shape_cast %get3A_40 : vector<1x2000x16xf32> to vector<2000x16xf32>
    %slice3A_42 = vector.extract_strided_slice %get3A_41 {offsets = [0, 0], sizes = [2000, 8], strides = [1, 1]} : vector<2000x16xf32> to vector<2000x8xf32>
    %add3A_43 = arith.addf %slice3A_36, %slice3A_42 : vector<2000x8xf32>
    %add3A_44 = arith.addf %add3A_43, %exp3A : vector<2000x8xf32>
    %add3A_45 = arith.constant 1.000000e-16 : f32
    %add3A_46 = vector.broadcast %add3A_45 : f32 to vector<2000x8xf32>
    %add3A_47 = arith.addf %add3A_44, %add3A_46 : vector<2000x8xf32>
    %div3A = arith.constant 1.000000e+00 : f32
    %div3A_48 = vector.broadcast %div3A : f32 to vector<2000x8xf32>
    %div3A_49 = arith.divf %div3A_48, %add3A_47 : vector<2000x8xf32>
    %dot_general3A_50 = arith.constant dense<0.000000e+00> : vector<2000x128xf32>
    %dot_general3A_51 = tpu.matmul %div3A_49, %get3A_15, %dot_general3A_50 {dimension_numbers = #tpu.dot_dimension_numbers<[1], [0], [0], [1], [0, 0, 1, 1], [], []>, transpose_lhs_hint = false} : vector<2000x8xf32>, vector<8x128xf32>, vector<2000x128xf32> -> vector<2000x128xf32>
    %mul3A_52 = arith.mulf %add3A_30, %dot_general3A_51 : vector<2000x128xf32>
    %get3A_53 = arith.constant 0 : index
    %get3A_54 = arith.constant 0 : index
    %get3A_55 = vector.load %arg7[%get3A_53, %get3A_54] : memref<128x128xf32, #tpu.memory_space<vmem>>, vector<128x128xf32>
    %dot_general3A_56 = arith.constant dense<0.000000e+00> : vector<2000x128xf32>
    %dot_general3A_57 = tpu.matmul %mul3A_52, %get3A_55, %dot_general3A_56 {dimension_numbers = #tpu.dot_dimension_numbers<[1], [0], [0], [1], [0, 0, 1, 1], [], []>, transpose_lhs_hint = false} : vector<2000x128xf32>, vector<128x128xf32>, vector<2000x128xf32> -> vector<2000x128xf32>
    %get3A_58 = arith.constant 0 : index
    %get3A_59 = arith.constant 0 : index
    %get3A_60 = vector.load %arg6[%get3A_58, %get3A_59] : memref<1x128xf32, #tpu.memory_space<vmem>>, vector<1x128xf32>
    %get3A_61 = vector.shape_cast %get3A_60 : vector<1x128xf32> to vector<128xf32>
    %broadcast_in_dim3A_62 = vector.shape_cast %get3A_61 : vector<128xf32> to vector<1x128xf32>
    %add3A_63 = vector.broadcast %broadcast_in_dim3A_62 : vector<1x128xf32> to vector<2000x128xf32>
    %add3A_64 = arith.addf %dot_general3A_57, %add3A_63 : vector<2000x128xf32>
    %swap3A = arith.constant 0 : index
    %swap3A_65 = arith.constant 0 : index
    %swap3A_66 = vector.load %arg9[%swap3A, %swap3A_65] : memref<2000x128xf32, #tpu.memory_space<vmem>>, vector<2000x128xf32>
    tpu.vector_store %arg9[%swap3A, %swap3A_65], %add3A_64 {strides = array<i32>} : memref<2000x128xf32, #tpu.memory_space<vmem>>, vector<2000x128xf32>,
    return
  }
  func.func @transform_0(%arg0: i32) -> (i32, i32, i32) {
    %c0_i32 = arith.constant 0 : i32
    %c0_i32_0 = arith.constant 0 : i32
    %c0_i32_1 = arith.constant 0 : i32
    return %c0_i32, %arg0, %c0_i32_0 : i32, i32, i32
  }
  func.func @transform_1(%arg0: i32) -> (i32, i32, i32) {
    %c0_i32 = arith.constant 0 : i32
    %c0_i32_0 = arith.constant 0 : i32
    %c0_i32_1 = arith.constant 0 : i32
    return %c0_i32, %arg0, %c0_i32_0 : i32, i32, i32
  }
  func.func @transform_2(%arg0: i32) -> (i32, i32) {
    %c0_i32 = arith.constant 0 : i32
    %c0_i32_0 = arith.constant 0 : i32
    return %arg0, %c0_i32 : i32, i32
  }
  func.func @transform_3(%arg0: i32) -> (i32, i32) {
    %c0_i32 = arith.constant 0 : i32
    %c0_i32_0 = arith.constant 0 : i32
    return %arg0, %c0_i32 : i32, i32
  }
  func.func @transform_4(%arg0: i32) -> (i32, i32) {
    %c0_i32 = arith.constant 0 : i32
    %c0_i32_0 = arith.constant 0 : i32
    %c0_i32_1 = arith.constant 0 : i32
    return %c0_i32, %c0_i32_0 : i32, i32
  }
  func.func @transform_5(%arg0: i32) -> (i32, i32) {
    %c0_i32 = arith.constant 0 : i32
    %c0_i32_0 = arith.constant 0 : i32
    %c0_i32_1 = arith.constant 0 : i32
    return %c0_i32, %c0_i32_0 : i32, i32
  }
  func.func @transform_6(%arg0: i32) -> (i32, i32) {
    %c0_i32 = arith.constant 0 : i32
    %c0_i32_0 = arith.constant 0 : i32
    %c0_i32_1 = arith.constant 0 : i32
    return %c0_i32, %c0_i32_0 : i32, i32
  }
  func.func @transform_7(%arg0: i32) -> (i32, i32) {
    %c0_i32 = arith.constant 0 : i32
    %c0_i32_0 = arith.constant 0 : i32
    %c0_i32_1 = arith.constant 0 : i32
    return %c0_i32, %c0_i32_0 : i32, i32
  }
  func.func @transform_8(%arg0: i32) -> (i32, i32) {
    %c0_i32 = arith.constant 0 : i32
    %c0_i32_0 = arith.constant 0 : i32
    return %arg0, %c0_i32 : i32, i32
  }
}

</mosaic_0001>

<sc_bundles>
// kernel: kernel.5.cloned.1.call-start
scs
__scs_entry_jumppad:
0x0: {  	(pc) =	sbr.rel $0x88, $3  }
0x1: {  	(tag) =	ssettag $0x0;
	lr =	simm.s32 $0x1  }
0x2: {  	[smem:$0x3F9B] =	sst lr;
	_ =	strace $0xD0000000  }
0x3: {  	_ = 	snop  }
0x4: {  	_ = 	snop  }
0x5: {  	_ = 	snop  }
0x6: {  	_ = 	snop  }
0x7: {  	_ = 	snop  }
__scs_overlays_trampoline_lowered:
0x8: {  	[smem:$0x3FAA] =	sst s0  }
0x9: {  	[smem:$0x3FAB] =	sst s1  }
0xa: {  	[smem:$0x3FAC] =	sst s2  }
0xb: {  	[smem:$0x3FAD] =	sst s3  }
0xc: {  	[smem:$0x3FAE] =	sst s4  }
0xd: {  	[smem:$0x3FAF] =	sst s5  }
0xe: {  	[smem:$0x3FB0] =	sst s6  }
0xf: {  	[smem:$0x3FB1] =	sst s7  }
0x10: {  	[smem:$0x3FB2] =	sst s8  }
0x11: {  	[smem:$0x3FB3] =	sst s9;
	s0 =	simm.s32 @!p0 $0x0  }
0x12: {  	s1 =	sld [smem:$0x3F99];
	s0 =	simm.s32 @p0 $0x1  }
0x13: {  	[smem:$0x3FB4] =	sst s0;
	s0 =	simm.s32 @!p1 $0x0  }
0x14: {  	s2 =	sld [smem:$0x3F98];
	s0 =	simm.s32 @p1 $0x1  }
0x15: {  	[smem:$0x3FB5] =	sst s0;
	s0 =	simm.s32 @!p2 $0x0  }
0x16: {  	s3 =	sld [smem:$0x3FDB];
	s0 =	simm.s32 @p2 $0x1  }
0x17: {  	s4 =	simm.s32 $0x1BF5;
	[smem:$0x3FB7] =	sst s0  }
0x18: {  	s0 =	sld [smem:$0x3F9A];
	_ =	swait.ge [sflag:s4], $0x0  }
0x19: {  	s7 =	sld [smem:$0x3F9B]  }
0x1a: {  	s8 =	sadd.s32 $0xFFFFE003, lr  }
0x1b: {  	s9 =	sadd.s32 $0xFFFFFEF7, lr;
	s5 =	simm.s32 $0xFFFFFFFF;
	p2 =	slt.u32 s8, $0xFFFFF086  }
0x1c: {  	p1 =	slt.u32 s9, $0xF7A;
	s5 =	simm.s32 @!p2 $0x0  }
0x1d: {  	s5 =	simm.s32 @p1 $0x1;
	p0 =	seq.s32 s7, s2  }
0x1e: {  	s7 =	smul.u32 @!p0 $0xF7A, s2;
	p2 =	seq.s32 @!p0 s5, $0x0  }
0x1f: {  	s9 =	smul.u32 $0xF7A, s1;
	s8 =	simm.s32 @!p0 $0x1BF5;
	p2 =	por !p2, p0  }
0x20: {  	[sflag:s8] =	ssyncset.s32 @!p0 $0xFFFFF086;
	s6 =	sadd.s32 @!p0 s3, s7;
	s7 =	simm.s32 @!p0 $0x108  }
0x21: {  	s3 =	sadd.s32 s3, s9;
	s6 =	sadd.s32 @!p0 $0x88, s6;
	s7 =	simm.s32 @p2 $0x1082  }
0x22: {  	[simem:s7], [sflag:s8] =	dma.local @!p0 [hbm:s6], $0xF7A  }
0x23: {  	s9 =	sor.u32 $0xD0000000, s2;
	s6 =	simm.s32 $0x108;
	_ =	swait.ge @!p0 [sflag:s8], $0x0  }
0x24: {  	s3 =	sadd.s32 $0x88, s3;
	s6 =	simm.s32 @!p1 $0x1082;
	[sflag:s4] =	ssyncset.s32 $0xFFFFF086  }
0x25: {  	[simem:s6], [sflag:s4] =	dma.local [hbm:s3], $0xF7A  }
0x26: {  	[smem:$0x3F9B] =	sst s1;
	(tag) =	ssettag s2;
	_ =	strace s9  }
0x27: {  	s1 =	sld [smem:$0x3FAB]  }
0x28: {  	s2 =	sld [smem:$0x3FAC]  }
0x29: {  	s4 =	sld [smem:$0x3FAE]  }
0x2a: {  	p0 =	seq.s32 s5, $0x0;
	s5 =	sld [smem:$0x3FAF]  }
0x2b: {  	s6 =	sld [smem:$0x3FB0]  }
0x2c: {  	s7 =	sld [smem:$0x3FB1]  }
0x2d: {  	s3 =	simm.s32 $0x108;
	s8 =	sld [smem:$0x3FB2]  }
0x2e: {  	s3 =	simm.s32 @!p0 $0x1082;
	s9 =	sld [smem:$0x3FB3]  }
0x2f: {  	lr =	sadd.s32 s0, s3;
	s0 =	sld [smem:$0x3FAA]  }
0x30: {  	s3 =	sld [smem:$0x3FAD]  }
0x31: {  	[smem:$0x3FB6] =	sst s10  }
0x32: {  	s10 =	sld [smem:$0x3FB4];
	_ =	sdelay $0x3  }
0x33: {  	p0 =	seq.s32 s10, $0x1;
	s10 =	sld [smem:$0x3FB6];
	_ =	sdelay $0x3  }
0x34: {  	[smem:$0x3FB6] =	sst s10  }
0x35: {  	s10 =	sld [smem:$0x3FB5];
	_ =	sdelay $0x3  }
0x36: {  	p1 =	seq.s32 s10, $0x1;
	s10 =	sld [smem:$0x3FB6];
	_ =	sdelay $0x3  }
0x37: {  	[smem:$0x3FB6] =	sst s10  }
0x38: {  	s10 =	sld [smem:$0x3FB7]  }
0x39: {  	_ = 	snop;
	(pc) =	sbr.ind lr, $3  }
0x3a: {  	_ = 	snop  }
0x3b: {  	_ = 	snop  }
0x3c: {  	p2 =	seq.s32 s10, $0x1;
	s10 =	sld [smem:$0x3FB6]  }
0x3d: {  	_ =	shalt  }
0x3e: {  	_ =	shalt  }
0x3f: {  	_ =	shalt  }
0x40: {  	_ =	shalt  }
0x41: {  	_ =	shalt  }
0x42: {  	_ =	shalt  }
0x43: {  	_ =	shalt  }
0x44: {  	_ =	shalt  }
0x45: {  	_ =	shalt  }
0x46: {  	_ =	shalt  }
0x47: {  	_ =	shalt  }
0x48: {  	_ =	shalt  }
0x49: {  	_ =	shalt  }
0x4a: {  	_ =	shalt  }
0x4b: {  	_ =	shalt  }
0x4c: {  	_ =	shalt  }
0x4d: {  	_ =	shalt  }
0x4e: {  	_ =	shalt  }
0x4f: {  	_ =	shalt  }
0x50: {  	_ =	shalt  }
0x51: {  	_ =	shalt  }
0x52: {  	_ =	shalt  }
0x53: {  	_ =	shalt  }
0x54: {  	_ =	shalt  }
0x55: {  	_ =	shalt  }
0x56: {  	_ =	shalt  }
0x57: {  	_ =	shalt  }
0x58: {  	_ =	shalt  }
0x59: {  	_ =	shalt  }
0x5a: {  	_ =	shalt  }
0x5b: {  	_ =	shalt  }
0x5c: {  	_ =	shalt  }
0x5d: {  	_ =	shalt  }
0x5e: {  	_ =	shalt  }
0x5f: {  	_ =	shalt  }
0x60: {  	_ =	shalt  }
0x61: {  	_ =	shalt  }
0x62: {  	_ =	shalt  }
0x63: {  	_ =	shalt  }
0x64: {  	_ =	shalt  }
0x65: {  	_ =	shalt  }
0x66: {  	_ =	shalt  }
0x67: {  	_ =	shalt  }
0x68: {  	_ =	shalt  }
0x69: {  	_ =	shalt  }
0x6a: {  	_ =	shalt  }
0x6b: {  	_ =	shalt  }
0x6c: {  	_ =	shalt  }
0x6d: {  	_ =	shalt  }
0x6e: {  	_ =	shalt  }
0x6f: {  	_ =	shalt  }
0x70: {  	_ =	shalt  }
0x71: {  	_ =	shalt  }
0x72: {  	_ =	shalt  }
0x73: {  	_ =	shalt  }
0x74: {  	_ =	shalt  }
0x75: {  	_ =	shalt  }
0x76: {  	_ =	shalt  }
0x77: {  	_ =	shalt  }
0x78: {  	_ =	shalt  }
0x79: {  	_ =	shalt  }
0x7a: {  	_ =	shalt  }
0x7b: {  	_ =	shalt  }
0x7c: {  	_ =	shalt  }
0x7d: {  	_ =	shalt  }
0x7e: {  	_ =	shalt  }
0x7f: {  	_ =	shalt  }
0x80: {  	_ =	shalt  }
0x81: {  	_ =	shalt  }
0x82: {  	_ =	shalt  }
0x83: {  	_ =	shalt  }
0x84: {  	_ =	shalt  }
0x85: {  	_ =	shalt  }
0x86: {  	_ =	shalt  }
0x87: {  	_ =	shalt  }
.Lfunc_end0:
.L_simem_size_0:
called_computation_lowered:
.L_overlay_start_0:
0x88: {  	s2 =	sld [smem:$0x3FD9]  }
0x89: {  	s3 =	sld [smem:$0x3FFE];
	_ =	sdelay $0x1  }
0x8a: {  	s1 =	srdreg.scid  }
0x8b: {  	s0 =	sand.u32 $0x1, s1  }
0x8c: {  	s17 =	sshll.u32 s0, $0xA;
	s2 =	sadd.s32 s3, s2  }
0x8d: {  	s2 =	sadd.s32 s2, s17  }
0x8e: {  	[smem:$0x3FC2] =	sst s2  }
0x8f: {  	_ = 	snop  }
0x90: {  	s2 =	sld [smem:$0x3FD0];
	(tm) =	ssettm $0x1  }
0x91: {  	s18 =	sld [smem:$0x3FFB];
	_ =	sdelay $0x3  }
0x92: {  	_ =	strace s18  }
0x93: {  	s3 =	sld [smem:$0x3FFC];
	_ =	sdelay $0x3  }
0x94: {  	_ =	strace s3  }
0x95: {  	s3 =	sld [smem:$0x3FFD];
	_ =	sdelay $0x3  }
0x96: {  	_ =	strace s3  }
0x97: {  	_ =	strace $0x8FFFFFFF  }
0x98: {  	s19 =	sld [smem:$0x3FDB];
	_ =	sdelay $0x1  }
0x99: {  	s4 =	simm.s32 $_scs_section_size  }
0x9a: {  	s5 =	simm.s32 $_size__tile_overlayer_lowered;
	s6 =	simm.s32 $_tile_overlayer_lowered  }
0x9b: {  	s22 =	simm.s32 $0x1BFF;
	s21 =	sshll.u32 s6, $0x1;
	s3 =	sadd.s32 s4, s19  }
0x9c: {  	s7 =	simm.s32 $0x0;
	s20 =	sshll.u32 s5, $0x1;
	s5 =	sadd.s32 s21, s3  }
0x9d: {  	[timem:s7], [sflag:s22] =	dma.local [hbm:s5], s20  }
0x9e: {  	_ =	swait.ge [sflag:s22], s20  }
0x9f: {  	s4 =	ssub.s32 $0x0, s20;
	[sflag:s22] =	ssyncset.done $0x0  }
0xa0: {  	[sflag:s22] =	ssyncadd.s32 s4;
	_ =	sdelay $0x1  }
0xa1: {  	s23 =	simm.s32 $0x1B8B  }
0xa2: {  	_ =	swait.ge [sflag:s23], $0x1  }
0xa3: {  	[sflag:s23] =	ssyncset.done $0x0  }
0xa4: {  	s25 =	simm.s32 $0x1B8E;
	s24 =	sld [smem:$0x3FFE];
	[sflag:s23] =	ssyncadd.s32 $0xFFFFFFFF  }
0xa5: {  	s26 =	simm.s32 $execute0_lowered;
	[smem:$0x3FD2] =	sst s25  }
0xa6: {  	s5 =	sshll.u32 s26, $0x1;
	_ =	strace $0x80000046;
	[dreg:$0x1] =	wrdreg $0xFFFFFFFF  }
0xa7: {  	s28 =	simm.s32 $_size_execute0_lowered;
	s3 =	sadd.s32 s3, s5;
	[dreg:$0x0] =	wrdreg $0x0  }
0xa8: {  	s5 =	sshll.u32 s28, $0x1;
	[dreg:$0x2] =	wrdreg s3  }
0xa9: {  	[dreg:$0x3] =	wrdreg s5  }
0xaa: {  	[dreg:$0x4] =	wrdreg $0xC0  }
0xab: {  	_ =	task [dreg:s7], $0x5FFFF  }
0xac: {  	[dreg:$0x1] =	wrdreg $0xFFFFFFFF  }
0xad: {  	[dreg:$0x0] =	wrdreg $0x60  }
0xae: {  	[dreg:$0x2] =	wrdreg s24  }
0xaf: {  	[dreg:$0x3] =	wrdreg s2  }
0xb0: {  	[dreg:$0x4] =	wrdreg $0x66900  }
0xb1: {  	[dreg:$0x5] =	wrdreg $0x9  }
0xb2: {  	_ =	task.clear_ibuf [dreg:s7], $0x6FFFF;
	_ =	strace $0x90000046  }
0xb3: {  	s29 =	simm.s32 $0x9;
	_ =	strace $0x80000048  }
0xb4: {  	_ =	swait.ge [sflag:s29], $0x1  }
0xb5: {  	[sflag:s29] =	ssyncadd.s32 $0xFFFFFFFF  }
0xb6: {  	_ =	strace $0x90000048  }
0xb7: {  	_ =	sfence  }
0xb8: {  	s30 =	sld [smem:$0x0];
	_ =	sdelay $0x2  }
0xb9: {  	s31 =	sshll.u32 s1, $0xD;
	s1 =	sshrl.u32 s1, $0x2  }
0xba: {  	s3 =	sand.u32 $0x4000, s31;
	s1 =	sadd.s32 s1, s30  }
0xbb: {  	s0 =	sor.u32 s3, s0;
	s1 =	sshll.u32 s1, $0x11  }
0xbc: {  	s0 =	sor.u32 s1, s0  }
0xbd: {  	s0 =	sadd.s32 $0x8F2B, s0  }
0xbe: {  	[sflag:s0] =	ssyncadd.remote.s32 $0x1  }
0xbf: {  	_ =	sfence.sel $0xFFFF  }
0xc0: {  	[dreg:$0x0] =	wrdreg $0xFFFFFFFF;
	(pc) =	sbr.abs _section_cstart, $3  }
0xc1: {  	[dreg:$0x1] =	wrdreg $0xFFFFFFFF  }
0xc2: {  	_ =	task.clear_ibuf [dreg:s7], $0x2FFFF;
	_ =	strace $0x9FFFFFFF  }
0xc3: {  	(tm) =	ssettm $0x7FFFFFFF  }
tec
execute0_lowered:
.L_overlay_start_1:
0x0: {  	(tag) =	ssettag $0x1  }
0x1: {  	s0 =	rddreg [dreg:$0x0]  }
0x2: {  	s1 =	rddreg [dreg:$0x1]  }
0x3: {  	s2 =	rddreg [dreg:$0x2];
	s3 =	simm.s32 $0x0  }
0x4: {  	s21 =	srdreg.scid;
	s15 =	stileid.u32;
	s29 =	simm.s32 $0x5  }
0x5: {  	s30 =	simm.s32 $0x6180;
	s31 =	simm.s32 $0x7;
	[smem:$0x7FF] =	sst s3  }
0x6: {  	s5 =	sadd.s32 $0x6200, s0;
	s6 =	sadd.s32 $0x1200, s0;
	s9 =	smul.u32 $0x280, s15  }
0x7: {  	s4 =	sadd.s32 $0x1000, s0;
	s22 =	sand.u32 $0x1, s21;
	s3 =	smul.u32 $0x5A000, s15  }
0x8: {  	s7 =	sadd.s32 $0x3C200, s0;
	s10 =	sadd.s32 $0x32200, s0;
	s13 =	smul.u32 $0x14000, s15  }
0x9: {  	s24 =	sshll.u32 s15, $0x1;
	s15 =	smul.u32 $0x2800, s15;
	_ =	strace $0x80000047  }
0xa: {  	[dreg:$0x4] =	wrdreg s4;
	s8 =	ssub.s32 $0x2, s22;
	s11 =	smul.u32 $0x140000, s22  }
0xb: {  	s4 =	smul.u32 $0x28000, s22;
	s23 =	sshrl.u32 s8, $0x1;
	s12 =	sshrl.u32 s3, $0x2  }
0xc: {  	s16 =	sadd.s32 $0x100, s9;
	s17 =	sadd.s32 $0x180, s9;
	s0 =	ssub.s32 s8, s23  }
0xd: {  	s8 =	sor.u32 s22, s24;
	s23 =	sadd.s32 s12, s2;
	s12 =	sadd.s32 $0x80, s9  }
0xe: {  	s13 =	sadd.s32 s13, s11;
	s9 =	sadd.s32 $0x200, s9;
	s18 =	sshll.u32 s16, $0x7  }
0xf: {  	s19 =	sshll.u32 s17, $0x7;
	s28 =	sadd.s32 s15, s4;
	s22 =	sshll.u32 s16, $0x4  }
0x10: {  	s24 =	sshll.u32 s17, $0x4;
	s8 =	smul.u32 $0x2710, s8;
	s14 =	sshll.u32 s12, $0x7  }
0x11: {  	s13 =	sshrl.u32 s13, $0x3;
	s18 =	sadd.s32 s11, s18;
	s19 =	sadd.s32 s11, s19  }
0x12: {  	s21 =	sshrl.u32 s28, $0x3;
	s28 =	smul.u32 $0x240, s12;
	s0 =	smax.u32 s0, $0x1  }
0x13: {  	[dreg:$0x5] =	wrdreg s23;
	s14 =	sadd.s32 s11, s14;
	s13 =	sadd.s32 s7, s13  }
0x14: {  	s15 =	sshrl.u32 s18, $0x3;
	s18 =	sshrl.u32 s19, $0x3;
	s19 =	sshll.u32 s12, $0x4  }
0x15: {  	[dreg:$0x17] =	wrdreg s0;
	s25 =	sshrl.u32 s8, $0x3;
	s26 =	sshrl.u32 s14, $0x3  }
0x16: {  	[dreg:$0x6] =	wrdreg s13;
	s14 =	sadd.s32 s4, s24;
	s13 =	sadd.s32 s7, s26  }
0x17: {  	s26 =	sadd.s32 s10, s21;
	s12 =	sshrl.u32 s14, $0x3;
	[dreg:$0x7] =	wrdreg s13  }
0x18: {  	s14 =	sshrl.u32 s28, $0x2;
	s13 =	sadd.s32 s7, s15;
	[dreg:$0xd] =	wrdreg s26  }
0x19: {  	s15 =	sadd.s32 s1, s25;
	s25 =	sadd.s32 $0x140, s8;
	[dreg:$0x8] =	wrdreg s13  }
0x1a: {  	s24 =	sadd.s32 $0x80, s23;
	s16 =	sadd.s32 s14, s2;
	[dreg:$0xc] =	wrdreg s25  }
0x1b: {  	s17 =	sadd.s32 $0x24000, s3;
	s26 =	sshrl.u32 s24, $0x3;
	[dreg:$0x13] =	wrdreg s16  }
0x1c: {  	s20 =	sshll.u32 s9, $0x7;
	s14 =	sadd.s32 $0xE100, s23;
	[dreg:$0x18] =	wrdreg s26  }
0x1d: {  	s9 =	sshll.u32 s9, $0x4;
	s11 =	sadd.s32 s11, s20;
	[smem:$0x7F4] =	sst s14  }
0x1e: {  	s11 =	sshrl.u32 s11, $0x3;
	s13 =	sadd.s32 s7, s18;
	[dreg:$0xb] =	wrdreg s15  }
0x1f: {  	s7 =	sadd.s32 s7, s11;
	s18 =	sadd.s32 $0x36000, s3;
	[dreg:$0x9] =	wrdreg s13  }
0x20: {  	s25 =	sadd.s32 $0x80, s16;
	s16 =	sadd.s32 $0x10E00, s23;
	[dreg:$0xa] =	wrdreg s7  }
0x21: {  	s3 =	sadd.s32 $0x48000, s3;
	s24 =	sadd.s32 $0x14, s15;
	[smem:$0x7F5] =	sst s16  }
0x22: {  	s26 =	sadd.s32 $0x1E, s15;
	s7 =	sadd.s32 s4, s19;
	[smem:$0x7FA] =	sst s24  }
0x23: {  	s13 =	sadd.s32 s4, s22;
	s28 =	sshrl.u32 s25, $0x3;
	[smem:$0x7FC] =	sst s26  }
0x24: {  	s3 =	sshrl.u32 s3, $0x2;
	s25 =	sadd.s32 $0x9C54, s15;
	[dreg:$0x19] =	wrdreg s28  }
0x25: {  	s11 =	sshrl.u32 s13, $0x3;
	s13 =	sadd.s32 $0x230, s8;
	[smem:$0x7FB] =	sst s25  }
0x26: {  	s4 =	sadd.s32 s4, s9;
	s20 =	sadd.s32 s3, s2;
	[dreg:$0x12] =	wrdreg s13  }
0x27: {  	s7 =	sshrl.u32 s7, $0x3;
	s28 =	sadd.s32 $0x9C5E, s15;
	[dreg:$0x16] =	wrdreg s20  }
0x28: {  	s4 =	sshrl.u32 s4, $0x3;
	s7 =	sadd.s32 s10, s7;
	[smem:$0x7FD] =	sst s28  }
0x29: {  	s21 =	sadd.s32 $0x190, s8;
	s4 =	sadd.s32 s10, s4;
	[dreg:$0xe] =	wrdreg s7  }
0x2a: {  	s22 =	sadd.s32 $0x1E0, s8;
	s13 =	sadd.s32 $0xB400, s23;
	[dreg:$0x11] =	wrdreg s4  }
0x2b: {  	s16 =	simm.s32 $0x230;
	s7 =	sadd.s32 s10, s11;
	[smem:$0x7F3] =	sst s13  }
0x2c: {  	s24 =	simm.s32 $0x4;
	s11 =	sadd.s32 $0x5A00, s23;
	[dreg:$0xf] =	wrdreg s7  }
0x2d: {  	s4 =	sshrl.u32 s17, $0x2;
	s17 =	sadd.s32 $0x13B00, s23;
	[dreg:$0x1e] =	wrdreg s11  }
0x2e: {  	s25 =	simm.s32 $0x6;
	s7 =	sadd.s32 s10, s12;
	[smem:$0x7F6] =	sst s17  }
0x2f: {  	s13 =	simm.s32 $0x1E0;
	s19 =	sadd.s32 s4, s2;
	[dreg:$0x10] =	wrdreg s7  }
0x30: {  	s10 =	sadd.s32 $0x2D00, s23;
	s12 =	sadd.s32 $0x8700, s23;
	[dreg:$0x14] =	wrdreg s19  }
0x31: {  	s17 =	simm.s32 $0x3;
	s7 =	sshrl.u32 s18, $0x2;
	[dreg:$0x1d] =	wrdreg s10  }
0x32: {  	s3 =	sadd.s32 $0x80, s19;
	[dreg:$0x1f] =	wrdreg s12;
	s18 =	sadd.s32 $0x9C40, s15  }
0x33: {  	s19 =	sadd.s32 $0xA, s15;
	s10 =	simm.s32 $0x190;
	s12 =	simm.s32 $0xF0  }
0x34: {  	s7 =	sadd.s32 s7, s2;
	s0 =	sshrl.u32 s3, $0x3;
	[smem:$0x7F7] =	sst s18  }
0x35: {  	[smem:$0x7F8] =	sst s19;
	s18 =	simm.s32 $0x280;
	s19 =	simm.s32 $0x2F80  }
0x36: {  	[dreg:$0x15] =	wrdreg s7;
	s4 =	sadd.s32 $0x80, s7;
	s7 =	sadd.s32 $0x80, s20  }
0x37: {  	[dreg:$0x1a] =	wrdreg s0;
	s20 =	sadd.s32 $0x9C4A, s15;
	s0 =	simm.s32 $0x1  }
0x38: {  	s8 =	sshrl.u32 s4, $0x3;
	s9 =	sshrl.u32 s7, $0x3;
	[smem:$0x7F9] =	sst s20  }
0x39: {  	v1 =	vlaneseq.u32;
	s4 =	simm.s32 $0x3480;
	s7 =	simm.s32 $0x50;
	[dreg:$0x1b] =	wrdreg s8  }
0x3a: {  	v0 =	vimm.f32 $0.0e+00;
	v1 =	vand.u32 $0x7, v1;
	s20 =	simm.s32 $0x2;
	[dreg:$0x1c] =	wrdreg s9;
	s8 =	simm.s32 $0x0  }
.LBB2_1:
0x3b: {  	[smem:$0x7F2] =	sst s8;
	s3 =	simm.s32 $0x0;
	s8 =	simm.s32 $0x240  }
.LBB2_2:
0x3c: {  	p0 =	sne.s32 s8, $0xB1C0;
	[tilespmem:s3+$0x3500] =	vst v0  }
0x3d: {  	[tilespmem:s3+$0x3480] =	vst v0  }
0x3e: {  	[tilespmem:s3+$0x3490] =	vst v0  }
0x3f: {  	[tilespmem:s3+$0x34A0] =	vst v0  }
.Ltmp0:
0x40: {  	[tilespmem:s3+$0x34B0] =	vst v0;
	(pc) =	sbr.rel @p0 .LBB2_2-.Ltmp0, $4  }
0x41: {  	[tilespmem:s3+$0x34C0] =	vst v0  }
0x42: {  	[tilespmem:s3+$0x34D0] =	vst v0  }
0x43: {  	[tilespmem:s3+$0x34E0] =	vst v0  }
0x44: {  	[tilespmem:s3+$0x34F0] =	vst v0;
	s3 =	sshra.s32 s8, $0x2;
	s8 =	sadd.s32 $0x240, s8  }
0x45: {  	[tilespmem:s3+$0x3500] =	vst v0  }
0x46: {  	[tilespmem:s3+$0x3480] =	vst v0  }
0x47: {  	[tilespmem:s3+$0x3490] =	vst v0  }
0x48: {  	[tilespmem:s3+$0x34A0] =	vst v0  }
0x49: {  	[tilespmem:s3+$0x34B0] =	vst v0  }
0x4a: {  	[tilespmem:s3+$0x34C0] =	vst v0  }
0x4b: {  	[tilespmem:s3+$0x34D0] =	vst v0  }
0x4c: {  	[tilespmem:s3+$0x34E0] =	vst v0  }
0x4d: {  	[tilespmem:s3+$0x34F0] =	vst v0;
	s15 =	rddreg [dreg:$0x1d]  }
0x4e: {  	[spmem:s23] =	stream.linear.scatter [tilespmem:s4], [sflag:$0x2], $0x2D00, $0x38;
	[tilespmem:$0x1CE90] =	vst v63  }
0x4f: {  	s26 =	rddreg [dreg:$0x1f]  }
0x50: {  	[spmem:s15] =	stream.linear.scatter [tilespmem:s4], [sflag:$0x2], $0x2D00, $0x38;
	[tilespmem:$0x1CE90] =	vst v63  }
0x51: {  	s23 =	rddreg [dreg:$0x1e]  }
0x52: {  	[spmem:s23] =	stream.linear.scatter [tilespmem:s4], [sflag:$0x2], $0x2D00, $0x38;
	[tilespmem:$0x1CE90] =	vst v63  }
0x53: {  	s28 =	sld [smem:$0x7F3]  }
0x54: {  	[spmem:s26] =	stream.linear.scatter [tilespmem:s4], [sflag:$0x2], $0x2D00, $0x38;
	[tilespmem:$0x1CE90] =	vst v63  }
0x55: {  	s8 =	sld [smem:$0x7F4]  }
0x56: {  	[spmem:s28] =	stream.linear.scatter [tilespmem:s4], [sflag:$0x2], $0x2D00, $0x38;
	[tilespmem:$0x1CE90] =	vst v63  }
0x57: {  	s9 =	sld [smem:$0x7F5]  }
0x58: {  	[spmem:s8] =	stream.linear.scatter [tilespmem:s4], [sflag:$0x2], $0x2D00, $0x38;
	[tilespmem:$0x1CE90] =	vst v63  }
0x59: {  	s11 =	sld [smem:$0x7F6]  }
0x5a: {  	[spmem:s9] =	stream.linear.scatter [tilespmem:s4], [sflag:$0x2], $0x2D00, $0x38;
	[tilespmem:$0x1CE90] =	vst v63  }
0x5b: {  	s14 =	rddreg [dreg:$0xb]  }
0x5c: {  	[spmem:s11] =	stream.linear.scatter [tilespmem:s4], [sflag:$0x2], $0x2D00, $0x38;
	[tilespmem:$0x1CE90] =	vst v63  }
0x5d: {  	s15 =	sld [smem:$0x7F7];
	s11 =	simm.s32 $0x0  }
0x5e: {  	[tilespmem:s11], [sflag:$0x3] =	stream.linear.gather [hbm4b:s14+s11], $0x50, $0x38;
	[tilespmem:$0x1CE90] =	vst v63  }
0x5f: {  	s23 =	sld [smem:$0x7F8]  }
0x60: {  	[tilespmem:s7], [sflag:$0x3] =	stream.linear.gather [hbm4b:s15+s11], $0x50, $0x38;
	[tilespmem:$0x1CE90] =	vst v63  }
0x61: {  	s26 =	sld [smem:$0x7F9];
	s8 =	simm.s32 $0x140  }
0x62: {  	[tilespmem:s8], [sflag:$0x5] =	stream.linear.gather [hbm4b:s23+s11], $0x50, $0x38;
	[tilespmem:$0x1CE90] =	vst v63  }
0x63: {  	s28 =	sld [smem:$0x7FA]  }
0x64: {  	[tilespmem:s10], [sflag:$0x5] =	stream.linear.gather [hbm4b:s26+s11], $0x50, $0x38;
	[tilespmem:$0x1CE90] =	vst v63  }
0x65: {  	s9 =	simm.s32 $0xA0;
	s14 =	sld [smem:$0x7FB]  }
0x66: {  	[tilespmem:s9], [sflag:$0x4] =	stream.linear.gather [hbm4b:s28+s11], $0x50, $0x38;
	[tilespmem:$0x1CE90] =	vst v63  }
0x67: {  	s15 =	sld [smem:$0x7FC]  }
0x68: {  	[tilespmem:s12], [sflag:$0x4] =	stream.linear.gather [hbm4b:s14+s11], $0x50, $0x38;
	[tilespmem:$0x1CE90] =	vst v63  }
0x69: {  	s23 =	sld [smem:$0x7FD]  }
0x6a: {  	[tilespmem:s13], [sflag:$0x6] =	stream.linear.gather [hbm4b:s15+s11], $0x50, $0x38;
	[tilespmem:$0x1CE90] =	vst v63  }
0x6b: {  	_ = 	snop  }
0x6c: {  	[tilespmem:s16], [sflag:$0x6] =	stream.linear.gather [hbm4b:s23+s11], $0x50, $0x38;
	[tilespmem:$0x1CE90] =	vst v63  }
0x6d: {  	_ =	swait.ge [sflag:s17], $0x50  }
0x6e: {  	[sflag:s17] =	ssyncset.done $0x0  }
0x6f: {  	[sflag:s17] =	ssyncadd.s32 $0xFFFFFFB0  }
0x70: {  	_ =	swait.ge [sflag:s17], $0x50  }
0x71: {  	[sflag:s17] =	ssyncset.done $0x0  }
0x72: {  	[sflag:s17] =	ssyncadd.s32 $0xFFFFFFB0  }
0x73: {  	[tilespmem:s18], [sflag:$0x1] =	stream.indirect.gather [hbm4b:s5+s7], $0x90, s11, s7, $0xb8;
	[tilespmem:$0x1CE90] =	vst v63  }
0x74: {  	_ = 	snop  }
0x75: {  	[tilespmem:s19], [sflag:$0x1] =	stream.indirect.gather [hbm4b:s6+s7], $0x10, s7, s7, $0xb8;
	[tilespmem:$0x1CE90] =	vst v63  }
0x76: {  	_ =	swait.ge [sflag:s20], $0x2D00  }
0x77: {  	[sflag:s20] =	ssyncset.done $0x0  }
0x78: {  	[sflag:s20] =	ssyncadd.s32 $0xFFFFD300  }
0x79: {  	_ =	swait.ge [sflag:s20], $0x2D00  }
0x7a: {  	[sflag:s20] =	ssyncset.done $0x0  }
0x7b: {  	[sflag:s20] =	ssyncadd.s32 $0xFFFFD300  }
0x7c: {  	_ =	swait.ge [sflag:s20], $0x2D00  }
0x7d: {  	[sflag:s20] =	ssyncset.done $0x0  }
0x7e: {  	[sflag:s20] =	ssyncadd.s32 $0xFFFFD300  }
0x7f: {  	_ =	swait.ge [sflag:s20], $0x2D00  }
0x80: {  	[sflag:s20] =	ssyncset.done $0x0  }
0x81: {  	[sflag:s20] =	ssyncadd.s32 $0xFFFFD300  }
0x82: {  	_ =	swait.ge [sflag:s20], $0x2D00  }
0x83: {  	[sflag:s20] =	ssyncset.done $0x0  }
0x84: {  	[sflag:s20] =	ssyncadd.s32 $0xFFFFD300  }
0x85: {  	_ =	swait.ge [sflag:s20], $0x2D00  }
0x86: {  	[sflag:s20] =	ssyncset.done $0x0  }
0x87: {  	[sflag:s20] =	ssyncadd.s32 $0xFFFFD300  }
0x88: {  	_ =	swait.ge [sflag:s20], $0x2D00  }
0x89: {  	[sflag:s20] =	ssyncset.done $0x0  }
0x8a: {  	[sflag:s20] =	ssyncadd.s32 $0xFFFFD300  }
0x8b: {  	_ =	swait.ge [sflag:s20], $0x2D00  }
0x8c: {  	[sflag:s20] =	ssyncset.done $0x0  }
0x8d: {  	[sflag:s20] =	ssyncadd.s32 $0xFFFFD300  }
0x8e: {  	_ =	swait.ge [sflag:s29], $0x50  }
0x8f: {  	[sflag:s29] =	ssyncset.done $0x0  }
0x90: {  	[sflag:s29] =	ssyncadd.s32 $0xFFFFFFB0  }
0x91: {  	_ =	swait.ge [sflag:s29], $0x50  }
0x92: {  	[sflag:s29] =	ssyncset.done $0x0  }
0x93: {  	[sflag:s29] =	ssyncadd.s32 $0xFFFFFFB0  }
0x94: {  	[tilespmem:s4], [sflag:$0x2] =	stream.indirect.gather [hbm4b:s5+s7], $0x90, s8, s7, $0xb8;
	[tilespmem:$0x1CE90] =	vst v63  }
0x95: {  	_ = 	snop  }
0x96: {  	[tilespmem:s30], [sflag:$0x2] =	stream.indirect.gather [hbm4b:s6+s7], $0x10, s10, s7, $0xb8;
	[tilespmem:$0x1CE90] =	vst v63  }
0x97: {  	[bflag:$0x0] =	sbarrier.arrive $0xFFFF  }
0x98: {  	s28 =	simm.s32 $0x6680;
	s26 =	rddreg [dreg:$0x4]  }
0x99: {  	[tilespmem:s28], [sflag:$0x7] =	stream.linear.gather [hbm4b:s26+s11], $0x10, $0x38;
	[tilespmem:$0x1CE90] =	vst v63  }
0x9a: {  	_ =	swait.ge [sflag:s31], $0x10  }
0x9b: {  	[sflag:s31] =	ssyncset.done $0x0  }
0x9c: {  	[sflag:s31] =	ssyncadd.s32 $0xFFFFFFF0  }
0x9d: {  	s26 =	simm.s32 $0x0;
	v2 =	vld [tilespmem:$0x6680]  }
.LBB2_4:
0x9e: {  	_ =	swait.ge [sflag:s0], $0x2D00  }
0x9f: {  	[sflag:s0] =	ssyncset.done $0x0  }
0xa0: {  	[sflag:s0] =	ssyncadd.s32 $0xFFFFD300  }
0xa1: {  	_ =	swait.ge [sflag:s0], $0x500  }
0xa2: {  	[sflag:s0] =	ssyncset.done $0x0  }
0xa3: {  	s14 =	simm.s32 $0x4C0;
	[sflag:s0] =	ssyncadd.s32 $0xFFFFFB00  }
0xa4: {  	s3 =	simm.s32 $0x2FC0;
	v3 =	vld [tilespmem:s14+$0x230]  }
0xa5: {  	v4 =	vld [tilespmem:s3+$0x30]  }
0xa6: {  	v5 =	vld [tilespmem:s3+$0xFFFFFFC0]  }
0xa7: {  	v6 =	vld [tilespmem:s14+$0xFFFFFED0]  }
0xa8: {  	v7 =	vld [tilespmem:s3+$0xFFFFFFD0]  }
0xa9: {  	v8 =	vld [tilespmem:s14+$0xFFFFFF60]  }
0xaa: {  	v9 =	vld [tilespmem:s3+$0xFFFFFFE0]  }
0xab: {  	v13 =	vld [tilespmem:s14+$0x80]  }
0xac: {  	v16 =	vld [tilespmem:s3+$0x0]  }
0xad: {  	v11 =	vld [tilespmem:s3+$0xFFFFFFF0];
	v3 =	vadd.f32 v4, v3  }
0xae: {  	v18 =	vld [tilespmem:s3+$0x10]  }
0xaf: {  	v22 =	vld [tilespmem:s14+$0x1A0];
	v12 =	vmul.f32 $2.000000030e-01, v3  }
0xb0: {  	v23 =	vld [tilespmem:s14+$0xFFFFFDC0]  }
0xb1: {  	s9 =	simm.s32 $0x2;
	v4 =	vld [tilespmem:s14+$0xFFFFFFF0];
	v6 =	vadd.f32 v7, v6;
	v13 =	vadd.f32 v16, v13;
	v3 =	vmax.f32 v3, v12  }
0xb2: {  	s11 =	simm.s32 $0x1;
	v14 =	vmov s9;
	v8 =	vadd.f32 v9, v8;
	v9 =	vld [tilespmem:s14+$0x110];
	v3 =	vsub.f32 v3, v2  }
0xb3: {  	v26 =	vld [tilespmem:s14+$0xFFFFFE20];
	v7 =	vmov s11;
	v17 =	vmul.f32 $2.000000030e-01, v6;
	v24 =	vmul.f32 $2.000000030e-01, v13  }
0xb4: {  	s23 =	simm.s32 $0x4;
	v27 =	vld [tilespmem:s14+$0xFFFFFE30];
	v7 =	vmul.u32 $0x90, v7;
	v21 =	vmul.f32 $2.000000030e-01, v8;
	v3 =	vmul.f32 $1.442695020e+00, v3  }
0xb5: {  	v12 =	vmov s23;
	v6 =	vmax.f32 v6, v17;
	v17 =	vld [tilespmem:s14+$0xFFFFFE40];
	v13 =	vmax.f32 v13, v24  }
0xb6: {  	s23 =	simm.s32 $0x7;
	v4 =	vadd.f32 v11, v4;
	v11 =	vmul.u32 $0x90, v14;
	v14 =	vld [tilespmem:s3+$0x20];
	(erf) = vpow2.f32 v3  }
0xb7: {  	v39 =	vld [tilespmem:s14+$0xFFFFFE60];
	v16 =	vmov s23;
	v6 =	vsub.f32 v6, v2;
	v9 =	vadd.f32 v18, v9  }
0xb8: {  	v41 =	vld [tilespmem:s14+$0xFFFFFEC0];
	v16 =	vmul.u32 $0x90, v16;
	v3 =	vmax.f32 v8, v21;
	v8 =	vmul.f32 $2.000000030e-01, v4  }
0xb9: {  	v42 =	vld [tilespmem:s14+$0xFFFFFEE0];
	v13 =	vsub.f32 v13, v2;
	v25 =	vmul.f32 $2.000000030e-01, v9;
	v6 =	vmul.f32 $1.442695020e+00, v6  }
0xba: {  	v29 =	vld [tilespmem:s14+$0xFFFFFEF0];
	v5 =	vadd.f32 v5, v17;
	v4 =	vmax.f32 v4, v8;
	v8 =	vadd.s32 $0x80, v16  }
0xbb: {  	v43 =	vld [tilespmem:s14+$0xFFFFFF00];
	v13 =	vmul.f32 $1.442695020e+00, v13;
	v14 =	vadd.f32 v14, v22;
	v8 =	vbroadcast v8, $0x0  }
0xbc: {  	v45 =	vld [tilespmem:s14+$0xFFFFFFC0];
	v9 =	vmax.f32 v9, v25;
	v3 =	vsub.f32 v3, v2;
	v37 =	vmul.f32 $2.000000030e-01, v5  }
0xbd: {  	v48 =	vld [tilespmem:s14+$0x30];
	v9 =	vsub.f32 v9, v2;
	v36 =	vmul.f32 $2.000000030e-01, v14;
	v8 =	vor.u32 v1, v8  }
0xbe: {  	v50 =	vld [tilespmem:s14+$0x40];
	v4 =	vsub.f32 v4, v2;
	v28 =	vmul.f32 $1.442695020e+00, v3;
	v5 =	vmax.f32 v5, v37  }
0xbf: {  	v51 =	vld [tilespmem:s14+$0x50];
	v3 =	vmax.f32 v14, v36;
	v5 =	vsub.f32 v5, v2;
	v38 =	vpop (erf);
	(erf) = vpow2.f32 v6  }
0xc0: {  	v52 =	vld [tilespmem:s14+$0x60];
	v9 =	vmul.f32 $1.442695020e+00, v9;
	v4 =	vmul.f32 $1.442695020e+00, v4;
	v3 =	vsub.f32 v3, v2  }
0xc1: {  	v53 =	vld [tilespmem:s14+$0x100];
	v5 =	vmul.f32 $1.442695020e+00, v5;
	[tilespmem:s14+$0x230] =	vst v38;
	(erf) = vpow2.f32 v28  }
0xc2: {  	s11 =	simm.s32 $0x5;
	v7 =	vadd.s32 $0x80, v7;
	v40 =	vmul.f32 $1.442695020e+00, v3;
	v3 =	vld.idx.msk [tilespmem:v8+s18+$0x0], $0xffff;
	(erf) = vpow2.f32 v4  }
0xc3: {  	v19 =	vmov s11;
	v8 =	vld [tilespmem:s14+$0x220];
	v4 =	vbroadcast v7, $0x0;
	(erf) = vpow2.f32 v5  }
0xc4: {  	v55 =	vld [tilespmem:s14+$0x170];
	v6 =	vmul.u32 $0x90, v12;
	v12 =	vmul.u32 $0x90, v19;
	(erf) = vpow2.f32 v13  }
0xc5: {  	v57 =	vld [tilespmem:s14+$0x190];
	v4 =	vor.u32 v1, v4;
	(erf) = vpow2.f32 v9  }
0xc6: {  	v60 =	vld [tilespmem:s14+$0x1B0];
	v12 =	vadd.s32 $0x80, v12;
	(erf) = vpow2.f32 v40  }
0xc7: {  	v62 =	vld [tilespmem:s14+$0x1C0];
	v12 =	vbroadcast v12, $0x0  }
0xc8: {  	s8 =	simm.s32 $0x0;
	s15 =	simm.s32 $0x3;
	v18 =	vld [tilespmem:s14+$0xFFFFFDE0];
	v8 =	vmul.f32 v8, v3;
	v30 =	vpop (erf)  }
0xc9: {  	v10 =	vmov s8;
	v15 =	vmov s15;
	s15 =	simm.s32 $0x6;
	v14 =	vld [tilespmem:s14+$0xFFFFFE50];
	[tilespmem:s14+$0xFFFFFED0] =	vst v30  }
0xca: {  	v10 =	vmul.u32 $0x90, v10;
	v20 =	vmov s15;
	v11 =	vadd.s32 $0x80, v11;
	[tilespmem:s14+$0x220] =	vst v8;
	v31 =	vpop (erf);
	v32 =	vld.idx.msk [tilespmem:v4+s18+$0x0], $0xffff  }
0xcb: {  	v15 =	vmul.u32 $0x90, v15;
	v11 =	vbroadcast v11, $0x0;
	v19 =	vld [tilespmem:s14+$0xFFFFFE70];
	[tilespmem:s14+$0xFFFFFF60] =	vst v31;
	v4 =	vor.u32 v1, v12;
	v12 =	vpop (erf)  }
0xcc: {  	v10 =	vadd.s32 $0x80, v10;
	v7 =	vld [tilespmem:s14+$0xFFFFFE80];
	v5 =	vmul.u32 $0x90, v20;
	[tilespmem:s14+$0xFFFFFFF0] =	vst v12;
	v12 =	vpop (erf)  }
0xcd: {  	v10 =	vbroadcast v10, $0x0;
	v11 =	vor.u32 v1, v11;
	v20 =	vld [tilespmem:s14+$0xFFFFFE90];
	v13 =	vadd.s32 $0x80, v15;
	[tilespmem:s14+$0xFFFFFE40] =	vst v12;
	v12 =	vpop (erf)  }
0xce: {  	v15 =	vld [tilespmem:s14+$0xFFFFFEA0];
	v9 =	vbroadcast v13, $0x0;
	v5 =	vadd.s32 $0x80, v5;
	[tilespmem:s14+$0x80] =	vst v12;
	v12 =	vpop (erf)  }
0xcf: {  	v10 =	vor.u32 v1, v10;
	v13 =	vld [tilespmem:s14+$0xFFFFFEB0];
	v5 =	vbroadcast v5, $0x0;
	[tilespmem:s14+$0x110] =	vst v12;
	v12 =	vpop (erf);
	v14 =	vmul.f32 v14, v32  }
0xd0: {  	v21 =	vld [tilespmem:s14+$0xFFFFFDD0];
	[tilespmem:s14+$0x1A0] =	vst v12;
	v19 =	vmul.f32 v19, v32  }
0xd1: {  	v17 =	vld [tilespmem:s14+$0xFFFFFE00];
	v5 =	vor.u32 v1, v5;
	v7 =	vmul.f32 v7, v32;
	[tilespmem:s14+$0xFFFFFE50] =	vst v14  }
0xd2: {  	v6 =	vadd.s32 $0x80, v6;
	v11 =	vld.idx.msk [tilespmem:v11+s18+$0x0], $0xffff;
	v20 =	vmul.f32 v20, v32;
	[tilespmem:s14+$0xFFFFFE70] =	vst v19  }
0xd3: {  	v6 =	vbroadcast v6, $0x0;
	v8 =	vld [tilespmem:s14+$0xFFFFFF10];
	v15 =	vmul.f32 v15, v32;
	[tilespmem:s14+$0xFFFFFE80] =	vst v7  }
0xd4: {  	v9 =	vor.u32 v1, v9;
	v10 =	vld.idx.msk [tilespmem:v10+s18+$0x0], $0xffff;
	v13 =	vmul.f32 v13, v32;
	[tilespmem:s14+$0xFFFFFE90] =	vst v20  }
0xd5: {  	v6 =	vor.u32 v1, v6;
	v12 =	vld.idx.msk [tilespmem:v4+s18+$0x0], $0xffff;
	v24 =	vmul.f32 v41, v32;
	[tilespmem:s14+$0xFFFFFEA0] =	vst v15  }
0xd6: {  	v4 =	vld.idx.msk [tilespmem:v5+s18+$0x0], $0xffff;
	v5 =	vmul.f32 v39, v32;
	[tilespmem:s14+$0xFFFFFEB0] =	vst v13  }
0xd7: {  	v22 =	vld [tilespmem:s14+$0xFFFFFE10];
	v46 =	vmul.f32 v42, v11;
	[tilespmem:s14+$0xFFFFFEC0] =	vst v24  }
0xd8: {  	v16 =	vld [tilespmem:s14+$0xFFFFFDF0];
	v47 =	vmul.f32 v29, v11;
	[tilespmem:s14+$0xFFFFFE60] =	vst v5  }
0xd9: {  	v9 =	vld.idx.msk [tilespmem:v9+s18+$0x0], $0xffff;
	v49 =	vmul.f32 v43, v11;
	[tilespmem:s14+$0xFFFFFEE0] =	vst v46  }
0xda: {  	v6 =	vld.idx.msk [tilespmem:v6+s18+$0x0], $0xffff;
	v8 =	vmul.f32 v8, v11;
	[tilespmem:s14+$0xFFFFFEF0] =	vst v47  }
0xdb: {  	v14 =	vld [tilespmem:s14+$0xFFFFFF20];
	v23 =	vmul.f32 v23, v10;
	[tilespmem:s14+$0xFFFFFF00] =	vst v49  }
0xdc: {  	v19 =	vld [tilespmem:s14+$0xFFFFFF40];
	v21 =	vmul.f32 v21, v10;
	[tilespmem:s14+$0xFFFFFF10] =	vst v8  }
0xdd: {  	v7 =	vld [tilespmem:s14+$0xFFFFFFE0];
	v18 =	vmul.f32 v18, v10;
	[tilespmem:s14+$0xFFFFFDC0] =	vst v23  }
0xde: {  	v20 =	vld [tilespmem:s14+$0x0];
	v16 =	vmul.f32 v16, v10;
	[tilespmem:s14+$0xFFFFFDD0] =	vst v21  }
0xdf: {  	v15 =	vld [tilespmem:s14+$0x10];
	v17 =	vmul.f32 v17, v10;
	[tilespmem:s14+$0xFFFFFDE0] =	vst v18  }
0xe0: {  	v13 =	vld [tilespmem:s14+$0x20];
	v22 =	vmul.f32 v22, v10;
	[tilespmem:s14+$0xFFFFFDF0] =	vst v16  }
0xe1: {  	v5 =	vld [tilespmem:s14+$0xFFFFFF30];
	v44 =	vmul.f32 v26, v10;
	[tilespmem:s14+$0xFFFFFE00] =	vst v17  }
0xe2: {  	v10 =	vmul.f32 v27, v10;
	v8 =	vld [tilespmem:s14+$0x70];
	[tilespmem:s14+$0xFFFFFE10] =	vst v22  }
0xe3: {  	v54 =	vmul.f32 v51, v6;
	v23 =	vld [tilespmem:s14+$0xFFFFFF50];
	[tilespmem:s14+$0xFFFFFE20] =	vst v44  }
0xe4: {  	v21 =	vld [tilespmem:s14+$0xFFFFFF70];
	[tilespmem:s14+$0xFFFFFE30] =	vst v10;
	v14 =	vmul.f32 v14, v11  }
0xe5: {  	v18 =	vld [tilespmem:s14+$0xFFFFFF80];
	[tilespmem:s14+$0x50] =	vst v54;
	v19 =	vmul.f32 v19, v11  }
0xe6: {  	v16 =	vld [tilespmem:s14+$0xFFFFFF90];
	v7 =	vmul.f32 v7, v9;
	[tilespmem:s14+$0xFFFFFF20] =	vst v14  }
0xe7: {  	v17 =	vld [tilespmem:s14+$0xFFFFFFA0];
	v15 =	vmul.f32 v15, v6;
	[tilespmem:s14+$0xFFFFFF40] =	vst v19  }
0xe8: {  	v22 =	vld [tilespmem:s14+$0xFFFFFFB0];
	v13 =	vmul.f32 v13, v6;
	[tilespmem:s14+$0xFFFFFFE0] =	vst v7  }
0xe9: {  	v10 =	vld [tilespmem:s14+$0xFFFFFFD0];
	v5 =	vmul.f32 v5, v11;
	[tilespmem:s14+$0x10] =	vst v15  }
0xea: {  	v14 =	vld [tilespmem:s14+$0x90];
	v15 =	vmul.f32 v52, v6;
	[tilespmem:s14+$0x20] =	vst v13  }
0xeb: {  	v19 =	vld [tilespmem:s14+$0xB0];
	v11 =	vmul.f32 v23, v11;
	[tilespmem:s14+$0xFFFFFF30] =	vst v5;
	v21 =	vmul.f32 v21, v9  }
0xec: {  	v7 =	vld [tilespmem:s14+$0x150];
	v18 =	vmul.f32 v18, v9;
	v16 =	vmul.f32 v16, v9;
	[tilespmem:s14+$0x60] =	vst v15  }
0xed: {  	v5 =	vld [tilespmem:s14+$0xA0];
	v17 =	vmul.f32 v17, v9;
	v22 =	vmul.f32 v22, v9;
	[tilespmem:s14+$0xFFFFFF50] =	vst v11  }
0xee: {  	v23 =	vmul.f32 v45, v9;
	v10 =	vmul.f32 v10, v9;
	v9 =	vld [tilespmem:s14+$0x130];
	[tilespmem:s14+$0xFFFFFF70] =	vst v21  }
0xef: {  	v11 =	vld [tilespmem:s14+$0xC0];
	[tilespmem:s14+$0xFFFFFF80] =	vst v18  }
0xf0: {  	v21 =	vld [tilespmem:s14+$0xD0];
	[tilespmem:s14+$0xFFFFFF90] =	vst v16  }
0xf1: {  	v18 =	vld [tilespmem:s14+$0xE0];
	[tilespmem:s14+$0xFFFFFFA0] =	vst v17;
	v17 =	vmul.f32 v20, v6  }
0xf2: {  	v16 =	vld [tilespmem:s14+$0xF0];
	[tilespmem:s14+$0xFFFFFFB0] =	vst v22;
	v20 =	vmul.f32 v48, v6  }
0xf3: {  	v22 =	vld [tilespmem:s14+$0x120];
	[tilespmem:s14+$0x0] =	vst v17;
	v17 =	vmul.f32 v50, v6;
	v6 =	vmul.f32 v8, v6  }
0xf4: {  	[tilespmem:s14+$0xFFFFFFD0] =	vst v10;
	v10 =	vld [tilespmem:s14+$0x140];
	v56 =	vmul.f32 v14, v12;
	v58 =	vmul.f32 v19, v12  }
0xf5: {  	[tilespmem:s14+$0xFFFFFFC0] =	vst v23;
	v23 =	vld [tilespmem:s14+$0x160];
	v5 =	vmul.f32 v5, v12;
	v14 =	vmul.f32 v9, v4  }
0xf6: {  	v63 =	vld [tilespmem:s14+$0x1D0];
	[tilespmem:s14+$0x30] =	vst v20;
	v59 =	vmul.f32 v11, v12;
	v61 =	vmul.f32 v21, v12  }
0xf7: {  	v8 =	vld [tilespmem:s14+$0x180];
	[tilespmem:s14+$0x40] =	vst v17;
	v18 =	vmul.f32 v18, v12;
	v17 =	vmul.f32 v16, v12  }
0xf8: {  	[tilespmem:s14+$0x70] =	vst v6;
	v6 =	vld [tilespmem:s14+$0x1E0];
	v16 =	vmul.f32 v53, v12;
	v15 =	vmul.f32 v22, v4  }
0xf9: {  	v19 =	vld [tilespmem:s14+$0x1F0];
	[tilespmem:s14+$0x90] =	vst v56;
	v13 =	vmul.f32 v10, v4;
	v12 =	vmul.f32 v7, v4  }
0xfa: {  	v20 =	vld [tilespmem:s14+$0x200];
	[tilespmem:s14+$0xB0] =	vst v58;
	v11 =	vmul.f32 v23, v4;
	v10 =	vmul.f32 v55, v4  }
0xfb: {  	s28 =	simm.s32 $0x940;
	[tilespmem:s14+$0xA0] =	vst v5;
	v21 =	vld [tilespmem:s14+$0x210];
	v7 =	vmul.f32 v60, v3;
	v5 =	vmul.f32 v63, v3  }
0xfc: {  	s11 =	simm.s32 $0x3040;
	v22 =	vld [tilespmem:s28+$0x230];
	v9 =	vmul.f32 v8, v4;
	v8 =	vmul.f32 v57, v4;
	[tilespmem:s14+$0xC0] =	vst v59  }
0xfd: {  	s9 =	simm.s32 $0x8;
	s8 =	simm.s32 $0x10;
	v23 =	vld [tilespmem:s11+$0x30];
	v4 =	vmul.f32 v62, v3;
	[tilespmem:s14+$0xD0] =	vst v61;
	v6 =	vmul.f32 v6, v3  }
.LBB2_5:
0xfe: {  	p0 =	slt.u32 s8, $0x48;
	v24 =	vld [tilespmem:s11+$0xFFFFFFC0];
	[tilespmem:s14+$0xE0] =	vst v18;
	v18 =	vmul.f32 v19, v3  }
0xff: {  	v19 =	vld [tilespmem:s28+$0xFFFFFED0];
	[tilespmem:s14+$0xF0] =	vst v17;
	v17 =	vmul.f32 v20, v3  }
0x100: {  	v20 =	vld [tilespmem:s11+$0xFFFFFFD0];
	[tilespmem:s14+$0x100] =	vst v16;
	v3 =	vmul.f32 v21, v3  }
0x101: {  	v16 =	vld [tilespmem:s28+$0xFFFFFF60];
	[tilespmem:s14+$0x120] =	vst v15  }
0x102: {  	v15 =	vld [tilespmem:s11+$0xFFFFFFE0];
	v21 =	vadd.f32 v23, v22;
	[tilespmem:s14+$0x130] =	vst v14  }
0x103: {  	v14 =	vmov s9;
	v22 =	vld [tilespmem:s28+$0xFFFFFFF0];
	[tilespmem:s14+$0x140] =	vst v13  }
0x104: {  	s3 =	sadd.s32 $0x1, s9;
	s23 =	sadd.s32 $0x2, s9;
	v13 =	vmul.u32 $0x90, v14;
	v14 =	vld [tilespmem:s11+$0xFFFFFFF0];
	v23 =	vmul.f32 $2.000000030e-01, v21;
	[tilespmem:s14+$0x150] =	vst v12  }
0x105: {  	v12 =	vadd.f32 v20, v19;
	v19 =	vmov s3;
	v20 =	vmov s23;
	s3 =	sadd.s32 $0x3, s9;
	v25 =	vld [tilespmem:s28+$0x80];
	s23 =	sadd.s32 $0x4, s9;
	[tilespmem:s14+$0x160] =	vst v11  }
0x106: {  	v11 =	vmov s3;
	v26 =	vld [tilespmem:s11+$0x0];
	v27 =	vmov s23;
	v21 =	vmax.f32 v21, v23;
	[tilespmem:s14+$0x170] =	vst v10  }
0x107: {  	s3 =	sadd.s32 $0x5, s9;
	s23 =	sadd.s32 $0x6, s9;
	v10 =	vmul.f32 $2.000000030e-01, v12;
	v15 =	vadd.f32 v15, v16;
	v16 =	vld [tilespmem:s28+$0x110];
	v21 =	vsub.f32 v21, v2;
	[tilespmem:s14+$0x180] =	vst v9  }
0x108: {  	v19 =	vmul.u32 $0x90, v19;
	v23 =	vmov s3;
	v28 =	vmov s23;
	v9 =	vld [tilespmem:s11+$0x10];
	[tilespmem:s14+$0x190] =	vst v8  }
0x109: {  	v8 =	vmul.f32 $2.000000030e-01, v15;
	v14 =	vadd.f32 v14, v22;
	v22 =	vld [tilespmem:s28+$0x1A0];
	v21 =	vmul.f32 $1.442695020e+00, v21;
	[tilespmem:s14+$0x1B0] =	vst v7  }
0x10a: {  	v20 =	vmul.u32 $0x90, v20;
	v29 =	vmul.u32 $0x90, v11;
	s3 =	sadd.s32 $0x7, s9;
	s9 =	smov.u32 s8;
	v10 =	vmax.f32 v12, v10;
	v11 =	vld [tilespmem:s11+$0x20];
	[tilespmem:s14+$0x1C0] =	vst v4  }
0x10b: {  	v7 =	vmov s3;
	v4 =	vld [tilespmem:s28+$0xFFFFFE40];
	v12 =	vadd.f32 v26, v25;
	(erf) = vpow2.f32 v21;
	[tilespmem:s14+$0x1D0] =	vst v5  }
0x10c: {  	v15 =	vmax.f32 v15, v8;
	v21 =	vmul.f32 $2.000000030e-01, v14;
	v25 =	vmul.u32 $0x90, v7;
	v5 =	vld [tilespmem:s28+$0xFFFFFDC0];
	[tilespmem:s14+$0x1E0] =	vst v6  }
0x10d: {  	v6 =	vsub.f32 v10, v2;
	v7 =	vld [tilespmem:s28+$0xFFFFFDD0];
	v26 =	vmul.f32 $2.000000030e-01, v12;
	v16 =	vadd.f32 v9, v16;
	[tilespmem:s14+$0x1F0] =	vst v18  }
0x10e: {  	v15 =	vsub.f32 v15, v2;
	v14 =	vmax.f32 v14, v21;
	v10 =	vadd.s32 $0x80, v25;
	v8 =	vld [tilespmem:s28+$0xFFFFFDE0];
	[tilespmem:s14+$0x200] =	vst v17  }
0x10f: {  	v21 =	vbroadcast v10, $0x0;
	v9 =	vld [tilespmem:s28+$0xFFFFFDF0];
	v17 =	vmul.f32 $2.000000030e-01, v16;
	v18 =	vadd.f32 v11, v22;
	[tilespmem:s14+$0x210] =	vst v3;
	s14 =	smov.u32 s28  }
0x110: {  	v3 =	vadd.f32 v24, v4;
	v10 =	vld [tilespmem:s28+$0xFFFFFE00];
	v4 =	vsub.f32 v14, v2;
	v14 =	vmax.f32 v12, v26  }
0x111: {  	v21 =	vor.u32 v1, v21;
	v11 =	vld [tilespmem:s28+$0xFFFFFE10];
	v16 =	vmax.f32 v16, v17;
	v17 =	vmul.f32 $2.000000030e-01, v18  }
0x112: {  	v24 =	vsub.f32 v14, v2;
	v25 =	vmul.f32 $2.000000030e-01, v3;
	v12 =	vld [tilespmem:s28+$0xFFFFFE20];
	v16 =	vsub.f32 v16, v2  }
0x113: {  	v6 =	vmul.f32 $1.442695020e+00, v6;
	v15 =	vmul.f32 $1.442695020e+00, v15;
	v14 =	vld [tilespmem:s28+$0xFFFFFE30];
	v17 =	vmax.f32 v18, v17  }
0x114: {  	v4 =	vmul.f32 $1.442695020e+00, v4;
	v3 =	vmax.f32 v3, v25;
	v18 =	vld [tilespmem:s28+$0xFFFFFE50];
	v17 =	vsub.f32 v17, v2;
	v22 =	vpop (erf)  }
0x115: {  	v24 =	vmul.f32 $1.442695020e+00, v24;
	v16 =	vmul.f32 $1.442695020e+00, v16;
	v25 =	vsub.f32 v3, v2;
	v26 =	vld [tilespmem:s28+$0xFFFFFE60];
	[tilespmem:s28+$0x230] =	vst v22  }
0x116: {  	v22 =	vmul.u32 $0x90, v27;
	v17 =	vmul.f32 $1.442695020e+00, v17;
	v3 =	vld.idx.msk [tilespmem:v21+s18+$0x0], $0xffff;
	(erf) = vpow2.f32 v6  }
0x117: {  	v21 =	vmul.u32 $0x90, v23;
	v6 =	vmul.f32 $1.442695020e+00, v25;
	v23 =	vld [tilespmem:s28+$0x220];
	(erf) = vpow2.f32 v15  }
0x118: {  	v15 =	vadd.s32 $0x80, v19;
	v25 =	vmul.u32 $0x90, v28;
	v19 =	vld [tilespmem:s28+$0xFFFFFE70];
	(erf) = vpow2.f32 v4  }
0x119: {  	v20 =	vadd.s32 $0x80, v20;
	v4 =	vbroadcast v15, $0x0;
	v15 =	vld [tilespmem:s28+$0xFFFFFE80];
	(erf) = vpow2.f32 v6  }
0x11a: {  	v6 =	vbroadcast v20, $0x0;
	v20 =	vadd.s32 $0x80, v29;
	v27 =	vld [tilespmem:s28+$0xFFFFFE90];
	(erf) = vpow2.f32 v24  }
0x11b: {  	v13 =	vadd.s32 $0x80, v13;
	v20 =	vbroadcast v20, $0x0;
	v24 =	vld [tilespmem:s28+$0xFFFFFEA0];
	(erf) = vpow2.f32 v16  }
0x11c: {  	v4 =	vor.u32 v1, v4;
	v16 =	vld [tilespmem:s28+$0xFFFFFEB0];
	v23 =	vmul.f32 v23, v3;
	(erf) = vpow2.f32 v17  }
0x11d: {  	v13 =	vbroadcast v13, $0x0;
	v22 =	vadd.s32 $0x80, v22;
	v6 =	vor.u32 v1, v6;
	v17 =	vld [tilespmem:s28+$0xFFFFFEC0]  }
0x11e: {  	v22 =	vbroadcast v22, $0x0;
	v21 =	vadd.s32 $0x80, v21;
	v20 =	vor.u32 v1, v20;
	v28 =	vld [tilespmem:s28+$0xFFFFFEE0];
	[tilespmem:s28+$0x220] =	vst v23  }
0x11f: {  	v13 =	vor.u32 v1, v13;
	v32 =	vbroadcast v21, $0x0;
	v25 =	vadd.s32 $0x80, v25;
	v23 =	vld [tilespmem:s28+$0xFFFFFEF0];
	v29 =	vpop (erf)  }
0x120: {  	v22 =	vor.u32 v1, v22;
	v25 =	vbroadcast v25, $0x0;
	[tilespmem:s28+$0xFFFFFED0] =	vst v29;
	v29 =	vld [tilespmem:s28+$0xFFFFFF00];
	v30 =	vpop (erf)  }
0x121: {  	v31 =	vld.idx.msk [tilespmem:v4+s18+$0x0], $0xffff;
	[tilespmem:s28+$0xFFFFFF60] =	vst v30;
	v4 =	vor.u32 v1, v32;
	v21 =	vpop (erf)  }
0x122: {  	v30 =	vld.idx.msk [tilespmem:v6+s18+$0x0], $0xffff;
	[tilespmem:s28+$0xFFFFFFF0] =	vst v21;
	v21 =	vor.u32 v1, v25;
	v6 =	vpop (erf)  }
0x123: {  	[tilespmem:s28+$0xFFFFFE40] =	vst v6;
	v20 =	vld.idx.msk [tilespmem:v20+s18+$0x0], $0xffff;
	v6 =	vpop (erf)  }
0x124: {  	v13 =	vld.idx.msk [tilespmem:v13+s18+$0x0], $0xffff;
	[tilespmem:s28+$0x80] =	vst v6;
	v6 =	vpop (erf)  }
0x125: {  	v22 =	vld.idx.msk [tilespmem:v22+s18+$0x0], $0xffff;
	[tilespmem:s28+$0x110] =	vst v6;
	v25 =	vpop (erf)  }
0x126: {  	v6 =	vld.idx.msk [tilespmem:v4+s18+$0x0], $0xffff;
	[tilespmem:s28+$0x1A0] =	vst v25  }
0x127: {  	v18 =	vmul.f32 v18, v31;
	v25 =	vmul.f32 v26, v31;
	v4 =	vld.idx.msk [tilespmem:v21+s18+$0x0], $0xffff  }
0x128: {  	v19 =	vmul.f32 v19, v31;
	v15 =	vmul.f32 v15, v31;
	v21 =	vld [tilespmem:s28+$0xFFFFFF10]  }
0x129: {  	v24 =	vmul.f32 v24, v31;
	[tilespmem:s28+$0xFFFFFE50] =	vst v18;
	v18 =	vmul.f32 v27, v31;
	v26 =	vld [tilespmem:s28+$0xFFFFFF20]  }
0x12a: {  	v5 =	vmul.f32 v5, v13;
	v7 =	vmul.f32 v7, v13;
	[tilespmem:s28+$0xFFFFFE60] =	vst v25;
	v25 =	vld [tilespmem:s28+$0xFFFFFF30]  }
0x12b: {  	v8 =	vmul.f32 v8, v13;
	v9 =	vmul.f32 v9, v13;
	[tilespmem:s28+$0xFFFFFE70] =	vst v19;
	v19 =	vld [tilespmem:s28+$0xFFFFFF40]  }
0x12c: {  	[tilespmem:s28+$0xFFFFFDC0] =	vst v5;
	v5 =	vmul.f32 v10, v13;
	v10 =	vmul.f32 v11, v13;
	v11 =	vld [tilespmem:s28+$0xFFFFFF50]  }
0x12d: {  	[tilespmem:s28+$0xFFFFFDD0] =	vst v7;
	v7 =	vmul.f32 v12, v13;
	v12 =	vmul.f32 v14, v13;
	v13 =	vld [tilespmem:s28+$0xFFFFFF70]  }
0x12e: {  	v14 =	vmul.f32 v17, v31;
	[tilespmem:s28+$0xFFFFFDE0] =	vst v8;
	v8 =	vmul.f32 v16, v31;
	v16 =	vld [tilespmem:s28+$0xFFFFFF80]  }
0x12f: {  	v17 =	vmul.f32 v23, v30;
	[tilespmem:s28+$0xFFFFFDF0] =	vst v9;
	v9 =	vmul.f32 v28, v30;
	v23 =	vld [tilespmem:s28+$0xFFFFFF90]  }
0x130: {  	v21 =	vmul.f32 v21, v30;
	[tilespmem:s28+$0xFFFFFE00] =	vst v5;
	v5 =	vmul.f32 v29, v30;
	v27 =	vld [tilespmem:s28+$0xFFFFFFA0]  }
0x131: {  	v25 =	vmul.f32 v25, v30;
	[tilespmem:s28+$0xFFFFFE10] =	vst v10;
	v10 =	vmul.f32 v26, v30;
	v26 =	vld [tilespmem:s28+$0xFFFFFFB0]  }
0x132: {  	v11 =	vmul.f32 v11, v30;
	[tilespmem:s28+$0xFFFFFE20] =	vst v7;
	v7 =	vmul.f32 v19, v30;
	v19 =	vld [tilespmem:s28+$0xFFFFFFC0]  }
0x133: {  	[tilespmem:s28+$0xFFFFFE30] =	vst v12;
	v12 =	vmul.f32 v13, v20;
	v13 =	vmul.f32 v16, v20;
	v16 =	vld [tilespmem:s28+$0xFFFFFFD0]  }
0x134: {  	[tilespmem:s28+$0xFFFFFE80] =	vst v15;
	v15 =	vmul.f32 v23, v20;
	v23 =	vld [tilespmem:s28+$0xFFFFFFE0]  }
0x135: {  	[tilespmem:s28+$0xFFFFFE90] =	vst v18;
	v18 =	vmul.f32 v27, v20;
	v27 =	vld [tilespmem:s28+$0x0]  }
0x136: {  	[tilespmem:s28+$0xFFFFFEA0] =	vst v24;
	v24 =	vmul.f32 v26, v20;
	v26 =	vld [tilespmem:s28+$0x10]  }
0x137: {  	[tilespmem:s28+$0xFFFFFEB0] =	vst v8;
	v8 =	vmul.f32 v19, v20;
	v19 =	vld [tilespmem:s28+$0x20]  }
0x138: {  	[tilespmem:s28+$0xFFFFFEC0] =	vst v14;
	v14 =	vmul.f32 v16, v20;
	v16 =	vld [tilespmem:s28+$0x30]  }
0x139: {  	[tilespmem:s28+$0xFFFFFEE0] =	vst v9;
	v9 =	vmul.f32 v23, v20;
	v20 =	vld [tilespmem:s28+$0x40]  }
0x13a: {  	[tilespmem:s28+$0xFFFFFEF0] =	vst v17;
	v23 =	vmul.f32 v27, v22;
	v17 =	vld [tilespmem:s28+$0x50]  }
0x13b: {  	[tilespmem:s28+$0xFFFFFF00] =	vst v5;
	v5 =	vmul.f32 v26, v22;
	v26 =	vld [tilespmem:s28+$0x60]  }
0x13c: {  	[tilespmem:s28+$0xFFFFFF10] =	vst v21;
	v19 =	vmul.f32 v19, v22;
	v21 =	vld [tilespmem:s28+$0x70]  }
0x13d: {  	[tilespmem:s28+$0xFFFFFF20] =	vst v10;
	v10 =	vmul.f32 v16, v22;
	v16 =	vld [tilespmem:s28+$0x90]  }
0x13e: {  	[tilespmem:s28+$0xFFFFFF30] =	vst v25;
	v20 =	vmul.f32 v20, v22;
	v25 =	vld [tilespmem:s28+$0xA0]  }
0x13f: {  	[tilespmem:s28+$0xFFFFFF40] =	vst v7;
	v7 =	vmul.f32 v17, v22;
	v17 =	vld [tilespmem:s28+$0xB0]  }
0x140: {  	[tilespmem:s28+$0xFFFFFF50] =	vst v11;
	v26 =	vmul.f32 v26, v22;
	v11 =	vld [tilespmem:s28+$0xC0]  }
0x141: {  	[tilespmem:s28+$0xFFFFFF70] =	vst v12;
	v21 =	vmul.f32 v21, v22;
	v12 =	vld [tilespmem:s28+$0xD0]  }
0x142: {  	[tilespmem:s28+$0xFFFFFF80] =	vst v13;
	v22 =	vmul.f32 v16, v6;
	v13 =	vld [tilespmem:s28+$0xE0]  }
0x143: {  	[tilespmem:s28+$0xFFFFFF90] =	vst v15;
	v25 =	vmul.f32 v25, v6;
	v15 =	vld [tilespmem:s28+$0xF0]  }
0x144: {  	[tilespmem:s28+$0xFFFFFFA0] =	vst v18;
	v27 =	vmul.f32 v17, v6;
	v16 =	vld [tilespmem:s28+$0x100]  }
0x145: {  	[tilespmem:s28+$0xFFFFFFB0] =	vst v24;
	v24 =	vmul.f32 v11, v6;
	v11 =	vld [tilespmem:s28+$0x120]  }
0x146: {  	[tilespmem:s28+$0xFFFFFFC0] =	vst v8;
	v28 =	vmul.f32 v12, v6;
	v8 =	vld [tilespmem:s28+$0x130]  }
0x147: {  	[tilespmem:s28+$0xFFFFFFD0] =	vst v14;
	v18 =	vmul.f32 v13, v6;
	v12 =	vld [tilespmem:s28+$0x140]  }
0x148: {  	[tilespmem:s28+$0xFFFFFFE0] =	vst v9;
	v17 =	vmul.f32 v15, v6;
	v9 =	vld [tilespmem:s28+$0x150]  }
0x149: {  	[tilespmem:s28+$0x0] =	vst v23;
	v16 =	vmul.f32 v16, v6;
	v6 =	vld [tilespmem:s28+$0x160]  }
0x14a: {  	[tilespmem:s28+$0x10] =	vst v5;
	v15 =	vmul.f32 v11, v4;
	v5 =	vld [tilespmem:s28+$0x170]  }
0x14b: {  	[tilespmem:s28+$0x20] =	vst v19;
	v14 =	vmul.f32 v8, v4;
	v8 =	vld [tilespmem:s28+$0x180]  }
0x14c: {  	[tilespmem:s28+$0x30] =	vst v10;
	v13 =	vmul.f32 v12, v4;
	v19 =	vld [tilespmem:s28+$0x190]  }
0x14d: {  	[tilespmem:s28+$0x40] =	vst v20;
	v12 =	vmul.f32 v9, v4;
	v20 =	vld [tilespmem:s28+$0x1B0]  }
0x14e: {  	[tilespmem:s28+$0x50] =	vst v7;
	v11 =	vmul.f32 v6, v4;
	v6 =	vld [tilespmem:s28+$0x1C0]  }
0x14f: {  	[tilespmem:s28+$0x60] =	vst v26;
	v10 =	vmul.f32 v5, v4;
	v5 =	vld [tilespmem:s28+$0x1D0]  }
0x150: {  	[tilespmem:s28+$0x70] =	vst v21;
	v9 =	vmul.f32 v8, v4;
	v26 =	vld [tilespmem:s28+$0x1E0]  }
.Ltmp1:
0x151: {  	[tilespmem:s28+$0x90] =	vst v22;
	v8 =	vmul.f32 v19, v4;
	v19 =	vld [tilespmem:s28+$0x1F0];
	(pc) =	sbr.rel @p0 .LBB2_5-.Ltmp1, $4  }
0x152: {  	[tilespmem:s28+$0xA0] =	vst v25;
	v7 =	vmul.f32 v20, v3;
	v20 =	vld [tilespmem:s28+$0x200]  }
0x153: {  	s28 =	sadd.s32 $0x480, s28;
	[tilespmem:s14+$0xB0] =	vst v27;
	v4 =	vmul.f32 v6, v3;
	v21 =	vld [tilespmem:s14+$0x210]  }
0x154: {  	s11 =	sadd.s32 $0x80, s11;
	v22 =	vld [tilespmem:s28+$0x230];
	[tilespmem:s14+$0xC0] =	vst v24;
	v5 =	vmul.f32 v5, v3  }
0x155: {  	s8 =	sadd.s32 $0x8, s8;
	v23 =	vld [tilespmem:s11+$0x30];
	[tilespmem:s14+$0xD0] =	vst v28;
	v6 =	vmul.f32 v26, v3  }
0x156: {  	v24 =	vld [tilespmem:s11+$0xFFFFFFC0]  }
0x157: {  	v25 =	vld [tilespmem:s28+$0xFFFFFED0]  }
0x158: {  	v26 =	vld [tilespmem:s11+$0xFFFFFFD0]  }
0x159: {  	v27 =	vld [tilespmem:s28+$0xFFFFFF60]  }
0x15a: {  	v28 =	vld [tilespmem:s28+$0xFFFFFFF0]  }
0x15b: {  	v30 =	vld [tilespmem:s11+$0xFFFFFFF0]  }
0x15c: {  	v31 =	vld [tilespmem:s28+$0x80];
	v22 =	vadd.f32 v23, v22  }
0x15d: {  	v62 =	vld [tilespmem:s11+$0x0]  }
0x15e: {  	v32 =	vld [tilespmem:s28+$0x110];
	v29 =	vmul.f32 $2.000000030e-01, v22  }
0x15f: {  	v63 =	vld [tilespmem:s11+$0x10]  }
0x160: {  	s3 =	sadd.s32 $0x7, s9;
	v33 =	vld [tilespmem:s28+$0xFFFFFE40];
	v22 =	vmax.f32 v22, v29  }
0x161: {  	v19 =	vmul.f32 v19, v3;
	s8 =	sadd.s32 $0x1, s9;
	v34 =	vmov s3;
	v23 =	vld [tilespmem:s11+$0xFFFFFFE0];
	v22 =	vsub.f32 v22, v2  }
0x162: {  	v20 =	vmul.f32 v20, v3;
	v41 =	vmov s8;
	v34 =	vmul.u32 $0x90, v34  }
0x163: {  	v21 =	vmul.f32 v21, v3;
	v25 =	vadd.f32 v26, v25;
	v22 =	vmul.f32 $1.442695020e+00, v22  }
0x164: {  	v43 =	vadd.s32 $0x80, v34;
	v28 =	vadd.f32 v30, v28;
	v42 =	vadd.f32 v62, v31  }
0x165: {  	v36 =	vld [tilespmem:s11+$0x20];
	[tilespmem:s14+$0xE0] =	vst v18;
	v26 =	vadd.f32 v63, v32;
	v24 =	vadd.f32 v24, v33;
	(erf) = vpow2.f32 v22  }
0x166: {  	[tilespmem:s14+$0x130] =	vst v14;
	v40 =	vmul.f32 $2.000000030e-01, v25;
	v44 =	vmul.f32 $2.000000030e-01, v28;
	v3 =	vadd.f32 v23, v27;
	v23 =	vld [tilespmem:s28+$0x1A0]  }
0x167: {  	[tilespmem:s14+$0x140] =	vst v13;
	v30 =	vmul.u32 $0x90, v41;
	v14 =	vmul.f32 $2.000000030e-01, v42;
	v13 =	vmul.f32 $2.000000030e-01, v26  }
0x168: {  	[tilespmem:s14+$0xF0] =	vst v17;
	v33 =	vmul.f32 $2.000000030e-01, v24;
	v29 =	vbroadcast v43, $0x0;
	v25 =	vmax.f32 v25, v40  }
0x169: {  	[tilespmem:s14+$0x100] =	vst v16;
	v28 =	vmax.f32 v28, v44;
	v14 =	vmax.f32 v42, v14;
	v35 =	vmul.f32 $2.000000030e-01, v3  }
0x16a: {  	[tilespmem:s14+$0x160] =	vst v11;
	v11 =	vmax.f32 v26, v13;
	v24 =	vmax.f32 v24, v33;
	v25 =	vsub.f32 v25, v2  }
0x16b: {  	[tilespmem:s14+$0x150] =	vst v12;
	v29 =	vor.u32 v1, v29;
	v3 =	vmax.f32 v3, v35;
	v23 =	vadd.f32 v36, v23  }
0x16c: {  	[tilespmem:s14+$0x170] =	vst v10;
	v12 =	vsub.f32 v28, v2;
	v13 =	vmul.f32 $1.442695020e+00, v25;
	v3 =	vsub.f32 v3, v2  }
0x16d: {  	[tilespmem:s14+$0x180] =	vst v9;
	v24 =	vsub.f32 v24, v2;
	v10 =	vsub.f32 v14, v2;
	v50 =	vmul.f32 $2.000000030e-01, v23  }
0x16e: {  	[tilespmem:s14+$0x190] =	vst v8;
	v8 =	vsub.f32 v11, v2;
	v51 =	vmul.f32 $1.442695020e+00, v3;
	v49 =	vpop (erf);
	(erf) = vpow2.f32 v13  }
0x16f: {  	[tilespmem:s14+$0x1B0] =	vst v7;
	v12 =	vmul.f32 $1.442695020e+00, v12;
	v7 =	vmul.f32 $1.442695020e+00, v10;
	v10 =	vadd.s32 $0x80, v30  }
0x170: {  	v14 =	vld [tilespmem:s28+$0x220];
	v9 =	vmax.f32 v23, v50;
	v13 =	vmul.f32 $1.442695020e+00, v24;
	[tilespmem:s28+$0x230] =	vst v49;
	(erf) = vpow2.f32 v51  }
0x171: {  	[tilespmem:s14+$0x1C0] =	vst v4;
	v4 =	vmul.f32 $1.442695020e+00, v8;
	v9 =	vsub.f32 v9, v2;
	v3 =	vld.idx.msk [tilespmem:v29+s18+$0x0], $0xffff;
	(erf) = vpow2.f32 v12  }
0x172: {  	v18 =	vld [tilespmem:s28+$0xFFFFFDC0];
	[tilespmem:s14+$0x120] =	vst v15;
	v8 =	vbroadcast v10, $0x0;
	(erf) = vpow2.f32 v13  }
0x173: {  	v17 =	vld [tilespmem:s28+$0xFFFFFDD0];
	[tilespmem:s14+$0x1D0] =	vst v5;
	v22 =	vmov s9;
	v5 =	vmul.f32 $1.442695020e+00, v9;
	(erf) = vpow2.f32 v7  }
0x174: {  	v16 =	vld [tilespmem:s28+$0xFFFFFDE0];
	[tilespmem:s14+$0x1E0] =	vst v6;
	v13 =	vmul.u32 $0x90, v22;
	(erf) = vpow2.f32 v4;
	v4 =	vor.u32 v1, v8  }
0x175: {  	v15 =	vld [tilespmem:s28+$0xFFFFFDF0];
	[tilespmem:s14+$0x1F0] =	vst v19;
	(erf) = vpow2.f32 v5  }
0x176: {  	v45 =	vld [tilespmem:s28+$0xFFFFFE00];
	[tilespmem:s14+$0x200] =	vst v20;
	v6 =	vadd.s32 $0x80, v13;
	v13 =	vmul.f32 v14, v3  }
0x177: {  	v46 =	vld [tilespmem:s28+$0xFFFFFE10];
	[tilespmem:s14+$0x210] =	vst v21;
	v19 =	vpop (erf)  }
0x178: {  	v48 =	vld [tilespmem:s28+$0xFFFFFE50];
	[tilespmem:s28+$0xFFFFFED0] =	vst v19  }
0x179: {  	[tilespmem:s28+$0x220] =	vst v13;
	v20 =	vpop (erf);
	v4 =	vld.idx.msk [tilespmem:v4+s18+$0x0], $0xffff  }
0x17a: {  	v52 =	vld [tilespmem:s28+$0xFFFFFE60];
	v5 =	vbroadcast v6, $0x0;
	v13 =	vpop (erf);
	[tilespmem:s28+$0xFFFFFF60] =	vst v20  }
0x17b: {  	s15 =	sadd.s32 $0x2, s9;
	v11 =	vld [tilespmem:s28+$0xFFFFFE70];
	v20 =	vpop (erf);
	[tilespmem:s28+$0xFFFFFFF0] =	vst v13  }
0x17c: {  	v21 =	vmov s15;
	v12 =	vld [tilespmem:s28+$0xFFFFFE80];
	v5 =	vor.u32 v1, v5;
	[tilespmem:s28+$0xFFFFFE40] =	vst v20;
	v13 =	vpop (erf)  }
0x17d: {  	v21 =	vmul.u32 $0x90, v21;
	v10 =	vld [tilespmem:s28+$0xFFFFFE90];
	[tilespmem:s28+$0x80] =	vst v13;
	v13 =	vpop (erf)  }
0x17e: {  	v7 =	vld [tilespmem:s28+$0xFFFFFEA0];
	[tilespmem:s28+$0x110] =	vst v13;
	v13 =	vpop (erf);
	v25 =	vmul.f32 v48, v4  }
0x17f: {  	s8 =	sadd.s32 $0x4, s9;
	v21 =	vadd.s32 $0x80, v21;
	v8 =	vld [tilespmem:s28+$0xFFFFFEB0];
	[tilespmem:s28+$0x1A0] =	vst v13;
	v13 =	vmul.f32 v52, v4  }
0x180: {  	s23 =	sadd.s32 $0x3, s9;
	v53 =	vmov s8;
	v21 =	vbroadcast v21, $0x0;
	v6 =	vld [tilespmem:s28+$0xFFFFFEC0];
	v11 =	vmul.f32 v11, v4;
	[tilespmem:s28+$0xFFFFFE50] =	vst v25  }
0x181: {  	s11 =	sadd.s32 $0x6, s9;
	v24 =	vmul.u32 $0x90, v53;
	v22 =	vmov s23;
	v5 =	vld.idx.msk [tilespmem:v5+s18+$0x0], $0xffff;
	v12 =	vmul.f32 v12, v4;
	[tilespmem:s28+$0xFFFFFE60] =	vst v13  }
0x182: {  	v47 =	vld [tilespmem:s28+$0xFFFFFE20];
	v54 =	vmov s11;
	v22 =	vmul.u32 $0x90, v22;
	v10 =	vmul.f32 v10, v4;
	[tilespmem:s28+$0xFFFFFE70] =	vst v11  }
0x183: {  	s8 =	sadd.s32 $0x5, s9;
	v21 =	vor.u32 v1, v21;
	v23 =	vld [tilespmem:s28+$0xFFFFFE30];
	v24 =	vadd.s32 $0x80, v24;
	v7 =	vmul.f32 v7, v4;
	[tilespmem:s28+$0xFFFFFE80] =	vst v12  }
0x184: {  	v9 =	vld [tilespmem:s28+$0xFFFFFEE0];
	v22 =	vadd.s32 $0x80, v22;
	v20 =	vmov s8;
	v8 =	vmul.f32 v8, v4;
	[tilespmem:s28+$0xFFFFFE90] =	vst v10  }
0x185: {  	v14 =	vld [tilespmem:s28+$0xFFFFFEF0];
	v22 =	vbroadcast v22, $0x0;
	v20 =	vmul.u32 $0x90, v20;
	v4 =	vmul.f32 v6, v4;
	[tilespmem:s28+$0xFFFFFEA0] =	vst v7  }
0x186: {  	v28 =	vmul.u32 $0x90, v54;
	v24 =	vbroadcast v24, $0x0;
	v19 =	vld [tilespmem:s28+$0xFFFFFF00];
	[tilespmem:s28+$0xFFFFFEB0] =	vst v8;
	v18 =	vmul.f32 v18, v5  }
0x187: {  	v22 =	vor.u32 v1, v22;
	v20 =	vadd.s32 $0x80, v20;
	v6 =	vld [tilespmem:s28+$0xFFFFFF40];
	[tilespmem:s28+$0xFFFFFEC0] =	vst v4;
	v16 =	vmul.f32 v16, v5  }
0x188: {  	v13 =	vbroadcast v20, $0x0;
	v20 =	vadd.s32 $0x80, v28;
	v12 =	vld [tilespmem:s28+$0xFFFFFF20];
	v17 =	vmul.f32 v17, v5;
	[tilespmem:s28+$0xFFFFFDC0] =	vst v18  }
0x189: {  	v20 =	vbroadcast v20, $0x0;
	v15 =	vmul.f32 v15, v5;
	[tilespmem:s28+$0xFFFFFDE0] =	vst v16;
	v16 =	vld.idx.msk [tilespmem:v21+s18+$0x0], $0xffff  }
0x18a: {  	v11 =	vor.u32 v1, v24;
	v10 =	vld [tilespmem:s28+$0xFFFFFF30];
	[tilespmem:s28+$0xFFFFFDD0] =	vst v17;
	v18 =	vmul.f32 v45, v5  }
0x18b: {  	v8 =	vld [tilespmem:s28+$0xFFFFFF50];
	v13 =	vor.u32 v1, v13;
	v17 =	vor.u32 v1, v20;
	v20 =	vmul.f32 v46, v5;
	[tilespmem:s28+$0xFFFFFDF0] =	vst v15  }
0x18c: {  	v4 =	vld [tilespmem:s28+$0xFFFFFF70];
	v21 =	vmul.f32 v47, v5;
	v5 =	vmul.f32 v23, v5;
	[tilespmem:s28+$0xFFFFFE00] =	vst v18  }
0x18d: {  	v15 =	vld.idx.msk [tilespmem:v22+s18+$0x0], $0xffff;
	[tilespmem:s28+$0xFFFFFE10] =	vst v20  }
0x18e: {  	[tilespmem:s28+$0xFFFFFE30] =	vst v5;
	v5 =	vld [tilespmem:s28+$0xFFFFFF10];
	v7 =	vmul.f32 v9, v16  }
0x18f: {  	v11 =	vld.idx.msk [tilespmem:v11+s18+$0x0], $0xffff;
	[tilespmem:s28+$0xFFFFFE20] =	vst v21;
	v9 =	vmul.f32 v14, v16  }
0x190: {  	v13 =	vld.idx.msk [tilespmem:v13+s18+$0x0], $0xffff;
	v14 =	vmul.f32 v19, v16;
	[tilespmem:s28+$0xFFFFFEE0] =	vst v7  }
0x191: {  	v17 =	vld.idx.msk [tilespmem:v17+s18+$0x0], $0xffff;
	v12 =	vmul.f32 v12, v16;
	[tilespmem:s28+$0xFFFFFEF0] =	vst v9  }
0x192: {  	v10 =	vmul.f32 v10, v16;
	v7 =	vld [tilespmem:s28+$0xFFFFFF80];
	[tilespmem:s28+$0xFFFFFF00] =	vst v14  }
0x193: {  	v5 =	vmul.f32 v5, v16;
	v9 =	vld [tilespmem:s28+$0xFFFFFF90];
	[tilespmem:s28+$0xFFFFFF20] =	vst v12  }
0x194: {  	v6 =	vmul.f32 v6, v16;
	v14 =	vld [tilespmem:s28+$0xFFFFFFA0];
	[tilespmem:s28+$0xFFFFFF30] =	vst v10  }
0x195: {  	v8 =	vmul.f32 v8, v16;
	[tilespmem:s28+$0xFFFFFF10] =	vst v5;
	v5 =	vld [tilespmem:s28+$0xFFFFFFB0]  }
0x196: {  	v4 =	vmul.f32 v4, v15;
	v12 =	vld [tilespmem:s28+$0xFFFFFFC0];
	[tilespmem:s28+$0xFFFFFF40] =	vst v6  }
0x197: {  	v10 =	vld [tilespmem:s28+$0xFFFFFFD0];
	[tilespmem:s28+$0xFFFFFF50] =	vst v8;
	v6 =	vmul.f32 v7, v15  }
0x198: {  	[tilespmem:s28+$0xFFFFFF70] =	vst v4;
	v7 =	vld [tilespmem:s28+$0xFFFFFFE0];
	v8 =	vmul.f32 v9, v15  }
0x199: {  	v9 =	vld [tilespmem:s28+$0x0];
	v4 =	vmul.f32 v14, v15;
	[tilespmem:s28+$0xFFFFFF80] =	vst v6  }
0x19a: {  	v14 =	vld [tilespmem:s28+$0x10];
	v5 =	vmul.f32 v5, v15;
	[tilespmem:s28+$0xFFFFFF90] =	vst v8  }
0x19b: {  	v6 =	vld [tilespmem:s28+$0x20];
	v8 =	vmul.f32 v12, v15;
	[tilespmem:s28+$0xFFFFFFA0] =	vst v4  }
0x19c: {  	v12 =	vld [tilespmem:s28+$0x30];
	v4 =	vmul.f32 v10, v15;
	[tilespmem:s28+$0xFFFFFFB0] =	vst v5  }
0x19d: {  	v10 =	vld [tilespmem:s28+$0x40];
	[tilespmem:s28+$0xFFFFFFC0] =	vst v8;
	v5 =	vmul.f32 v7, v15  }
0x19e: {  	[tilespmem:s28+$0xFFFFFFD0] =	vst v4;
	v7 =	vld [tilespmem:s28+$0x50];
	v8 =	vmul.f32 v9, v11  }
0x19f: {  	v9 =	vld [tilespmem:s28+$0x60];
	v4 =	vmul.f32 v14, v11;
	[tilespmem:s28+$0xFFFFFFE0] =	vst v5  }
0x1a0: {  	v14 =	vld [tilespmem:s28+$0x70];
	v5 =	vmul.f32 v6, v11;
	[tilespmem:s28+$0x0] =	vst v8  }
0x1a1: {  	v6 =	vld [tilespmem:s28+$0x90];
	v8 =	vmul.f32 v12, v11;
	[tilespmem:s28+$0x10] =	vst v4  }
0x1a2: {  	v12 =	vld [tilespmem:s28+$0xA0];
	v4 =	vmul.f32 v10, v11;
	[tilespmem:s28+$0x20] =	vst v5  }
0x1a3: {  	v10 =	vld [tilespmem:s28+$0xB0];
	[tilespmem:s28+$0x30] =	vst v8;
	v5 =	vmul.f32 v7, v11  }
0x1a4: {  	[tilespmem:s28+$0x40] =	vst v4;
	v7 =	vld [tilespmem:s28+$0xC0];
	v8 =	vmul.f32 v9, v11  }
0x1a5: {  	v9 =	vld [tilespmem:s28+$0xD0];
	v4 =	vmul.f32 v14, v11;
	[tilespmem:s28+$0x50] =	vst v5  }
0x1a6: {  	v11 =	vld [tilespmem:s28+$0xE0];
	v5 =	vmul.f32 v6, v13;
	[tilespmem:s28+$0x60] =	vst v8  }
0x1a7: {  	v6 =	vld [tilespmem:s28+$0xF0];
	v8 =	vmul.f32 v12, v13;
	[tilespmem:s28+$0x70] =	vst v4  }
0x1a8: {  	v12 =	vld [tilespmem:s28+$0x100];
	v4 =	vmul.f32 v10, v13;
	[tilespmem:s28+$0x90] =	vst v5  }
0x1a9: {  	v10 =	vld [tilespmem:s28+$0x120];
	[tilespmem:s28+$0xA0] =	vst v8;
	v5 =	vmul.f32 v7, v13  }
0x1aa: {  	[tilespmem:s28+$0xB0] =	vst v4;
	v7 =	vld [tilespmem:s28+$0x130];
	v8 =	vmul.f32 v9, v13  }
0x1ab: {  	v9 =	vld [tilespmem:s28+$0x140];
	v4 =	vmul.f32 v11, v13;
	[tilespmem:s28+$0xC0] =	vst v5  }
0x1ac: {  	v11 =	vld [tilespmem:s28+$0x150];
	v5 =	vmul.f32 v6, v13;
	[tilespmem:s28+$0xD0] =	vst v8  }
0x1ad: {  	v6 =	vld [tilespmem:s28+$0x160];
	v8 =	vmul.f32 v12, v13;
	[tilespmem:s28+$0xE0] =	vst v4  }
0x1ae: {  	v12 =	vld [tilespmem:s28+$0x170];
	v4 =	vmul.f32 v10, v17;
	[tilespmem:s28+$0xF0] =	vst v5  }
0x1af: {  	v10 =	vld [tilespmem:s28+$0x180];
	[tilespmem:s28+$0x100] =	vst v8;
	v5 =	vmul.f32 v7, v17  }
0x1b0: {  	[tilespmem:s28+$0x120] =	vst v4;
	v7 =	vld [tilespmem:s28+$0x190];
	v8 =	vmul.f32 v9, v17  }
0x1b1: {  	v4 =	vmul.f32 v11, v17;
	v9 =	vld [tilespmem:s28+$0x1B0];
	[tilespmem:s28+$0x130] =	vst v5  }
0x1b2: {  	v5 =	vmul.f32 v6, v17;
	v6 =	vld [tilespmem:s28+$0x1C0];
	[tilespmem:s28+$0x140] =	vst v8  }
0x1b3: {  	v11 =	vld [tilespmem:s28+$0x1D0];
	v8 =	vmul.f32 v12, v17;
	[tilespmem:s28+$0x150] =	vst v4  }
0x1b4: {  	v4 =	vmul.f32 v10, v17;
	v10 =	vld [tilespmem:s28+$0x1E0];
	[tilespmem:s28+$0x160] =	vst v5  }
0x1b5: {  	[tilespmem:s28+$0x170] =	vst v8;
	v5 =	vmul.f32 v7, v17;
	v7 =	vld [tilespmem:s28+$0x1F0]  }
0x1b6: {  	[tilespmem:s28+$0x180] =	vst v4;
	v8 =	vmul.f32 v9, v3;
	v9 =	vld [tilespmem:s28+$0x200]  }
0x1b7: {  	v4 =	vmul.f32 v6, v3;
	v6 =	vld [tilespmem:s28+$0x210];
	[tilespmem:s28+$0x190] =	vst v5  }
0x1b8: {  	v5 =	vmul.f32 v11, v3;
	[tilespmem:s28+$0x1B0] =	vst v8  }
0x1b9: {  	v8 =	vmul.f32 v10, v3;
	[tilespmem:s28+$0x1C0] =	vst v4  }
0x1ba: {  	[tilespmem:s28+$0x1D0] =	vst v5;
	v4 =	vmul.f32 v7, v3  }
0x1bb: {  	[tilespmem:s28+$0x1E0] =	vst v8;
	v5 =	vmul.f32 v9, v3  }
0x1bc: {  	v3 =	vmul.f32 v6, v3;
	[tilespmem:s28+$0x1F0] =	vst v4  }
0x1bd: {  	[tilespmem:s28+$0x200] =	vst v5  }
0x1be: {  	[tilespmem:s28+$0x210] =	vst v3  }
0x1bf: {  	[spmem:s2] =	stream.indirect.scatter.add.f32 [tilespmem:s18], [sflag:$0x7], $0x90, s7, s7, $0xb8;
	[tilespmem:$0x1CE90] =	vst v63  }
0x1c0: {  	s28 =	smul.u32 $0x140, s26;
	_ =	swait.ge [sflag:s31], $0x2D00  }
0x1c1: {  	s14 =	rddreg [dreg:$0xc]  }
0x1c2: {  	s3 =	sadd.s32 s28, s14  }
0x1c3: {  	[sflag:s31] =	ssyncset.done $0x0;
	s3 =	sshrl.u32 s3, $0x3  }
0x1c4: {  	s15 =	simm.s32 $0x0;
	[sflag:s31] =	ssyncadd.s32 $0xFFFFD300;
	s3 =	sadd.s32 s1, s3  }
0x1c5: {  	[tilespmem:s15], [sflag:$0x3] =	stream.linear.gather [hbm4b:s3+s15], $0x50, $0x38;
	[tilespmem:$0x1CE90] =	vst v63  }
0x1c6: {  	s3 =	sadd.s32 $0x9C40, s3  }
0x1c7: {  	[tilespmem:s7], [sflag:$0x3] =	stream.linear.gather [hbm4b:s3+s15], $0x50, $0x38;
	[tilespmem:$0x1CE90] =	vst v63  }
0x1c8: {  	_ =	swait.ge [sflag:s24], $0x50  }
0x1c9: {  	[sflag:s24] =	ssyncset.done $0x0  }
0x1ca: {  	[sflag:s24] =	ssyncadd.s32 $0xFFFFFFB0  }
0x1cb: {  	_ =	swait.ge [sflag:s24], $0x50  }
0x1cc: {  	[sflag:s24] =	ssyncset.done $0x0  }
0x1cd: {  	s23 =	simm.s32 $0xA0;
	[sflag:s24] =	ssyncadd.s32 $0xFFFFFFB0  }
0x1ce: {  	[tilespmem:s18], [sflag:$0x1] =	stream.indirect.gather [hbm4b:s5+s7], $0x90, s23, s7, $0xb8;
	[tilespmem:$0x1CE90] =	vst v63  }
0x1cf: {  	_ = 	snop  }
0x1d0: {  	[tilespmem:s19], [sflag:$0x1] =	stream.indirect.gather [hbm4b:s6+s7], $0x10, s12, s7, $0xb8;
	[tilespmem:$0x1CE90] =	vst v63  }
0x1d1: {  	_ =	swait.ge [sflag:s20], $0x2D00  }
0x1d2: {  	[sflag:s20] =	ssyncset.done $0x0  }
0x1d3: {  	[sflag:s20] =	ssyncadd.s32 $0xFFFFD300  }
0x1d4: {  	_ =	swait.ge [sflag:s20], $0x500  }
0x1d5: {  	[sflag:s20] =	ssyncset.done $0x0  }
0x1d6: {  	s14 =	simm.s32 $0x36C0;
	[sflag:s20] =	ssyncadd.s32 $0xFFFFFB00  }
0x1d7: {  	s3 =	simm.s32 $0x61C0;
	v3 =	vld [tilespmem:s14+$0x230]  }
0x1d8: {  	v4 =	vld [tilespmem:s3+$0x30]  }
0x1d9: {  	v5 =	vld [tilespmem:s3+$0xFFFFFFC0]  }
0x1da: {  	v6 =	vld [tilespmem:s14+$0xFFFFFED0]  }
0x1db: {  	v7 =	vld [tilespmem:s3+$0xFFFFFFD0]  }
0x1dc: {  	v8 =	vld [tilespmem:s14+$0xFFFFFF60]  }
0x1dd: {  	v9 =	vld [tilespmem:s3+$0xFFFFFFE0]  }
0x1de: {  	v11 =	vld [tilespmem:s3+$0xFFFFFFF0]  }
0x1df: {  	v13 =	vld [tilespmem:s14+$0x80]  }
0x1e0: {  	v16 =	vld [tilespmem:s3+$0x0]  }
0x1e1: {  	v18 =	vld [tilespmem:s3+$0x10]  }
0x1e2: {  	s11 =	simm.s32 $0x2;
	v22 =	vld [tilespmem:s14+$0x1A0]  }
0x1e3: {  	s9 =	simm.s32 $0x1;
	v14 =	vmov s11;
	v3 =	vadd.f32 v4, v3;
	v4 =	vld [tilespmem:s14+$0xFFFFFFF0]  }
0x1e4: {  	v6 =	vadd.f32 v7, v6;
	v7 =	vmov s9;
	v8 =	vadd.f32 v9, v8;
	v9 =	vld [tilespmem:s14+$0x110]  }
0x1e5: {  	s11 =	simm.s32 $0x5;
	v23 =	vld [tilespmem:s14+$0xFFFFFDC0];
	v13 =	vadd.f32 v16, v13;
	v7 =	vmul.u32 $0x90, v7;
	v12 =	vmul.f32 $2.000000030e-01, v3  }
0x1e6: {  	v19 =	vmov s11;
	v59 =	vld [tilespmem:s14+$0xFFFFFE20];
	v17 =	vmul.f32 $2.000000030e-01, v6;
	v21 =	vmul.f32 $2.000000030e-01, v8  }
0x1e7: {  	s23 =	simm.s32 $0x4;
	v60 =	vld [tilespmem:s14+$0xFFFFFE30];
	v55 =	vmul.f32 $2.000000030e-01, v13;
	v7 =	vadd.s32 $0x80, v7;
	v3 =	vmax.f32 v3, v12  }
0x1e8: {  	v12 =	vmov s23;
	v6 =	vmax.f32 v6, v17;
	v17 =	vld [tilespmem:s14+$0xFFFFFE40];
	v3 =	vsub.f32 v3, v2  }
0x1e9: {  	v4 =	vadd.f32 v11, v4;
	v11 =	vmul.u32 $0x90, v14;
	v14 =	vld [tilespmem:s3+$0x20];
	v9 =	vadd.f32 v18, v9  }
0x1ea: {  	v63 =	vld [tilespmem:s14+$0xFFFFFE60];
	s23 =	simm.s32 $0x7;
	v13 =	vmax.f32 v13, v55;
	v6 =	vsub.f32 v6, v2;
	v3 =	vmul.f32 $1.442695020e+00, v3  }
0x1eb: {  	v37 =	vld [tilespmem:s14+$0xFFFFFEC0];
	v16 =	vmov s23;
	v13 =	vsub.f32 v13, v2;
	v56 =	vmul.f32 $2.000000030e-01, v9  }
0x1ec: {  	v38 =	vld [tilespmem:s14+$0xFFFFFEE0];
	v16 =	vmul.u32 $0x90, v16;
	v6 =	vmul.f32 $1.442695020e+00, v6;
	(erf) = vpow2.f32 v3  }
0x1ed: {  	v39 =	vld [tilespmem:s14+$0xFFFFFEF0];
	v3 =	vmax.f32 v8, v21;
	v8 =	vmul.f32 $2.000000030e-01, v4;
	v5 =	vadd.f32 v5, v17  }
0x1ee: {  	v41 =	vld [tilespmem:s14+$0xFFFFFF00];
	v9 =	vmax.f32 v9, v56;
	v3 =	vsub.f32 v3, v2;
	v14 =	vadd.f32 v14, v22  }
0x1ef: {  	v45 =	vld [tilespmem:s14+$0xFFFFFFC0];
	v4 =	vmax.f32 v4, v8;
	v8 =	vadd.s32 $0x80, v16;
	v58 =	vmul.f32 $2.000000030e-01, v5  }
0x1f0: {  	v48 =	vld [tilespmem:s14+$0x30];
	(erf) = vpow2.f32 v6;
	v8 =	vbroadcast v8, $0x0;
	v4 =	vsub.f32 v4, v2  }
0x1f1: {  	v50 =	vld [tilespmem:s14+$0x40];
	v57 =	vmul.f32 $2.000000030e-01, v14;
	v61 =	vmul.f32 $1.442695020e+00, v3;
	v5 =	vmax.f32 v5, v58  }
0x1f2: {  	v51 =	vld [tilespmem:s14+$0x50];
	v8 =	vor.u32 v1, v8;
	v4 =	vmul.f32 $1.442695020e+00, v4;
	v5 =	vsub.f32 v5, v2  }
0x1f3: {  	v52 =	vld [tilespmem:s14+$0x60];
	v13 =	vmul.f32 $1.442695020e+00, v13;
	v9 =	vsub.f32 v9, v2;
	(erf) = vpow2.f32 v61  }
0x1f4: {  	v53 =	vld [tilespmem:s14+$0x100];
	v3 =	vmax.f32 v14, v57;
	v5 =	vmul.f32 $1.442695020e+00, v5;
	(erf) = vpow2.f32 v4  }
0x1f5: {  	v55 =	vld [tilespmem:s14+$0x170];
	v6 =	vmul.u32 $0x90, v12;
	v3 =	vsub.f32 v3, v2;
	v4 =	vbroadcast v7, $0x0;
	v62 =	vpop (erf)  }
0x1f6: {  	v18 =	vld [tilespmem:s14+$0xFFFFFDE0];
	v12 =	vmul.u32 $0x90, v19;
	v9 =	vmul.f32 $1.442695020e+00, v9;
	(erf) = vpow2.f32 v5;
	[tilespmem:s14+$0x230] =	vst v62  }
0x1f7: {  	v36 =	vmul.f32 $1.442695020e+00, v3;
	v4 =	vor.u32 v1, v4;
	(erf) = vpow2.f32 v13;
	v3 =	vld.idx.msk [tilespmem:v8+s4+$0x0], $0xffff  }
0x1f8: {  	v12 =	vadd.s32 $0x80, v12;
	v8 =	vld [tilespmem:s14+$0x220];
	(erf) = vpow2.f32 v9  }
0x1f9: {  	v21 =	vld [tilespmem:s14+$0xFFFFFDD0];
	v12 =	vbroadcast v12, $0x0  }
0x1fa: {  	v10 =	vmov s15;
	s15 =	simm.s32 $0x3;
	v17 =	vld [tilespmem:s14+$0xFFFFFE00];
	v40 =	vpop (erf)  }
0x1fb: {  	v15 =	vmov s15;
	v14 =	vld [tilespmem:s14+$0xFFFFFE50];
	[tilespmem:s14+$0xFFFFFED0] =	vst v40  }
0x1fc: {  	v15 =	vmul.u32 $0x90, v15;
	v11 =	vadd.s32 $0x80, v11;
	v42 =	vpop (erf);
	v43 =	vld.idx.msk [tilespmem:v4+s4+$0x0], $0xffff  }
0x1fd: {  	s15 =	simm.s32 $0x6;
	v11 =	vbroadcast v11, $0x0;
	v19 =	vld [tilespmem:s14+$0xFFFFFE70];
	v4 =	vor.u32 v1, v12;
	[tilespmem:s14+$0xFFFFFF60] =	vst v42;
	v12 =	vpop (erf);
	v8 =	vmul.f32 v8, v3  }
0x1fe: {  	v10 =	vmul.u32 $0x90, v10;
	v20 =	vmov s15;
	v7 =	vld [tilespmem:s14+$0xFFFFFE80];
	[tilespmem:s14+$0xFFFFFFF0] =	vst v12  }
0x1ff: {  	v11 =	vor.u32 v1, v11;
	v5 =	vmul.u32 $0x90, v20;
	v20 =	vld [tilespmem:s14+$0xFFFFFE90];
	v13 =	vadd.s32 $0x80, v15;
	v12 =	vpop (erf);
	[tilespmem:s14+$0x220] =	vst v8  }
0x200: {  	v10 =	vadd.s32 $0x80, v10;
	v15 =	vld [tilespmem:s14+$0xFFFFFEA0];
	v9 =	vbroadcast v13, $0x0;
	(erf) = vpow2.f32 v36;
	[tilespmem:s14+$0xFFFFFE40] =	vst v12;
	v12 =	vpop (erf)  }
0x201: {  	v10 =	vbroadcast v10, $0x0;
	v13 =	vld [tilespmem:s14+$0xFFFFFEB0];
	v14 =	vmul.f32 v14, v43;
	[tilespmem:s14+$0x80] =	vst v12;
	v12 =	vpop (erf)  }
0x202: {  	v22 =	vld [tilespmem:s14+$0xFFFFFE10];
	v6 =	vadd.s32 $0x80, v6;
	v9 =	vor.u32 v1, v9;
	v19 =	vmul.f32 v19, v43;
	[tilespmem:s14+$0x110] =	vst v12  }
0x203: {  	v16 =	vld [tilespmem:s14+$0xFFFFFDF0];
	v6 =	vbroadcast v6, $0x0;
	v7 =	vmul.f32 v7, v43;
	[tilespmem:s14+$0xFFFFFE50] =	vst v14  }
0x204: {  	v10 =	vor.u32 v1, v10;
	v5 =	vadd.s32 $0x80, v5;
	v11 =	vld.idx.msk [tilespmem:v11+s4+$0x0], $0xffff;
	v20 =	vmul.f32 v20, v43;
	[tilespmem:s14+$0xFFFFFE70] =	vst v19  }
0x205: {  	v57 =	vld [tilespmem:s14+$0x190];
	v6 =	vor.u32 v1, v6;
	v5 =	vbroadcast v5, $0x0;
	v15 =	vmul.f32 v15, v43;
	[tilespmem:s14+$0xFFFFFE80] =	vst v7  }
0x206: {  	v62 =	vld [tilespmem:s14+$0x1C0];
	v13 =	vmul.f32 v13, v43;
	[tilespmem:s14+$0xFFFFFE90] =	vst v20  }
0x207: {  	v5 =	vor.u32 v1, v5;
	v9 =	vld.idx.msk [tilespmem:v9+s4+$0x0], $0xffff;
	v24 =	vmul.f32 v37, v43;
	[tilespmem:s14+$0xFFFFFEA0] =	vst v15  }
0x208: {  	v8 =	vld [tilespmem:s14+$0xFFFFFF10];
	[tilespmem:s14+$0xFFFFFEB0] =	vst v13  }
0x209: {  	v10 =	vld.idx.msk [tilespmem:v10+s4+$0x0], $0xffff;
	v12 =	vpop (erf);
	v46 =	vmul.f32 v38, v11;
	[tilespmem:s14+$0xFFFFFEC0] =	vst v24  }
0x20a: {  	v6 =	vld.idx.msk [tilespmem:v6+s4+$0x0], $0xffff;
	v47 =	vmul.f32 v39, v11;
	[tilespmem:s14+$0x1A0] =	vst v12  }
0x20b: {  	v49 =	vmul.f32 v41, v11;
	v12 =	vld.idx.msk [tilespmem:v4+s4+$0x0], $0xffff;
	[tilespmem:s14+$0xFFFFFEE0] =	vst v46  }
0x20c: {  	v4 =	vld.idx.msk [tilespmem:v5+s4+$0x0], $0xffff;
	v5 =	vmul.f32 v63, v43;
	[tilespmem:s14+$0xFFFFFEF0] =	vst v47  }
0x20d: {  	v14 =	vld [tilespmem:s14+$0xFFFFFF20];
	v8 =	vmul.f32 v8, v11;
	[tilespmem:s14+$0xFFFFFF00] =	vst v49  }
0x20e: {  	v19 =	vld [tilespmem:s14+$0xFFFFFF40];
	v23 =	vmul.f32 v23, v10;
	[tilespmem:s14+$0xFFFFFE60] =	vst v5  }
0x20f: {  	v7 =	vld [tilespmem:s14+$0xFFFFFFE0];
	v21 =	vmul.f32 v21, v10;
	[tilespmem:s14+$0xFFFFFF10] =	vst v8  }
0x210: {  	v20 =	vld [tilespmem:s14+$0x0];
	v18 =	vmul.f32 v18, v10;
	[tilespmem:s14+$0xFFFFFDC0] =	vst v23  }
0x211: {  	v15 =	vld [tilespmem:s14+$0x10];
	v16 =	vmul.f32 v16, v10;
	[tilespmem:s14+$0xFFFFFDD0] =	vst v21  }
0x212: {  	v13 =	vld [tilespmem:s14+$0x20];
	v17 =	vmul.f32 v17, v10;
	[tilespmem:s14+$0xFFFFFDE0] =	vst v18  }
0x213: {  	v63 =	vld [tilespmem:s14+$0x1D0];
	v22 =	vmul.f32 v22, v10;
	[tilespmem:s14+$0xFFFFFDF0] =	vst v16  }
0x214: {  	v5 =	vld [tilespmem:s14+$0xFFFFFF30];
	v44 =	vmul.f32 v59, v10;
	[tilespmem:s14+$0xFFFFFE00] =	vst v17  }
0x215: {  	v10 =	vmul.f32 v60, v10;
	v8 =	vld [tilespmem:s14+$0x70];
	[tilespmem:s14+$0xFFFFFE10] =	vst v22  }
0x216: {  	v14 =	vmul.f32 v14, v11;
	v23 =	vld [tilespmem:s14+$0xFFFFFF50];
	[tilespmem:s14+$0xFFFFFE20] =	vst v44  }
0x217: {  	v19 =	vmul.f32 v19, v11;
	v21 =	vld [tilespmem:s14+$0xFFFFFF70];
	[tilespmem:s14+$0xFFFFFE30] =	vst v10  }
0x218: {  	v7 =	vmul.f32 v7, v9;
	v18 =	vld [tilespmem:s14+$0xFFFFFF80];
	[tilespmem:s14+$0xFFFFFF20] =	vst v14  }
0x219: {  	v15 =	vmul.f32 v15, v6;
	v16 =	vld [tilespmem:s14+$0xFFFFFF90];
	[tilespmem:s14+$0xFFFFFF40] =	vst v19  }
0x21a: {  	v13 =	vmul.f32 v13, v6;
	v17 =	vld [tilespmem:s14+$0xFFFFFFA0];
	[tilespmem:s14+$0xFFFFFFE0] =	vst v7  }
0x21b: {  	v54 =	vmul.f32 v51, v6;
	v22 =	vld [tilespmem:s14+$0xFFFFFFB0];
	[tilespmem:s14+$0x10] =	vst v15  }
0x21c: {  	v10 =	vld [tilespmem:s14+$0xFFFFFFD0];
	v15 =	vmul.f32 v52, v6;
	[tilespmem:s14+$0x20] =	vst v13  }
0x21d: {  	v14 =	vld [tilespmem:s14+$0x90];
	[tilespmem:s14+$0x50] =	vst v54;
	v5 =	vmul.f32 v5, v11  }
0x21e: {  	v19 =	vld [tilespmem:s14+$0xB0];
	[tilespmem:s14+$0x60] =	vst v15;
	v11 =	vmul.f32 v23, v11;
	v21 =	vmul.f32 v21, v9  }
0x21f: {  	v7 =	vld [tilespmem:s14+$0x150];
	[tilespmem:s14+$0xFFFFFF30] =	vst v5;
	v18 =	vmul.f32 v18, v9;
	v16 =	vmul.f32 v16, v9  }
0x220: {  	v5 =	vld [tilespmem:s14+$0xA0];
	v17 =	vmul.f32 v17, v9;
	v22 =	vmul.f32 v22, v9;
	[tilespmem:s14+$0xFFFFFF50] =	vst v11  }
0x221: {  	v23 =	vmul.f32 v45, v9;
	v10 =	vmul.f32 v10, v9;
	v9 =	vld [tilespmem:s14+$0x130];
	[tilespmem:s14+$0xFFFFFF70] =	vst v21  }
0x222: {  	v11 =	vld [tilespmem:s14+$0xC0];
	[tilespmem:s14+$0xFFFFFF80] =	vst v18  }
0x223: {  	v21 =	vld [tilespmem:s14+$0xD0];
	[tilespmem:s14+$0xFFFFFF90] =	vst v16  }
0x224: {  	v18 =	vld [tilespmem:s14+$0xE0];
	[tilespmem:s14+$0xFFFFFFA0] =	vst v17  }
0x225: {  	v56 =	vmul.f32 v14, v12;
	v16 =	vld [tilespmem:s14+$0xF0];
	[tilespmem:s14+$0xFFFFFFB0] =	vst v22;
	v17 =	vmul.f32 v20, v6  }
0x226: {  	v58 =	vmul.f32 v19, v12;
	v22 =	vld [tilespmem:s14+$0x120];
	[tilespmem:s14+$0xFFFFFFD0] =	vst v10;
	v20 =	vmul.f32 v48, v6  }
0x227: {  	v10 =	vld [tilespmem:s14+$0x140];
	[tilespmem:s14+$0x0] =	vst v17;
	v17 =	vmul.f32 v50, v6;
	v6 =	vmul.f32 v8, v6  }
0x228: {  	[tilespmem:s14+$0xFFFFFFC0] =	vst v23;
	v23 =	vld [tilespmem:s14+$0x160];
	v5 =	vmul.f32 v5, v12;
	v14 =	vmul.f32 v9, v4  }
0x229: {  	v60 =	vld [tilespmem:s14+$0x1B0];
	[tilespmem:s14+$0x90] =	vst v56;
	v59 =	vmul.f32 v11, v12;
	v61 =	vmul.f32 v21, v12  }
0x22a: {  	v8 =	vld [tilespmem:s14+$0x180];
	[tilespmem:s14+$0x40] =	vst v17;
	v18 =	vmul.f32 v18, v12;
	v17 =	vmul.f32 v16, v12  }
0x22b: {  	[tilespmem:s14+$0x70] =	vst v6;
	v6 =	vld [tilespmem:s14+$0x1E0];
	v16 =	vmul.f32 v53, v12;
	v15 =	vmul.f32 v22, v4  }
0x22c: {  	v19 =	vld [tilespmem:s14+$0x1F0];
	[tilespmem:s14+$0xB0] =	vst v58;
	v13 =	vmul.f32 v10, v4;
	v12 =	vmul.f32 v7, v4  }
0x22d: {  	[tilespmem:s14+$0x30] =	vst v20;
	v20 =	vld [tilespmem:s14+$0x200];
	v11 =	vmul.f32 v23, v4;
	v10 =	vmul.f32 v55, v4  }
0x22e: {  	s9 =	simm.s32 $0x3B40;
	[tilespmem:s14+$0xA0] =	vst v5;
	v21 =	vld [tilespmem:s14+$0x210];
	v7 =	vmul.f32 v60, v3;
	v5 =	vmul.f32 v63, v3  }
0x22f: {  	s8 =	simm.s32 $0x6240;
	v22 =	vld [tilespmem:s9+$0x230];
	v9 =	vmul.f32 v8, v4;
	v8 =	vmul.f32 v57, v4;
	[tilespmem:s14+$0xC0] =	vst v59  }
0x230: {  	s11 =	simm.s32 $0x8;
	s3 =	simm.s32 $0x10;
	v23 =	vld [tilespmem:s8+$0x30];
	v4 =	vmul.f32 v62, v3;
	[tilespmem:s14+$0xD0] =	vst v61;
	v6 =	vmul.f32 v6, v3  }
.LBB2_7:
0x231: {  	p0 =	slt.u32 s3, $0x48;
	v24 =	vld [tilespmem:s8+$0xFFFFFFC0];
	[tilespmem:s14+$0xE0] =	vst v18;
	v18 =	vmul.f32 v19, v3  }
0x232: {  	v19 =	vld [tilespmem:s9+$0xFFFFFED0];
	[tilespmem:s14+$0xF0] =	vst v17;
	v17 =	vmul.f32 v20, v3  }
0x233: {  	v20 =	vld [tilespmem:s8+$0xFFFFFFD0];
	[tilespmem:s14+$0x100] =	vst v16;
	v3 =	vmul.f32 v21, v3  }
0x234: {  	v16 =	vld [tilespmem:s9+$0xFFFFFF60];
	[tilespmem:s14+$0x120] =	vst v15  }
0x235: {  	v15 =	vld [tilespmem:s8+$0xFFFFFFE0];
	v21 =	vadd.f32 v23, v22;
	[tilespmem:s14+$0x130] =	vst v14  }
0x236: {  	v14 =	vmov s11;
	v22 =	vld [tilespmem:s9+$0xFFFFFFF0];
	[tilespmem:s14+$0x140] =	vst v13  }
0x237: {  	s23 =	sadd.s32 $0x1, s11;
	s15 =	sadd.s32 $0x2, s11;
	v13 =	vmul.u32 $0x90, v14;
	v14 =	vld [tilespmem:s8+$0xFFFFFFF0];
	v23 =	vmul.f32 $2.000000030e-01, v21;
	[tilespmem:s14+$0x150] =	vst v12  }
0x238: {  	v12 =	vadd.f32 v20, v19;
	v19 =	vmov s23;
	v20 =	vmov s15;
	s15 =	sadd.s32 $0x3, s11;
	v25 =	vld [tilespmem:s9+$0x80];
	s23 =	sadd.s32 $0x4, s11;
	[tilespmem:s14+$0x160] =	vst v11  }
0x239: {  	v11 =	vmov s15;
	v26 =	vld [tilespmem:s8+$0x0];
	v27 =	vmov s23;
	v21 =	vmax.f32 v21, v23;
	[tilespmem:s14+$0x170] =	vst v10  }
0x23a: {  	s15 =	sadd.s32 $0x5, s11;
	s23 =	sadd.s32 $0x6, s11;
	v10 =	vmul.f32 $2.000000030e-01, v12;
	v15 =	vadd.f32 v15, v16;
	v16 =	vld [tilespmem:s9+$0x110];
	v21 =	vsub.f32 v21, v2;
	[tilespmem:s14+$0x180] =	vst v9  }
0x23b: {  	v19 =	vmul.u32 $0x90, v19;
	v23 =	vmov s15;
	v28 =	vmov s23;
	v9 =	vld [tilespmem:s8+$0x10];
	[tilespmem:s14+$0x190] =	vst v8  }
0x23c: {  	v8 =	vmul.f32 $2.000000030e-01, v15;
	v14 =	vadd.f32 v14, v22;
	v22 =	vld [tilespmem:s9+$0x1A0];
	v21 =	vmul.f32 $1.442695020e+00, v21;
	[tilespmem:s14+$0x1B0] =	vst v7  }
0x23d: {  	v20 =	vmul.u32 $0x90, v20;
	v29 =	vmul.u32 $0x90, v11;
	s15 =	sadd.s32 $0x7, s11;
	s11 =	smov.u32 s3;
	v10 =	vmax.f32 v12, v10;
	v11 =	vld [tilespmem:s8+$0x20];
	[tilespmem:s14+$0x1C0] =	vst v4  }
0x23e: {  	v7 =	vmov s15;
	v4 =	vld [tilespmem:s9+$0xFFFFFE40];
	v12 =	vadd.f32 v26, v25;
	(erf) = vpow2.f32 v21;
	[tilespmem:s14+$0x1D0] =	vst v5  }
0x23f: {  	v15 =	vmax.f32 v15, v8;
	v21 =	vmul.f32 $2.000000030e-01, v14;
	v25 =	vmul.u32 $0x90, v7;
	v5 =	vld [tilespmem:s9+$0xFFFFFDC0];
	[tilespmem:s14+$0x1E0] =	vst v6  }
0x240: {  	v6 =	vsub.f32 v10, v2;
	v7 =	vld [tilespmem:s9+$0xFFFFFDD0];
	v26 =	vmul.f32 $2.000000030e-01, v12;
	v16 =	vadd.f32 v9, v16;
	[tilespmem:s14+$0x1F0] =	vst v18  }
0x241: {  	v15 =	vsub.f32 v15, v2;
	v14 =	vmax.f32 v14, v21;
	v10 =	vadd.s32 $0x80, v25;
	v8 =	vld [tilespmem:s9+$0xFFFFFDE0];
	[tilespmem:s14+$0x200] =	vst v17  }
0x242: {  	v21 =	vbroadcast v10, $0x0;
	v9 =	vld [tilespmem:s9+$0xFFFFFDF0];
	v17 =	vmul.f32 $2.000000030e-01, v16;
	v18 =	vadd.f32 v11, v22;
	[tilespmem:s14+$0x210] =	vst v3;
	s14 =	smov.u32 s9  }
0x243: {  	v3 =	vadd.f32 v24, v4;
	v10 =	vld [tilespmem:s9+$0xFFFFFE00];
	v4 =	vsub.f32 v14, v2;
	v14 =	vmax.f32 v12, v26  }
0x244: {  	v21 =	vor.u32 v1, v21;
	v11 =	vld [tilespmem:s9+$0xFFFFFE10];
	v16 =	vmax.f32 v16, v17;
	v17 =	vmul.f32 $2.000000030e-01, v18  }
0x245: {  	v24 =	vsub.f32 v14, v2;
	v25 =	vmul.f32 $2.000000030e-01, v3;
	v12 =	vld [tilespmem:s9+$0xFFFFFE20];
	v16 =	vsub.f32 v16, v2  }
0x246: {  	v6 =	vmul.f32 $1.442695020e+00, v6;
	v15 =	vmul.f32 $1.442695020e+00, v15;
	v14 =	vld [tilespmem:s9+$0xFFFFFE30];
	v17 =	vmax.f32 v18, v17  }
0x247: {  	v4 =	vmul.f32 $1.442695020e+00, v4;
	v3 =	vmax.f32 v3, v25;
	v18 =	vld [tilespmem:s9+$0xFFFFFE50];
	v17 =	vsub.f32 v17, v2;
	v22 =	vpop (erf)  }
0x248: {  	v24 =	vmul.f32 $1.442695020e+00, v24;
	v16 =	vmul.f32 $1.442695020e+00, v16;
	v25 =	vsub.f32 v3, v2;
	v26 =	vld [tilespmem:s9+$0xFFFFFE60];
	[tilespmem:s9+$0x230] =	vst v22  }
0x249: {  	v22 =	vmul.u32 $0x90, v27;
	v17 =	vmul.f32 $1.442695020e+00, v17;
	v3 =	vld.idx.msk [tilespmem:v21+s4+$0x0], $0xffff;
	(erf) = vpow2.f32 v6  }
0x24a: {  	v21 =	vmul.u32 $0x90, v23;
	v6 =	vmul.f32 $1.442695020e+00, v25;
	v23 =	vld [tilespmem:s9+$0x220];
	(erf) = vpow2.f32 v15  }
0x24b: {  	v15 =	vadd.s32 $0x80, v19;
	v25 =	vmul.u32 $0x90, v28;
	v19 =	vld [tilespmem:s9+$0xFFFFFE70];
	(erf) = vpow2.f32 v4  }
0x24c: {  	v20 =	vadd.s32 $0x80, v20;
	v4 =	vbroadcast v15, $0x0;
	v15 =	vld [tilespmem:s9+$0xFFFFFE80];
	(erf) = vpow2.f32 v6  }
0x24d: {  	v6 =	vbroadcast v20, $0x0;
	v20 =	vadd.s32 $0x80, v29;
	v27 =	vld [tilespmem:s9+$0xFFFFFE90];
	(erf) = vpow2.f32 v24  }
0x24e: {  	v13 =	vadd.s32 $0x80, v13;
	v20 =	vbroadcast v20, $0x0;
	v24 =	vld [tilespmem:s9+$0xFFFFFEA0];
	(erf) = vpow2.f32 v16  }
0x24f: {  	v4 =	vor.u32 v1, v4;
	v16 =	vld [tilespmem:s9+$0xFFFFFEB0];
	v23 =	vmul.f32 v23, v3;
	(erf) = vpow2.f32 v17  }
0x250: {  	v13 =	vbroadcast v13, $0x0;
	v22 =	vadd.s32 $0x80, v22;
	v6 =	vor.u32 v1, v6;
	v17 =	vld [tilespmem:s9+$0xFFFFFEC0]  }
0x251: {  	v22 =	vbroadcast v22, $0x0;
	v21 =	vadd.s32 $0x80, v21;
	v20 =	vor.u32 v1, v20;
	v28 =	vld [tilespmem:s9+$0xFFFFFEE0];
	[tilespmem:s9+$0x220] =	vst v23  }
0x252: {  	v13 =	vor.u32 v1, v13;
	v32 =	vbroadcast v21, $0x0;
	v25 =	vadd.s32 $0x80, v25;
	v23 =	vld [tilespmem:s9+$0xFFFFFEF0];
	v29 =	vpop (erf)  }
0x253: {  	v22 =	vor.u32 v1, v22;
	v25 =	vbroadcast v25, $0x0;
	[tilespmem:s9+$0xFFFFFED0] =	vst v29;
	v29 =	vld [tilespmem:s9+$0xFFFFFF00];
	v30 =	vpop (erf)  }
0x254: {  	v31 =	vld.idx.msk [tilespmem:v4+s4+$0x0], $0xffff;
	[tilespmem:s9+$0xFFFFFF60] =	vst v30;
	v4 =	vor.u32 v1, v32;
	v21 =	vpop (erf)  }
0x255: {  	v30 =	vld.idx.msk [tilespmem:v6+s4+$0x0], $0xffff;
	[tilespmem:s9+$0xFFFFFFF0] =	vst v21;
	v21 =	vor.u32 v1, v25;
	v6 =	vpop (erf)  }
0x256: {  	[tilespmem:s9+$0xFFFFFE40] =	vst v6;
	v20 =	vld.idx.msk [tilespmem:v20+s4+$0x0], $0xffff;
	v6 =	vpop (erf)  }
0x257: {  	v13 =	vld.idx.msk [tilespmem:v13+s4+$0x0], $0xffff;
	[tilespmem:s9+$0x80] =	vst v6;
	v6 =	vpop (erf)  }
0x258: {  	v22 =	vld.idx.msk [tilespmem:v22+s4+$0x0], $0xffff;
	[tilespmem:s9+$0x110] =	vst v6;
	v25 =	vpop (erf)  }
0x259: {  	v6 =	vld.idx.msk [tilespmem:v4+s4+$0x0], $0xffff;
	[tilespmem:s9+$0x1A0] =	vst v25  }
0x25a: {  	v18 =	vmul.f32 v18, v31;
	v25 =	vmul.f32 v26, v31;
	v4 =	vld.idx.msk [tilespmem:v21+s4+$0x0], $0xffff  }
0x25b: {  	v19 =	vmul.f32 v19, v31;
	v15 =	vmul.f32 v15, v31;
	v21 =	vld [tilespmem:s9+$0xFFFFFF10]  }
0x25c: {  	v24 =	vmul.f32 v24, v31;
	[tilespmem:s9+$0xFFFFFE50] =	vst v18;
	v18 =	vmul.f32 v27, v31;
	v26 =	vld [tilespmem:s9+$0xFFFFFF20]  }
0x25d: {  	v5 =	vmul.f32 v5, v13;
	v7 =	vmul.f32 v7, v13;
	[tilespmem:s9+$0xFFFFFE60] =	vst v25;
	v25 =	vld [tilespmem:s9+$0xFFFFFF30]  }
0x25e: {  	v8 =	vmul.f32 v8, v13;
	v9 =	vmul.f32 v9, v13;
	[tilespmem:s9+$0xFFFFFE70] =	vst v19;
	v19 =	vld [tilespmem:s9+$0xFFFFFF40]  }
0x25f: {  	[tilespmem:s9+$0xFFFFFDC0] =	vst v5;
	v5 =	vmul.f32 v10, v13;
	v10 =	vmul.f32 v11, v13;
	v11 =	vld [tilespmem:s9+$0xFFFFFF50]  }
0x260: {  	[tilespmem:s9+$0xFFFFFDD0] =	vst v7;
	v7 =	vmul.f32 v12, v13;
	v12 =	vmul.f32 v14, v13;
	v13 =	vld [tilespmem:s9+$0xFFFFFF70]  }
0x261: {  	v14 =	vmul.f32 v17, v31;
	[tilespmem:s9+$0xFFFFFDE0] =	vst v8;
	v8 =	vmul.f32 v16, v31;
	v16 =	vld [tilespmem:s9+$0xFFFFFF80]  }
0x262: {  	v17 =	vmul.f32 v23, v30;
	[tilespmem:s9+$0xFFFFFDF0] =	vst v9;
	v9 =	vmul.f32 v28, v30;
	v23 =	vld [tilespmem:s9+$0xFFFFFF90]  }
0x263: {  	v21 =	vmul.f32 v21, v30;
	[tilespmem:s9+$0xFFFFFE00] =	vst v5;
	v5 =	vmul.f32 v29, v30;
	v27 =	vld [tilespmem:s9+$0xFFFFFFA0]  }
0x264: {  	v25 =	vmul.f32 v25, v30;
	[tilespmem:s9+$0xFFFFFE10] =	vst v10;
	v10 =	vmul.f32 v26, v30;
	v26 =	vld [tilespmem:s9+$0xFFFFFFB0]  }
0x265: {  	v11 =	vmul.f32 v11, v30;
	[tilespmem:s9+$0xFFFFFE20] =	vst v7;
	v7 =	vmul.f32 v19, v30;
	v19 =	vld [tilespmem:s9+$0xFFFFFFC0]  }
0x266: {  	[tilespmem:s9+$0xFFFFFE30] =	vst v12;
	v12 =	vmul.f32 v13, v20;
	v13 =	vmul.f32 v16, v20;
	v16 =	vld [tilespmem:s9+$0xFFFFFFD0]  }
0x267: {  	[tilespmem:s9+$0xFFFFFE80] =	vst v15;
	v15 =	vmul.f32 v23, v20;
	v23 =	vld [tilespmem:s9+$0xFFFFFFE0]  }
0x268: {  	[tilespmem:s9+$0xFFFFFE90] =	vst v18;
	v18 =	vmul.f32 v27, v20;
	v27 =	vld [tilespmem:s9+$0x0]  }
0x269: {  	[tilespmem:s9+$0xFFFFFEA0] =	vst v24;
	v24 =	vmul.f32 v26, v20;
	v26 =	vld [tilespmem:s9+$0x10]  }
0x26a: {  	[tilespmem:s9+$0xFFFFFEB0] =	vst v8;
	v8 =	vmul.f32 v19, v20;
	v19 =	vld [tilespmem:s9+$0x20]  }
0x26b: {  	[tilespmem:s9+$0xFFFFFEC0] =	vst v14;
	v14 =	vmul.f32 v16, v20;
	v16 =	vld [tilespmem:s9+$0x30]  }
0x26c: {  	[tilespmem:s9+$0xFFFFFEE0] =	vst v9;
	v9 =	vmul.f32 v23, v20;
	v20 =	vld [tilespmem:s9+$0x40]  }
0x26d: {  	[tilespmem:s9+$0xFFFFFEF0] =	vst v17;
	v23 =	vmul.f32 v27, v22;
	v17 =	vld [tilespmem:s9+$0x50]  }
0x26e: {  	[tilespmem:s9+$0xFFFFFF00] =	vst v5;
	v5 =	vmul.f32 v26, v22;
	v26 =	vld [tilespmem:s9+$0x60]  }
0x26f: {  	[tilespmem:s9+$0xFFFFFF10] =	vst v21;
	v19 =	vmul.f32 v19, v22;
	v21 =	vld [tilespmem:s9+$0x70]  }
0x270: {  	[tilespmem:s9+$0xFFFFFF20] =	vst v10;
	v10 =	vmul.f32 v16, v22;
	v16 =	vld [tilespmem:s9+$0x90]  }
0x271: {  	[tilespmem:s9+$0xFFFFFF30] =	vst v25;
	v20 =	vmul.f32 v20, v22;
	v25 =	vld [tilespmem:s9+$0xA0]  }
0x272: {  	[tilespmem:s9+$0xFFFFFF40] =	vst v7;
	v7 =	vmul.f32 v17, v22;
	v17 =	vld [tilespmem:s9+$0xB0]  }
0x273: {  	[tilespmem:s9+$0xFFFFFF50] =	vst v11;
	v26 =	vmul.f32 v26, v22;
	v11 =	vld [tilespmem:s9+$0xC0]  }
0x274: {  	[tilespmem:s9+$0xFFFFFF70] =	vst v12;
	v21 =	vmul.f32 v21, v22;
	v12 =	vld [tilespmem:s9+$0xD0]  }
0x275: {  	[tilespmem:s9+$0xFFFFFF80] =	vst v13;
	v22 =	vmul.f32 v16, v6;
	v13 =	vld [tilespmem:s9+$0xE0]  }
0x276: {  	[tilespmem:s9+$0xFFFFFF90] =	vst v15;
	v25 =	vmul.f32 v25, v6;
	v15 =	vld [tilespmem:s9+$0xF0]  }
0x277: {  	[tilespmem:s9+$0xFFFFFFA0] =	vst v18;
	v27 =	vmul.f32 v17, v6;
	v16 =	vld [tilespmem:s9+$0x100]  }
0x278: {  	[tilespmem:s9+$0xFFFFFFB0] =	vst v24;
	v24 =	vmul.f32 v11, v6;
	v11 =	vld [tilespmem:s9+$0x120]  }
0x279: {  	[tilespmem:s9+$0xFFFFFFC0] =	vst v8;
	v28 =	vmul.f32 v12, v6;
	v8 =	vld [tilespmem:s9+$0x130]  }
0x27a: {  	[tilespmem:s9+$0xFFFFFFD0] =	vst v14;
	v18 =	vmul.f32 v13, v6;
	v12 =	vld [tilespmem:s9+$0x140]  }
0x27b: {  	[tilespmem:s9+$0xFFFFFFE0] =	vst v9;
	v17 =	vmul.f32 v15, v6;
	v9 =	vld [tilespmem:s9+$0x150]  }
0x27c: {  	[tilespmem:s9+$0x0] =	vst v23;
	v16 =	vmul.f32 v16, v6;
	v6 =	vld [tilespmem:s9+$0x160]  }
0x27d: {  	[tilespmem:s9+$0x10] =	vst v5;
	v15 =	vmul.f32 v11, v4;
	v5 =	vld [tilespmem:s9+$0x170]  }
0x27e: {  	[tilespmem:s9+$0x20] =	vst v19;
	v14 =	vmul.f32 v8, v4;
	v8 =	vld [tilespmem:s9+$0x180]  }
0x27f: {  	[tilespmem:s9+$0x30] =	vst v10;
	v13 =	vmul.f32 v12, v4;
	v19 =	vld [tilespmem:s9+$0x190]  }
0x280: {  	[tilespmem:s9+$0x40] =	vst v20;
	v12 =	vmul.f32 v9, v4;
	v20 =	vld [tilespmem:s9+$0x1B0]  }
0x281: {  	[tilespmem:s9+$0x50] =	vst v7;
	v11 =	vmul.f32 v6, v4;
	v6 =	vld [tilespmem:s9+$0x1C0]  }
0x282: {  	[tilespmem:s9+$0x60] =	vst v26;
	v10 =	vmul.f32 v5, v4;
	v5 =	vld [tilespmem:s9+$0x1D0]  }
0x283: {  	[tilespmem:s9+$0x70] =	vst v21;
	v9 =	vmul.f32 v8, v4;
	v26 =	vld [tilespmem:s9+$0x1E0]  }
.Ltmp2:
0x284: {  	[tilespmem:s9+$0x90] =	vst v22;
	v8 =	vmul.f32 v19, v4;
	v19 =	vld [tilespmem:s9+$0x1F0];
	(pc) =	sbr.rel @p0 .LBB2_7-.Ltmp2, $4  }
0x285: {  	[tilespmem:s9+$0xA0] =	vst v25;
	v7 =	vmul.f32 v20, v3;
	v20 =	vld [tilespmem:s9+$0x200]  }
0x286: {  	s9 =	sadd.s32 $0x480, s9;
	[tilespmem:s14+$0xB0] =	vst v27;
	v4 =	vmul.f32 v6, v3;
	v21 =	vld [tilespmem:s14+$0x210]  }
0x287: {  	s8 =	sadd.s32 $0x80, s8;
	v22 =	vld [tilespmem:s9+$0x230];
	[tilespmem:s14+$0xC0] =	vst v24;
	v5 =	vmul.f32 v5, v3  }
0x288: {  	s3 =	sadd.s32 $0x8, s3;
	v23 =	vld [tilespmem:s8+$0x30];
	[tilespmem:s14+$0xD0] =	vst v28;
	v6 =	vmul.f32 v26, v3  }
0x289: {  	v24 =	vld [tilespmem:s8+$0xFFFFFFC0]  }
0x28a: {  	v25 =	vld [tilespmem:s9+$0xFFFFFED0]  }
0x28b: {  	v26 =	vld [tilespmem:s8+$0xFFFFFFD0]  }
0x28c: {  	v27 =	vld [tilespmem:s9+$0xFFFFFF60]  }
0x28d: {  	v28 =	vld [tilespmem:s9+$0xFFFFFFF0]  }
0x28e: {  	v30 =	vld [tilespmem:s8+$0xFFFFFFF0]  }
0x28f: {  	v31 =	vld [tilespmem:s9+$0x80];
	v22 =	vadd.f32 v23, v22  }
0x290: {  	v62 =	vld [tilespmem:s8+$0x0]  }
0x291: {  	v32 =	vld [tilespmem:s9+$0x110];
	v29 =	vmul.f32 $2.000000030e-01, v22  }
0x292: {  	v63 =	vld [tilespmem:s8+$0x10]  }
0x293: {  	s3 =	sadd.s32 $0x7, s11;
	v33 =	vld [tilespmem:s9+$0xFFFFFE40];
	v22 =	vmax.f32 v22, v29  }
0x294: {  	v19 =	vmul.f32 v19, v3;
	s23 =	sadd.s32 $0x1, s11;
	v34 =	vmov s3;
	v23 =	vld [tilespmem:s8+$0xFFFFFFE0];
	v22 =	vsub.f32 v22, v2  }
0x295: {  	v20 =	vmul.f32 v20, v3;
	v41 =	vmov s23;
	v34 =	vmul.u32 $0x90, v34  }
0x296: {  	v21 =	vmul.f32 v21, v3;
	v25 =	vadd.f32 v26, v25;
	v22 =	vmul.f32 $1.442695020e+00, v22  }
0x297: {  	v43 =	vadd.s32 $0x80, v34;
	v28 =	vadd.f32 v30, v28;
	v42 =	vadd.f32 v62, v31  }
0x298: {  	v36 =	vld [tilespmem:s8+$0x20];
	[tilespmem:s14+$0xE0] =	vst v18;
	v26 =	vadd.f32 v63, v32;
	v24 =	vadd.f32 v24, v33;
	(erf) = vpow2.f32 v22  }
0x299: {  	[tilespmem:s14+$0x130] =	vst v14;
	v40 =	vmul.f32 $2.000000030e-01, v25;
	v44 =	vmul.f32 $2.000000030e-01, v28;
	v3 =	vadd.f32 v23, v27;
	v23 =	vld [tilespmem:s9+$0x1A0]  }
0x29a: {  	[tilespmem:s14+$0x140] =	vst v13;
	v30 =	vmul.u32 $0x90, v41;
	v14 =	vmul.f32 $2.000000030e-01, v42;
	v13 =	vmul.f32 $2.000000030e-01, v26  }
0x29b: {  	[tilespmem:s14+$0xF0] =	vst v17;
	v33 =	vmul.f32 $2.000000030e-01, v24;
	v29 =	vbroadcast v43, $0x0;
	v25 =	vmax.f32 v25, v40  }
0x29c: {  	[tilespmem:s14+$0x100] =	vst v16;
	v28 =	vmax.f32 v28, v44;
	v14 =	vmax.f32 v42, v14;
	v35 =	vmul.f32 $2.000000030e-01, v3  }
0x29d: {  	[tilespmem:s14+$0x160] =	vst v11;
	v11 =	vmax.f32 v26, v13;
	v24 =	vmax.f32 v24, v33;
	v25 =	vsub.f32 v25, v2  }
0x29e: {  	[tilespmem:s14+$0x150] =	vst v12;
	v29 =	vor.u32 v1, v29;
	v3 =	vmax.f32 v3, v35;
	v23 =	vadd.f32 v36, v23  }
0x29f: {  	[tilespmem:s14+$0x170] =	vst v10;
	v12 =	vsub.f32 v28, v2;
	v13 =	vmul.f32 $1.442695020e+00, v25;
	v3 =	vsub.f32 v3, v2  }
0x2a0: {  	[tilespmem:s14+$0x180] =	vst v9;
	v24 =	vsub.f32 v24, v2;
	v10 =	vsub.f32 v14, v2;
	v50 =	vmul.f32 $2.000000030e-01, v23  }
0x2a1: {  	[tilespmem:s14+$0x190] =	vst v8;
	v8 =	vsub.f32 v11, v2;
	v51 =	vmul.f32 $1.442695020e+00, v3;
	v49 =	vpop (erf);
	(erf) = vpow2.f32 v13  }
0x2a2: {  	[tilespmem:s14+$0x1B0] =	vst v7;
	v12 =	vmul.f32 $1.442695020e+00, v12;
	v7 =	vmul.f32 $1.442695020e+00, v10;
	v10 =	vadd.s32 $0x80, v30  }
0x2a3: {  	v14 =	vld [tilespmem:s9+$0x220];
	v9 =	vmax.f32 v23, v50;
	v13 =	vmul.f32 $1.442695020e+00, v24;
	[tilespmem:s9+$0x230] =	vst v49;
	(erf) = vpow2.f32 v51  }
0x2a4: {  	[tilespmem:s14+$0x1C0] =	vst v4;
	v4 =	vmul.f32 $1.442695020e+00, v8;
	v9 =	vsub.f32 v9, v2;
	v3 =	vld.idx.msk [tilespmem:v29+s4+$0x0], $0xffff;
	(erf) = vpow2.f32 v12  }
0x2a5: {  	v18 =	vld [tilespmem:s9+$0xFFFFFDC0];
	[tilespmem:s14+$0x120] =	vst v15;
	v8 =	vbroadcast v10, $0x0;
	(erf) = vpow2.f32 v13  }
0x2a6: {  	v17 =	vld [tilespmem:s9+$0xFFFFFDD0];
	[tilespmem:s14+$0x1D0] =	vst v5;
	v22 =	vmov s11;
	v5 =	vmul.f32 $1.442695020e+00, v9;
	(erf) = vpow2.f32 v7  }
0x2a7: {  	v16 =	vld [tilespmem:s9+$0xFFFFFDE0];
	[tilespmem:s14+$0x1E0] =	vst v6;
	v13 =	vmul.u32 $0x90, v22;
	(erf) = vpow2.f32 v4;
	v4 =	vor.u32 v1, v8  }
0x2a8: {  	v15 =	vld [tilespmem:s9+$0xFFFFFDF0];
	[tilespmem:s14+$0x1F0] =	vst v19;
	(erf) = vpow2.f32 v5  }
0x2a9: {  	v45 =	vld [tilespmem:s9+$0xFFFFFE00];
	[tilespmem:s14+$0x200] =	vst v20;
	v6 =	vadd.s32 $0x80, v13;
	v13 =	vmul.f32 v14, v3  }
0x2aa: {  	v46 =	vld [tilespmem:s9+$0xFFFFFE10];
	[tilespmem:s14+$0x210] =	vst v21;
	v19 =	vpop (erf)  }
0x2ab: {  	v48 =	vld [tilespmem:s9+$0xFFFFFE50];
	[tilespmem:s9+$0xFFFFFED0] =	vst v19  }
0x2ac: {  	[tilespmem:s9+$0x220] =	vst v13;
	v20 =	vpop (erf);
	v4 =	vld.idx.msk [tilespmem:v4+s4+$0x0], $0xffff  }
0x2ad: {  	v52 =	vld [tilespmem:s9+$0xFFFFFE60];
	v5 =	vbroadcast v6, $0x0;
	v13 =	vpop (erf);
	[tilespmem:s9+$0xFFFFFF60] =	vst v20  }
0x2ae: {  	s14 =	sadd.s32 $0x2, s11;
	v11 =	vld [tilespmem:s9+$0xFFFFFE70];
	v20 =	vpop (erf);
	[tilespmem:s9+$0xFFFFFFF0] =	vst v13  }
0x2af: {  	v21 =	vmov s14;
	v12 =	vld [tilespmem:s9+$0xFFFFFE80];
	v5 =	vor.u32 v1, v5;
	[tilespmem:s9+$0xFFFFFE40] =	vst v20;
	v13 =	vpop (erf)  }
0x2b0: {  	v21 =	vmul.u32 $0x90, v21;
	v10 =	vld [tilespmem:s9+$0xFFFFFE90];
	[tilespmem:s9+$0x80] =	vst v13;
	v13 =	vpop (erf)  }
0x2b1: {  	v7 =	vld [tilespmem:s9+$0xFFFFFEA0];
	[tilespmem:s9+$0x110] =	vst v13;
	v13 =	vpop (erf);
	v25 =	vmul.f32 v48, v4  }
0x2b2: {  	s23 =	sadd.s32 $0x4, s11;
	v21 =	vadd.s32 $0x80, v21;
	v8 =	vld [tilespmem:s9+$0xFFFFFEB0];
	[tilespmem:s9+$0x1A0] =	vst v13;
	v13 =	vmul.f32 v52, v4  }
0x2b3: {  	s15 =	sadd.s32 $0x3, s11;
	v53 =	vmov s23;
	v21 =	vbroadcast v21, $0x0;
	v6 =	vld [tilespmem:s9+$0xFFFFFEC0];
	v11 =	vmul.f32 v11, v4;
	[tilespmem:s9+$0xFFFFFE50] =	vst v25  }
0x2b4: {  	v24 =	vmul.u32 $0x90, v53;
	v22 =	vmov s15;
	v5 =	vld.idx.msk [tilespmem:v5+s4+$0x0], $0xffff;
	v12 =	vmul.f32 v12, v4;
	[tilespmem:s9+$0xFFFFFE60] =	vst v13  }
0x2b5: {  	v47 =	vld [tilespmem:s9+$0xFFFFFE20];
	v21 =	vor.u32 v1, v21;
	s15 =	sadd.s32 $0x6, s11;
	v22 =	vmul.u32 $0x90, v22;
	v10 =	vmul.f32 v10, v4;
	[tilespmem:s9+$0xFFFFFE70] =	vst v11  }
0x2b6: {  	s14 =	sadd.s32 $0x5, s11;
	v23 =	vld [tilespmem:s9+$0xFFFFFE30];
	v24 =	vadd.s32 $0x80, v24;
	v54 =	vmov s15;
	v7 =	vmul.f32 v7, v4;
	[tilespmem:s9+$0xFFFFFE80] =	vst v12  }
0x2b7: {  	v9 =	vld [tilespmem:s9+$0xFFFFFEE0];
	v22 =	vadd.s32 $0x80, v22;
	v20 =	vmov s14;
	v8 =	vmul.f32 v8, v4;
	[tilespmem:s9+$0xFFFFFE90] =	vst v10  }
0x2b8: {  	v14 =	vld [tilespmem:s9+$0xFFFFFEF0];
	v22 =	vbroadcast v22, $0x0;
	v20 =	vmul.u32 $0x90, v20;
	v4 =	vmul.f32 v6, v4;
	[tilespmem:s9+$0xFFFFFEA0] =	vst v7  }
0x2b9: {  	v24 =	vbroadcast v24, $0x0;
	v28 =	vmul.u32 $0x90, v54;
	v19 =	vld [tilespmem:s9+$0xFFFFFF00];
	[tilespmem:s9+$0xFFFFFEB0] =	vst v8;
	v18 =	vmul.f32 v18, v5  }
0x2ba: {  	v22 =	vor.u32 v1, v22;
	v20 =	vadd.s32 $0x80, v20;
	v6 =	vld [tilespmem:s9+$0xFFFFFF40];
	[tilespmem:s9+$0xFFFFFEC0] =	vst v4;
	v16 =	vmul.f32 v16, v5  }
0x2bb: {  	v13 =	vbroadcast v20, $0x0;
	v20 =	vadd.s32 $0x80, v28;
	v12 =	vld [tilespmem:s9+$0xFFFFFF20];
	v17 =	vmul.f32 v17, v5;
	[tilespmem:s9+$0xFFFFFDC0] =	vst v18  }
0x2bc: {  	v20 =	vbroadcast v20, $0x0;
	v15 =	vmul.f32 v15, v5;
	[tilespmem:s9+$0xFFFFFDE0] =	vst v16;
	v16 =	vld.idx.msk [tilespmem:v21+s4+$0x0], $0xffff  }
0x2bd: {  	v11 =	vor.u32 v1, v24;
	v10 =	vld [tilespmem:s9+$0xFFFFFF30];
	[tilespmem:s9+$0xFFFFFDD0] =	vst v17;
	v18 =	vmul.f32 v45, v5  }
0x2be: {  	v8 =	vld [tilespmem:s9+$0xFFFFFF50];
	v13 =	vor.u32 v1, v13;
	v17 =	vor.u32 v1, v20;
	v20 =	vmul.f32 v46, v5;
	[tilespmem:s9+$0xFFFFFDF0] =	vst v15  }
0x2bf: {  	v4 =	vld [tilespmem:s9+$0xFFFFFF70];
	v21 =	vmul.f32 v47, v5;
	v5 =	vmul.f32 v23, v5;
	[tilespmem:s9+$0xFFFFFE00] =	vst v18  }
0x2c0: {  	v15 =	vld.idx.msk [tilespmem:v22+s4+$0x0], $0xffff;
	[tilespmem:s9+$0xFFFFFE10] =	vst v20  }
0x2c1: {  	[tilespmem:s9+$0xFFFFFE30] =	vst v5;
	v5 =	vld [tilespmem:s9+$0xFFFFFF10];
	v7 =	vmul.f32 v9, v16  }
0x2c2: {  	v11 =	vld.idx.msk [tilespmem:v11+s4+$0x0], $0xffff;
	[tilespmem:s9+$0xFFFFFE20] =	vst v21;
	v9 =	vmul.f32 v14, v16  }
0x2c3: {  	v13 =	vld.idx.msk [tilespmem:v13+s4+$0x0], $0xffff;
	v14 =	vmul.f32 v19, v16;
	[tilespmem:s9+$0xFFFFFEE0] =	vst v7  }
0x2c4: {  	v17 =	vld.idx.msk [tilespmem:v17+s4+$0x0], $0xffff;
	v12 =	vmul.f32 v12, v16;
	[tilespmem:s9+$0xFFFFFEF0] =	vst v9  }
0x2c5: {  	v10 =	vmul.f32 v10, v16;
	v7 =	vld [tilespmem:s9+$0xFFFFFF80];
	[tilespmem:s9+$0xFFFFFF00] =	vst v14  }
0x2c6: {  	v5 =	vmul.f32 v5, v16;
	v9 =	vld [tilespmem:s9+$0xFFFFFF90];
	[tilespmem:s9+$0xFFFFFF20] =	vst v12  }
0x2c7: {  	v6 =	vmul.f32 v6, v16;
	v14 =	vld [tilespmem:s9+$0xFFFFFFA0];
	[tilespmem:s9+$0xFFFFFF30] =	vst v10  }
0x2c8: {  	v8 =	vmul.f32 v8, v16;
	[tilespmem:s9+$0xFFFFFF10] =	vst v5;
	v5 =	vld [tilespmem:s9+$0xFFFFFFB0]  }
0x2c9: {  	v4 =	vmul.f32 v4, v15;
	v12 =	vld [tilespmem:s9+$0xFFFFFFC0];
	[tilespmem:s9+$0xFFFFFF40] =	vst v6  }
0x2ca: {  	v10 =	vld [tilespmem:s9+$0xFFFFFFD0];
	[tilespmem:s9+$0xFFFFFF50] =	vst v8;
	v6 =	vmul.f32 v7, v15  }
0x2cb: {  	[tilespmem:s9+$0xFFFFFF70] =	vst v4;
	v7 =	vld [tilespmem:s9+$0xFFFFFFE0];
	v8 =	vmul.f32 v9, v15  }
0x2cc: {  	v9 =	vld [tilespmem:s9+$0x0];
	v4 =	vmul.f32 v14, v15;
	[tilespmem:s9+$0xFFFFFF80] =	vst v6  }
0x2cd: {  	v14 =	vld [tilespmem:s9+$0x10];
	v5 =	vmul.f32 v5, v15;
	[tilespmem:s9+$0xFFFFFF90] =	vst v8  }
0x2ce: {  	v6 =	vld [tilespmem:s9+$0x20];
	v8 =	vmul.f32 v12, v15;
	[tilespmem:s9+$0xFFFFFFA0] =	vst v4  }
0x2cf: {  	v12 =	vld [tilespmem:s9+$0x30];
	v4 =	vmul.f32 v10, v15;
	[tilespmem:s9+$0xFFFFFFB0] =	vst v5  }
0x2d0: {  	v10 =	vld [tilespmem:s9+$0x40];
	[tilespmem:s9+$0xFFFFFFC0] =	vst v8;
	v5 =	vmul.f32 v7, v15  }
0x2d1: {  	[tilespmem:s9+$0xFFFFFFD0] =	vst v4;
	v7 =	vld [tilespmem:s9+$0x50];
	v8 =	vmul.f32 v9, v11  }
0x2d2: {  	v9 =	vld [tilespmem:s9+$0x60];
	v4 =	vmul.f32 v14, v11;
	[tilespmem:s9+$0xFFFFFFE0] =	vst v5  }
0x2d3: {  	v14 =	vld [tilespmem:s9+$0x70];
	v5 =	vmul.f32 v6, v11;
	[tilespmem:s9+$0x0] =	vst v8  }
0x2d4: {  	v6 =	vld [tilespmem:s9+$0x90];
	v8 =	vmul.f32 v12, v11;
	[tilespmem:s9+$0x10] =	vst v4  }
0x2d5: {  	v12 =	vld [tilespmem:s9+$0xA0];
	v4 =	vmul.f32 v10, v11;
	[tilespmem:s9+$0x20] =	vst v5  }
0x2d6: {  	v10 =	vld [tilespmem:s9+$0xB0];
	[tilespmem:s9+$0x30] =	vst v8;
	v5 =	vmul.f32 v7, v11  }
0x2d7: {  	[tilespmem:s9+$0x40] =	vst v4;
	v7 =	vld [tilespmem:s9+$0xC0];
	v8 =	vmul.f32 v9, v11  }
0x2d8: {  	v9 =	vld [tilespmem:s9+$0xD0];
	v4 =	vmul.f32 v14, v11;
	[tilespmem:s9+$0x50] =	vst v5  }
0x2d9: {  	v11 =	vld [tilespmem:s9+$0xE0];
	v5 =	vmul.f32 v6, v13;
	[tilespmem:s9+$0x60] =	vst v8  }
0x2da: {  	v6 =	vld [tilespmem:s9+$0xF0];
	v8 =	vmul.f32 v12, v13;
	[tilespmem:s9+$0x70] =	vst v4  }
0x2db: {  	v12 =	vld [tilespmem:s9+$0x100];
	v4 =	vmul.f32 v10, v13;
	[tilespmem:s9+$0x90] =	vst v5  }
0x2dc: {  	v10 =	vld [tilespmem:s9+$0x120];
	[tilespmem:s9+$0xA0] =	vst v8;
	v5 =	vmul.f32 v7, v13  }
0x2dd: {  	[tilespmem:s9+$0xB0] =	vst v4;
	v7 =	vld [tilespmem:s9+$0x130];
	v8 =	vmul.f32 v9, v13  }
0x2de: {  	v9 =	vld [tilespmem:s9+$0x140];
	v4 =	vmul.f32 v11, v13;
	[tilespmem:s9+$0xC0] =	vst v5  }
0x2df: {  	v11 =	vld [tilespmem:s9+$0x150];
	v5 =	vmul.f32 v6, v13;
	[tilespmem:s9+$0xD0] =	vst v8  }
0x2e0: {  	v6 =	vld [tilespmem:s9+$0x160];
	v8 =	vmul.f32 v12, v13;
	[tilespmem:s9+$0xE0] =	vst v4  }
0x2e1: {  	v12 =	vld [tilespmem:s9+$0x170];
	v4 =	vmul.f32 v10, v17;
	[tilespmem:s9+$0xF0] =	vst v5  }
0x2e2: {  	v10 =	vld [tilespmem:s9+$0x180];
	[tilespmem:s9+$0x100] =	vst v8;
	v5 =	vmul.f32 v7, v17  }
0x2e3: {  	[tilespmem:s9+$0x120] =	vst v4;
	v7 =	vld [tilespmem:s9+$0x190];
	v8 =	vmul.f32 v9, v17  }
0x2e4: {  	v4 =	vmul.f32 v11, v17;
	v9 =	vld [tilespmem:s9+$0x1B0];
	[tilespmem:s9+$0x130] =	vst v5  }
0x2e5: {  	v5 =	vmul.f32 v6, v17;
	v6 =	vld [tilespmem:s9+$0x1C0];
	[tilespmem:s9+$0x140] =	vst v8  }
0x2e6: {  	v11 =	vld [tilespmem:s9+$0x1D0];
	v8 =	vmul.f32 v12, v17;
	[tilespmem:s9+$0x150] =	vst v4  }
0x2e7: {  	v4 =	vmul.f32 v10, v17;
	v10 =	vld [tilespmem:s9+$0x1E0];
	[tilespmem:s9+$0x160] =	vst v5  }
0x2e8: {  	[tilespmem:s9+$0x170] =	vst v8;
	v5 =	vmul.f32 v7, v17;
	v7 =	vld [tilespmem:s9+$0x1F0]  }
0x2e9: {  	[tilespmem:s9+$0x180] =	vst v4;
	v8 =	vmul.f32 v9, v3;
	v9 =	vld [tilespmem:s9+$0x200]  }
0x2ea: {  	v4 =	vmul.f32 v6, v3;
	v6 =	vld [tilespmem:s9+$0x210];
	[tilespmem:s9+$0x190] =	vst v5  }
0x2eb: {  	v5 =	vmul.f32 v11, v3;
	[tilespmem:s9+$0x1B0] =	vst v8  }
0x2ec: {  	v8 =	vmul.f32 v10, v3;
	[tilespmem:s9+$0x1C0] =	vst v4  }
0x2ed: {  	[tilespmem:s9+$0x1D0] =	vst v5;
	v4 =	vmul.f32 v7, v3  }
0x2ee: {  	[tilespmem:s9+$0x1E0] =	vst v8;
	v5 =	vmul.f32 v9, v3  }
0x2ef: {  	v3 =	vmul.f32 v6, v3;
	[tilespmem:s9+$0x1F0] =	vst v4  }
0x2f0: {  	p0 =	seq.s32 s26, $0x1E;
	[tilespmem:s9+$0x200] =	vst v5  }
0x2f1: {  	s3 =	sadd.s32 @!p0 s28, s21;
	[tilespmem:s9+$0x210] =	vst v3  }
0x2f2: {  	[spmem:s2] =	stream.indirect.scatter.add.f32 [tilespmem:s4], [sflag:$0x7], $0x90, s10, s7, $0xb8;
	[tilespmem:$0x1CE90] =	vst v63  }
0x2f3: {  	s3 =	sshrl.u32 @!p0 s3, $0x3;
	_ =	swait.ge [sflag:s31], $0x2D00  }
0x2f4: {  	s3 =	sadd.s32 @!p0 s1, s3;
	[sflag:s31] =	ssyncset.done $0x0  }
0x2f5: {  	s8 =	simm.s32 @!p0 $0x0;
	s9 =	simm.s32 @!p0 $0x140;
	[sflag:s31] =	ssyncadd.s32 $0xFFFFD300  }
0x2f6: {  	[tilespmem:s9], [sflag:$0x5] =	stream.linear.gather @!p0 [hbm4b:s3+s8], $0x50, $0x38;
	[tilespmem:$0x1CE90] =	vst v63  }
0x2f7: {  	s3 =	sadd.s32 @!p0 $0x9C40, s3;
	s9 =	simm.s32 @!p0 $0x190  }
0x2f8: {  	[tilespmem:s9], [sflag:$0x5] =	stream.linear.gather @!p0 [hbm4b:s3+s8], $0x50, $0x38;
	[tilespmem:$0x1CE90] =	vst v63  }
0x2f9: {  	_ =	swait.ge [sflag:s25], $0x50  }
0x2fa: {  	[sflag:s25] =	ssyncset.done $0x0  }
0x2fb: {  	[sflag:s25] =	ssyncadd.s32 $0xFFFFFFB0  }
0x2fc: {  	_ =	swait.ge [sflag:s25], $0x50  }
0x2fd: {  	[sflag:s25] =	ssyncset.done $0x0  }
0x2fe: {  	[sflag:s25] =	ssyncadd.s32 $0xFFFFFFB0  }
0x2ff: {  	[tilespmem:s4], [sflag:$0x2] =	stream.indirect.gather [hbm4b:s5+s7], $0x90, s13, s7, $0xb8;
	[tilespmem:$0x1CE90] =	vst v63  }
0x300: {  	_ = 	snop  }
0x301: {  	[tilespmem:s30], [sflag:$0x2] =	stream.indirect.gather [hbm4b:s6+s7], $0x10, s16, s7, $0xb8;
	[tilespmem:$0x1CE90] =	vst v63  }
0x302: {  	_ =	swait.ge [sflag:s0], $0x2D00  }
0x303: {  	[sflag:s0] =	ssyncset.done $0x0  }
0x304: {  	[sflag:s0] =	ssyncadd.s32 $0xFFFFD300  }
0x305: {  	_ =	swait.ge [sflag:s0], $0x500  }
0x306: {  	[sflag:s0] =	ssyncset.done $0x0  }
0x307: {  	s14 =	simm.s32 $0x4C0;
	[sflag:s0] =	ssyncadd.s32 $0xFFFFFB00  }
0x308: {  	s3 =	simm.s32 $0x2FC0;
	v3 =	vld [tilespmem:s14+$0x230]  }
0x309: {  	v4 =	vld [tilespmem:s3+$0x30]  }
0x30a: {  	v5 =	vld [tilespmem:s3+$0xFFFFFFC0]  }
0x30b: {  	v6 =	vld [tilespmem:s14+$0xFFFFFED0]  }
0x30c: {  	v7 =	vld [tilespmem:s3+$0xFFFFFFD0]  }
0x30d: {  	v8 =	vld [tilespmem:s14+$0xFFFFFF60]  }
0x30e: {  	v9 =	vld [tilespmem:s3+$0xFFFFFFE0]  }
0x30f: {  	v11 =	vld [tilespmem:s3+$0xFFFFFFF0]  }
0x310: {  	v13 =	vld [tilespmem:s14+$0x80]  }
0x311: {  	v16 =	vld [tilespmem:s3+$0x0]  }
0x312: {  	s11 =	simm.s32 $0x2;
	v18 =	vld [tilespmem:s3+$0x10]  }
0x313: {  	v14 =	vmov s11;
	s11 =	simm.s32 $0x5;
	v22 =	vld [tilespmem:s14+$0x1A0]  }
0x314: {  	v19 =	vmov s11;
	s9 =	simm.s32 $0x1;
	v3 =	vadd.f32 v4, v3;
	v4 =	vld [tilespmem:s14+$0xFFFFFFF0]  }
0x315: {  	v6 =	vadd.f32 v7, v6;
	v7 =	vmov s9;
	v8 =	vadd.f32 v9, v8;
	v9 =	vld [tilespmem:s14+$0x110]  }
0x316: {  	s23 =	simm.s32 $0x0;
	v23 =	vld [tilespmem:s14+$0xFFFFFDC0];
	v13 =	vadd.f32 v16, v13;
	v7 =	vmul.u32 $0x90, v7;
	v12 =	vmul.f32 $2.000000030e-01, v3  }
0x317: {  	v10 =	vmov s23;
	v59 =	vld [tilespmem:s14+$0xFFFFFE20];
	v17 =	vmul.f32 $2.000000030e-01, v6;
	v21 =	vmul.f32 $2.000000030e-01, v8  }
0x318: {  	s23 =	simm.s32 $0x4;
	v60 =	vld [tilespmem:s14+$0xFFFFFE30];
	v55 =	vmul.f32 $2.000000030e-01, v13;
	v7 =	vadd.s32 $0x80, v7;
	v3 =	vmax.f32 v3, v12  }
0x319: {  	v12 =	vmov s23;
	v6 =	vmax.f32 v6, v17;
	v17 =	vld [tilespmem:s14+$0xFFFFFE40];
	v3 =	vsub.f32 v3, v2  }
0x31a: {  	v4 =	vadd.f32 v11, v4;
	v11 =	vmul.u32 $0x90, v14;
	v14 =	vld [tilespmem:s3+$0x20];
	v9 =	vadd.f32 v18, v9  }
0x31b: {  	v63 =	vld [tilespmem:s14+$0xFFFFFE60];
	s23 =	simm.s32 $0x7;
	v13 =	vmax.f32 v13, v55;
	v6 =	vsub.f32 v6, v2;
	v3 =	vmul.f32 $1.442695020e+00, v3  }
0x31c: {  	v37 =	vld [tilespmem:s14+$0xFFFFFEC0];
	v16 =	vmov s23;
	v13 =	vsub.f32 v13, v2;
	v56 =	vmul.f32 $2.000000030e-01, v9  }
0x31d: {  	v38 =	vld [tilespmem:s14+$0xFFFFFEE0];
	v16 =	vmul.u32 $0x90, v16;
	v6 =	vmul.f32 $1.442695020e+00, v6;
	(erf) = vpow2.f32 v3  }
0x31e: {  	v39 =	vld [tilespmem:s14+$0xFFFFFEF0];
	v3 =	vmax.f32 v8, v21;
	v8 =	vmul.f32 $2.000000030e-01, v4;
	v5 =	vadd.f32 v5, v17  }
0x31f: {  	v41 =	vld [tilespmem:s14+$0xFFFFFF00];
	v9 =	vmax.f32 v9, v56;
	v3 =	vsub.f32 v3, v2;
	v14 =	vadd.f32 v14, v22  }
0x320: {  	v45 =	vld [tilespmem:s14+$0xFFFFFFC0];
	v4 =	vmax.f32 v4, v8;
	v8 =	vadd.s32 $0x80, v16;
	v58 =	vmul.f32 $2.000000030e-01, v5  }
0x321: {  	v48 =	vld [tilespmem:s14+$0x30];
	(erf) = vpow2.f32 v6;
	v8 =	vbroadcast v8, $0x0;
	v4 =	vsub.f32 v4, v2  }
0x322: {  	v50 =	vld [tilespmem:s14+$0x40];
	v57 =	vmul.f32 $2.000000030e-01, v14;
	v61 =	vmul.f32 $1.442695020e+00, v3;
	v5 =	vmax.f32 v5, v58  }
0x323: {  	v51 =	vld [tilespmem:s14+$0x50];
	v8 =	vor.u32 v1, v8;
	v4 =	vmul.f32 $1.442695020e+00, v4;
	v5 =	vsub.f32 v5, v2  }
0x324: {  	v52 =	vld [tilespmem:s14+$0x60];
	v13 =	vmul.f32 $1.442695020e+00, v13;
	v9 =	vsub.f32 v9, v2;
	(erf) = vpow2.f32 v61  }
0x325: {  	v53 =	vld [tilespmem:s14+$0x100];
	v3 =	vmax.f32 v14, v57;
	v5 =	vmul.f32 $1.442695020e+00, v5;
	(erf) = vpow2.f32 v4  }
0x326: {  	v55 =	vld [tilespmem:s14+$0x170];
	v6 =	vmul.u32 $0x90, v12;
	v3 =	vsub.f32 v3, v2;
	v4 =	vbroadcast v7, $0x0;
	v62 =	vpop (erf)  }
0x327: {  	v18 =	vld [tilespmem:s14+$0xFFFFFDE0];
	v12 =	vmul.u32 $0x90, v19;
	v9 =	vmul.f32 $1.442695020e+00, v9;
	(erf) = vpow2.f32 v5;
	[tilespmem:s14+$0x230] =	vst v62  }
0x328: {  	v36 =	vmul.f32 $1.442695020e+00, v3;
	v4 =	vor.u32 v1, v4;
	(erf) = vpow2.f32 v13;
	v3 =	vld.idx.msk [tilespmem:v8+s18+$0x0], $0xffff  }
0x329: {  	v12 =	vadd.s32 $0x80, v12;
	v8 =	vld [tilespmem:s14+$0x220];
	(erf) = vpow2.f32 v9  }
0x32a: {  	v21 =	vld [tilespmem:s14+$0xFFFFFDD0];
	v12 =	vbroadcast v12, $0x0  }
0x32b: {  	s15 =	simm.s32 $0x3;
	v17 =	vld [tilespmem:s14+$0xFFFFFE00];
	v40 =	vpop (erf)  }
0x32c: {  	v15 =	vmov s15;
	v14 =	vld [tilespmem:s14+$0xFFFFFE50];
	[tilespmem:s14+$0xFFFFFED0] =	vst v40  }
0x32d: {  	v15 =	vmul.u32 $0x90, v15;
	v11 =	vadd.s32 $0x80, v11;
	v42 =	vpop (erf);
	v43 =	vld.idx.msk [tilespmem:v4+s18+$0x0], $0xffff  }
0x32e: {  	s15 =	simm.s32 $0x6;
	v11 =	vbroadcast v11, $0x0;
	v19 =	vld [tilespmem:s14+$0xFFFFFE70];
	v4 =	vor.u32 v1, v12;
	[tilespmem:s14+$0xFFFFFF60] =	vst v42;
	v12 =	vpop (erf);
	v8 =	vmul.f32 v8, v3  }
0x32f: {  	v20 =	vmov s15;
	v10 =	vmul.u32 $0x90, v10;
	v7 =	vld [tilespmem:s14+$0xFFFFFE80];
	[tilespmem:s14+$0xFFFFFFF0] =	vst v12  }
0x330: {  	v11 =	vor.u32 v1, v11;
	v5 =	vmul.u32 $0x90, v20;
	v20 =	vld [tilespmem:s14+$0xFFFFFE90];
	v13 =	vadd.s32 $0x80, v15;
	v12 =	vpop (erf);
	[tilespmem:s14+$0x220] =	vst v8  }
0x331: {  	v10 =	vadd.s32 $0x80, v10;
	v15 =	vld [tilespmem:s14+$0xFFFFFEA0];
	v9 =	vbroadcast v13, $0x0;
	(erf) = vpow2.f32 v36;
	[tilespmem:s14+$0xFFFFFE40] =	vst v12;
	v12 =	vpop (erf)  }
0x332: {  	v10 =	vbroadcast v10, $0x0;
	v13 =	vld [tilespmem:s14+$0xFFFFFEB0];
	v14 =	vmul.f32 v14, v43;
	[tilespmem:s14+$0x80] =	vst v12;
	v12 =	vpop (erf)  }
0x333: {  	v22 =	vld [tilespmem:s14+$0xFFFFFE10];
	v6 =	vadd.s32 $0x80, v6;
	v9 =	vor.u32 v1, v9;
	v19 =	vmul.f32 v19, v43;
	[tilespmem:s14+$0x110] =	vst v12  }
0x334: {  	v16 =	vld [tilespmem:s14+$0xFFFFFDF0];
	v6 =	vbroadcast v6, $0x0;
	v7 =	vmul.f32 v7, v43;
	[tilespmem:s14+$0xFFFFFE50] =	vst v14  }
0x335: {  	v10 =	vor.u32 v1, v10;
	v5 =	vadd.s32 $0x80, v5;
	v11 =	vld.idx.msk [tilespmem:v11+s18+$0x0], $0xffff;
	v20 =	vmul.f32 v20, v43;
	[tilespmem:s14+$0xFFFFFE70] =	vst v19  }
0x336: {  	v57 =	vld [tilespmem:s14+$0x190];
	v6 =	vor.u32 v1, v6;
	v5 =	vbroadcast v5, $0x0;
	v15 =	vmul.f32 v15, v43;
	[tilespmem:s14+$0xFFFFFE80] =	vst v7  }
0x337: {  	v62 =	vld [tilespmem:s14+$0x1C0];
	v13 =	vmul.f32 v13, v43;
	[tilespmem:s14+$0xFFFFFE90] =	vst v20  }
0x338: {  	v5 =	vor.u32 v1, v5;
	v9 =	vld.idx.msk [tilespmem:v9+s18+$0x0], $0xffff;
	v24 =	vmul.f32 v37, v43;
	[tilespmem:s14+$0xFFFFFEA0] =	vst v15  }
0x339: {  	v8 =	vld [tilespmem:s14+$0xFFFFFF10];
	[tilespmem:s14+$0xFFFFFEB0] =	vst v13  }
0x33a: {  	v10 =	vld.idx.msk [tilespmem:v10+s18+$0x0], $0xffff;
	v12 =	vpop (erf);
	v46 =	vmul.f32 v38, v11;
	[tilespmem:s14+$0xFFFFFEC0] =	vst v24  }
0x33b: {  	v6 =	vld.idx.msk [tilespmem:v6+s18+$0x0], $0xffff;
	v47 =	vmul.f32 v39, v11;
	[tilespmem:s14+$0x1A0] =	vst v12  }
0x33c: {  	v49 =	vmul.f32 v41, v11;
	v12 =	vld.idx.msk [tilespmem:v4+s18+$0x0], $0xffff;
	[tilespmem:s14+$0xFFFFFEE0] =	vst v46  }
0x33d: {  	v4 =	vld.idx.msk [tilespmem:v5+s18+$0x0], $0xffff;
	v5 =	vmul.f32 v63, v43;
	[tilespmem:s14+$0xFFFFFEF0] =	vst v47  }
0x33e: {  	v14 =	vld [tilespmem:s14+$0xFFFFFF20];
	v8 =	vmul.f32 v8, v11;
	[tilespmem:s14+$0xFFFFFF00] =	vst v49  }
0x33f: {  	v19 =	vld [tilespmem:s14+$0xFFFFFF40];
	v23 =	vmul.f32 v23, v10;
	[tilespmem:s14+$0xFFFFFE60] =	vst v5  }
0x340: {  	v7 =	vld [tilespmem:s14+$0xFFFFFFE0];
	v21 =	vmul.f32 v21, v10;
	[tilespmem:s14+$0xFFFFFF10] =	vst v8  }
0x341: {  	v20 =	vld [tilespmem:s14+$0x0];
	v18 =	vmul.f32 v18, v10;
	[tilespmem:s14+$0xFFFFFDC0] =	vst v23  }
0x342: {  	v15 =	vld [tilespmem:s14+$0x10];
	v16 =	vmul.f32 v16, v10;
	[tilespmem:s14+$0xFFFFFDD0] =	vst v21  }
0x343: {  	v13 =	vld [tilespmem:s14+$0x20];
	v17 =	vmul.f32 v17, v10;
	[tilespmem:s14+$0xFFFFFDE0] =	vst v18  }
0x344: {  	v63 =	vld [tilespmem:s14+$0x1D0];
	v22 =	vmul.f32 v22, v10;
	[tilespmem:s14+$0xFFFFFDF0] =	vst v16  }
0x345: {  	v5 =	vld [tilespmem:s14+$0xFFFFFF30];
	v44 =	vmul.f32 v59, v10;
	[tilespmem:s14+$0xFFFFFE00] =	vst v17  }
0x346: {  	v10 =	vmul.f32 v60, v10;
	v8 =	vld [tilespmem:s14+$0x70];
	[tilespmem:s14+$0xFFFFFE10] =	vst v22  }
0x347: {  	v14 =	vmul.f32 v14, v11;
	v23 =	vld [tilespmem:s14+$0xFFFFFF50];
	[tilespmem:s14+$0xFFFFFE20] =	vst v44  }
0x348: {  	v19 =	vmul.f32 v19, v11;
	v21 =	vld [tilespmem:s14+$0xFFFFFF70];
	[tilespmem:s14+$0xFFFFFE30] =	vst v10  }
0x349: {  	v7 =	vmul.f32 v7, v9;
	v18 =	vld [tilespmem:s14+$0xFFFFFF80];
	[tilespmem:s14+$0xFFFFFF20] =	vst v14  }
0x34a: {  	v15 =	vmul.f32 v15, v6;
	v16 =	vld [tilespmem:s14+$0xFFFFFF90];
	[tilespmem:s14+$0xFFFFFF40] =	vst v19  }
0x34b: {  	v13 =	vmul.f32 v13, v6;
	v17 =	vld [tilespmem:s14+$0xFFFFFFA0];
	[tilespmem:s14+$0xFFFFFFE0] =	vst v7  }
0x34c: {  	v54 =	vmul.f32 v51, v6;
	v22 =	vld [tilespmem:s14+$0xFFFFFFB0];
	[tilespmem:s14+$0x10] =	vst v15  }
0x34d: {  	v10 =	vld [tilespmem:s14+$0xFFFFFFD0];
	v15 =	vmul.f32 v52, v6;
	[tilespmem:s14+$0x20] =	vst v13  }
0x34e: {  	v14 =	vld [tilespmem:s14+$0x90];
	[tilespmem:s14+$0x50] =	vst v54;
	v5 =	vmul.f32 v5, v11  }
0x34f: {  	v19 =	vld [tilespmem:s14+$0xB0];
	[tilespmem:s14+$0x60] =	vst v15;
	v11 =	vmul.f32 v23, v11;
	v21 =	vmul.f32 v21, v9  }
0x350: {  	v7 =	vld [tilespmem:s14+$0x150];
	[tilespmem:s14+$0xFFFFFF30] =	vst v5;
	v18 =	vmul.f32 v18, v9;
	v16 =	vmul.f32 v16, v9  }
0x351: {  	v5 =	vld [tilespmem:s14+$0xA0];
	v17 =	vmul.f32 v17, v9;
	v22 =	vmul.f32 v22, v9;
	[tilespmem:s14+$0xFFFFFF50] =	vst v11  }
0x352: {  	v23 =	vmul.f32 v45, v9;
	v10 =	vmul.f32 v10, v9;
	v9 =	vld [tilespmem:s14+$0x130];
	[tilespmem:s14+$0xFFFFFF70] =	vst v21  }
0x353: {  	v11 =	vld [tilespmem:s14+$0xC0];
	[tilespmem:s14+$0xFFFFFF80] =	vst v18  }
0x354: {  	v21 =	vld [tilespmem:s14+$0xD0];
	[tilespmem:s14+$0xFFFFFF90] =	vst v16  }
0x355: {  	v18 =	vld [tilespmem:s14+$0xE0];
	[tilespmem:s14+$0xFFFFFFA0] =	vst v17  }
0x356: {  	v56 =	vmul.f32 v14, v12;
	v16 =	vld [tilespmem:s14+$0xF0];
	[tilespmem:s14+$0xFFFFFFB0] =	vst v22;
	v17 =	vmul.f32 v20, v6  }
0x357: {  	v58 =	vmul.f32 v19, v12;
	v22 =	vld [tilespmem:s14+$0x120];
	[tilespmem:s14+$0xFFFFFFD0] =	vst v10;
	v20 =	vmul.f32 v48, v6  }
0x358: {  	v10 =	vld [tilespmem:s14+$0x140];
	[tilespmem:s14+$0x0] =	vst v17;
	v17 =	vmul.f32 v50, v6;
	v6 =	vmul.f32 v8, v6  }
0x359: {  	[tilespmem:s14+$0xFFFFFFC0] =	vst v23;
	v23 =	vld [tilespmem:s14+$0x160];
	v5 =	vmul.f32 v5, v12;
	v14 =	vmul.f32 v9, v4  }
0x35a: {  	v60 =	vld [tilespmem:s14+$0x1B0];
	[tilespmem:s14+$0x90] =	vst v56;
	v59 =	vmul.f32 v11, v12;
	v61 =	vmul.f32 v21, v12  }
0x35b: {  	v8 =	vld [tilespmem:s14+$0x180];
	[tilespmem:s14+$0x40] =	vst v17;
	v18 =	vmul.f32 v18, v12;
	v17 =	vmul.f32 v16, v12  }
0x35c: {  	[tilespmem:s14+$0x70] =	vst v6;
	v6 =	vld [tilespmem:s14+$0x1E0];
	v16 =	vmul.f32 v53, v12;
	v15 =	vmul.f32 v22, v4  }
0x35d: {  	v19 =	vld [tilespmem:s14+$0x1F0];
	[tilespmem:s14+$0xB0] =	vst v58;
	v13 =	vmul.f32 v10, v4;
	v12 =	vmul.f32 v7, v4  }
0x35e: {  	[tilespmem:s14+$0x30] =	vst v20;
	v20 =	vld [tilespmem:s14+$0x200];
	v11 =	vmul.f32 v23, v4;
	v10 =	vmul.f32 v55, v4  }
0x35f: {  	s9 =	simm.s32 $0x940;
	[tilespmem:s14+$0xA0] =	vst v5;
	v21 =	vld [tilespmem:s14+$0x210];
	v7 =	vmul.f32 v60, v3;
	v5 =	vmul.f32 v63, v3  }
0x360: {  	s8 =	simm.s32 $0x3040;
	v22 =	vld [tilespmem:s9+$0x230];
	v9 =	vmul.f32 v8, v4;
	v8 =	vmul.f32 v57, v4;
	[tilespmem:s14+$0xC0] =	vst v59  }
0x361: {  	s11 =	simm.s32 $0x8;
	s3 =	simm.s32 $0x10;
	v23 =	vld [tilespmem:s8+$0x30];
	v4 =	vmul.f32 v62, v3;
	[tilespmem:s14+$0xD0] =	vst v61;
	v6 =	vmul.f32 v6, v3  }
.LBB2_9:
0x362: {  	p1 =	slt.u32 s3, $0x48;
	v24 =	vld [tilespmem:s8+$0xFFFFFFC0];
	[tilespmem:s14+$0xE0] =	vst v18;
	v18 =	vmul.f32 v19, v3  }
0x363: {  	v19 =	vld [tilespmem:s9+$0xFFFFFED0];
	[tilespmem:s14+$0xF0] =	vst v17;
	v17 =	vmul.f32 v20, v3  }
0x364: {  	v20 =	vld [tilespmem:s8+$0xFFFFFFD0];
	[tilespmem:s14+$0x100] =	vst v16;
	v3 =	vmul.f32 v21, v3  }
0x365: {  	v16 =	vld [tilespmem:s9+$0xFFFFFF60];
	[tilespmem:s14+$0x120] =	vst v15  }
0x366: {  	v15 =	vld [tilespmem:s8+$0xFFFFFFE0];
	v21 =	vadd.f32 v23, v22;
	[tilespmem:s14+$0x130] =	vst v14  }
0x367: {  	v14 =	vmov s11;
	v22 =	vld [tilespmem:s9+$0xFFFFFFF0];
	[tilespmem:s14+$0x140] =	vst v13  }
0x368: {  	s15 =	sadd.s32 $0x1, s11;
	s23 =	sadd.s32 $0x2, s11;
	v13 =	vmul.u32 $0x90, v14;
	v14 =	vld [tilespmem:s8+$0xFFFFFFF0];
	v23 =	vmul.f32 $2.000000030e-01, v21;
	[tilespmem:s14+$0x150] =	vst v12  }
0x369: {  	v12 =	vadd.f32 v20, v19;
	v19 =	vmov s15;
	v20 =	vmov s23;
	s15 =	sadd.s32 $0x3, s11;
	v25 =	vld [tilespmem:s9+$0x80];
	s23 =	sadd.s32 $0x4, s11;
	[tilespmem:s14+$0x160] =	vst v11  }
0x36a: {  	v11 =	vmov s15;
	v26 =	vld [tilespmem:s8+$0x0];
	v27 =	vmov s23;
	v21 =	vmax.f32 v21, v23;
	[tilespmem:s14+$0x170] =	vst v10  }
0x36b: {  	s15 =	sadd.s32 $0x5, s11;
	s23 =	sadd.s32 $0x6, s11;
	v10 =	vmul.f32 $2.000000030e-01, v12;
	v15 =	vadd.f32 v15, v16;
	v16 =	vld [tilespmem:s9+$0x110];
	v21 =	vsub.f32 v21, v2;
	[tilespmem:s14+$0x180] =	vst v9  }
0x36c: {  	v19 =	vmul.u32 $0x90, v19;
	v23 =	vmov s15;
	v28 =	vmov s23;
	v9 =	vld [tilespmem:s8+$0x10];
	[tilespmem:s14+$0x190] =	vst v8  }
0x36d: {  	v8 =	vmul.f32 $2.000000030e-01, v15;
	v14 =	vadd.f32 v14, v22;
	v22 =	vld [tilespmem:s9+$0x1A0];
	v21 =	vmul.f32 $1.442695020e+00, v21;
	[tilespmem:s14+$0x1B0] =	vst v7  }
0x36e: {  	v20 =	vmul.u32 $0x90, v20;
	v29 =	vmul.u32 $0x90, v11;
	s15 =	sadd.s32 $0x7, s11;
	s11 =	smov.u32 s3;
	v10 =	vmax.f32 v12, v10;
	v11 =	vld [tilespmem:s8+$0x20];
	[tilespmem:s14+$0x1C0] =	vst v4  }
0x36f: {  	v7 =	vmov s15;
	v4 =	vld [tilespmem:s9+$0xFFFFFE40];
	v12 =	vadd.f32 v26, v25;
	(erf) = vpow2.f32 v21;
	[tilespmem:s14+$0x1D0] =	vst v5  }
0x370: {  	v15 =	vmax.f32 v15, v8;
	v21 =	vmul.f32 $2.000000030e-01, v14;
	v25 =	vmul.u32 $0x90, v7;
	v5 =	vld [tilespmem:s9+$0xFFFFFDC0];
	[tilespmem:s14+$0x1E0] =	vst v6  }
0x371: {  	v6 =	vsub.f32 v10, v2;
	v7 =	vld [tilespmem:s9+$0xFFFFFDD0];
	v26 =	vmul.f32 $2.000000030e-01, v12;
	v16 =	vadd.f32 v9, v16;
	[tilespmem:s14+$0x1F0] =	vst v18  }
0x372: {  	v15 =	vsub.f32 v15, v2;
	v14 =	vmax.f32 v14, v21;
	v10 =	vadd.s32 $0x80, v25;
	v8 =	vld [tilespmem:s9+$0xFFFFFDE0];
	[tilespmem:s14+$0x200] =	vst v17  }
0x373: {  	v21 =	vbroadcast v10, $0x0;
	v9 =	vld [tilespmem:s9+$0xFFFFFDF0];
	v17 =	vmul.f32 $2.000000030e-01, v16;
	v18 =	vadd.f32 v11, v22;
	[tilespmem:s14+$0x210] =	vst v3;
	s14 =	smov.u32 s9  }
0x374: {  	v3 =	vadd.f32 v24, v4;
	v10 =	vld [tilespmem:s9+$0xFFFFFE00];
	v4 =	vsub.f32 v14, v2;
	v14 =	vmax.f32 v12, v26  }
0x375: {  	v21 =	vor.u32 v1, v21;
	v11 =	vld [tilespmem:s9+$0xFFFFFE10];
	v16 =	vmax.f32 v16, v17;
	v17 =	vmul.f32 $2.000000030e-01, v18  }
0x376: {  	v24 =	vsub.f32 v14, v2;
	v25 =	vmul.f32 $2.000000030e-01, v3;
	v12 =	vld [tilespmem:s9+$0xFFFFFE20];
	v16 =	vsub.f32 v16, v2  }
0x377: {  	v6 =	vmul.f32 $1.442695020e+00, v6;
	v15 =	vmul.f32 $1.442695020e+00, v15;
	v14 =	vld [tilespmem:s9+$0xFFFFFE30];
	v17 =	vmax.f32 v18, v17  }
0x378: {  	v4 =	vmul.f32 $1.442695020e+00, v4;
	v3 =	vmax.f32 v3, v25;
	v18 =	vld [tilespmem:s9+$0xFFFFFE50];
	v17 =	vsub.f32 v17, v2;
	v22 =	vpop (erf)  }
0x379: {  	v24 =	vmul.f32 $1.442695020e+00, v24;
	v16 =	vmul.f32 $1.442695020e+00, v16;
	v25 =	vsub.f32 v3, v2;
	v26 =	vld [tilespmem:s9+$0xFFFFFE60];
	[tilespmem:s9+$0x230] =	vst v22  }
0x37a: {  	v22 =	vmul.u32 $0x90, v27;
	v17 =	vmul.f32 $1.442695020e+00, v17;
	v3 =	vld.idx.msk [tilespmem:v21+s18+$0x0], $0xffff;
	(erf) = vpow2.f32 v6  }
0x37b: {  	v21 =	vmul.u32 $0x90, v23;
	v6 =	vmul.f32 $1.442695020e+00, v25;
	v23 =	vld [tilespmem:s9+$0x220];
	(erf) = vpow2.f32 v15  }
0x37c: {  	v15 =	vadd.s32 $0x80, v19;
	v25 =	vmul.u32 $0x90, v28;
	v19 =	vld [tilespmem:s9+$0xFFFFFE70];
	(erf) = vpow2.f32 v4  }
0x37d: {  	v20 =	vadd.s32 $0x80, v20;
	v4 =	vbroadcast v15, $0x0;
	v15 =	vld [tilespmem:s9+$0xFFFFFE80];
	(erf) = vpow2.f32 v6  }
0x37e: {  	v6 =	vbroadcast v20, $0x0;
	v20 =	vadd.s32 $0x80, v29;
	v27 =	vld [tilespmem:s9+$0xFFFFFE90];
	(erf) = vpow2.f32 v24  }
0x37f: {  	v13 =	vadd.s32 $0x80, v13;
	v20 =	vbroadcast v20, $0x0;
	v24 =	vld [tilespmem:s9+$0xFFFFFEA0];
	(erf) = vpow2.f32 v16  }
0x380: {  	v4 =	vor.u32 v1, v4;
	v16 =	vld [tilespmem:s9+$0xFFFFFEB0];
	v23 =	vmul.f32 v23, v3;
	(erf) = vpow2.f32 v17  }
0x381: {  	v13 =	vbroadcast v13, $0x0;
	v22 =	vadd.s32 $0x80, v22;
	v6 =	vor.u32 v1, v6;
	v17 =	vld [tilespmem:s9+$0xFFFFFEC0]  }
0x382: {  	v22 =	vbroadcast v22, $0x0;
	v21 =	vadd.s32 $0x80, v21;
	v20 =	vor.u32 v1, v20;
	v28 =	vld [tilespmem:s9+$0xFFFFFEE0];
	[tilespmem:s9+$0x220] =	vst v23  }
0x383: {  	v13 =	vor.u32 v1, v13;
	v32 =	vbroadcast v21, $0x0;
	v25 =	vadd.s32 $0x80, v25;
	v23 =	vld [tilespmem:s9+$0xFFFFFEF0];
	v29 =	vpop (erf)  }
0x384: {  	v22 =	vor.u32 v1, v22;
	v25 =	vbroadcast v25, $0x0;
	[tilespmem:s9+$0xFFFFFED0] =	vst v29;
	v29 =	vld [tilespmem:s9+$0xFFFFFF00];
	v30 =	vpop (erf)  }
0x385: {  	v31 =	vld.idx.msk [tilespmem:v4+s18+$0x0], $0xffff;
	[tilespmem:s9+$0xFFFFFF60] =	vst v30;
	v4 =	vor.u32 v1, v32;
	v21 =	vpop (erf)  }
0x386: {  	v30 =	vld.idx.msk [tilespmem:v6+s18+$0x0], $0xffff;
	[tilespmem:s9+$0xFFFFFFF0] =	vst v21;
	v21 =	vor.u32 v1, v25;
	v6 =	vpop (erf)  }
0x387: {  	[tilespmem:s9+$0xFFFFFE40] =	vst v6;
	v20 =	vld.idx.msk [tilespmem:v20+s18+$0x0], $0xffff;
	v6 =	vpop (erf)  }
0x388: {  	v13 =	vld.idx.msk [tilespmem:v13+s18+$0x0], $0xffff;
	[tilespmem:s9+$0x80] =	vst v6;
	v6 =	vpop (erf)  }
0x389: {  	v22 =	vld.idx.msk [tilespmem:v22+s18+$0x0], $0xffff;
	[tilespmem:s9+$0x110] =	vst v6;
	v25 =	vpop (erf)  }
0x38a: {  	v6 =	vld.idx.msk [tilespmem:v4+s18+$0x0], $0xffff;
	[tilespmem:s9+$0x1A0] =	vst v25  }
0x38b: {  	v18 =	vmul.f32 v18, v31;
	v25 =	vmul.f32 v26, v31;
	v4 =	vld.idx.msk [tilespmem:v21+s18+$0x0], $0xffff  }
0x38c: {  	v19 =	vmul.f32 v19, v31;
	v15 =	vmul.f32 v15, v31;
	v21 =	vld [tilespmem:s9+$0xFFFFFF10]  }
0x38d: {  	v24 =	vmul.f32 v24, v31;
	[tilespmem:s9+$0xFFFFFE50] =	vst v18;
	v18 =	vmul.f32 v27, v31;
	v26 =	vld [tilespmem:s9+$0xFFFFFF20]  }
0x38e: {  	v5 =	vmul.f32 v5, v13;
	v7 =	vmul.f32 v7, v13;
	[tilespmem:s9+$0xFFFFFE60] =	vst v25;
	v25 =	vld [tilespmem:s9+$0xFFFFFF30]  }
0x38f: {  	v8 =	vmul.f32 v8, v13;
	v9 =	vmul.f32 v9, v13;
	[tilespmem:s9+$0xFFFFFE70] =	vst v19;
	v19 =	vld [tilespmem:s9+$0xFFFFFF40]  }
0x390: {  	[tilespmem:s9+$0xFFFFFDC0] =	vst v5;
	v5 =	vmul.f32 v10, v13;
	v10 =	vmul.f32 v11, v13;
	v11 =	vld [tilespmem:s9+$0xFFFFFF50]  }
0x391: {  	[tilespmem:s9+$0xFFFFFDD0] =	vst v7;
	v7 =	vmul.f32 v12, v13;
	v12 =	vmul.f32 v14, v13;
	v13 =	vld [tilespmem:s9+$0xFFFFFF70]  }
0x392: {  	v14 =	vmul.f32 v17, v31;
	[tilespmem:s9+$0xFFFFFDE0] =	vst v8;
	v8 =	vmul.f32 v16, v31;
	v16 =	vld [tilespmem:s9+$0xFFFFFF80]  }
0x393: {  	v17 =	vmul.f32 v23, v30;
	[tilespmem:s9+$0xFFFFFDF0] =	vst v9;
	v9 =	vmul.f32 v28, v30;
	v23 =	vld [tilespmem:s9+$0xFFFFFF90]  }
0x394: {  	v21 =	vmul.f32 v21, v30;
	[tilespmem:s9+$0xFFFFFE00] =	vst v5;
	v5 =	vmul.f32 v29, v30;
	v27 =	vld [tilespmem:s9+$0xFFFFFFA0]  }
0x395: {  	v25 =	vmul.f32 v25, v30;
	[tilespmem:s9+$0xFFFFFE10] =	vst v10;
	v10 =	vmul.f32 v26, v30;
	v26 =	vld [tilespmem:s9+$0xFFFFFFB0]  }
0x396: {  	v11 =	vmul.f32 v11, v30;
	[tilespmem:s9+$0xFFFFFE20] =	vst v7;
	v7 =	vmul.f32 v19, v30;
	v19 =	vld [tilespmem:s9+$0xFFFFFFC0]  }
0x397: {  	[tilespmem:s9+$0xFFFFFE30] =	vst v12;
	v12 =	vmul.f32 v13, v20;
	v13 =	vmul.f32 v16, v20;
	v16 =	vld [tilespmem:s9+$0xFFFFFFD0]  }
0x398: {  	[tilespmem:s9+$0xFFFFFE80] =	vst v15;
	v15 =	vmul.f32 v23, v20;
	v23 =	vld [tilespmem:s9+$0xFFFFFFE0]  }
0x399: {  	[tilespmem:s9+$0xFFFFFE90] =	vst v18;
	v18 =	vmul.f32 v27, v20;
	v27 =	vld [tilespmem:s9+$0x0]  }
0x39a: {  	[tilespmem:s9+$0xFFFFFEA0] =	vst v24;
	v24 =	vmul.f32 v26, v20;
	v26 =	vld [tilespmem:s9+$0x10]  }
0x39b: {  	[tilespmem:s9+$0xFFFFFEB0] =	vst v8;
	v8 =	vmul.f32 v19, v20;
	v19 =	vld [tilespmem:s9+$0x20]  }
0x39c: {  	[tilespmem:s9+$0xFFFFFEC0] =	vst v14;
	v14 =	vmul.f32 v16, v20;
	v16 =	vld [tilespmem:s9+$0x30]  }
0x39d: {  	[tilespmem:s9+$0xFFFFFEE0] =	vst v9;
	v9 =	vmul.f32 v23, v20;
	v20 =	vld [tilespmem:s9+$0x40]  }
0x39e: {  	[tilespmem:s9+$0xFFFFFEF0] =	vst v17;
	v23 =	vmul.f32 v27, v22;
	v17 =	vld [tilespmem:s9+$0x50]  }
0x39f: {  	[tilespmem:s9+$0xFFFFFF00] =	vst v5;
	v5 =	vmul.f32 v26, v22;
	v26 =	vld [tilespmem:s9+$0x60]  }
0x3a0: {  	[tilespmem:s9+$0xFFFFFF10] =	vst v21;
	v19 =	vmul.f32 v19, v22;
	v21 =	vld [tilespmem:s9+$0x70]  }
0x3a1: {  	[tilespmem:s9+$0xFFFFFF20] =	vst v10;
	v10 =	vmul.f32 v16, v22;
	v16 =	vld [tilespmem:s9+$0x90]  }
0x3a2: {  	[tilespmem:s9+$0xFFFFFF30] =	vst v25;
	v20 =	vmul.f32 v20, v22;
	v25 =	vld [tilespmem:s9+$0xA0]  }
0x3a3: {  	[tilespmem:s9+$0xFFFFFF40] =	vst v7;
	v7 =	vmul.f32 v17, v22;
	v17 =	vld [tilespmem:s9+$0xB0]  }
0x3a4: {  	[tilespmem:s9+$0xFFFFFF50] =	vst v11;
	v26 =	vmul.f32 v26, v22;
	v11 =	vld [tilespmem:s9+$0xC0]  }
0x3a5: {  	[tilespmem:s9+$0xFFFFFF70] =	vst v12;
	v21 =	vmul.f32 v21, v22;
	v12 =	vld [tilespmem:s9+$0xD0]  }
0x3a6: {  	[tilespmem:s9+$0xFFFFFF80] =	vst v13;
	v22 =	vmul.f32 v16, v6;
	v13 =	vld [tilespmem:s9+$0xE0]  }
0x3a7: {  	[tilespmem:s9+$0xFFFFFF90] =	vst v15;
	v25 =	vmul.f32 v25, v6;
	v15 =	vld [tilespmem:s9+$0xF0]  }
0x3a8: {  	[tilespmem:s9+$0xFFFFFFA0] =	vst v18;
	v27 =	vmul.f32 v17, v6;
	v16 =	vld [tilespmem:s9+$0x100]  }
0x3a9: {  	[tilespmem:s9+$0xFFFFFFB0] =	vst v24;
	v24 =	vmul.f32 v11, v6;
	v11 =	vld [tilespmem:s9+$0x120]  }
0x3aa: {  	[tilespmem:s9+$0xFFFFFFC0] =	vst v8;
	v28 =	vmul.f32 v12, v6;
	v8 =	vld [tilespmem:s9+$0x130]  }
0x3ab: {  	[tilespmem:s9+$0xFFFFFFD0] =	vst v14;
	v18 =	vmul.f32 v13, v6;
	v12 =	vld [tilespmem:s9+$0x140]  }
0x3ac: {  	[tilespmem:s9+$0xFFFFFFE0] =	vst v9;
	v17 =	vmul.f32 v15, v6;
	v9 =	vld [tilespmem:s9+$0x150]  }
0x3ad: {  	[tilespmem:s9+$0x0] =	vst v23;
	v16 =	vmul.f32 v16, v6;
	v6 =	vld [tilespmem:s9+$0x160]  }
0x3ae: {  	[tilespmem:s9+$0x10] =	vst v5;
	v15 =	vmul.f32 v11, v4;
	v5 =	vld [tilespmem:s9+$0x170]  }
0x3af: {  	[tilespmem:s9+$0x20] =	vst v19;
	v14 =	vmul.f32 v8, v4;
	v8 =	vld [tilespmem:s9+$0x180]  }
0x3b0: {  	[tilespmem:s9+$0x30] =	vst v10;
	v13 =	vmul.f32 v12, v4;
	v19 =	vld [tilespmem:s9+$0x190]  }
0x3b1: {  	[tilespmem:s9+$0x40] =	vst v20;
	v12 =	vmul.f32 v9, v4;
	v20 =	vld [tilespmem:s9+$0x1B0]  }
0x3b2: {  	[tilespmem:s9+$0x50] =	vst v7;
	v11 =	vmul.f32 v6, v4;
	v6 =	vld [tilespmem:s9+$0x1C0]  }
0x3b3: {  	[tilespmem:s9+$0x60] =	vst v26;
	v10 =	vmul.f32 v5, v4;
	v5 =	vld [tilespmem:s9+$0x1D0]  }
0x3b4: {  	[tilespmem:s9+$0x70] =	vst v21;
	v9 =	vmul.f32 v8, v4;
	v26 =	vld [tilespmem:s9+$0x1E0]  }
.Ltmp3:
0x3b5: {  	[tilespmem:s9+$0x90] =	vst v22;
	v8 =	vmul.f32 v19, v4;
	v19 =	vld [tilespmem:s9+$0x1F0];
	(pc) =	sbr.rel @p1 .LBB2_9-.Ltmp3, $4  }
0x3b6: {  	[tilespmem:s9+$0xA0] =	vst v25;
	v7 =	vmul.f32 v20, v3;
	v20 =	vld [tilespmem:s9+$0x200]  }
0x3b7: {  	s9 =	sadd.s32 $0x480, s9;
	[tilespmem:s14+$0xB0] =	vst v27;
	v4 =	vmul.f32 v6, v3;
	v21 =	vld [tilespmem:s14+$0x210]  }
0x3b8: {  	s8 =	sadd.s32 $0x80, s8;
	v22 =	vld [tilespmem:s9+$0x230];
	[tilespmem:s14+$0xC0] =	vst v24;
	v5 =	vmul.f32 v5, v3  }
0x3b9: {  	s3 =	sadd.s32 $0x8, s3;
	v23 =	vld [tilespmem:s8+$0x30];
	[tilespmem:s14+$0xD0] =	vst v28;
	v6 =	vmul.f32 v26, v3  }
0x3ba: {  	v24 =	vld [tilespmem:s8+$0xFFFFFFC0]  }
0x3bb: {  	v25 =	vld [tilespmem:s9+$0xFFFFFED0]  }
0x3bc: {  	v26 =	vld [tilespmem:s8+$0xFFFFFFD0]  }
0x3bd: {  	v27 =	vld [tilespmem:s9+$0xFFFFFF60]  }
0x3be: {  	v28 =	vld [tilespmem:s9+$0xFFFFFFF0]  }
0x3bf: {  	v30 =	vld [tilespmem:s8+$0xFFFFFFF0]  }
0x3c0: {  	v31 =	vld [tilespmem:s9+$0x80];
	v22 =	vadd.f32 v23, v22  }
0x3c1: {  	v62 =	vld [tilespmem:s8+$0x0]  }
0x3c2: {  	v32 =	vld [tilespmem:s9+$0x110];
	v29 =	vmul.f32 $2.000000030e-01, v22  }
0x3c3: {  	v63 =	vld [tilespmem:s8+$0x10]  }
0x3c4: {  	s3 =	sadd.s32 $0x7, s11;
	v33 =	vld [tilespmem:s9+$0xFFFFFE40];
	v22 =	vmax.f32 v22, v29  }
0x3c5: {  	v19 =	vmul.f32 v19, v3;
	s23 =	sadd.s32 $0x1, s11;
	v34 =	vmov s3;
	v23 =	vld [tilespmem:s8+$0xFFFFFFE0];
	v22 =	vsub.f32 v22, v2  }
0x3c6: {  	v20 =	vmul.f32 v20, v3;
	v41 =	vmov s23;
	v34 =	vmul.u32 $0x90, v34  }
0x3c7: {  	v21 =	vmul.f32 v21, v3;
	v25 =	vadd.f32 v26, v25;
	v22 =	vmul.f32 $1.442695020e+00, v22  }
0x3c8: {  	v43 =	vadd.s32 $0x80, v34;
	v28 =	vadd.f32 v30, v28;
	v42 =	vadd.f32 v62, v31  }
0x3c9: {  	v36 =	vld [tilespmem:s8+$0x20];
	[tilespmem:s14+$0xE0] =	vst v18;
	v26 =	vadd.f32 v63, v32;
	v24 =	vadd.f32 v24, v33;
	(erf) = vpow2.f32 v22  }
0x3ca: {  	[tilespmem:s14+$0x130] =	vst v14;
	v40 =	vmul.f32 $2.000000030e-01, v25;
	v44 =	vmul.f32 $2.000000030e-01, v28;
	v3 =	vadd.f32 v23, v27;
	v23 =	vld [tilespmem:s9+$0x1A0]  }
0x3cb: {  	[tilespmem:s14+$0x140] =	vst v13;
	v30 =	vmul.u32 $0x90, v41;
	v14 =	vmul.f32 $2.000000030e-01, v42;
	v13 =	vmul.f32 $2.000000030e-01, v26  }
0x3cc: {  	[tilespmem:s14+$0xF0] =	vst v17;
	v33 =	vmul.f32 $2.000000030e-01, v24;
	v29 =	vbroadcast v43, $0x0;
	v25 =	vmax.f32 v25, v40  }
0x3cd: {  	[tilespmem:s14+$0x100] =	vst v16;
	v28 =	vmax.f32 v28, v44;
	v14 =	vmax.f32 v42, v14;
	v35 =	vmul.f32 $2.000000030e-01, v3  }
0x3ce: {  	[tilespmem:s14+$0x160] =	vst v11;
	v11 =	vmax.f32 v26, v13;
	v24 =	vmax.f32 v24, v33;
	v25 =	vsub.f32 v25, v2  }
0x3cf: {  	[tilespmem:s14+$0x150] =	vst v12;
	v29 =	vor.u32 v1, v29;
	v3 =	vmax.f32 v3, v35;
	v23 =	vadd.f32 v36, v23  }
0x3d0: {  	[tilespmem:s14+$0x170] =	vst v10;
	v12 =	vsub.f32 v28, v2;
	v13 =	vmul.f32 $1.442695020e+00, v25;
	v3 =	vsub.f32 v3, v2  }
0x3d1: {  	[tilespmem:s14+$0x180] =	vst v9;
	v24 =	vsub.f32 v24, v2;
	v10 =	vsub.f32 v14, v2;
	v50 =	vmul.f32 $2.000000030e-01, v23  }
0x3d2: {  	[tilespmem:s14+$0x190] =	vst v8;
	v8 =	vsub.f32 v11, v2;
	v51 =	vmul.f32 $1.442695020e+00, v3;
	v49 =	vpop (erf);
	(erf) = vpow2.f32 v13  }
0x3d3: {  	[tilespmem:s14+$0x1B0] =	vst v7;
	v12 =	vmul.f32 $1.442695020e+00, v12;
	v7 =	vmul.f32 $1.442695020e+00, v10;
	v10 =	vadd.s32 $0x80, v30  }
0x3d4: {  	v14 =	vld [tilespmem:s9+$0x220];
	v9 =	vmax.f32 v23, v50;
	v13 =	vmul.f32 $1.442695020e+00, v24;
	[tilespmem:s9+$0x230] =	vst v49;
	(erf) = vpow2.f32 v51  }
0x3d5: {  	[tilespmem:s14+$0x1C0] =	vst v4;
	v4 =	vmul.f32 $1.442695020e+00, v8;
	v9 =	vsub.f32 v9, v2;
	v3 =	vld.idx.msk [tilespmem:v29+s18+$0x0], $0xffff;
	(erf) = vpow2.f32 v12  }
0x3d6: {  	v18 =	vld [tilespmem:s9+$0xFFFFFDC0];
	[tilespmem:s14+$0x120] =	vst v15;
	v8 =	vbroadcast v10, $0x0;
	(erf) = vpow2.f32 v13  }
0x3d7: {  	v17 =	vld [tilespmem:s9+$0xFFFFFDD0];
	[tilespmem:s14+$0x1D0] =	vst v5;
	v22 =	vmov s11;
	v5 =	vmul.f32 $1.442695020e+00, v9;
	(erf) = vpow2.f32 v7  }
0x3d8: {  	v16 =	vld [tilespmem:s9+$0xFFFFFDE0];
	[tilespmem:s14+$0x1E0] =	vst v6;
	v13 =	vmul.u32 $0x90, v22;
	(erf) = vpow2.f32 v4;
	v4 =	vor.u32 v1, v8  }
0x3d9: {  	v15 =	vld [tilespmem:s9+$0xFFFFFDF0];
	[tilespmem:s14+$0x1F0] =	vst v19;
	(erf) = vpow2.f32 v5  }
0x3da: {  	v45 =	vld [tilespmem:s9+$0xFFFFFE00];
	[tilespmem:s14+$0x200] =	vst v20;
	v6 =	vadd.s32 $0x80, v13;
	v13 =	vmul.f32 v14, v3  }
0x3db: {  	v46 =	vld [tilespmem:s9+$0xFFFFFE10];
	[tilespmem:s14+$0x210] =	vst v21;
	v19 =	vpop (erf)  }
0x3dc: {  	v48 =	vld [tilespmem:s9+$0xFFFFFE50];
	[tilespmem:s9+$0xFFFFFED0] =	vst v19  }
0x3dd: {  	[tilespmem:s9+$0x220] =	vst v13;
	v20 =	vpop (erf);
	v4 =	vld.idx.msk [tilespmem:v4+s18+$0x0], $0xffff  }
0x3de: {  	v52 =	vld [tilespmem:s9+$0xFFFFFE60];
	v5 =	vbroadcast v6, $0x0;
	v13 =	vpop (erf);
	[tilespmem:s9+$0xFFFFFF60] =	vst v20  }
0x3df: {  	s14 =	sadd.s32 $0x2, s11;
	v11 =	vld [tilespmem:s9+$0xFFFFFE70];
	v20 =	vpop (erf);
	[tilespmem:s9+$0xFFFFFFF0] =	vst v13  }
0x3e0: {  	v21 =	vmov s14;
	v12 =	vld [tilespmem:s9+$0xFFFFFE80];
	v5 =	vor.u32 v1, v5;
	[tilespmem:s9+$0xFFFFFE40] =	vst v20;
	v13 =	vpop (erf)  }
0x3e1: {  	v21 =	vmul.u32 $0x90, v21;
	v10 =	vld [tilespmem:s9+$0xFFFFFE90];
	[tilespmem:s9+$0x80] =	vst v13;
	v13 =	vpop (erf)  }
0x3e2: {  	v7 =	vld [tilespmem:s9+$0xFFFFFEA0];
	[tilespmem:s9+$0x110] =	vst v13;
	v13 =	vpop (erf);
	v25 =	vmul.f32 v48, v4  }
0x3e3: {  	s23 =	sadd.s32 $0x4, s11;
	v21 =	vadd.s32 $0x80, v21;
	v8 =	vld [tilespmem:s9+$0xFFFFFEB0];
	[tilespmem:s9+$0x1A0] =	vst v13;
	v13 =	vmul.f32 v52, v4  }
0x3e4: {  	s15 =	sadd.s32 $0x3, s11;
	v53 =	vmov s23;
	v21 =	vbroadcast v21, $0x0;
	v6 =	vld [tilespmem:s9+$0xFFFFFEC0];
	v11 =	vmul.f32 v11, v4;
	[tilespmem:s9+$0xFFFFFE50] =	vst v25  }
0x3e5: {  	v24 =	vmul.u32 $0x90, v53;
	v22 =	vmov s15;
	v5 =	vld.idx.msk [tilespmem:v5+s18+$0x0], $0xffff;
	v12 =	vmul.f32 v12, v4;
	[tilespmem:s9+$0xFFFFFE60] =	vst v13  }
0x3e6: {  	v47 =	vld [tilespmem:s9+$0xFFFFFE20];
	v21 =	vor.u32 v1, v21;
	s15 =	sadd.s32 $0x6, s11;
	v22 =	vmul.u32 $0x90, v22;
	v10 =	vmul.f32 v10, v4;
	[tilespmem:s9+$0xFFFFFE70] =	vst v11  }
0x3e7: {  	s14 =	sadd.s32 $0x5, s11;
	v23 =	vld [tilespmem:s9+$0xFFFFFE30];
	v24 =	vadd.s32 $0x80, v24;
	v54 =	vmov s15;
	v7 =	vmul.f32 v7, v4;
	[tilespmem:s9+$0xFFFFFE80] =	vst v12  }
0x3e8: {  	v9 =	vld [tilespmem:s9+$0xFFFFFEE0];
	v22 =	vadd.s32 $0x80, v22;
	v20 =	vmov s14;
	v8 =	vmul.f32 v8, v4;
	[tilespmem:s9+$0xFFFFFE90] =	vst v10  }
0x3e9: {  	v14 =	vld [tilespmem:s9+$0xFFFFFEF0];
	v22 =	vbroadcast v22, $0x0;
	v20 =	vmul.u32 $0x90, v20;
	v4 =	vmul.f32 v6, v4;
	[tilespmem:s9+$0xFFFFFEA0] =	vst v7  }
0x3ea: {  	v24 =	vbroadcast v24, $0x0;
	v28 =	vmul.u32 $0x90, v54;
	v19 =	vld [tilespmem:s9+$0xFFFFFF00];
	[tilespmem:s9+$0xFFFFFEB0] =	vst v8;
	v18 =	vmul.f32 v18, v5  }
0x3eb: {  	v22 =	vor.u32 v1, v22;
	v20 =	vadd.s32 $0x80, v20;
	v6 =	vld [tilespmem:s9+$0xFFFFFF40];
	[tilespmem:s9+$0xFFFFFEC0] =	vst v4;
	v16 =	vmul.f32 v16, v5  }
0x3ec: {  	v13 =	vbroadcast v20, $0x0;
	v20 =	vadd.s32 $0x80, v28;
	v12 =	vld [tilespmem:s9+$0xFFFFFF20];
	v17 =	vmul.f32 v17, v5;
	[tilespmem:s9+$0xFFFFFDC0] =	vst v18  }
0x3ed: {  	v20 =	vbroadcast v20, $0x0;
	v15 =	vmul.f32 v15, v5;
	[tilespmem:s9+$0xFFFFFDE0] =	vst v16;
	v16 =	vld.idx.msk [tilespmem:v21+s18+$0x0], $0xffff  }
0x3ee: {  	v11 =	vor.u32 v1, v24;
	v10 =	vld [tilespmem:s9+$0xFFFFFF30];
	[tilespmem:s9+$0xFFFFFDD0] =	vst v17;
	v18 =	vmul.f32 v45, v5  }
0x3ef: {  	v8 =	vld [tilespmem:s9+$0xFFFFFF50];
	v13 =	vor.u32 v1, v13;
	v17 =	vor.u32 v1, v20;
	v20 =	vmul.f32 v46, v5;
	[tilespmem:s9+$0xFFFFFDF0] =	vst v15  }
0x3f0: {  	v4 =	vld [tilespmem:s9+$0xFFFFFF70];
	v21 =	vmul.f32 v47, v5;
	v5 =	vmul.f32 v23, v5;
	[tilespmem:s9+$0xFFFFFE00] =	vst v18  }
0x3f1: {  	v15 =	vld.idx.msk [tilespmem:v22+s18+$0x0], $0xffff;
	[tilespmem:s9+$0xFFFFFE10] =	vst v20  }
0x3f2: {  	[tilespmem:s9+$0xFFFFFE30] =	vst v5;
	v5 =	vld [tilespmem:s9+$0xFFFFFF10];
	v7 =	vmul.f32 v9, v16  }
0x3f3: {  	v11 =	vld.idx.msk [tilespmem:v11+s18+$0x0], $0xffff;
	[tilespmem:s9+$0xFFFFFE20] =	vst v21;
	v9 =	vmul.f32 v14, v16  }
0x3f4: {  	v13 =	vld.idx.msk [tilespmem:v13+s18+$0x0], $0xffff;
	v14 =	vmul.f32 v19, v16;
	[tilespmem:s9+$0xFFFFFEE0] =	vst v7  }
0x3f5: {  	v17 =	vld.idx.msk [tilespmem:v17+s18+$0x0], $0xffff;
	v12 =	vmul.f32 v12, v16;
	[tilespmem:s9+$0xFFFFFEF0] =	vst v9  }
0x3f6: {  	v10 =	vmul.f32 v10, v16;
	v7 =	vld [tilespmem:s9+$0xFFFFFF80];
	[tilespmem:s9+$0xFFFFFF00] =	vst v14  }
0x3f7: {  	v5 =	vmul.f32 v5, v16;
	v9 =	vld [tilespmem:s9+$0xFFFFFF90];
	[tilespmem:s9+$0xFFFFFF20] =	vst v12  }
0x3f8: {  	v6 =	vmul.f32 v6, v16;
	v14 =	vld [tilespmem:s9+$0xFFFFFFA0];
	[tilespmem:s9+$0xFFFFFF30] =	vst v10  }
0x3f9: {  	v8 =	vmul.f32 v8, v16;
	[tilespmem:s9+$0xFFFFFF10] =	vst v5;
	v5 =	vld [tilespmem:s9+$0xFFFFFFB0]  }
0x3fa: {  	v4 =	vmul.f32 v4, v15;
	v12 =	vld [tilespmem:s9+$0xFFFFFFC0];
	[tilespmem:s9+$0xFFFFFF40] =	vst v6  }
0x3fb: {  	v10 =	vld [tilespmem:s9+$0xFFFFFFD0];
	[tilespmem:s9+$0xFFFFFF50] =	vst v8;
	v6 =	vmul.f32 v7, v15  }
0x3fc: {  	[tilespmem:s9+$0xFFFFFF70] =	vst v4;
	v7 =	vld [tilespmem:s9+$0xFFFFFFE0];
	v8 =	vmul.f32 v9, v15  }
0x3fd: {  	v9 =	vld [tilespmem:s9+$0x0];
	v4 =	vmul.f32 v14, v15;
	[tilespmem:s9+$0xFFFFFF80] =	vst v6  }
0x3fe: {  	v14 =	vld [tilespmem:s9+$0x10];
	v5 =	vmul.f32 v5, v15;
	[tilespmem:s9+$0xFFFFFF90] =	vst v8  }
0x3ff: {  	v6 =	vld [tilespmem:s9+$0x20];
	v8 =	vmul.f32 v12, v15;
	[tilespmem:s9+$0xFFFFFFA0] =	vst v4  }
0x400: {  	v12 =	vld [tilespmem:s9+$0x30];
	v4 =	vmul.f32 v10, v15;
	[tilespmem:s9+$0xFFFFFFB0] =	vst v5  }
0x401: {  	v10 =	vld [tilespmem:s9+$0x40];
	[tilespmem:s9+$0xFFFFFFC0] =	vst v8;
	v5 =	vmul.f32 v7, v15  }
0x402: {  	[tilespmem:s9+$0xFFFFFFD0] =	vst v4;
	v7 =	vld [tilespmem:s9+$0x50];
	v8 =	vmul.f32 v9, v11  }
0x403: {  	v9 =	vld [tilespmem:s9+$0x60];
	v4 =	vmul.f32 v14, v11;
	[tilespmem:s9+$0xFFFFFFE0] =	vst v5  }
0x404: {  	v14 =	vld [tilespmem:s9+$0x70];
	v5 =	vmul.f32 v6, v11;
	[tilespmem:s9+$0x0] =	vst v8  }
0x405: {  	v6 =	vld [tilespmem:s9+$0x90];
	v8 =	vmul.f32 v12, v11;
	[tilespmem:s9+$0x10] =	vst v4  }
0x406: {  	v12 =	vld [tilespmem:s9+$0xA0];
	v4 =	vmul.f32 v10, v11;
	[tilespmem:s9+$0x20] =	vst v5  }
0x407: {  	v10 =	vld [tilespmem:s9+$0xB0];
	[tilespmem:s9+$0x30] =	vst v8;
	v5 =	vmul.f32 v7, v11  }
0x408: {  	[tilespmem:s9+$0x40] =	vst v4;
	v7 =	vld [tilespmem:s9+$0xC0];
	v8 =	vmul.f32 v9, v11  }
0x409: {  	v9 =	vld [tilespmem:s9+$0xD0];
	v4 =	vmul.f32 v14, v11;
	[tilespmem:s9+$0x50] =	vst v5  }
0x40a: {  	v11 =	vld [tilespmem:s9+$0xE0];
	v5 =	vmul.f32 v6, v13;
	[tilespmem:s9+$0x60] =	vst v8  }
0x40b: {  	v6 =	vld [tilespmem:s9+$0xF0];
	v8 =	vmul.f32 v12, v13;
	[tilespmem:s9+$0x70] =	vst v4  }
0x40c: {  	v12 =	vld [tilespmem:s9+$0x100];
	v4 =	vmul.f32 v10, v13;
	[tilespmem:s9+$0x90] =	vst v5  }
0x40d: {  	v10 =	vld [tilespmem:s9+$0x120];
	[tilespmem:s9+$0xA0] =	vst v8;
	v5 =	vmul.f32 v7, v13  }
0x40e: {  	[tilespmem:s9+$0xB0] =	vst v4;
	v7 =	vld [tilespmem:s9+$0x130];
	v8 =	vmul.f32 v9, v13  }
0x40f: {  	v9 =	vld [tilespmem:s9+$0x140];
	v4 =	vmul.f32 v11, v13;
	[tilespmem:s9+$0xC0] =	vst v5  }
0x410: {  	v11 =	vld [tilespmem:s9+$0x150];
	v5 =	vmul.f32 v6, v13;
	[tilespmem:s9+$0xD0] =	vst v8  }
0x411: {  	v6 =	vld [tilespmem:s9+$0x160];
	v8 =	vmul.f32 v12, v13;
	[tilespmem:s9+$0xE0] =	vst v4  }
0x412: {  	v12 =	vld [tilespmem:s9+$0x170];
	v4 =	vmul.f32 v10, v17;
	[tilespmem:s9+$0xF0] =	vst v5  }
0x413: {  	v10 =	vld [tilespmem:s9+$0x180];
	[tilespmem:s9+$0x100] =	vst v8;
	v5 =	vmul.f32 v7, v17  }
0x414: {  	[tilespmem:s9+$0x120] =	vst v4;
	v7 =	vld [tilespmem:s9+$0x190];
	v8 =	vmul.f32 v9, v17  }
0x415: {  	v4 =	vmul.f32 v11, v17;
	v9 =	vld [tilespmem:s9+$0x1B0];
	[tilespmem:s9+$0x130] =	vst v5  }
0x416: {  	v5 =	vmul.f32 v6, v17;
	v6 =	vld [tilespmem:s9+$0x1C0];
	[tilespmem:s9+$0x140] =	vst v8  }
0x417: {  	v11 =	vld [tilespmem:s9+$0x1D0];
	v8 =	vmul.f32 v12, v17;
	[tilespmem:s9+$0x150] =	vst v4  }
0x418: {  	v4 =	vmul.f32 v10, v17;
	v10 =	vld [tilespmem:s9+$0x1E0];
	[tilespmem:s9+$0x160] =	vst v5  }
0x419: {  	[tilespmem:s9+$0x170] =	vst v8;
	v5 =	vmul.f32 v7, v17;
	v7 =	vld [tilespmem:s9+$0x1F0]  }
0x41a: {  	[tilespmem:s9+$0x180] =	vst v4;
	v8 =	vmul.f32 v9, v3;
	v9 =	vld [tilespmem:s9+$0x200]  }
0x41b: {  	v4 =	vmul.f32 v6, v3;
	v6 =	vld [tilespmem:s9+$0x210];
	[tilespmem:s9+$0x190] =	vst v5  }
0x41c: {  	v5 =	vmul.f32 v11, v3;
	[tilespmem:s9+$0x1B0] =	vst v8  }
0x41d: {  	v8 =	vmul.f32 v10, v3;
	[tilespmem:s9+$0x1C0] =	vst v4  }
0x41e: {  	[tilespmem:s9+$0x1D0] =	vst v5;
	v4 =	vmul.f32 v7, v3  }
0x41f: {  	[tilespmem:s9+$0x1E0] =	vst v8;
	v5 =	vmul.f32 v9, v3  }
0x420: {  	v3 =	vmul.f32 v6, v3;
	[tilespmem:s9+$0x1F0] =	vst v4  }
0x421: {  	[tilespmem:s9+$0x200] =	vst v5  }
0x422: {  	s3 =	sadd.s32 @!p0 s28, s22;
	[tilespmem:s9+$0x210] =	vst v3  }
0x423: {  	[spmem:s2] =	stream.indirect.scatter.add.f32 [tilespmem:s18], [sflag:$0x7], $0x90, s12, s7, $0xb8;
	[tilespmem:$0x1CE90] =	vst v63  }
0x424: {  	s3 =	sshrl.u32 @!p0 s3, $0x3;
	_ =	swait.ge [sflag:s31], $0x2D00  }
0x425: {  	s3 =	sadd.s32 @!p0 s1, s3;
	[sflag:s31] =	ssyncset.done $0x0  }
0x426: {  	s8 =	simm.s32 @!p0 $0x0;
	s9 =	simm.s32 @!p0 $0xA0;
	[sflag:s31] =	ssyncadd.s32 $0xFFFFD300  }
0x427: {  	[tilespmem:s9], [sflag:$0x4] =	stream.linear.gather @!p0 [hbm4b:s3+s8], $0x50, $0x38;
	[tilespmem:$0x1CE90] =	vst v63  }
0x428: {  	s3 =	sadd.s32 @!p0 $0x9C40, s3;
	s9 =	simm.s32 @!p0 $0xF0  }
0x429: {  	[tilespmem:s9], [sflag:$0x4] =	stream.linear.gather @!p0 [hbm4b:s3+s8], $0x50, $0x38;
	[tilespmem:$0x1CE90] =	vst v63  }
0x42a: {  	_ =	swait.ge [sflag:s17], $0x50  }
0x42b: {  	[sflag:s17] =	ssyncset.done $0x0  }
0x42c: {  	[sflag:s17] =	ssyncadd.s32 $0xFFFFFFB0  }
0x42d: {  	_ =	swait.ge [sflag:s17], $0x50  }
0x42e: {  	[sflag:s17] =	ssyncset.done $0x0  }
0x42f: {  	s23 =	simm.s32 $0x0;
	[sflag:s17] =	ssyncadd.s32 $0xFFFFFFB0  }
0x430: {  	[tilespmem:s18], [sflag:$0x1] =	stream.indirect.gather [hbm4b:s5+s7], $0x90, s23, s7, $0xb8;
	[tilespmem:$0x1CE90] =	vst v63  }
0x431: {  	_ = 	snop  }
0x432: {  	[tilespmem:s19], [sflag:$0x1] =	stream.indirect.gather [hbm4b:s6+s7], $0x10, s7, s7, $0xb8;
	[tilespmem:$0x1CE90] =	vst v63  }
0x433: {  	_ =	swait.ge [sflag:s20], $0x2D00  }
0x434: {  	[sflag:s20] =	ssyncset.done $0x0  }
0x435: {  	[sflag:s20] =	ssyncadd.s32 $0xFFFFD300  }
0x436: {  	_ =	swait.ge [sflag:s20], $0x500  }
0x437: {  	[sflag:s20] =	ssyncset.done $0x0  }
0x438: {  	s14 =	simm.s32 $0x36C0;
	[sflag:s20] =	ssyncadd.s32 $0xFFFFFB00  }
0x439: {  	s8 =	simm.s32 $0x61C0;
	v3 =	vld [tilespmem:s14+$0x230]  }
0x43a: {  	v4 =	vld [tilespmem:s8+$0x30]  }
0x43b: {  	v5 =	vld [tilespmem:s8+$0xFFFFFFC0]  }
0x43c: {  	v6 =	vld [tilespmem:s14+$0xFFFFFED0]  }
0x43d: {  	v7 =	vld [tilespmem:s8+$0xFFFFFFD0]  }
0x43e: {  	v8 =	vld [tilespmem:s14+$0xFFFFFF60]  }
0x43f: {  	v9 =	vld [tilespmem:s8+$0xFFFFFFE0]  }
0x440: {  	v11 =	vld [tilespmem:s8+$0xFFFFFFF0]  }
0x441: {  	v13 =	vld [tilespmem:s14+$0x80]  }
0x442: {  	v16 =	vld [tilespmem:s8+$0x0]  }
0x443: {  	s11 =	simm.s32 $0x2;
	v18 =	vld [tilespmem:s8+$0x10]  }
0x444: {  	v14 =	vmov s11;
	s11 =	simm.s32 $0x5;
	v22 =	vld [tilespmem:s14+$0x1A0]  }
0x445: {  	v19 =	vmov s11;
	s9 =	simm.s32 $0x1;
	v3 =	vadd.f32 v4, v3;
	v4 =	vld [tilespmem:s14+$0xFFFFFFF0]  }
0x446: {  	v6 =	vadd.f32 v7, v6;
	v7 =	vmov s9;
	v8 =	vadd.f32 v9, v8;
	v9 =	vld [tilespmem:s14+$0x110]  }
0x447: {  	v23 =	vld [tilespmem:s14+$0xFFFFFDC0];
	v13 =	vadd.f32 v16, v13;
	v7 =	vmul.u32 $0x90, v7;
	v12 =	vmul.f32 $2.000000030e-01, v3  }
0x448: {  	v10 =	vmov s23;
	v59 =	vld [tilespmem:s14+$0xFFFFFE20];
	v17 =	vmul.f32 $2.000000030e-01, v6;
	v21 =	vmul.f32 $2.000000030e-01, v8  }
0x449: {  	s23 =	simm.s32 $0x4;
	v60 =	vld [tilespmem:s14+$0xFFFFFE30];
	v55 =	vmul.f32 $2.000000030e-01, v13;
	v7 =	vadd.s32 $0x80, v7;
	v3 =	vmax.f32 v3, v12  }
0x44a: {  	v12 =	vmov s23;
	v6 =	vmax.f32 v6, v17;
	v17 =	vld [tilespmem:s14+$0xFFFFFE40];
	v3 =	vsub.f32 v3, v2  }
0x44b: {  	v4 =	vadd.f32 v11, v4;
	v11 =	vmul.u32 $0x90, v14;
	v14 =	vld [tilespmem:s8+$0x20];
	v9 =	vadd.f32 v18, v9  }
0x44c: {  	v63 =	vld [tilespmem:s14+$0xFFFFFE60];
	s23 =	simm.s32 $0x7;
	v13 =	vmax.f32 v13, v55;
	v6 =	vsub.f32 v6, v2;
	v3 =	vmul.f32 $1.442695020e+00, v3  }
0x44d: {  	v37 =	vld [tilespmem:s14+$0xFFFFFEC0];
	v16 =	vmov s23;
	v13 =	vsub.f32 v13, v2;
	v56 =	vmul.f32 $2.000000030e-01, v9  }
0x44e: {  	v38 =	vld [tilespmem:s14+$0xFFFFFEE0];
	v16 =	vmul.u32 $0x90, v16;
	v6 =	vmul.f32 $1.442695020e+00, v6;
	(erf) = vpow2.f32 v3  }
0x44f: {  	v39 =	vld [tilespmem:s14+$0xFFFFFEF0];
	v3 =	vmax.f32 v8, v21;
	v8 =	vmul.f32 $2.000000030e-01, v4;
	v5 =	vadd.f32 v5, v17  }
0x450: {  	v41 =	vld [tilespmem:s14+$0xFFFFFF00];
	v9 =	vmax.f32 v9, v56;
	v3 =	vsub.f32 v3, v2;
	v14 =	vadd.f32 v14, v22  }
0x451: {  	v45 =	vld [tilespmem:s14+$0xFFFFFFC0];
	v4 =	vmax.f32 v4, v8;
	v8 =	vadd.s32 $0x80, v16;
	v58 =	vmul.f32 $2.000000030e-01, v5  }
0x452: {  	v48 =	vld [tilespmem:s14+$0x30];
	(erf) = vpow2.f32 v6;
	v8 =	vbroadcast v8, $0x0;
	v4 =	vsub.f32 v4, v2  }
0x453: {  	v50 =	vld [tilespmem:s14+$0x40];
	v57 =	vmul.f32 $2.000000030e-01, v14;
	v61 =	vmul.f32 $1.442695020e+00, v3;
	v5 =	vmax.f32 v5, v58  }
0x454: {  	v51 =	vld [tilespmem:s14+$0x50];
	v8 =	vor.u32 v1, v8;
	v4 =	vmul.f32 $1.442695020e+00, v4;
	v5 =	vsub.f32 v5, v2  }
0x455: {  	v52 =	vld [tilespmem:s14+$0x60];
	v13 =	vmul.f32 $1.442695020e+00, v13;
	v9 =	vsub.f32 v9, v2;
	(erf) = vpow2.f32 v61  }
0x456: {  	v53 =	vld [tilespmem:s14+$0x100];
	v3 =	vmax.f32 v14, v57;
	v5 =	vmul.f32 $1.442695020e+00, v5;
	(erf) = vpow2.f32 v4  }
0x457: {  	v55 =	vld [tilespmem:s14+$0x170];
	v6 =	vmul.u32 $0x90, v12;
	v3 =	vsub.f32 v3, v2;
	v4 =	vbroadcast v7, $0x0;
	v62 =	vpop (erf)  }
0x458: {  	v18 =	vld [tilespmem:s14+$0xFFFFFDE0];
	v12 =	vmul.u32 $0x90, v19;
	v9 =	vmul.f32 $1.442695020e+00, v9;
	(erf) = vpow2.f32 v5;
	[tilespmem:s14+$0x230] =	vst v62  }
0x459: {  	v36 =	vmul.f32 $1.442695020e+00, v3;
	v4 =	vor.u32 v1, v4;
	(erf) = vpow2.f32 v13;
	v3 =	vld.idx.msk [tilespmem:v8+s4+$0x0], $0xffff  }
0x45a: {  	v12 =	vadd.s32 $0x80, v12;
	v8 =	vld [tilespmem:s14+$0x220];
	(erf) = vpow2.f32 v9  }
0x45b: {  	v21 =	vld [tilespmem:s14+$0xFFFFFDD0];
	v12 =	vbroadcast v12, $0x0  }
0x45c: {  	s15 =	simm.s32 $0x3;
	v17 =	vld [tilespmem:s14+$0xFFFFFE00];
	v40 =	vpop (erf)  }
0x45d: {  	v15 =	vmov s15;
	v14 =	vld [tilespmem:s14+$0xFFFFFE50];
	[tilespmem:s14+$0xFFFFFED0] =	vst v40  }
0x45e: {  	v15 =	vmul.u32 $0x90, v15;
	v11 =	vadd.s32 $0x80, v11;
	v42 =	vpop (erf);
	v43 =	vld.idx.msk [tilespmem:v4+s4+$0x0], $0xffff  }
0x45f: {  	s15 =	simm.s32 $0x6;
	v11 =	vbroadcast v11, $0x0;
	v19 =	vld [tilespmem:s14+$0xFFFFFE70];
	v4 =	vor.u32 v1, v12;
	[tilespmem:s14+$0xFFFFFF60] =	vst v42;
	v12 =	vpop (erf);
	v8 =	vmul.f32 v8, v3  }
0x460: {  	v20 =	vmov s15;
	v10 =	vmul.u32 $0x90, v10;
	v7 =	vld [tilespmem:s14+$0xFFFFFE80];
	[tilespmem:s14+$0xFFFFFFF0] =	vst v12  }
0x461: {  	v11 =	vor.u32 v1, v11;
	v5 =	vmul.u32 $0x90, v20;
	v20 =	vld [tilespmem:s14+$0xFFFFFE90];
	v13 =	vadd.s32 $0x80, v15;
	v12 =	vpop (erf);
	[tilespmem:s14+$0x220] =	vst v8  }
0x462: {  	v10 =	vadd.s32 $0x80, v10;
	v15 =	vld [tilespmem:s14+$0xFFFFFEA0];
	v9 =	vbroadcast v13, $0x0;
	(erf) = vpow2.f32 v36;
	[tilespmem:s14+$0xFFFFFE40] =	vst v12;
	v12 =	vpop (erf)  }
0x463: {  	v10 =	vbroadcast v10, $0x0;
	v13 =	vld [tilespmem:s14+$0xFFFFFEB0];
	v14 =	vmul.f32 v14, v43;
	[tilespmem:s14+$0x80] =	vst v12;
	v12 =	vpop (erf)  }
0x464: {  	v22 =	vld [tilespmem:s14+$0xFFFFFE10];
	v6 =	vadd.s32 $0x80, v6;
	v9 =	vor.u32 v1, v9;
	v19 =	vmul.f32 v19, v43;
	[tilespmem:s14+$0x110] =	vst v12  }
0x465: {  	v16 =	vld [tilespmem:s14+$0xFFFFFDF0];
	v6 =	vbroadcast v6, $0x0;
	v7 =	vmul.f32 v7, v43;
	[tilespmem:s14+$0xFFFFFE50] =	vst v14  }
0x466: {  	v10 =	vor.u32 v1, v10;
	v5 =	vadd.s32 $0x80, v5;
	v11 =	vld.idx.msk [tilespmem:v11+s4+$0x0], $0xffff;
	v20 =	vmul.f32 v20, v43;
	[tilespmem:s14+$0xFFFFFE70] =	vst v19  }
0x467: {  	v57 =	vld [tilespmem:s14+$0x190];
	v6 =	vor.u32 v1, v6;
	v5 =	vbroadcast v5, $0x0;
	v15 =	vmul.f32 v15, v43;
	[tilespmem:s14+$0xFFFFFE80] =	vst v7  }
0x468: {  	v62 =	vld [tilespmem:s14+$0x1C0];
	v13 =	vmul.f32 v13, v43;
	[tilespmem:s14+$0xFFFFFE90] =	vst v20  }
0x469: {  	v5 =	vor.u32 v1, v5;
	v9 =	vld.idx.msk [tilespmem:v9+s4+$0x0], $0xffff;
	v24 =	vmul.f32 v37, v43;
	[tilespmem:s14+$0xFFFFFEA0] =	vst v15  }
0x46a: {  	v8 =	vld [tilespmem:s14+$0xFFFFFF10];
	[tilespmem:s14+$0xFFFFFEB0] =	vst v13  }
0x46b: {  	v10 =	vld.idx.msk [tilespmem:v10+s4+$0x0], $0xffff;
	v12 =	vpop (erf);
	v46 =	vmul.f32 v38, v11;
	[tilespmem:s14+$0xFFFFFEC0] =	vst v24  }
0x46c: {  	v6 =	vld.idx.msk [tilespmem:v6+s4+$0x0], $0xffff;
	v47 =	vmul.f32 v39, v11;
	[tilespmem:s14+$0x1A0] =	vst v12  }
0x46d: {  	v49 =	vmul.f32 v41, v11;
	v12 =	vld.idx.msk [tilespmem:v4+s4+$0x0], $0xffff;
	[tilespmem:s14+$0xFFFFFEE0] =	vst v46  }
0x46e: {  	v4 =	vld.idx.msk [tilespmem:v5+s4+$0x0], $0xffff;
	v5 =	vmul.f32 v63, v43;
	[tilespmem:s14+$0xFFFFFEF0] =	vst v47  }
0x46f: {  	v14 =	vld [tilespmem:s14+$0xFFFFFF20];
	v8 =	vmul.f32 v8, v11;
	[tilespmem:s14+$0xFFFFFF00] =	vst v49  }
0x470: {  	v19 =	vld [tilespmem:s14+$0xFFFFFF40];
	v23 =	vmul.f32 v23, v10;
	[tilespmem:s14+$0xFFFFFE60] =	vst v5  }
0x471: {  	v7 =	vld [tilespmem:s14+$0xFFFFFFE0];
	v21 =	vmul.f32 v21, v10;
	[tilespmem:s14+$0xFFFFFF10] =	vst v8  }
0x472: {  	v20 =	vld [tilespmem:s14+$0x0];
	v18 =	vmul.f32 v18, v10;
	[tilespmem:s14+$0xFFFFFDC0] =	vst v23  }
0x473: {  	v15 =	vld [tilespmem:s14+$0x10];
	v16 =	vmul.f32 v16, v10;
	[tilespmem:s14+$0xFFFFFDD0] =	vst v21  }
0x474: {  	v13 =	vld [tilespmem:s14+$0x20];
	v17 =	vmul.f32 v17, v10;
	[tilespmem:s14+$0xFFFFFDE0] =	vst v18  }
0x475: {  	v63 =	vld [tilespmem:s14+$0x1D0];
	v22 =	vmul.f32 v22, v10;
	[tilespmem:s14+$0xFFFFFDF0] =	vst v16  }
0x476: {  	v5 =	vld [tilespmem:s14+$0xFFFFFF30];
	v44 =	vmul.f32 v59, v10;
	[tilespmem:s14+$0xFFFFFE00] =	vst v17  }
0x477: {  	v10 =	vmul.f32 v60, v10;
	v8 =	vld [tilespmem:s14+$0x70];
	[tilespmem:s14+$0xFFFFFE10] =	vst v22  }
0x478: {  	v14 =	vmul.f32 v14, v11;
	v23 =	vld [tilespmem:s14+$0xFFFFFF50];
	[tilespmem:s14+$0xFFFFFE20] =	vst v44  }
0x479: {  	v19 =	vmul.f32 v19, v11;
	v21 =	vld [tilespmem:s14+$0xFFFFFF70];
	[tilespmem:s14+$0xFFFFFE30] =	vst v10  }
0x47a: {  	v7 =	vmul.f32 v7, v9;
	v18 =	vld [tilespmem:s14+$0xFFFFFF80];
	[tilespmem:s14+$0xFFFFFF20] =	vst v14  }
0x47b: {  	v15 =	vmul.f32 v15, v6;
	v16 =	vld [tilespmem:s14+$0xFFFFFF90];
	[tilespmem:s14+$0xFFFFFF40] =	vst v19  }
0x47c: {  	v13 =	vmul.f32 v13, v6;
	v17 =	vld [tilespmem:s14+$0xFFFFFFA0];
	[tilespmem:s14+$0xFFFFFFE0] =	vst v7  }
0x47d: {  	v54 =	vmul.f32 v51, v6;
	v22 =	vld [tilespmem:s14+$0xFFFFFFB0];
	[tilespmem:s14+$0x10] =	vst v15  }
0x47e: {  	v10 =	vld [tilespmem:s14+$0xFFFFFFD0];
	v15 =	vmul.f32 v52, v6;
	[tilespmem:s14+$0x20] =	vst v13  }
0x47f: {  	v14 =	vld [tilespmem:s14+$0x90];
	[tilespmem:s14+$0x50] =	vst v54;
	v5 =	vmul.f32 v5, v11  }
0x480: {  	v19 =	vld [tilespmem:s14+$0xB0];
	[tilespmem:s14+$0x60] =	vst v15;
	v11 =	vmul.f32 v23, v11;
	v21 =	vmul.f32 v21, v9  }
0x481: {  	v7 =	vld [tilespmem:s14+$0x150];
	[tilespmem:s14+$0xFFFFFF30] =	vst v5;
	v18 =	vmul.f32 v18, v9;
	v16 =	vmul.f32 v16, v9  }
0x482: {  	v5 =	vld [tilespmem:s14+$0xA0];
	v17 =	vmul.f32 v17, v9;
	v22 =	vmul.f32 v22, v9;
	[tilespmem:s14+$0xFFFFFF50] =	vst v11  }
0x483: {  	v23 =	vmul.f32 v45, v9;
	v10 =	vmul.f32 v10, v9;
	v9 =	vld [tilespmem:s14+$0x130];
	[tilespmem:s14+$0xFFFFFF70] =	vst v21  }
0x484: {  	v11 =	vld [tilespmem:s14+$0xC0];
	[tilespmem:s14+$0xFFFFFF80] =	vst v18  }
0x485: {  	v21 =	vld [tilespmem:s14+$0xD0];
	[tilespmem:s14+$0xFFFFFF90] =	vst v16  }
0x486: {  	v18 =	vld [tilespmem:s14+$0xE0];
	[tilespmem:s14+$0xFFFFFFA0] =	vst v17  }
0x487: {  	v56 =	vmul.f32 v14, v12;
	v16 =	vld [tilespmem:s14+$0xF0];
	[tilespmem:s14+$0xFFFFFFB0] =	vst v22;
	v17 =	vmul.f32 v20, v6  }
0x488: {  	v58 =	vmul.f32 v19, v12;
	v22 =	vld [tilespmem:s14+$0x120];
	[tilespmem:s14+$0xFFFFFFD0] =	vst v10;
	v20 =	vmul.f32 v48, v6  }
0x489: {  	v10 =	vld [tilespmem:s14+$0x140];
	[tilespmem:s14+$0x0] =	vst v17;
	v17 =	vmul.f32 v50, v6;
	v6 =	vmul.f32 v8, v6  }
0x48a: {  	[tilespmem:s14+$0xFFFFFFC0] =	vst v23;
	v23 =	vld [tilespmem:s14+$0x160];
	v5 =	vmul.f32 v5, v12;
	v14 =	vmul.f32 v9, v4  }
0x48b: {  	v60 =	vld [tilespmem:s14+$0x1B0];
	[tilespmem:s14+$0x90] =	vst v56;
	v59 =	vmul.f32 v11, v12;
	v61 =	vmul.f32 v21, v12  }
0x48c: {  	v8 =	vld [tilespmem:s14+$0x180];
	[tilespmem:s14+$0x40] =	vst v17;
	v18 =	vmul.f32 v18, v12;
	v17 =	vmul.f32 v16, v12  }
0x48d: {  	[tilespmem:s14+$0x70] =	vst v6;
	v6 =	vld [tilespmem:s14+$0x1E0];
	v16 =	vmul.f32 v53, v12;
	v15 =	vmul.f32 v22, v4  }
0x48e: {  	v19 =	vld [tilespmem:s14+$0x1F0];
	[tilespmem:s14+$0xB0] =	vst v58;
	v13 =	vmul.f32 v10, v4;
	v12 =	vmul.f32 v7, v4  }
0x48f: {  	[tilespmem:s14+$0x30] =	vst v20;
	v20 =	vld [tilespmem:s14+$0x200];
	v11 =	vmul.f32 v23, v4;
	v10 =	vmul.f32 v55, v4  }
0x490: {  	s9 =	simm.s32 $0x3B40;
	[tilespmem:s14+$0xA0] =	vst v5;
	v21 =	vld [tilespmem:s14+$0x210];
	v7 =	vmul.f32 v60, v3;
	v5 =	vmul.f32 v63, v3  }
0x491: {  	s8 =	simm.s32 $0x6240;
	v22 =	vld [tilespmem:s9+$0x230];
	v9 =	vmul.f32 v8, v4;
	v8 =	vmul.f32 v57, v4;
	[tilespmem:s14+$0xC0] =	vst v59  }
0x492: {  	s11 =	simm.s32 $0x8;
	s3 =	simm.s32 $0x10;
	v23 =	vld [tilespmem:s8+$0x30];
	v4 =	vmul.f32 v62, v3;
	[tilespmem:s14+$0xD0] =	vst v61;
	v6 =	vmul.f32 v6, v3  }
.LBB2_11:
0x493: {  	p1 =	slt.u32 s3, $0x48;
	v24 =	vld [tilespmem:s8+$0xFFFFFFC0];
	[tilespmem:s14+$0xE0] =	vst v18;
	v18 =	vmul.f32 v19, v3  }
0x494: {  	v19 =	vld [tilespmem:s9+$0xFFFFFED0];
	[tilespmem:s14+$0xF0] =	vst v17;
	v17 =	vmul.f32 v20, v3  }
0x495: {  	v20 =	vld [tilespmem:s8+$0xFFFFFFD0];
	[tilespmem:s14+$0x100] =	vst v16;
	v3 =	vmul.f32 v21, v3  }
0x496: {  	v16 =	vld [tilespmem:s9+$0xFFFFFF60];
	[tilespmem:s14+$0x120] =	vst v15  }
0x497: {  	v15 =	vld [tilespmem:s8+$0xFFFFFFE0];
	v21 =	vadd.f32 v23, v22;
	[tilespmem:s14+$0x130] =	vst v14  }
0x498: {  	v14 =	vmov s11;
	v22 =	vld [tilespmem:s9+$0xFFFFFFF0];
	[tilespmem:s14+$0x140] =	vst v13  }
0x499: {  	s15 =	sadd.s32 $0x1, s11;
	s23 =	sadd.s32 $0x2, s11;
	v13 =	vmul.u32 $0x90, v14;
	v14 =	vld [tilespmem:s8+$0xFFFFFFF0];
	v23 =	vmul.f32 $2.000000030e-01, v21;
	[tilespmem:s14+$0x150] =	vst v12  }
0x49a: {  	v12 =	vadd.f32 v20, v19;
	v19 =	vmov s15;
	v20 =	vmov s23;
	s15 =	sadd.s32 $0x3, s11;
	v25 =	vld [tilespmem:s9+$0x80];
	s23 =	sadd.s32 $0x4, s11;
	[tilespmem:s14+$0x160] =	vst v11  }
0x49b: {  	v11 =	vmov s15;
	v26 =	vld [tilespmem:s8+$0x0];
	v27 =	vmov s23;
	v21 =	vmax.f32 v21, v23;
	[tilespmem:s14+$0x170] =	vst v10  }
0x49c: {  	s15 =	sadd.s32 $0x5, s11;
	s23 =	sadd.s32 $0x6, s11;
	v10 =	vmul.f32 $2.000000030e-01, v12;
	v15 =	vadd.f32 v15, v16;
	v16 =	vld [tilespmem:s9+$0x110];
	v21 =	vsub.f32 v21, v2;
	[tilespmem:s14+$0x180] =	vst v9  }
0x49d: {  	v19 =	vmul.u32 $0x90, v19;
	v23 =	vmov s15;
	v28 =	vmov s23;
	v9 =	vld [tilespmem:s8+$0x10];
	[tilespmem:s14+$0x190] =	vst v8  }
0x49e: {  	v8 =	vmul.f32 $2.000000030e-01, v15;
	v14 =	vadd.f32 v14, v22;
	v22 =	vld [tilespmem:s9+$0x1A0];
	v21 =	vmul.f32 $1.442695020e+00, v21;
	[tilespmem:s14+$0x1B0] =	vst v7  }
0x49f: {  	v20 =	vmul.u32 $0x90, v20;
	v29 =	vmul.u32 $0x90, v11;
	s15 =	sadd.s32 $0x7, s11;
	s11 =	smov.u32 s3;
	v10 =	vmax.f32 v12, v10;
	v11 =	vld [tilespmem:s8+$0x20];
	[tilespmem:s14+$0x1C0] =	vst v4  }
0x4a0: {  	v7 =	vmov s15;
	v4 =	vld [tilespmem:s9+$0xFFFFFE40];
	v12 =	vadd.f32 v26, v25;
	(erf) = vpow2.f32 v21;
	[tilespmem:s14+$0x1D0] =	vst v5  }
0x4a1: {  	v15 =	vmax.f32 v15, v8;
	v21 =	vmul.f32 $2.000000030e-01, v14;
	v25 =	vmul.u32 $0x90, v7;
	v5 =	vld [tilespmem:s9+$0xFFFFFDC0];
	[tilespmem:s14+$0x1E0] =	vst v6  }
0x4a2: {  	v6 =	vsub.f32 v10, v2;
	v7 =	vld [tilespmem:s9+$0xFFFFFDD0];
	v26 =	vmul.f32 $2.000000030e-01, v12;
	v16 =	vadd.f32 v9, v16;
	[tilespmem:s14+$0x1F0] =	vst v18  }
0x4a3: {  	v15 =	vsub.f32 v15, v2;
	v14 =	vmax.f32 v14, v21;
	v10 =	vadd.s32 $0x80, v25;
	v8 =	vld [tilespmem:s9+$0xFFFFFDE0];
	[tilespmem:s14+$0x200] =	vst v17  }
0x4a4: {  	v21 =	vbroadcast v10, $0x0;
	v9 =	vld [tilespmem:s9+$0xFFFFFDF0];
	v17 =	vmul.f32 $2.000000030e-01, v16;
	v18 =	vadd.f32 v11, v22;
	[tilespmem:s14+$0x210] =	vst v3;
	s14 =	smov.u32 s9  }
0x4a5: {  	v3 =	vadd.f32 v24, v4;
	v10 =	vld [tilespmem:s9+$0xFFFFFE00];
	v4 =	vsub.f32 v14, v2;
	v14 =	vmax.f32 v12, v26  }
0x4a6: {  	v21 =	vor.u32 v1, v21;
	v11 =	vld [tilespmem:s9+$0xFFFFFE10];
	v16 =	vmax.f32 v16, v17;
	v17 =	vmul.f32 $2.000000030e-01, v18  }
0x4a7: {  	v24 =	vsub.f32 v14, v2;
	v25 =	vmul.f32 $2.000000030e-01, v3;
	v12 =	vld [tilespmem:s9+$0xFFFFFE20];
	v16 =	vsub.f32 v16, v2  }
0x4a8: {  	v6 =	vmul.f32 $1.442695020e+00, v6;
	v15 =	vmul.f32 $1.442695020e+00, v15;
	v14 =	vld [tilespmem:s9+$0xFFFFFE30];
	v17 =	vmax.f32 v18, v17  }
0x4a9: {  	v4 =	vmul.f32 $1.442695020e+00, v4;
	v3 =	vmax.f32 v3, v25;
	v18 =	vld [tilespmem:s9+$0xFFFFFE50];
	v17 =	vsub.f32 v17, v2;
	v22 =	vpop (erf)  }
0x4aa: {  	v24 =	vmul.f32 $1.442695020e+00, v24;
	v16 =	vmul.f32 $1.442695020e+00, v16;
	v25 =	vsub.f32 v3, v2;
	v26 =	vld [tilespmem:s9+$0xFFFFFE60];
	[tilespmem:s9+$0x230] =	vst v22  }
0x4ab: {  	v22 =	vmul.u32 $0x90, v27;
	v17 =	vmul.f32 $1.442695020e+00, v17;
	v3 =	vld.idx.msk [tilespmem:v21+s4+$0x0], $0xffff;
	(erf) = vpow2.f32 v6  }
0x4ac: {  	v21 =	vmul.u32 $0x90, v23;
	v6 =	vmul.f32 $1.442695020e+00, v25;
	v23 =	vld [tilespmem:s9+$0x220];
	(erf) = vpow2.f32 v15  }
0x4ad: {  	v15 =	vadd.s32 $0x80, v19;
	v25 =	vmul.u32 $0x90, v28;
	v19 =	vld [tilespmem:s9+$0xFFFFFE70];
	(erf) = vpow2.f32 v4  }
0x4ae: {  	v20 =	vadd.s32 $0x80, v20;
	v4 =	vbroadcast v15, $0x0;
	v15 =	vld [tilespmem:s9+$0xFFFFFE80];
	(erf) = vpow2.f32 v6  }
0x4af: {  	v6 =	vbroadcast v20, $0x0;
	v20 =	vadd.s32 $0x80, v29;
	v27 =	vld [tilespmem:s9+$0xFFFFFE90];
	(erf) = vpow2.f32 v24  }
0x4b0: {  	v13 =	vadd.s32 $0x80, v13;
	v20 =	vbroadcast v20, $0x0;
	v24 =	vld [tilespmem:s9+$0xFFFFFEA0];
	(erf) = vpow2.f32 v16  }
0x4b1: {  	v4 =	vor.u32 v1, v4;
	v16 =	vld [tilespmem:s9+$0xFFFFFEB0];
	v23 =	vmul.f32 v23, v3;
	(erf) = vpow2.f32 v17  }
0x4b2: {  	v13 =	vbroadcast v13, $0x0;
	v22 =	vadd.s32 $0x80, v22;
	v6 =	vor.u32 v1, v6;
	v17 =	vld [tilespmem:s9+$0xFFFFFEC0]  }
0x4b3: {  	v22 =	vbroadcast v22, $0x0;
	v21 =	vadd.s32 $0x80, v21;
	v20 =	vor.u32 v1, v20;
	v28 =	vld [tilespmem:s9+$0xFFFFFEE0];
	[tilespmem:s9+$0x220] =	vst v23  }
0x4b4: {  	v13 =	vor.u32 v1, v13;
	v32 =	vbroadcast v21, $0x0;
	v25 =	vadd.s32 $0x80, v25;
	v23 =	vld [tilespmem:s9+$0xFFFFFEF0];
	v29 =	vpop (erf)  }
0x4b5: {  	v22 =	vor.u32 v1, v22;
	v25 =	vbroadcast v25, $0x0;
	[tilespmem:s9+$0xFFFFFED0] =	vst v29;
	v29 =	vld [tilespmem:s9+$0xFFFFFF00];
	v30 =	vpop (erf)  }
0x4b6: {  	v31 =	vld.idx.msk [tilespmem:v4+s4+$0x0], $0xffff;
	[tilespmem:s9+$0xFFFFFF60] =	vst v30;
	v4 =	vor.u32 v1, v32;
	v21 =	vpop (erf)  }
0x4b7: {  	v30 =	vld.idx.msk [tilespmem:v6+s4+$0x0], $0xffff;
	[tilespmem:s9+$0xFFFFFFF0] =	vst v21;
	v21 =	vor.u32 v1, v25;
	v6 =	vpop (erf)  }
0x4b8: {  	[tilespmem:s9+$0xFFFFFE40] =	vst v6;
	v20 =	vld.idx.msk [tilespmem:v20+s4+$0x0], $0xffff;
	v6 =	vpop (erf)  }
0x4b9: {  	v13 =	vld.idx.msk [tilespmem:v13+s4+$0x0], $0xffff;
	[tilespmem:s9+$0x80] =	vst v6;
	v6 =	vpop (erf)  }
0x4ba: {  	v22 =	vld.idx.msk [tilespmem:v22+s4+$0x0], $0xffff;
	[tilespmem:s9+$0x110] =	vst v6;
	v25 =	vpop (erf)  }
0x4bb: {  	v6 =	vld.idx.msk [tilespmem:v4+s4+$0x0], $0xffff;
	[tilespmem:s9+$0x1A0] =	vst v25  }
0x4bc: {  	v18 =	vmul.f32 v18, v31;
	v25 =	vmul.f32 v26, v31;
	v4 =	vld.idx.msk [tilespmem:v21+s4+$0x0], $0xffff  }
0x4bd: {  	v19 =	vmul.f32 v19, v31;
	v15 =	vmul.f32 v15, v31;
	v21 =	vld [tilespmem:s9+$0xFFFFFF10]  }
0x4be: {  	v24 =	vmul.f32 v24, v31;
	[tilespmem:s9+$0xFFFFFE50] =	vst v18;
	v18 =	vmul.f32 v27, v31;
	v26 =	vld [tilespmem:s9+$0xFFFFFF20]  }
0x4bf: {  	v5 =	vmul.f32 v5, v13;
	v7 =	vmul.f32 v7, v13;
	[tilespmem:s9+$0xFFFFFE60] =	vst v25;
	v25 =	vld [tilespmem:s9+$0xFFFFFF30]  }
0x4c0: {  	v8 =	vmul.f32 v8, v13;
	v9 =	vmul.f32 v9, v13;
	[tilespmem:s9+$0xFFFFFE70] =	vst v19;
	v19 =	vld [tilespmem:s9+$0xFFFFFF40]  }
0x4c1: {  	[tilespmem:s9+$0xFFFFFDC0] =	vst v5;
	v5 =	vmul.f32 v10, v13;
	v10 =	vmul.f32 v11, v13;
	v11 =	vld [tilespmem:s9+$0xFFFFFF50]  }
0x4c2: {  	[tilespmem:s9+$0xFFFFFDD0] =	vst v7;
	v7 =	vmul.f32 v12, v13;
	v12 =	vmul.f32 v14, v13;
	v13 =	vld [tilespmem:s9+$0xFFFFFF70]  }
0x4c3: {  	v14 =	vmul.f32 v17, v31;
	[tilespmem:s9+$0xFFFFFDE0] =	vst v8;
	v8 =	vmul.f32 v16, v31;
	v16 =	vld [tilespmem:s9+$0xFFFFFF80]  }
0x4c4: {  	v17 =	vmul.f32 v23, v30;
	[tilespmem:s9+$0xFFFFFDF0] =	vst v9;
	v9 =	vmul.f32 v28, v30;
	v23 =	vld [tilespmem:s9+$0xFFFFFF90]  }
0x4c5: {  	v21 =	vmul.f32 v21, v30;
	[tilespmem:s9+$0xFFFFFE00] =	vst v5;
	v5 =	vmul.f32 v29, v30;
	v27 =	vld [tilespmem:s9+$0xFFFFFFA0]  }
0x4c6: {  	v25 =	vmul.f32 v25, v30;
	[tilespmem:s9+$0xFFFFFE10] =	vst v10;
	v10 =	vmul.f32 v26, v30;
	v26 =	vld [tilespmem:s9+$0xFFFFFFB0]  }
0x4c7: {  	v11 =	vmul.f32 v11, v30;
	[tilespmem:s9+$0xFFFFFE20] =	vst v7;
	v7 =	vmul.f32 v19, v30;
	v19 =	vld [tilespmem:s9+$0xFFFFFFC0]  }
0x4c8: {  	[tilespmem:s9+$0xFFFFFE30] =	vst v12;
	v12 =	vmul.f32 v13, v20;
	v13 =	vmul.f32 v16, v20;
	v16 =	vld [tilespmem:s9+$0xFFFFFFD0]  }
0x4c9: {  	[tilespmem:s9+$0xFFFFFE80] =	vst v15;
	v15 =	vmul.f32 v23, v20;
	v23 =	vld [tilespmem:s9+$0xFFFFFFE0]  }
0x4ca: {  	[tilespmem:s9+$0xFFFFFE90] =	vst v18;
	v18 =	vmul.f32 v27, v20;
	v27 =	vld [tilespmem:s9+$0x0]  }
0x4cb: {  	[tilespmem:s9+$0xFFFFFEA0] =	vst v24;
	v24 =	vmul.f32 v26, v20;
	v26 =	vld [tilespmem:s9+$0x10]  }
0x4cc: {  	[tilespmem:s9+$0xFFFFFEB0] =	vst v8;
	v8 =	vmul.f32 v19, v20;
	v19 =	vld [tilespmem:s9+$0x20]  }
0x4cd: {  	[tilespmem:s9+$0xFFFFFEC0] =	vst v14;
	v14 =	vmul.f32 v16, v20;
	v16 =	vld [tilespmem:s9+$0x30]  }
0x4ce: {  	[tilespmem:s9+$0xFFFFFEE0] =	vst v9;
	v9 =	vmul.f32 v23, v20;
	v20 =	vld [tilespmem:s9+$0x40]  }
0x4cf: {  	[tilespmem:s9+$0xFFFFFEF0] =	vst v17;
	v23 =	vmul.f32 v27, v22;
	v17 =	vld [tilespmem:s9+$0x50]  }
0x4d0: {  	[tilespmem:s9+$0xFFFFFF00] =	vst v5;
	v5 =	vmul.f32 v26, v22;
	v26 =	vld [tilespmem:s9+$0x60]  }
0x4d1: {  	[tilespmem:s9+$0xFFFFFF10] =	vst v21;
	v19 =	vmul.f32 v19, v22;
	v21 =	vld [tilespmem:s9+$0x70]  }
0x4d2: {  	[tilespmem:s9+$0xFFFFFF20] =	vst v10;
	v10 =	vmul.f32 v16, v22;
	v16 =	vld [tilespmem:s9+$0x90]  }
0x4d3: {  	[tilespmem:s9+$0xFFFFFF30] =	vst v25;
	v20 =	vmul.f32 v20, v22;
	v25 =	vld [tilespmem:s9+$0xA0]  }
0x4d4: {  	[tilespmem:s9+$0xFFFFFF40] =	vst v7;
	v7 =	vmul.f32 v17, v22;
	v17 =	vld [tilespmem:s9+$0xB0]  }
0x4d5: {  	[tilespmem:s9+$0xFFFFFF50] =	vst v11;
	v26 =	vmul.f32 v26, v22;
	v11 =	vld [tilespmem:s9+$0xC0]  }
0x4d6: {  	[tilespmem:s9+$0xFFFFFF70] =	vst v12;
	v21 =	vmul.f32 v21, v22;
	v12 =	vld [tilespmem:s9+$0xD0]  }
0x4d7: {  	[tilespmem:s9+$0xFFFFFF80] =	vst v13;
	v22 =	vmul.f32 v16, v6;
	v13 =	vld [tilespmem:s9+$0xE0]  }
0x4d8: {  	[tilespmem:s9+$0xFFFFFF90] =	vst v15;
	v25 =	vmul.f32 v25, v6;
	v15 =	vld [tilespmem:s9+$0xF0]  }
0x4d9: {  	[tilespmem:s9+$0xFFFFFFA0] =	vst v18;
	v27 =	vmul.f32 v17, v6;
	v16 =	vld [tilespmem:s9+$0x100]  }
0x4da: {  	[tilespmem:s9+$0xFFFFFFB0] =	vst v24;
	v24 =	vmul.f32 v11, v6;
	v11 =	vld [tilespmem:s9+$0x120]  }
0x4db: {  	[tilespmem:s9+$0xFFFFFFC0] =	vst v8;
	v28 =	vmul.f32 v12, v6;
	v8 =	vld [tilespmem:s9+$0x130]  }
0x4dc: {  	[tilespmem:s9+$0xFFFFFFD0] =	vst v14;
	v18 =	vmul.f32 v13, v6;
	v12 =	vld [tilespmem:s9+$0x140]  }
0x4dd: {  	[tilespmem:s9+$0xFFFFFFE0] =	vst v9;
	v17 =	vmul.f32 v15, v6;
	v9 =	vld [tilespmem:s9+$0x150]  }
0x4de: {  	[tilespmem:s9+$0x0] =	vst v23;
	v16 =	vmul.f32 v16, v6;
	v6 =	vld [tilespmem:s9+$0x160]  }
0x4df: {  	[tilespmem:s9+$0x10] =	vst v5;
	v15 =	vmul.f32 v11, v4;
	v5 =	vld [tilespmem:s9+$0x170]  }
0x4e0: {  	[tilespmem:s9+$0x20] =	vst v19;
	v14 =	vmul.f32 v8, v4;
	v8 =	vld [tilespmem:s9+$0x180]  }
0x4e1: {  	[tilespmem:s9+$0x30] =	vst v10;
	v13 =	vmul.f32 v12, v4;
	v19 =	vld [tilespmem:s9+$0x190]  }
0x4e2: {  	[tilespmem:s9+$0x40] =	vst v20;
	v12 =	vmul.f32 v9, v4;
	v20 =	vld [tilespmem:s9+$0x1B0]  }
0x4e3: {  	[tilespmem:s9+$0x50] =	vst v7;
	v11 =	vmul.f32 v6, v4;
	v6 =	vld [tilespmem:s9+$0x1C0]  }
0x4e4: {  	[tilespmem:s9+$0x60] =	vst v26;
	v10 =	vmul.f32 v5, v4;
	v5 =	vld [tilespmem:s9+$0x1D0]  }
0x4e5: {  	[tilespmem:s9+$0x70] =	vst v21;
	v9 =	vmul.f32 v8, v4;
	v26 =	vld [tilespmem:s9+$0x1E0]  }
.Ltmp4:
0x4e6: {  	[tilespmem:s9+$0x90] =	vst v22;
	v8 =	vmul.f32 v19, v4;
	v19 =	vld [tilespmem:s9+$0x1F0];
	(pc) =	sbr.rel @p1 .LBB2_11-.Ltmp4, $4  }
0x4e7: {  	[tilespmem:s9+$0xA0] =	vst v25;
	v7 =	vmul.f32 v20, v3;
	v20 =	vld [tilespmem:s9+$0x200]  }
0x4e8: {  	s9 =	sadd.s32 $0x480, s9;
	[tilespmem:s14+$0xB0] =	vst v27;
	v4 =	vmul.f32 v6, v3;
	v21 =	vld [tilespmem:s14+$0x210]  }
0x4e9: {  	s8 =	sadd.s32 $0x80, s8;
	v22 =	vld [tilespmem:s9+$0x230];
	[tilespmem:s14+$0xC0] =	vst v24;
	v5 =	vmul.f32 v5, v3  }
0x4ea: {  	s3 =	sadd.s32 $0x8, s3;
	v23 =	vld [tilespmem:s8+$0x30];
	[tilespmem:s14+$0xD0] =	vst v28;
	v6 =	vmul.f32 v26, v3  }
0x4eb: {  	v24 =	vld [tilespmem:s8+$0xFFFFFFC0]  }
0x4ec: {  	v25 =	vld [tilespmem:s9+$0xFFFFFED0]  }
0x4ed: {  	v26 =	vld [tilespmem:s8+$0xFFFFFFD0]  }
0x4ee: {  	v27 =	vld [tilespmem:s9+$0xFFFFFF60]  }
0x4ef: {  	v39 =	vld [tilespmem:s8+$0xFFFFFFE0]  }
0x4f0: {  	v28 =	vld [tilespmem:s9+$0xFFFFFFF0]  }
0x4f1: {  	v30 =	vld [tilespmem:s8+$0xFFFFFFF0];
	v22 =	vadd.f32 v23, v22  }
0x4f2: {  	v31 =	vld [tilespmem:s9+$0x80]  }
0x4f3: {  	v40 =	vld [tilespmem:s8+$0x0];
	v29 =	vmul.f32 $2.000000030e-01, v22  }
0x4f4: {  	v32 =	vld [tilespmem:s9+$0x110]  }
0x4f5: {  	v19 =	vmul.f32 v19, v3;
	v41 =	vld [tilespmem:s8+$0x10];
	s3 =	sadd.s32 $0x7, s11;
	s15 =	sadd.s32 $0x1, s11;
	v22 =	vmax.f32 v22, v29  }
0x4f6: {  	v42 =	vld [tilespmem:s9+$0x1A0];
	v34 =	vmov s3;
	v45 =	vmov s15;
	v22 =	vsub.f32 v22, v2  }
0x4f7: {  	v33 =	vld [tilespmem:s9+$0xFFFFFE40];
	v20 =	vmul.f32 v20, v3;
	v34 =	vmul.u32 $0x90, v34;
	v58 =	vmul.u32 $0x90, v45  }
0x4f8: {  	v36 =	vld [tilespmem:s8+$0x20];
	v21 =	vmul.f32 v21, v3;
	v22 =	vmul.f32 $1.442695020e+00, v22  }
0x4f9: {  	[tilespmem:s14+$0x170] =	vst v10;
	v47 =	vadd.s32 $0x80, v34;
	v10 =	vadd.s32 $0x80, v58;
	v25 =	vadd.f32 v26, v25  }
0x4fa: {  	v3 =	vadd.f32 v39, v27;
	v28 =	vadd.f32 v30, v28;
	(erf) = vpow2.f32 v22  }
0x4fb: {  	[tilespmem:s14+$0xE0] =	vst v18;
	v46 =	vadd.f32 v40, v31;
	v26 =	vadd.f32 v41, v32;
	v32 =	vbroadcast v10, $0x0  }
0x4fc: {  	[tilespmem:s14+$0xF0] =	vst v17;
	v24 =	vadd.f32 v24, v33;
	v43 =	vmul.f32 $2.000000030e-01, v25;
	v35 =	vmul.f32 $2.000000030e-01, v3  }
0x4fd: {  	[tilespmem:s14+$0x100] =	vst v16;
	v23 =	vadd.f32 v36, v42;
	v48 =	vmul.f32 $2.000000030e-01, v28;
	v49 =	vmul.f32 $2.000000030e-01, v46  }
0x4fe: {  	[tilespmem:s14+$0x120] =	vst v15;
	v51 =	vmul.f32 $2.000000030e-01, v26;
	v33 =	vmul.f32 $2.000000030e-01, v24;
	v25 =	vmax.f32 v25, v43  }
0x4ff: {  	[tilespmem:s14+$0x130] =	vst v14;
	v55 =	vmul.f32 $2.000000030e-01, v23;
	v29 =	vbroadcast v47, $0x0;
	v25 =	vsub.f32 v25, v2  }
0x500: {  	[tilespmem:s14+$0x140] =	vst v13;
	v3 =	vmax.f32 v3, v35;
	v50 =	vmax.f32 v28, v48;
	v53 =	vmax.f32 v46, v49  }
0x501: {  	[tilespmem:s14+$0x150] =	vst v12;
	v54 =	vmax.f32 v26, v51;
	v3 =	vsub.f32 v3, v2;
	v25 =	vmul.f32 $1.442695020e+00, v25  }
0x502: {  	[tilespmem:s14+$0x160] =	vst v11;
	v24 =	vmax.f32 v24, v33;
	v29 =	vor.u32 v1, v29;
	v52 =	vsub.f32 v50, v2  }
0x503: {  	[tilespmem:s14+$0x180] =	vst v9;
	v24 =	vsub.f32 v24, v2;
	v57 =	vmul.f32 $1.442695020e+00, v3;
	v56 =	vpop (erf);
	(erf) = vpow2.f32 v25  }
0x504: {  	[tilespmem:s14+$0x190] =	vst v8;
	v59 =	vmax.f32 v23, v55;
	v14 =	vsub.f32 v53, v2;
	v12 =	vmul.f32 $1.442695020e+00, v52  }
0x505: {  	v18 =	vld [tilespmem:s9+$0xFFFFFDC0];
	[tilespmem:s14+$0x1B0] =	vst v7;
	v62 =	vsub.f32 v54, v2;
	v60 =	vmul.f32 $1.442695020e+00, v24;
	(erf) = vpow2.f32 v57  }
0x506: {  	v61 =	vld [tilespmem:s9+$0x220];
	v9 =	vsub.f32 v59, v2;
	v24 =	vmul.f32 $1.442695020e+00, v14;
	[tilespmem:s9+$0x230] =	vst v56;
	(erf) = vpow2.f32 v12  }
0x507: {  	[tilespmem:s14+$0x1C0] =	vst v4;
	v30 =	vmul.f32 $1.442695020e+00, v62;
	v3 =	vld.idx.msk [tilespmem:v29+s4+$0x0], $0xffff;
	(erf) = vpow2.f32 v60  }
0x508: {  	v17 =	vld [tilespmem:s9+$0xFFFFFDD0];
	[tilespmem:s14+$0x1D0] =	vst v5;
	v34 =	vmul.f32 $1.442695020e+00, v9;
	(erf) = vpow2.f32 v24  }
0x509: {  	v44 =	vmov s11;
	v16 =	vld [tilespmem:s9+$0xFFFFFDE0];
	[tilespmem:s14+$0x1E0] =	vst v6;
	v37 =	vor.u32 v1, v32;
	(erf) = vpow2.f32 v30  }
0x50a: {  	v15 =	vld [tilespmem:s9+$0xFFFFFDF0];
	s23 =	sadd.s32 $0x2, s11;
	[tilespmem:s14+$0x1F0] =	vst v19;
	(erf) = vpow2.f32 v34  }
0x50b: {  	v63 =	vld [tilespmem:s9+$0xFFFFFE70];
	[tilespmem:s14+$0x200] =	vst v20;
	v47 =	vmov s23  }
0x50c: {  	v38 =	vld [tilespmem:s9+$0xFFFFFEB0];
	[tilespmem:s14+$0x210] =	vst v21;
	v21 =	vmul.u32 $0x90, v47;
	v29 =	vmul.u32 $0x90, v44;
	v42 =	vmul.f32 v61, v3;
	v44 =	vpop (erf)  }
0x50d: {  	v26 =	vld [tilespmem:s9+$0xFFFFFE50];
	[tilespmem:s9+$0xFFFFFED0] =	vst v44  }
0x50e: {  	v21 =	vadd.s32 $0x80, v21;
	[tilespmem:s9+$0x220] =	vst v42;
	v46 =	vpop (erf);
	v4 =	vld.idx.msk [tilespmem:v37+s4+$0x0], $0xffff  }
0x50f: {  	s14 =	sadd.s32 $0x4, s11;
	v21 =	vbroadcast v21, $0x0;
	v25 =	vld [tilespmem:s9+$0xFFFFFE60];
	v48 =	vpop (erf);
	[tilespmem:s9+$0xFFFFFF60] =	vst v46  }
0x510: {  	v45 =	vld [tilespmem:s9+$0xFFFFFF00];
	v52 =	vmov s14;
	v51 =	vpop (erf);
	[tilespmem:s9+$0xFFFFFFF0] =	vst v48  }
0x511: {  	v21 =	vor.u32 v1, v21;
	v12 =	vld [tilespmem:s9+$0xFFFFFE80];
	v24 =	vmul.u32 $0x90, v52;
	[tilespmem:s9+$0xFFFFFE40] =	vst v51;
	v55 =	vpop (erf)  }
0x512: {  	v33 =	vld [tilespmem:s9+$0xFFFFFE90];
	v36 =	vadd.s32 $0x80, v29;
	[tilespmem:s9+$0x80] =	vst v55;
	v56 =	vpop (erf)  }
0x513: {  	v35 =	vld [tilespmem:s9+$0xFFFFFEA0];
	v39 =	vbroadcast v36, $0x0;
	v24 =	vadd.s32 $0x80, v24;
	[tilespmem:s9+$0x110] =	vst v56;
	v57 =	vpop (erf);
	v26 =	vmul.f32 v26, v4  }
0x514: {  	v40 =	vld [tilespmem:s9+$0xFFFFFEC0];
	v24 =	vbroadcast v24, $0x0;
	[tilespmem:s9+$0x1A0] =	vst v57;
	v58 =	vmul.f32 v25, v4  }
0x515: {  	v41 =	vld [tilespmem:s9+$0xFFFFFEE0];
	s23 =	sadd.s32 $0x6, s11;
	v5 =	vor.u32 v1, v39;
	v11 =	vmul.f32 v63, v4;
	[tilespmem:s9+$0xFFFFFE50] =	vst v26  }
0x516: {  	v54 =	vmov s23;
	v61 =	vor.u32 v1, v24;
	v24 =	vld.idx.msk [tilespmem:v21+s4+$0x0], $0xffff;
	v12 =	vmul.f32 v12, v4;
	[tilespmem:s9+$0xFFFFFE60] =	vst v58  }
0x517: {  	v43 =	vld [tilespmem:s9+$0xFFFFFEF0];
	v29 =	vmul.u32 $0x90, v54;
	v10 =	vmul.f32 v33, v4;
	[tilespmem:s9+$0xFFFFFE70] =	vst v11  }
0x518: {  	s8 =	sadd.s32 $0x3, s11;
	v31 =	vld [tilespmem:s9+$0xFFFFFE10];
	v7 =	vmul.f32 v35, v4;
	[tilespmem:s9+$0xFFFFFE80] =	vst v12  }
0x519: {  	v49 =	vmov s8;
	v60 =	vadd.s32 $0x80, v29;
	v29 =	vld [tilespmem:s9+$0xFFFFFF20];
	v8 =	vmul.f32 v38, v4;
	[tilespmem:s9+$0xFFFFFE90] =	vst v10  }
0x51a: {  	v22 =	vmul.u32 $0x90, v49;
	v30 =	vld [tilespmem:s9+$0xFFFFFF30];
	v4 =	vmul.f32 v40, v4;
	[tilespmem:s9+$0xFFFFFEA0] =	vst v7  }
0x51b: {  	v5 =	vld.idx.msk [tilespmem:v5+s4+$0x0], $0xffff;
	v32 =	vmul.f32 v41, v24;
	[tilespmem:s9+$0xFFFFFEB0] =	vst v8  }
0x51c: {  	v27 =	vld [tilespmem:s9+$0xFFFFFE20];
	v22 =	vadd.s32 $0x80, v22;
	v34 =	vmul.f32 v43, v24;
	[tilespmem:s9+$0xFFFFFEC0] =	vst v4  }
0x51d: {  	s15 =	sadd.s32 $0x5, s11;
	v28 =	vld [tilespmem:s9+$0xFFFFFE00];
	v22 =	vbroadcast v22, $0x0;
	v36 =	vmul.f32 v45, v24;
	[tilespmem:s9+$0xFFFFFEE0] =	vst v32  }
0x51e: {  	v50 =	vld [tilespmem:s9+$0xFFFFFE30];
	v53 =	vmov s15;
	v12 =	vmul.f32 v29, v24;
	[tilespmem:s9+$0xFFFFFEF0] =	vst v34  }
0x51f: {  	v20 =	vmul.u32 $0x90, v53;
	v53 =	vld [tilespmem:s9+$0x40];
	v22 =	vor.u32 v1, v22;
	v10 =	vmul.f32 v30, v24;
	[tilespmem:s9+$0xFFFFFF00] =	vst v36  }
0x520: {  	v49 =	vld [tilespmem:s9+$0x20];
	v18 =	vmul.f32 v18, v5;
	[tilespmem:s9+$0xFFFFFF20] =	vst v12  }
0x521: {  	v39 =	vld [tilespmem:s9+$0xFFFFFFA0];
	v17 =	vmul.f32 v17, v5;
	[tilespmem:s9+$0xFFFFFF30] =	vst v10  }
0x522: {  	v33 =	vld [tilespmem:s9+$0xFFFFFF50];
	v16 =	vmul.f32 v16, v5;
	[tilespmem:s9+$0xFFFFFDC0] =	vst v18  }
0x523: {  	v35 =	vld [tilespmem:s9+$0xFFFFFF70];
	v15 =	vmul.f32 v15, v5;
	[tilespmem:s9+$0xFFFFFDD0] =	vst v17  }
0x524: {  	v26 =	vld.idx.msk [tilespmem:v22+s4+$0x0], $0xffff;
	v63 =	vmul.f32 v28, v5;
	[tilespmem:s9+$0xFFFFFDE0] =	vst v16  }
0x525: {  	v37 =	vld [tilespmem:s9+$0xFFFFFF80];
	v25 =	vmul.f32 v31, v5;
	[tilespmem:s9+$0xFFFFFDF0] =	vst v15  }
0x526: {  	v38 =	vld [tilespmem:s9+$0xFFFFFF90];
	v27 =	vmul.f32 v27, v5;
	[tilespmem:s9+$0xFFFFFE00] =	vst v63  }
0x527: {  	v42 =	vld [tilespmem:s9+$0xFFFFFFD0];
	v5 =	vmul.f32 v50, v5;
	[tilespmem:s9+$0xFFFFFE10] =	vst v25  }
0x528: {  	v20 =	vadd.s32 $0x80, v20;
	v41 =	vld [tilespmem:s9+$0xFFFFFFC0];
	[tilespmem:s9+$0xFFFFFE20] =	vst v27;
	v8 =	vmul.f32 v33, v24  }
0x529: {  	v59 =	vbroadcast v20, $0x0;
	v44 =	vld [tilespmem:s9+$0xFFFFFFE0];
	[tilespmem:s9+$0xFFFFFE30] =	vst v5;
	v4 =	vmul.f32 v35, v26  }
0x52a: {  	v46 =	vld [tilespmem:s9+$0x0];
	v43 =	vmul.f32 v37, v26;
	[tilespmem:s9+$0xFFFFFF50] =	vst v8  }
0x52b: {  	v13 =	vor.u32 v1, v59;
	v11 =	vld.idx.msk [tilespmem:v61+s4+$0x0], $0xffff;
	v45 =	vmul.f32 v38, v26;
	[tilespmem:s9+$0xFFFFFF70] =	vst v4  }
0x52c: {  	v20 =	vbroadcast v60, $0x0;
	v48 =	vld [tilespmem:s9+$0x10];
	v47 =	vmul.f32 v39, v26;
	[tilespmem:s9+$0xFFFFFF80] =	vst v43  }
0x52d: {  	v59 =	vld [tilespmem:s9+$0x70];
	v50 =	vmul.f32 v41, v26;
	[tilespmem:s9+$0xFFFFFF90] =	vst v45  }
0x52e: {  	v62 =	vor.u32 v1, v20;
	v51 =	vld [tilespmem:s9+$0x30];
	v52 =	vmul.f32 v42, v26;
	[tilespmem:s9+$0xFFFFFFA0] =	vst v47  }
0x52f: {  	v55 =	vld [tilespmem:s9+$0x50];
	v54 =	vmul.f32 v44, v26;
	[tilespmem:s9+$0xFFFFFFC0] =	vst v50  }
0x530: {  	v13 =	vld.idx.msk [tilespmem:v13+s4+$0x0], $0xffff;
	v56 =	vmul.f32 v46, v11;
	[tilespmem:s9+$0xFFFFFFD0] =	vst v52  }
0x531: {  	v57 =	vld [tilespmem:s9+$0x60];
	v58 =	vmul.f32 v48, v11;
	[tilespmem:s9+$0xFFFFFFE0] =	vst v54  }
0x532: {  	v61 =	vld [tilespmem:s9+$0x90];
	v60 =	vmul.f32 v49, v11;
	[tilespmem:s9+$0x0] =	vst v56  }
0x533: {  	v17 =	vld.idx.msk [tilespmem:v62+s4+$0x0], $0xffff;
	v62 =	vmul.f32 v51, v11;
	[tilespmem:s9+$0x10] =	vst v58  }
0x534: {  	v22 =	vld [tilespmem:s9+$0xD0];
	v16 =	vmul.f32 v53, v11;
	[tilespmem:s9+$0x20] =	vst v60  }
0x535: {  	v28 =	vld [tilespmem:s9+$0xFFFFFF10];
	v19 =	vmul.f32 v55, v11;
	[tilespmem:s9+$0x30] =	vst v62  }
0x536: {  	v31 =	vld [tilespmem:s9+$0xFFFFFF40];
	v21 =	vmul.f32 v57, v11;
	[tilespmem:s9+$0x40] =	vst v16  }
0x537: {  	v20 =	vld [tilespmem:s9+$0xC0];
	v23 =	vmul.f32 v59, v11;
	[tilespmem:s9+$0x50] =	vst v19  }
0x538: {  	v40 =	vld [tilespmem:s9+$0xFFFFFFB0];
	v25 =	vmul.f32 v61, v13;
	[tilespmem:s9+$0x60] =	vst v21  }
0x539: {  	v63 =	vld [tilespmem:s9+$0xA0];
	v33 =	vmul.f32 v22, v13;
	[tilespmem:s9+$0x70] =	vst v23  }
0x53a: {  	v18 =	vld [tilespmem:s9+$0xB0];
	v5 =	vmul.f32 v28, v24;
	[tilespmem:s9+$0x90] =	vst v25  }
0x53b: {  	v30 =	vld [tilespmem:s9+$0x120];
	v6 =	vmul.f32 v31, v24;
	[tilespmem:s9+$0xD0] =	vst v33  }
0x53c: {  	v32 =	vld [tilespmem:s9+$0x130];
	v31 =	vmul.f32 v20, v13;
	[tilespmem:s9+$0xFFFFFF10] =	vst v5  }
0x53d: {  	v34 =	vld [tilespmem:s9+$0x140];
	[tilespmem:s9+$0xFFFFFF40] =	vst v6;
	v5 =	vmul.f32 v40, v26  }
0x53e: {  	v36 =	vld [tilespmem:s9+$0x150];
	v27 =	vmul.f32 v63, v13;
	[tilespmem:s9+$0xC0] =	vst v31  }
0x53f: {  	v38 =	vld [tilespmem:s9+$0x160];
	v29 =	vmul.f32 v18, v13;
	[tilespmem:s9+$0xFFFFFFB0] =	vst v5  }
0x540: {  	v42 =	vld [tilespmem:s9+$0x180];
	v41 =	vmul.f32 v30, v17;
	[tilespmem:s9+$0xA0] =	vst v27  }
0x541: {  	v44 =	vld [tilespmem:s9+$0x190];
	v43 =	vmul.f32 v32, v17;
	[tilespmem:s9+$0xB0] =	vst v29  }
0x542: {  	v49 =	vld [tilespmem:s9+$0x1C0];
	v45 =	vmul.f32 v34, v17;
	[tilespmem:s9+$0x120] =	vst v41  }
0x543: {  	v51 =	vld [tilespmem:s9+$0x1D0];
	v46 =	vmul.f32 v36, v17;
	[tilespmem:s9+$0x130] =	vst v43  }
0x544: {  	v53 =	vld [tilespmem:s9+$0x1E0];
	v48 =	vmul.f32 v38, v17;
	[tilespmem:s9+$0x140] =	vst v45  }
0x545: {  	v55 =	vld [tilespmem:s9+$0x1F0];
	[tilespmem:s9+$0x150] =	vst v46;
	v52 =	vmul.f32 v42, v17  }
0x546: {  	v57 =	vld [tilespmem:s9+$0x200];
	v54 =	vmul.f32 v44, v17;
	[tilespmem:s9+$0x160] =	vst v48  }
0x547: {  	v24 =	vld [tilespmem:s9+$0xE0];
	v58 =	vmul.f32 v49, v3;
	[tilespmem:s9+$0x180] =	vst v52  }
0x548: {  	v28 =	vld [tilespmem:s9+$0x100];
	v60 =	vmul.f32 v51, v3;
	[tilespmem:s9+$0x190] =	vst v54  }
0x549: {  	v47 =	vld [tilespmem:s9+$0x1B0];
	v61 =	vmul.f32 v53, v3;
	[tilespmem:s9+$0x1C0] =	vst v58  }
0x54a: {  	v59 =	vld [tilespmem:s9+$0x210];
	v62 =	vmul.f32 v55, v3;
	[tilespmem:s9+$0x1D0] =	vst v60  }
0x54b: {  	v26 =	vld [tilespmem:s9+$0xF0];
	v63 =	vmul.f32 v57, v3;
	[tilespmem:s9+$0x1E0] =	vst v61  }
0x54c: {  	v40 =	vld [tilespmem:s9+$0x170];
	v35 =	vmul.f32 v24, v13;
	[tilespmem:s9+$0x1F0] =	vst v62  }
0x54d: {  	v39 =	vmul.f32 v28, v13;
	[tilespmem:s9+$0x200] =	vst v63  }
0x54e: {  	v56 =	vmul.f32 v47, v3;
	[tilespmem:s9+$0xE0] =	vst v35  }
0x54f: {  	v3 =	vmul.f32 v59, v3;
	[tilespmem:s9+$0x100] =	vst v39  }
0x550: {  	v37 =	vmul.f32 v26, v13;
	[tilespmem:s9+$0x1B0] =	vst v56  }
0x551: {  	v50 =	vmul.f32 v40, v17;
	[tilespmem:s9+$0x210] =	vst v3  }
0x552: {  	[tilespmem:s9+$0xF0] =	vst v37  }
.Ltmp5:
0x553: {  	[tilespmem:s9+$0x170] =	vst v50;
	(pc) =	sbr.rel @p0 .LBB2_14-.Ltmp5, $4  }
0x554: {  	[spmem:s2] =	stream.indirect.scatter.add.f32 [tilespmem:s4], [sflag:$0x7], $0x90, s16, s7, $0xb8;
	[tilespmem:$0x1CE90] =	vst v63  }
0x555: {  	_ =	swait.ge [sflag:s31], $0x2D00  }
0x556: {  	[sflag:s31] =	ssyncset.done $0x0  }
0x557: {  	[sflag:s31] =	ssyncadd.s32 $0xFFFFD300  }
0x558: {  	s3 =	rddreg [dreg:$0x12]  }
0x559: {  	s3 =	sadd.s32 s28, s3  }
0x55a: {  	s3 =	sshrl.u32 s3, $0x3  }
0x55b: {  	s8 =	simm.s32 $0x0;
	s3 =	sadd.s32 s1, s3  }
0x55c: {  	[tilespmem:s13], [sflag:$0x6] =	stream.linear.gather [hbm4b:s3+s8], $0x50, $0x38;
	[tilespmem:$0x1CE90] =	vst v63  }
0x55d: {  	s3 =	sadd.s32 $0x9C40, s3  }
0x55e: {  	[tilespmem:s16], [sflag:$0x6] =	stream.linear.gather [hbm4b:s3+s8], $0x50, $0x38;
	[tilespmem:$0x1CE90] =	vst v63  }
0x55f: {  	_ =	swait.ge [sflag:s29], $0x50  }
0x560: {  	[sflag:s29] =	ssyncset.done $0x0  }
0x561: {  	[sflag:s29] =	ssyncadd.s32 $0xFFFFFFB0  }
0x562: {  	_ =	swait.ge [sflag:s29], $0x50  }
.Ltmp6:
0x563: {  	[sflag:s29] =	ssyncset.done $0x0;
	(pc) =	sbr.rel .LBB2_4-.Ltmp6, $4  }
0x564: {  	s28 =	simm.s32 $0x140;
	[sflag:s29] =	ssyncadd.s32 $0xFFFFFFB0  }
0x565: {  	[tilespmem:s4], [sflag:$0x2] =	stream.indirect.gather [hbm4b:s5+s7], $0x90, s28, s7, $0xb8;
	[tilespmem:$0x1CE90] =	vst v63  }
0x566: {  	s26 =	sadd.s32 $0x1, s26  }
0x567: {  	[tilespmem:s30], [sflag:$0x2] =	stream.indirect.gather [hbm4b:s6+s7], $0x10, s10, s7, $0xb8;
	[tilespmem:$0x1CE90] =	vst v63  }
.LBB2_14:
0x568: {  	_ =	swait.ge [sflag:s0], $0x2D00  }
0x569: {  	[sflag:s0] =	ssyncset.done $0x0  }
0x56a: {  	[sflag:s0] =	ssyncadd.s32 $0xFFFFD300  }
0x56b: {  	_ =	swait.ge [sflag:s0], $0x500  }
0x56c: {  	[sflag:s0] =	ssyncset.done $0x0  }
0x56d: {  	s8 =	simm.s32 $0x4C0;
	[sflag:s0] =	ssyncadd.s32 $0xFFFFFB00  }
0x56e: {  	s3 =	simm.s32 $0x2FC0;
	v3 =	vld [tilespmem:s8+$0x230]  }
0x56f: {  	v4 =	vld [tilespmem:s3+$0x30]  }
0x570: {  	v5 =	vld [tilespmem:s3+$0xFFFFFFC0]  }
0x571: {  	v6 =	vld [tilespmem:s8+$0xFFFFFED0]  }
0x572: {  	v7 =	vld [tilespmem:s3+$0xFFFFFFD0]  }
0x573: {  	v8 =	vld [tilespmem:s8+$0xFFFFFF60]  }
0x574: {  	v9 =	vld [tilespmem:s3+$0xFFFFFFE0]  }
0x575: {  	v11 =	vld [tilespmem:s3+$0xFFFFFFF0]  }
0x576: {  	v13 =	vld [tilespmem:s8+$0x80]  }
0x577: {  	v16 =	vld [tilespmem:s3+$0x0];
	v3 =	vadd.f32 v4, v3  }
0x578: {  	v18 =	vld [tilespmem:s3+$0x10]  }
0x579: {  	v22 =	vld [tilespmem:s8+$0x1A0];
	v12 =	vmul.f32 $2.000000030e-01, v3  }
0x57a: {  	v23 =	vld [tilespmem:s8+$0xFFFFFDC0]  }
0x57b: {  	s11 =	simm.s32 $0x2;
	v4 =	vld [tilespmem:s8+$0xFFFFFFF0];
	v6 =	vadd.f32 v7, v6;
	v3 =	vmax.f32 v3, v12  }
0x57c: {  	s28 =	simm.s32 $0x1;
	v14 =	vmov s11;
	v8 =	vadd.f32 v9, v8;
	v9 =	vld [tilespmem:s8+$0x110];
	v3 =	vsub.f32 v3, v2  }
0x57d: {  	v26 =	vld [tilespmem:s8+$0xFFFFFE20];
	v7 =	vmov s28;
	s28 =	simm.s32 $0x7;
	v13 =	vadd.f32 v16, v13;
	v17 =	vmul.f32 $2.000000030e-01, v6  }
0x57e: {  	v27 =	vld [tilespmem:s8+$0xFFFFFE30];
	v7 =	vmul.u32 $0x90, v7;
	v16 =	vmov s28;
	v3 =	vmul.f32 $1.442695020e+00, v3  }
0x57f: {  	v21 =	vmul.f32 $2.000000030e-01, v8;
	v24 =	vmul.f32 $2.000000030e-01, v13;
	v6 =	vmax.f32 v6, v17;
	v17 =	vld [tilespmem:s8+$0xFFFFFE40]  }
0x580: {  	v4 =	vadd.f32 v11, v4;
	v11 =	vmul.u32 $0x90, v14;
	v14 =	vld [tilespmem:s3+$0x20];
	(erf) = vpow2.f32 v3  }
0x581: {  	v40 =	vld [tilespmem:s8+$0xFFFFFE60];
	v16 =	vmul.u32 $0x90, v16;
	v6 =	vsub.f32 v6, v2;
	v9 =	vadd.f32 v18, v9  }
0x582: {  	v42 =	vld [tilespmem:s8+$0xFFFFFEC0];
	v13 =	vmax.f32 v13, v24;
	v3 =	vmax.f32 v8, v21;
	v8 =	vmul.f32 $2.000000030e-01, v4  }
0x583: {  	v43 =	vld [tilespmem:s8+$0xFFFFFEE0];
	v13 =	vsub.f32 v13, v2;
	v25 =	vmul.f32 $2.000000030e-01, v9;
	v6 =	vmul.f32 $1.442695020e+00, v6  }
0x584: {  	v29 =	vld [tilespmem:s8+$0xFFFFFEF0];
	v5 =	vadd.f32 v5, v17;
	v4 =	vmax.f32 v4, v8;
	v8 =	vadd.s32 $0x80, v16  }
0x585: {  	v44 =	vld [tilespmem:s8+$0xFFFFFF00];
	v13 =	vmul.f32 $1.442695020e+00, v13;
	v14 =	vadd.f32 v14, v22;
	v8 =	vbroadcast v8, $0x0  }
0x586: {  	v46 =	vld [tilespmem:s8+$0xFFFFFFC0];
	v9 =	vmax.f32 v9, v25;
	v3 =	vsub.f32 v3, v2;
	v38 =	vmul.f32 $2.000000030e-01, v5  }
0x587: {  	v49 =	vld [tilespmem:s8+$0x30];
	v9 =	vsub.f32 v9, v2;
	v37 =	vmul.f32 $2.000000030e-01, v14;
	v8 =	vor.u32 v1, v8  }
0x588: {  	v51 =	vld [tilespmem:s8+$0x40];
	v4 =	vsub.f32 v4, v2;
	v28 =	vmul.f32 $1.442695020e+00, v3;
	v5 =	vmax.f32 v5, v38  }
0x589: {  	v52 =	vld [tilespmem:s8+$0x50];
	v3 =	vmax.f32 v14, v37;
	v5 =	vsub.f32 v5, v2;
	v39 =	vpop (erf);
	(erf) = vpow2.f32 v6  }
0x58a: {  	s23 =	simm.s32 $0x5;
	v53 =	vld [tilespmem:s8+$0x60];
	v9 =	vmul.f32 $1.442695020e+00, v9;
	v4 =	vmul.f32 $1.442695020e+00, v4;
	v3 =	vsub.f32 v3, v2  }
0x58b: {  	v19 =	vmov s23;
	v54 =	vld [tilespmem:s8+$0x100];
	v5 =	vmul.f32 $1.442695020e+00, v5;
	[tilespmem:s8+$0x230] =	vst v39;
	(erf) = vpow2.f32 v28  }
0x58c: {  	s15 =	simm.s32 $0x4;
	v7 =	vadd.s32 $0x80, v7;
	v41 =	vmul.f32 $1.442695020e+00, v3;
	v3 =	vld.idx.msk [tilespmem:v8+s18+$0x0], $0xffff;
	(erf) = vpow2.f32 v4  }
0x58d: {  	v12 =	vmov s15;
	v8 =	vld [tilespmem:s8+$0x220];
	v4 =	vbroadcast v7, $0x0;
	(erf) = vpow2.f32 v5  }
0x58e: {  	v56 =	vld [tilespmem:s8+$0x170];
	v6 =	vmul.u32 $0x90, v12;
	v12 =	vmul.u32 $0x90, v19;
	(erf) = vpow2.f32 v13  }
0x58f: {  	v58 =	vld [tilespmem:s8+$0x190];
	v4 =	vor.u32 v1, v4;
	(erf) = vpow2.f32 v9  }
0x590: {  	v60 =	vld [tilespmem:s8+$0x1B0];
	v12 =	vadd.s32 $0x80, v12;
	(erf) = vpow2.f32 v41  }
0x591: {  	v62 =	vld [tilespmem:s8+$0x1C0];
	v12 =	vbroadcast v12, $0x0  }
0x592: {  	s9 =	simm.s32 $0x0;
	s14 =	simm.s32 $0x3;
	v18 =	vld [tilespmem:s8+$0xFFFFFDE0];
	v8 =	vmul.f32 v8, v3;
	v30 =	vpop (erf)  }
0x593: {  	s26 =	simm.s32 $0x6;
	v10 =	vmov s9;
	v15 =	vmov s14;
	v14 =	vld [tilespmem:s8+$0xFFFFFE50];
	[tilespmem:s8+$0xFFFFFED0] =	vst v30  }
0x594: {  	v20 =	vmov s26;
	v10 =	vmul.u32 $0x90, v10;
	v11 =	vadd.s32 $0x80, v11;
	[tilespmem:s8+$0x220] =	vst v8;
	v31 =	vpop (erf);
	v32 =	vld.idx.msk [tilespmem:v4+s18+$0x0], $0xffff  }
0x595: {  	v15 =	vmul.u32 $0x90, v15;
	v11 =	vbroadcast v11, $0x0;
	v19 =	vld [tilespmem:s8+$0xFFFFFE70];
	[tilespmem:s8+$0xFFFFFF60] =	vst v31;
	v4 =	vor.u32 v1, v12;
	v12 =	vpop (erf)  }
0x596: {  	v10 =	vadd.s32 $0x80, v10;
	v7 =	vld [tilespmem:s8+$0xFFFFFE80];
	v5 =	vmul.u32 $0x90, v20;
	[tilespmem:s8+$0xFFFFFFF0] =	vst v12;
	v12 =	vpop (erf)  }
0x597: {  	v10 =	vbroadcast v10, $0x0;
	v11 =	vor.u32 v1, v11;
	v20 =	vld [tilespmem:s8+$0xFFFFFE90];
	v13 =	vadd.s32 $0x80, v15;
	[tilespmem:s8+$0xFFFFFE40] =	vst v12;
	v12 =	vpop (erf)  }
0x598: {  	v15 =	vld [tilespmem:s8+$0xFFFFFEA0];
	v9 =	vbroadcast v13, $0x0;
	v5 =	vadd.s32 $0x80, v5;
	[tilespmem:s8+$0x80] =	vst v12;
	v12 =	vpop (erf)  }
0x599: {  	v10 =	vor.u32 v1, v10;
	v13 =	vld [tilespmem:s8+$0xFFFFFEB0];
	v5 =	vbroadcast v5, $0x0;
	[tilespmem:s8+$0x110] =	vst v12;
	v12 =	vpop (erf);
	v14 =	vmul.f32 v14, v32  }
0x59a: {  	v21 =	vld [tilespmem:s8+$0xFFFFFDD0];
	[tilespmem:s8+$0x1A0] =	vst v12;
	v19 =	vmul.f32 v19, v32  }
0x59b: {  	v17 =	vld [tilespmem:s8+$0xFFFFFE00];
	v5 =	vor.u32 v1, v5;
	v7 =	vmul.f32 v7, v32;
	[tilespmem:s8+$0xFFFFFE50] =	vst v14  }
0x59c: {  	v6 =	vadd.s32 $0x80, v6;
	v11 =	vld.idx.msk [tilespmem:v11+s18+$0x0], $0xffff;
	v20 =	vmul.f32 v20, v32;
	[tilespmem:s8+$0xFFFFFE70] =	vst v19  }
0x59d: {  	v6 =	vbroadcast v6, $0x0;
	v8 =	vld [tilespmem:s8+$0xFFFFFF10];
	v15 =	vmul.f32 v15, v32;
	[tilespmem:s8+$0xFFFFFE80] =	vst v7  }
0x59e: {  	v9 =	vor.u32 v1, v9;
	v10 =	vld.idx.msk [tilespmem:v10+s18+$0x0], $0xffff;
	v13 =	vmul.f32 v13, v32;
	[tilespmem:s8+$0xFFFFFE90] =	vst v20  }
0x59f: {  	v6 =	vor.u32 v1, v6;
	v12 =	vld.idx.msk [tilespmem:v4+s18+$0x0], $0xffff;
	v24 =	vmul.f32 v42, v32;
	[tilespmem:s8+$0xFFFFFEA0] =	vst v15  }
0x5a0: {  	v4 =	vld.idx.msk [tilespmem:v5+s18+$0x0], $0xffff;
	v5 =	vmul.f32 v40, v32;
	[tilespmem:s8+$0xFFFFFEB0] =	vst v13  }
0x5a1: {  	v22 =	vld [tilespmem:s8+$0xFFFFFE10];
	v47 =	vmul.f32 v43, v11;
	[tilespmem:s8+$0xFFFFFEC0] =	vst v24  }
0x5a2: {  	v16 =	vld [tilespmem:s8+$0xFFFFFDF0];
	v48 =	vmul.f32 v29, v11;
	[tilespmem:s8+$0xFFFFFE60] =	vst v5  }
0x5a3: {  	v9 =	vld.idx.msk [tilespmem:v9+s18+$0x0], $0xffff;
	v50 =	vmul.f32 v44, v11;
	[tilespmem:s8+$0xFFFFFEE0] =	vst v47  }
0x5a4: {  	v6 =	vld.idx.msk [tilespmem:v6+s18+$0x0], $0xffff;
	v8 =	vmul.f32 v8, v11;
	[tilespmem:s8+$0xFFFFFEF0] =	vst v48  }
0x5a5: {  	v14 =	vld [tilespmem:s8+$0xFFFFFF20];
	v23 =	vmul.f32 v23, v10;
	[tilespmem:s8+$0xFFFFFF00] =	vst v50  }
0x5a6: {  	v19 =	vld [tilespmem:s8+$0xFFFFFF40];
	v21 =	vmul.f32 v21, v10;
	[tilespmem:s8+$0xFFFFFF10] =	vst v8  }
0x5a7: {  	v7 =	vld [tilespmem:s8+$0xFFFFFFE0];
	v18 =	vmul.f32 v18, v10;
	[tilespmem:s8+$0xFFFFFDC0] =	vst v23  }
0x5a8: {  	v20 =	vld [tilespmem:s8+$0x0];
	v16 =	vmul.f32 v16, v10;
	[tilespmem:s8+$0xFFFFFDD0] =	vst v21  }
0x5a9: {  	v15 =	vld [tilespmem:s8+$0x10];
	v17 =	vmul.f32 v17, v10;
	[tilespmem:s8+$0xFFFFFDE0] =	vst v18  }
0x5aa: {  	v13 =	vld [tilespmem:s8+$0x20];
	v22 =	vmul.f32 v22, v10;
	[tilespmem:s8+$0xFFFFFDF0] =	vst v16  }
0x5ab: {  	v5 =	vld [tilespmem:s8+$0xFFFFFF30];
	v45 =	vmul.f32 v26, v10;
	[tilespmem:s8+$0xFFFFFE00] =	vst v17  }
0x5ac: {  	v10 =	vmul.f32 v27, v10;
	v8 =	vld [tilespmem:s8+$0x70];
	[tilespmem:s8+$0xFFFFFE10] =	vst v22  }
0x5ad: {  	v55 =	vmul.f32 v52, v6;
	v23 =	vld [tilespmem:s8+$0xFFFFFF50];
	[tilespmem:s8+$0xFFFFFE20] =	vst v45  }
0x5ae: {  	v21 =	vld [tilespmem:s8+$0xFFFFFF70];
	[tilespmem:s8+$0xFFFFFE30] =	vst v10;
	v14 =	vmul.f32 v14, v11  }
0x5af: {  	v18 =	vld [tilespmem:s8+$0xFFFFFF80];
	[tilespmem:s8+$0x50] =	vst v55;
	v19 =	vmul.f32 v19, v11  }
0x5b0: {  	v16 =	vld [tilespmem:s8+$0xFFFFFF90];
	v7 =	vmul.f32 v7, v9;
	[tilespmem:s8+$0xFFFFFF20] =	vst v14  }
0x5b1: {  	v17 =	vld [tilespmem:s8+$0xFFFFFFA0];
	v15 =	vmul.f32 v15, v6;
	[tilespmem:s8+$0xFFFFFF40] =	vst v19  }
0x5b2: {  	v22 =	vld [tilespmem:s8+$0xFFFFFFB0];
	v13 =	vmul.f32 v13, v6;
	[tilespmem:s8+$0xFFFFFFE0] =	vst v7  }
0x5b3: {  	v10 =	vld [tilespmem:s8+$0xFFFFFFD0];
	v5 =	vmul.f32 v5, v11;
	[tilespmem:s8+$0x10] =	vst v15  }
0x5b4: {  	v14 =	vld [tilespmem:s8+$0x90];
	v15 =	vmul.f32 v53, v6;
	[tilespmem:s8+$0x20] =	vst v13  }
0x5b5: {  	v19 =	vld [tilespmem:s8+$0xB0];
	v11 =	vmul.f32 v23, v11;
	[tilespmem:s8+$0xFFFFFF30] =	vst v5;
	v21 =	vmul.f32 v21, v9  }
0x5b6: {  	v7 =	vld [tilespmem:s8+$0x150];
	v18 =	vmul.f32 v18, v9;
	v16 =	vmul.f32 v16, v9;
	[tilespmem:s8+$0x60] =	vst v15  }
0x5b7: {  	v5 =	vld [tilespmem:s8+$0xA0];
	v17 =	vmul.f32 v17, v9;
	v22 =	vmul.f32 v22, v9;
	[tilespmem:s8+$0xFFFFFF50] =	vst v11  }
0x5b8: {  	v23 =	vmul.f32 v46, v9;
	v10 =	vmul.f32 v10, v9;
	v9 =	vld [tilespmem:s8+$0x130];
	[tilespmem:s8+$0xFFFFFF70] =	vst v21  }
0x5b9: {  	v11 =	vld [tilespmem:s8+$0xC0];
	[tilespmem:s8+$0xFFFFFF80] =	vst v18  }
0x5ba: {  	v21 =	vld [tilespmem:s8+$0xD0];
	[tilespmem:s8+$0xFFFFFF90] =	vst v16  }
0x5bb: {  	v18 =	vld [tilespmem:s8+$0xE0];
	[tilespmem:s8+$0xFFFFFFA0] =	vst v17;
	v17 =	vmul.f32 v20, v6  }
0x5bc: {  	v16 =	vld [tilespmem:s8+$0xF0];
	[tilespmem:s8+$0xFFFFFFB0] =	vst v22;
	v20 =	vmul.f32 v49, v6  }
0x5bd: {  	v22 =	vld [tilespmem:s8+$0x120];
	[tilespmem:s8+$0x0] =	vst v17;
	v17 =	vmul.f32 v51, v6;
	v6 =	vmul.f32 v8, v6  }
0x5be: {  	[tilespmem:s8+$0xFFFFFFD0] =	vst v10;
	v10 =	vld [tilespmem:s8+$0x140];
	v57 =	vmul.f32 v14, v12;
	v19 =	vmul.f32 v19, v12  }
0x5bf: {  	[tilespmem:s8+$0xFFFFFFC0] =	vst v23;
	v23 =	vld [tilespmem:s8+$0x160];
	v5 =	vmul.f32 v5, v12;
	v14 =	vmul.f32 v9, v4  }
0x5c0: {  	v63 =	vld [tilespmem:s8+$0x1D0];
	[tilespmem:s8+$0x30] =	vst v20;
	v59 =	vmul.f32 v11, v12;
	v61 =	vmul.f32 v21, v12  }
0x5c1: {  	v8 =	vld [tilespmem:s8+$0x180];
	[tilespmem:s8+$0x40] =	vst v17;
	v18 =	vmul.f32 v18, v12;
	v17 =	vmul.f32 v16, v12  }
0x5c2: {  	[tilespmem:s8+$0x70] =	vst v6;
	v6 =	vld [tilespmem:s8+$0x1E0];
	v16 =	vmul.f32 v54, v12;
	v15 =	vmul.f32 v22, v4  }
0x5c3: {  	v20 =	vld [tilespmem:s8+$0x1F0];
	[tilespmem:s8+$0x90] =	vst v57;
	v13 =	vmul.f32 v10, v4;
	v12 =	vmul.f32 v7, v4  }
0x5c4: {  	[tilespmem:s8+$0xB0] =	vst v19;
	v11 =	vmul.f32 v23, v4;
	v10 =	vmul.f32 v56, v4;
	v21 =	vld [tilespmem:s8+$0x200]  }
0x5c5: {  	s9 =	simm.s32 $0x940;
	v19 =	vld [tilespmem:s8+$0x210];
	[tilespmem:s8+$0xA0] =	vst v5;
	v7 =	vmul.f32 v60, v3;
	v5 =	vmul.f32 v63, v3  }
0x5c6: {  	s14 =	simm.s32 $0x3040;
	v22 =	vld [tilespmem:s9+$0x230];
	v9 =	vmul.f32 v8, v4;
	v8 =	vmul.f32 v58, v4;
	[tilespmem:s8+$0xC0] =	vst v59  }
0x5c7: {  	s11 =	simm.s32 $0x8;
	s3 =	simm.s32 $0x10;
	v23 =	vld [tilespmem:s14+$0x30];
	v4 =	vmul.f32 v62, v3;
	[tilespmem:s8+$0xD0] =	vst v61;
	v6 =	vmul.f32 v6, v3  }
.LBB2_15:
0x5c8: {  	p0 =	slt.u32 s3, $0x48;
	v24 =	vld [tilespmem:s14+$0xFFFFFFC0];
	[tilespmem:s8+$0xE0] =	vst v18;
	v18 =	vmul.f32 v20, v3  }
0x5c9: {  	v20 =	vld [tilespmem:s9+$0xFFFFFED0];
	[tilespmem:s8+$0xF0] =	vst v17;
	v17 =	vmul.f32 v21, v3  }
0x5ca: {  	v21 =	vld [tilespmem:s14+$0xFFFFFFD0];
	[tilespmem:s8+$0x100] =	vst v16;
	v3 =	vmul.f32 v19, v3  }
0x5cb: {  	v16 =	vld [tilespmem:s9+$0xFFFFFF60];
	[tilespmem:s8+$0x120] =	vst v15  }
0x5cc: {  	v15 =	vld [tilespmem:s14+$0xFFFFFFE0];
	v19 =	vadd.f32 v23, v22;
	[tilespmem:s8+$0x130] =	vst v14  }
0x5cd: {  	v14 =	vmov s11;
	v22 =	vld [tilespmem:s9+$0xFFFFFFF0];
	[tilespmem:s8+$0x140] =	vst v13  }
0x5ce: {  	s15 =	sadd.s32 $0x1, s11;
	s23 =	sadd.s32 $0x2, s11;
	v13 =	vmul.u32 $0x90, v14;
	v14 =	vld [tilespmem:s14+$0xFFFFFFF0];
	v23 =	vmul.f32 $2.000000030e-01, v19;
	[tilespmem:s8+$0x150] =	vst v12  }
0x5cf: {  	v12 =	vadd.f32 v21, v20;
	v20 =	vmov s15;
	v21 =	vmov s23;
	s15 =	sadd.s32 $0x3, s11;
	v25 =	vld [tilespmem:s9+$0x80];
	s23 =	sadd.s32 $0x4, s11;
	[tilespmem:s8+$0x160] =	vst v11  }
0x5d0: {  	v11 =	vmov s15;
	v26 =	vld [tilespmem:s14+$0x0];
	v27 =	vmov s23;
	v19 =	vmax.f32 v19, v23;
	[tilespmem:s8+$0x170] =	vst v10  }
0x5d1: {  	s15 =	sadd.s32 $0x5, s11;
	s23 =	sadd.s32 $0x6, s11;
	v10 =	vmul.f32 $2.000000030e-01, v12;
	v15 =	vadd.f32 v15, v16;
	v16 =	vld [tilespmem:s9+$0x110];
	v19 =	vsub.f32 v19, v2;
	[tilespmem:s8+$0x180] =	vst v9  }
0x5d2: {  	v20 =	vmul.u32 $0x90, v20;
	v23 =	vmov s15;
	v28 =	vmov s23;
	v9 =	vld [tilespmem:s14+$0x10];
	[tilespmem:s8+$0x190] =	vst v8  }
0x5d3: {  	v8 =	vmul.f32 $2.000000030e-01, v15;
	v14 =	vadd.f32 v14, v22;
	v22 =	vld [tilespmem:s9+$0x1A0];
	v19 =	vmul.f32 $1.442695020e+00, v19;
	[tilespmem:s8+$0x1B0] =	vst v7  }
0x5d4: {  	v21 =	vmul.u32 $0x90, v21;
	v29 =	vmul.u32 $0x90, v11;
	s15 =	sadd.s32 $0x7, s11;
	s11 =	smov.u32 s3;
	v10 =	vmax.f32 v12, v10;
	v11 =	vld [tilespmem:s14+$0x20];
	[tilespmem:s8+$0x1C0] =	vst v4  }
0x5d5: {  	v7 =	vmov s15;
	v4 =	vld [tilespmem:s9+$0xFFFFFE40];
	v12 =	vadd.f32 v26, v25;
	(erf) = vpow2.f32 v19;
	[tilespmem:s8+$0x1D0] =	vst v5  }
0x5d6: {  	v15 =	vmax.f32 v15, v8;
	v19 =	vmul.f32 $2.000000030e-01, v14;
	v25 =	vmul.u32 $0x90, v7;
	v5 =	vld [tilespmem:s9+$0xFFFFFDC0];
	[tilespmem:s8+$0x1E0] =	vst v6  }
0x5d7: {  	v6 =	vsub.f32 v10, v2;
	v7 =	vld [tilespmem:s9+$0xFFFFFDD0];
	v26 =	vmul.f32 $2.000000030e-01, v12;
	v16 =	vadd.f32 v9, v16;
	[tilespmem:s8+$0x1F0] =	vst v18  }
0x5d8: {  	v15 =	vsub.f32 v15, v2;
	v14 =	vmax.f32 v14, v19;
	v10 =	vadd.s32 $0x80, v25;
	v8 =	vld [tilespmem:s9+$0xFFFFFDE0];
	[tilespmem:s8+$0x200] =	vst v17  }
0x5d9: {  	v19 =	vbroadcast v10, $0x0;
	v9 =	vld [tilespmem:s9+$0xFFFFFDF0];
	v17 =	vmul.f32 $2.000000030e-01, v16;
	v18 =	vadd.f32 v11, v22;
	[tilespmem:s8+$0x210] =	vst v3;
	s8 =	smov.u32 s9  }
0x5da: {  	v3 =	vadd.f32 v24, v4;
	v10 =	vld [tilespmem:s9+$0xFFFFFE00];
	v4 =	vsub.f32 v14, v2;
	v14 =	vmax.f32 v12, v26  }
0x5db: {  	v19 =	vor.u32 v1, v19;
	v11 =	vld [tilespmem:s9+$0xFFFFFE10];
	v16 =	vmax.f32 v16, v17;
	v17 =	vmul.f32 $2.000000030e-01, v18  }
0x5dc: {  	v24 =	vsub.f32 v14, v2;
	v25 =	vmul.f32 $2.000000030e-01, v3;
	v12 =	vld [tilespmem:s9+$0xFFFFFE20];
	v16 =	vsub.f32 v16, v2  }
0x5dd: {  	v6 =	vmul.f32 $1.442695020e+00, v6;
	v15 =	vmul.f32 $1.442695020e+00, v15;
	v14 =	vld [tilespmem:s9+$0xFFFFFE30];
	v17 =	vmax.f32 v18, v17  }
0x5de: {  	v4 =	vmul.f32 $1.442695020e+00, v4;
	v3 =	vmax.f32 v3, v25;
	v18 =	vld [tilespmem:s9+$0xFFFFFE50];
	v17 =	vsub.f32 v17, v2;
	v22 =	vpop (erf)  }
0x5df: {  	v24 =	vmul.f32 $1.442695020e+00, v24;
	v16 =	vmul.f32 $1.442695020e+00, v16;
	v25 =	vsub.f32 v3, v2;
	v26 =	vld [tilespmem:s9+$0xFFFFFE60];
	[tilespmem:s9+$0x230] =	vst v22  }
0x5e0: {  	v22 =	vmul.u32 $0x90, v27;
	v17 =	vmul.f32 $1.442695020e+00, v17;
	v3 =	vld.idx.msk [tilespmem:v19+s18+$0x0], $0xffff;
	(erf) = vpow2.f32 v6  }
0x5e1: {  	v19 =	vmul.u32 $0x90, v23;
	v6 =	vmul.f32 $1.442695020e+00, v25;
	v23 =	vld [tilespmem:s9+$0x220];
	(erf) = vpow2.f32 v15  }
0x5e2: {  	v15 =	vadd.s32 $0x80, v20;
	v25 =	vmul.u32 $0x90, v28;
	v20 =	vld [tilespmem:s9+$0xFFFFFE70];
	(erf) = vpow2.f32 v4  }
0x5e3: {  	v21 =	vadd.s32 $0x80, v21;
	v4 =	vbroadcast v15, $0x0;
	v15 =	vld [tilespmem:s9+$0xFFFFFE80];
	(erf) = vpow2.f32 v6  }
0x5e4: {  	v6 =	vbroadcast v21, $0x0;
	v21 =	vadd.s32 $0x80, v29;
	v27 =	vld [tilespmem:s9+$0xFFFFFE90];
	(erf) = vpow2.f32 v24  }
0x5e5: {  	v13 =	vadd.s32 $0x80, v13;
	v21 =	vbroadcast v21, $0x0;
	v24 =	vld [tilespmem:s9+$0xFFFFFEA0];
	(erf) = vpow2.f32 v16  }
0x5e6: {  	v4 =	vor.u32 v1, v4;
	v16 =	vld [tilespmem:s9+$0xFFFFFEB0];
	v23 =	vmul.f32 v23, v3;
	(erf) = vpow2.f32 v17  }
0x5e7: {  	v13 =	vbroadcast v13, $0x0;
	v22 =	vadd.s32 $0x80, v22;
	v6 =	vor.u32 v1, v6;
	v17 =	vld [tilespmem:s9+$0xFFFFFEC0]  }
0x5e8: {  	v22 =	vbroadcast v22, $0x0;
	v19 =	vadd.s32 $0x80, v19;
	v21 =	vor.u32 v1, v21;
	v28 =	vld [tilespmem:s9+$0xFFFFFEE0];
	[tilespmem:s9+$0x220] =	vst v23  }
0x5e9: {  	v13 =	vor.u32 v1, v13;
	v32 =	vbroadcast v19, $0x0;
	v25 =	vadd.s32 $0x80, v25;
	v23 =	vld [tilespmem:s9+$0xFFFFFEF0];
	v29 =	vpop (erf)  }
0x5ea: {  	v22 =	vor.u32 v1, v22;
	v25 =	vbroadcast v25, $0x0;
	[tilespmem:s9+$0xFFFFFED0] =	vst v29;
	v29 =	vld [tilespmem:s9+$0xFFFFFF00];
	v30 =	vpop (erf)  }
0x5eb: {  	v31 =	vld.idx.msk [tilespmem:v4+s18+$0x0], $0xffff;
	[tilespmem:s9+$0xFFFFFF60] =	vst v30;
	v4 =	vor.u32 v1, v32;
	v19 =	vpop (erf)  }
0x5ec: {  	v30 =	vld.idx.msk [tilespmem:v6+s18+$0x0], $0xffff;
	[tilespmem:s9+$0xFFFFFFF0] =	vst v19;
	v19 =	vor.u32 v1, v25;
	v6 =	vpop (erf)  }
0x5ed: {  	[tilespmem:s9+$0xFFFFFE40] =	vst v6;
	v21 =	vld.idx.msk [tilespmem:v21+s18+$0x0], $0xffff;
	v6 =	vpop (erf)  }
0x5ee: {  	v13 =	vld.idx.msk [tilespmem:v13+s18+$0x0], $0xffff;
	[tilespmem:s9+$0x80] =	vst v6;
	v6 =	vpop (erf)  }
0x5ef: {  	v22 =	vld.idx.msk [tilespmem:v22+s18+$0x0], $0xffff;
	[tilespmem:s9+$0x110] =	vst v6;
	v25 =	vpop (erf)  }
0x5f0: {  	v6 =	vld.idx.msk [tilespmem:v4+s18+$0x0], $0xffff;
	[tilespmem:s9+$0x1A0] =	vst v25  }
0x5f1: {  	v18 =	vmul.f32 v18, v31;
	v25 =	vmul.f32 v26, v31;
	v4 =	vld.idx.msk [tilespmem:v19+s18+$0x0], $0xffff  }
0x5f2: {  	v15 =	vmul.f32 v15, v31;
	v19 =	vmul.f32 v20, v31;
	v20 =	vld [tilespmem:s9+$0xFFFFFF10]  }
0x5f3: {  	v24 =	vmul.f32 v24, v31;
	[tilespmem:s9+$0xFFFFFE50] =	vst v18;
	v18 =	vmul.f32 v27, v31;
	v26 =	vld [tilespmem:s9+$0xFFFFFF20]  }
0x5f4: {  	v5 =	vmul.f32 v5, v13;
	v7 =	vmul.f32 v7, v13;
	[tilespmem:s9+$0xFFFFFE60] =	vst v25;
	v25 =	vld [tilespmem:s9+$0xFFFFFF30]  }
0x5f5: {  	v8 =	vmul.f32 v8, v13;
	v9 =	vmul.f32 v9, v13;
	[tilespmem:s9+$0xFFFFFE70] =	vst v19;
	v19 =	vld [tilespmem:s9+$0xFFFFFF40]  }
0x5f6: {  	[tilespmem:s9+$0xFFFFFDC0] =	vst v5;
	v5 =	vmul.f32 v10, v13;
	v10 =	vmul.f32 v11, v13;
	v11 =	vld [tilespmem:s9+$0xFFFFFF50]  }
0x5f7: {  	[tilespmem:s9+$0xFFFFFDD0] =	vst v7;
	v7 =	vmul.f32 v12, v13;
	v12 =	vmul.f32 v14, v13;
	v13 =	vld [tilespmem:s9+$0xFFFFFF70]  }
0x5f8: {  	v14 =	vmul.f32 v17, v31;
	[tilespmem:s9+$0xFFFFFDE0] =	vst v8;
	v8 =	vmul.f32 v16, v31;
	v16 =	vld [tilespmem:s9+$0xFFFFFF80]  }
0x5f9: {  	v17 =	vmul.f32 v23, v30;
	[tilespmem:s9+$0xFFFFFDF0] =	vst v9;
	v9 =	vmul.f32 v28, v30;
	v23 =	vld [tilespmem:s9+$0xFFFFFF90]  }
0x5fa: {  	v20 =	vmul.f32 v20, v30;
	[tilespmem:s9+$0xFFFFFE00] =	vst v5;
	v5 =	vmul.f32 v29, v30;
	v27 =	vld [tilespmem:s9+$0xFFFFFFA0]  }
0x5fb: {  	v25 =	vmul.f32 v25, v30;
	[tilespmem:s9+$0xFFFFFE10] =	vst v10;
	v10 =	vmul.f32 v26, v30;
	v26 =	vld [tilespmem:s9+$0xFFFFFFB0]  }
0x5fc: {  	v11 =	vmul.f32 v11, v30;
	[tilespmem:s9+$0xFFFFFE20] =	vst v7;
	v7 =	vmul.f32 v19, v30;
	v19 =	vld [tilespmem:s9+$0xFFFFFFC0]  }
0x5fd: {  	[tilespmem:s9+$0xFFFFFE30] =	vst v12;
	v12 =	vmul.f32 v13, v21;
	v13 =	vmul.f32 v16, v21;
	v16 =	vld [tilespmem:s9+$0xFFFFFFD0]  }
0x5fe: {  	[tilespmem:s9+$0xFFFFFE80] =	vst v15;
	v15 =	vmul.f32 v23, v21;
	v23 =	vld [tilespmem:s9+$0xFFFFFFE0]  }
0x5ff: {  	[tilespmem:s9+$0xFFFFFE90] =	vst v18;
	v18 =	vmul.f32 v27, v21;
	v27 =	vld [tilespmem:s9+$0x0]  }
0x600: {  	[tilespmem:s9+$0xFFFFFEA0] =	vst v24;
	v24 =	vmul.f32 v26, v21;
	v26 =	vld [tilespmem:s9+$0x10]  }
0x601: {  	[tilespmem:s9+$0xFFFFFEB0] =	vst v8;
	v8 =	vmul.f32 v19, v21;
	v19 =	vld [tilespmem:s9+$0x20]  }
0x602: {  	[tilespmem:s9+$0xFFFFFEC0] =	vst v14;
	v14 =	vmul.f32 v16, v21;
	v16 =	vld [tilespmem:s9+$0x30]  }
0x603: {  	[tilespmem:s9+$0xFFFFFEE0] =	vst v9;
	v9 =	vmul.f32 v23, v21;
	v21 =	vld [tilespmem:s9+$0x40]  }
0x604: {  	[tilespmem:s9+$0xFFFFFEF0] =	vst v17;
	v23 =	vmul.f32 v27, v22;
	v17 =	vld [tilespmem:s9+$0x50]  }
0x605: {  	[tilespmem:s9+$0xFFFFFF00] =	vst v5;
	v5 =	vmul.f32 v26, v22;
	v26 =	vld [tilespmem:s9+$0x60]  }
0x606: {  	[tilespmem:s9+$0xFFFFFF10] =	vst v20;
	v19 =	vmul.f32 v19, v22;
	v20 =	vld [tilespmem:s9+$0x70]  }
0x607: {  	[tilespmem:s9+$0xFFFFFF20] =	vst v10;
	v10 =	vmul.f32 v16, v22;
	v16 =	vld [tilespmem:s9+$0x90]  }
0x608: {  	[tilespmem:s9+$0xFFFFFF30] =	vst v25;
	v21 =	vmul.f32 v21, v22;
	v25 =	vld [tilespmem:s9+$0xA0]  }
0x609: {  	[tilespmem:s9+$0xFFFFFF40] =	vst v7;
	v7 =	vmul.f32 v17, v22;
	v17 =	vld [tilespmem:s9+$0xB0]  }
0x60a: {  	[tilespmem:s9+$0xFFFFFF50] =	vst v11;
	v26 =	vmul.f32 v26, v22;
	v11 =	vld [tilespmem:s9+$0xC0]  }
0x60b: {  	[tilespmem:s9+$0xFFFFFF70] =	vst v12;
	v20 =	vmul.f32 v20, v22;
	v12 =	vld [tilespmem:s9+$0xD0]  }
0x60c: {  	[tilespmem:s9+$0xFFFFFF80] =	vst v13;
	v22 =	vmul.f32 v16, v6;
	v13 =	vld [tilespmem:s9+$0xE0]  }
0x60d: {  	[tilespmem:s9+$0xFFFFFF90] =	vst v15;
	v25 =	vmul.f32 v25, v6;
	v15 =	vld [tilespmem:s9+$0xF0]  }
0x60e: {  	[tilespmem:s9+$0xFFFFFFA0] =	vst v18;
	v27 =	vmul.f32 v17, v6;
	v16 =	vld [tilespmem:s9+$0x100]  }
0x60f: {  	[tilespmem:s9+$0xFFFFFFB0] =	vst v24;
	v24 =	vmul.f32 v11, v6;
	v11 =	vld [tilespmem:s9+$0x120]  }
0x610: {  	[tilespmem:s9+$0xFFFFFFC0] =	vst v8;
	v28 =	vmul.f32 v12, v6;
	v8 =	vld [tilespmem:s9+$0x130]  }
0x611: {  	[tilespmem:s9+$0xFFFFFFD0] =	vst v14;
	v18 =	vmul.f32 v13, v6;
	v12 =	vld [tilespmem:s9+$0x140]  }
0x612: {  	[tilespmem:s9+$0xFFFFFFE0] =	vst v9;
	v17 =	vmul.f32 v15, v6;
	v9 =	vld [tilespmem:s9+$0x150]  }
0x613: {  	[tilespmem:s9+$0x0] =	vst v23;
	v16 =	vmul.f32 v16, v6;
	v6 =	vld [tilespmem:s9+$0x160]  }
0x614: {  	[tilespmem:s9+$0x10] =	vst v5;
	v15 =	vmul.f32 v11, v4;
	v5 =	vld [tilespmem:s9+$0x170]  }
0x615: {  	[tilespmem:s9+$0x20] =	vst v19;
	v14 =	vmul.f32 v8, v4;
	v8 =	vld [tilespmem:s9+$0x180]  }
0x616: {  	[tilespmem:s9+$0x30] =	vst v10;
	v13 =	vmul.f32 v12, v4;
	v19 =	vld [tilespmem:s9+$0x190]  }
0x617: {  	[tilespmem:s9+$0x40] =	vst v21;
	v12 =	vmul.f32 v9, v4;
	v21 =	vld [tilespmem:s9+$0x1B0]  }
0x618: {  	[tilespmem:s9+$0x50] =	vst v7;
	v11 =	vmul.f32 v6, v4;
	v6 =	vld [tilespmem:s9+$0x1C0]  }
0x619: {  	[tilespmem:s9+$0x60] =	vst v26;
	v10 =	vmul.f32 v5, v4;
	v5 =	vld [tilespmem:s9+$0x1D0]  }
0x61a: {  	[tilespmem:s9+$0x70] =	vst v20;
	v9 =	vmul.f32 v8, v4;
	v26 =	vld [tilespmem:s9+$0x1E0]  }
.Ltmp7:
0x61b: {  	[tilespmem:s9+$0x90] =	vst v22;
	v8 =	vmul.f32 v19, v4;
	v20 =	vld [tilespmem:s9+$0x1F0];
	(pc) =	sbr.rel @p0 .LBB2_15-.Ltmp7, $4  }
0x61c: {  	[tilespmem:s9+$0xA0] =	vst v25;
	v7 =	vmul.f32 v21, v3;
	v21 =	vld [tilespmem:s9+$0x200]  }
0x61d: {  	s9 =	sadd.s32 $0x480, s9;
	[tilespmem:s8+$0xB0] =	vst v27;
	v4 =	vmul.f32 v6, v3;
	v19 =	vld [tilespmem:s8+$0x210]  }
0x61e: {  	s14 =	sadd.s32 $0x80, s14;
	v22 =	vld [tilespmem:s9+$0x230];
	[tilespmem:s8+$0xC0] =	vst v24;
	v5 =	vmul.f32 v5, v3  }
0x61f: {  	s3 =	sadd.s32 $0x8, s3;
	v23 =	vld [tilespmem:s14+$0x30];
	[tilespmem:s8+$0xD0] =	vst v28;
	v6 =	vmul.f32 v26, v3  }
0x620: {  	v24 =	vld [tilespmem:s14+$0xFFFFFFC0]  }
0x621: {  	v25 =	vld [tilespmem:s9+$0xFFFFFED0]  }
0x622: {  	v26 =	vld [tilespmem:s14+$0xFFFFFFD0]  }
0x623: {  	v27 =	vld [tilespmem:s9+$0xFFFFFF60]  }
0x624: {  	v46 =	vld [tilespmem:s14+$0xFFFFFFE0];
	v22 =	vadd.f32 v23, v22  }
0x625: {  	v28 =	vld [tilespmem:s9+$0xFFFFFFF0]  }
0x626: {  	v30 =	vld [tilespmem:s14+$0xFFFFFFF0];
	v29 =	vmul.f32 $2.000000030e-01, v22  }
0x627: {  	v32 =	vld [tilespmem:s9+$0x110]  }
0x628: {  	s3 =	sadd.s32 $0x1, s11;
	v48 =	vld [tilespmem:s14+$0x10];
	v22 =	vmax.f32 v22, v29  }
0x629: {  	v20 =	vmul.f32 v20, v3;
	s28 =	sadd.s32 $0x7, s11;
	v36 =	vld [tilespmem:s9+$0xFFFFFE40];
	v33 =	vmov s3;
	v22 =	vsub.f32 v22, v2  }
0x62a: {  	v31 =	vld [tilespmem:s9+$0x80];
	v21 =	vmul.f32 v21, v3;
	v34 =	vmov s28;
	v33 =	vmul.u32 $0x90, v33  }
0x62b: {  	v47 =	vld [tilespmem:s14+$0x0];
	v19 =	vmul.f32 v19, v3;
	v34 =	vmul.u32 $0x90, v34;
	v22 =	vmul.f32 $1.442695020e+00, v22  }
0x62c: {  	[tilespmem:s8+$0x170] =	vst v10;
	v10 =	vadd.s32 $0x80, v33;
	v25 =	vadd.f32 v26, v25;
	v23 =	vadd.f32 v46, v27  }
0x62d: {  	v28 =	vadd.f32 v30, v28;
	v26 =	vadd.f32 v48, v32;
	(erf) = vpow2.f32 v22  }
0x62e: {  	v49 =	vld [tilespmem:s14+$0x20];
	[tilespmem:s8+$0xE0] =	vst v18;
	v24 =	vadd.f32 v24, v36;
	v42 =	vbroadcast v10, $0x0;
	v35 =	vmul.f32 $2.000000030e-01, v25  }
0x62f: {  	v50 =	vld [tilespmem:s9+$0x1A0];
	[tilespmem:s8+$0xF0] =	vst v17;
	v52 =	vadd.s32 $0x80, v34;
	v3 =	vmul.f32 $2.000000030e-01, v23;
	v53 =	vmul.f32 $2.000000030e-01, v28  }
0x630: {  	[tilespmem:s8+$0x100] =	vst v16;
	v56 =	vmul.f32 $2.000000030e-01, v26;
	v57 =	vmul.f32 $2.000000030e-01, v24;
	v29 =	vadd.f32 v47, v31  }
0x631: {  	[tilespmem:s8+$0x120] =	vst v15;
	v25 =	vmax.f32 v25, v35;
	v3 =	vmax.f32 v23, v3;
	v23 =	vbroadcast v52, $0x0  }
0x632: {  	[tilespmem:s8+$0x130] =	vst v14;
	v55 =	vmax.f32 v28, v53;
	v60 =	vmax.f32 v26, v56;
	v25 =	vsub.f32 v25, v2  }
0x633: {  	[tilespmem:s8+$0x140] =	vst v13;
	v24 =	vmax.f32 v24, v57;
	v54 =	vmul.f32 $2.000000030e-01, v29;
	v3 =	vsub.f32 v3, v2  }
0x634: {  	[tilespmem:s8+$0x150] =	vst v12;
	v58 =	vsub.f32 v55, v2;
	v25 =	vmul.f32 $1.442695020e+00, v25;
	v22 =	vadd.f32 v49, v50  }
0x635: {  	[tilespmem:s8+$0x160] =	vst v11;
	v24 =	vsub.f32 v24, v2;
	v23 =	vor.u32 v1, v23;
	v63 =	vmul.f32 $1.442695020e+00, v3  }
0x636: {  	[tilespmem:s8+$0x180] =	vst v9;
	v59 =	vmax.f32 v29, v54;
	v61 =	vmul.f32 $2.000000030e-01, v22;
	v62 =	vpop (erf);
	(erf) = vpow2.f32 v25  }
0x637: {  	[tilespmem:s8+$0x190] =	vst v8;
	v37 =	vsub.f32 v60, v2;
	v12 =	vmul.f32 $1.442695020e+00, v58;
	v14 =	vsub.f32 v59, v2  }
0x638: {  	v18 =	vld [tilespmem:s9+$0xFFFFFDC0];
	[tilespmem:s8+$0x1B0] =	vst v7;
	v35 =	vmul.f32 $1.442695020e+00, v24;
	v34 =	vmax.f32 v22, v61;
	(erf) = vpow2.f32 v63  }
0x639: {  	v36 =	vld [tilespmem:s9+$0x220];
	v39 =	vmul.f32 $1.442695020e+00, v14;
	v2 =	vsub.f32 v34, v2;
	[tilespmem:s9+$0x230] =	vst v62;
	(erf) = vpow2.f32 v12  }
0x63a: {  	[tilespmem:s8+$0x1C0] =	vst v4;
	v41 =	vmul.f32 $1.442695020e+00, v37;
	v3 =	vld.idx.msk [tilespmem:v23+s18+$0x0], $0xffff;
	(erf) = vpow2.f32 v35  }
0x63b: {  	v17 =	vld [tilespmem:s9+$0xFFFFFDD0];
	[tilespmem:s8+$0x1D0] =	vst v5;
	v2 =	vmul.f32 $1.442695020e+00, v2;
	(erf) = vpow2.f32 v39  }
0x63c: {  	v16 =	vld [tilespmem:s9+$0xFFFFFDE0];
	[tilespmem:s8+$0x1E0] =	vst v6;
	v46 =	vor.u32 v1, v42;
	(erf) = vpow2.f32 v41  }
0x63d: {  	v15 =	vld [tilespmem:s9+$0xFFFFFDF0];
	s15 =	sadd.s32 $0x3, s11;
	[tilespmem:s8+$0x1F0] =	vst v20;
	(erf) = vpow2.f32 v2  }
0x63e: {  	v38 =	vld [tilespmem:s9+$0xFFFFFE70];
	[tilespmem:s8+$0x200] =	vst v21;
	v57 =	vmov s15  }
0x63f: {  	v11 =	vld [tilespmem:s9+$0xFFFFFE80];
	[tilespmem:s8+$0x210] =	vst v19;
	v21 =	vmul.u32 $0x90, v57;
	v50 =	vmul.f32 v36, v3;
	v52 =	vpop (erf)  }
0x640: {  	v26 =	vld [tilespmem:s9+$0xFFFFFE50];
	[tilespmem:s9+$0xFFFFFED0] =	vst v52  }
0x641: {  	v51 =	vmov s11;
	v21 =	vadd.s32 $0x80, v21;
	[tilespmem:s9+$0x220] =	vst v50;
	v54 =	vpop (erf);
	v4 =	vld.idx.msk [tilespmem:v46+s18+$0x0], $0xffff  }
0x642: {  	v40 =	vmul.u32 $0x90, v51;
	v32 =	vld [tilespmem:s9+$0xFFFFFE60];
	v21 =	vbroadcast v21, $0x0;
	v56 =	vpop (erf);
	[tilespmem:s9+$0xFFFFFF60] =	vst v54  }
0x643: {  	v43 =	vld [tilespmem:s9+$0xFFFFFE90];
	v59 =	vpop (erf);
	[tilespmem:s9+$0xFFFFFFF0] =	vst v56  }
0x644: {  	v44 =	vld [tilespmem:s9+$0xFFFFFEA0];
	v45 =	vadd.s32 $0x80, v40;
	v21 =	vor.u32 v1, v21;
	[tilespmem:s9+$0xFFFFFE40] =	vst v59;
	v63 =	vpop (erf)  }
0x645: {  	v51 =	vld [tilespmem:s9+$0xFFFFFEF0];
	v2 =	vbroadcast v45, $0x0;
	[tilespmem:s9+$0x80] =	vst v63;
	v30 =	vpop (erf)  }
0x646: {  	v48 =	vld [tilespmem:s9+$0xFFFFFEC0];
	[tilespmem:s9+$0x110] =	vst v30;
	v31 =	vpop (erf);
	v26 =	vmul.f32 v26, v4  }
0x647: {  	v47 =	vld [tilespmem:s9+$0xFFFFFEB0];
	v2 =	vor.u32 v1, v2;
	[tilespmem:s9+$0x1A0] =	vst v31;
	v32 =	vmul.f32 v32, v4  }
0x648: {  	s14 =	sadd.s32 $0x2, s11;
	v50 =	vld [tilespmem:s9+$0xFFFFFF80];
	v9 =	vmul.f32 v38, v4;
	[tilespmem:s9+$0xFFFFFE50] =	vst v26  }
0x649: {  	v55 =	vmov s14;
	v40 =	vld.idx.msk [tilespmem:v21+s18+$0x0], $0xffff;
	v11 =	vmul.f32 v11, v4;
	[tilespmem:s9+$0xFFFFFE60] =	vst v32  }
0x64a: {  	v20 =	vmul.u32 $0x90, v55;
	v52 =	vld [tilespmem:s9+$0xFFFFFFA0];
	v10 =	vmul.f32 v43, v4;
	[tilespmem:s9+$0xFFFFFE70] =	vst v9  }
0x64b: {  	v54 =	vld [tilespmem:s9+$0xFFFFFFD0];
	v5 =	vmul.f32 v44, v4;
	[tilespmem:s9+$0xFFFFFE80] =	vst v11  }
0x64c: {  	v20 =	vadd.s32 $0x80, v20;
	v2 =	vld.idx.msk [tilespmem:v2+s18+$0x0], $0xffff;
	v7 =	vmul.f32 v47, v4;
	[tilespmem:s9+$0xFFFFFE90] =	vst v10  }
0x64d: {  	v27 =	vld [tilespmem:s9+$0xFFFFFE10];
	v20 =	vbroadcast v20, $0x0;
	v4 =	vmul.f32 v48, v4;
	[tilespmem:s9+$0xFFFFFEA0] =	vst v5  }
0x64e: {  	v42 =	vld [tilespmem:s9+$0xFFFFFF20];
	[tilespmem:s9+$0xFFFFFEB0] =	vst v7;
	v55 =	vmul.f32 v50, v40  }
0x64f: {  	v28 =	vld [tilespmem:s9+$0xFFFFFE00];
	v20 =	vor.u32 v1, v20;
	[tilespmem:s9+$0xFFFFFEC0] =	vst v4;
	v59 =	vmul.f32 v52, v40  }
0x650: {  	s26 =	sadd.s32 $0x5, s11;
	v53 =	vld [tilespmem:s9+$0xFFFFFF00];
	v14 =	vmul.f32 v54, v40;
	[tilespmem:s9+$0xFFFFFF80] =	vst v55  }
0x651: {  	v29 =	vld [tilespmem:s9+$0xFFFFFE20];
	v61 =	vmov s26;
	v18 =	vmul.f32 v18, v2;
	[tilespmem:s9+$0xFFFFFFA0] =	vst v59  }
0x652: {  	s23 =	sadd.s32 $0x4, s11;
	v58 =	vld [tilespmem:s9+$0xFFFFFE30];
	v19 =	vmul.u32 $0x90, v61;
	v17 =	vmul.f32 v17, v2;
	[tilespmem:s9+$0xFFFFFFD0] =	vst v14  }
0x653: {  	v60 =	vmov s23;
	v49 =	vld [tilespmem:s9+$0xFFFFFEE0];
	v16 =	vmul.f32 v16, v2;
	[tilespmem:s9+$0xFFFFFDC0] =	vst v18  }
0x654: {  	v19 =	vadd.s32 $0x80, v19;
	v23 =	vmul.u32 $0x90, v60;
	v38 =	vld.idx.msk [tilespmem:v20+s18+$0x0], $0xffff;
	v15 =	vmul.f32 v15, v2;
	[tilespmem:s9+$0xFFFFFDD0] =	vst v17  }
0x655: {  	v22 =	vld [tilespmem:s9+$0x70];
	v33 =	vbroadcast v19, $0x0;
	v37 =	vmul.f32 v28, v2;
	[tilespmem:s9+$0xFFFFFDE0] =	vst v16  }
0x656: {  	v25 =	vld [tilespmem:s9+$0xA0];
	v23 =	vadd.s32 $0x80, v23;
	v39 =	vmul.f32 v27, v2;
	[tilespmem:s9+$0xFFFFFDF0] =	vst v15  }
0x657: {  	v12 =	vor.u32 v1, v33;
	v60 =	vld [tilespmem:s9+$0x10];
	v23 =	vbroadcast v23, $0x0;
	v41 =	vmul.f32 v29, v2;
	[tilespmem:s9+$0xFFFFFE00] =	vst v37  }
0x658: {  	v43 =	vld [tilespmem:s9+$0xFFFFFF30];
	v2 =	vmul.f32 v58, v2;
	[tilespmem:s9+$0xFFFFFE10] =	vst v39  }
0x659: {  	v35 =	vor.u32 v1, v23;
	v44 =	vld [tilespmem:s9+$0xFFFFFF40];
	[tilespmem:s9+$0xFFFFFE20] =	vst v41;
	v45 =	vmul.f32 v49, v38  }
0x65a: {  	v46 =	vld [tilespmem:s9+$0xFFFFFF50];
	[tilespmem:s9+$0xFFFFFE30] =	vst v2;
	v47 =	vmul.f32 v51, v38  }
0x65b: {  	v48 =	vld [tilespmem:s9+$0xFFFFFF70];
	v49 =	vmul.f32 v53, v38;
	[tilespmem:s9+$0xFFFFFEE0] =	vst v45  }
0x65c: {  	s28 =	sadd.s32 $0x6, s11;
	v12 =	vld.idx.msk [tilespmem:v12+s18+$0x0], $0xffff;
	v11 =	vmul.f32 v42, v38;
	[tilespmem:s9+$0xFFFFFEF0] =	vst v47  }
0x65d: {  	v62 =	vmov s28;
	v30 =	vld [tilespmem:s9+$0xD0];
	v10 =	vmul.f32 v43, v38;
	[tilespmem:s9+$0xFFFFFF00] =	vst v49  }
0x65e: {  	v24 =	vmul.u32 $0x90, v62;
	v9 =	vld.idx.msk [tilespmem:v35+s18+$0x0], $0xffff;
	v5 =	vmul.f32 v44, v38;
	[tilespmem:s9+$0xFFFFFF20] =	vst v11  }
0x65f: {  	v63 =	vld [tilespmem:s9+$0x30];
	v7 =	vmul.f32 v46, v38;
	[tilespmem:s9+$0xFFFFFF30] =	vst v10  }
0x660: {  	v34 =	vadd.s32 $0x80, v24;
	v20 =	vld [tilespmem:s9+$0x60];
	v4 =	vmul.f32 v48, v40;
	[tilespmem:s9+$0xFFFFFF40] =	vst v5  }
0x661: {  	v19 =	vbroadcast v34, $0x0;
	v2 =	vld [tilespmem:s9+$0xFFFFFF10];
	v34 =	vmul.f32 v25, v12;
	[tilespmem:s9+$0xFFFFFF50] =	vst v7  }
0x662: {  	v61 =	vld [tilespmem:s9+$0x20];
	v39 =	vmul.f32 v30, v12;
	[tilespmem:s9+$0xFFFFFF70] =	vst v4  }
0x663: {  	v32 =	vld [tilespmem:s9+$0xE0];
	v21 =	vmul.f32 v60, v9;
	[tilespmem:s9+$0xA0] =	vst v34  }
0x664: {  	v35 =	vld [tilespmem:s9+$0x100];
	v24 =	vmul.f32 v63, v9;
	[tilespmem:s9+$0xD0] =	vst v39  }
0x665: {  	v52 =	vld [tilespmem:s9+$0x1C0];
	v29 =	vmul.f32 v20, v9;
	[tilespmem:s9+$0x10] =	vst v21  }
0x666: {  	v58 =	vld [tilespmem:s9+$0x0];
	[tilespmem:s9+$0x30] =	vst v24;
	v2 =	vmul.f32 v2, v38  }
0x667: {  	v36 =	vor.u32 v1, v19;
	v27 =	vld [tilespmem:s9+$0xB0];
	v31 =	vmul.f32 v22, v9;
	[tilespmem:s9+$0x60] =	vst v29  }
0x668: {  	v41 =	vmul.f32 v32, v12;
	[tilespmem:s9+$0xFFFFFF10] =	vst v2;
	v2 =	vld [tilespmem:s9+$0xFFFFFFB0]  }
0x669: {  	v51 =	vld [tilespmem:s9+$0xFFFFFF90];
	v44 =	vmul.f32 v35, v12;
	[tilespmem:s9+$0x70] =	vst v31  }
0x66a: {  	v56 =	vld [tilespmem:s9+$0xFFFFFFE0];
	v60 =	vmul.f32 v52, v3;
	[tilespmem:s9+$0xE0] =	vst v41  }
0x66b: {  	v53 =	vld [tilespmem:s9+$0xFFFFFFC0];
	v19 =	vmul.f32 v58, v9;
	[tilespmem:s9+$0x100] =	vst v44  }
0x66c: {  	v17 =	vld.idx.msk [tilespmem:v36+s18+$0x0], $0xffff;
	v36 =	vmul.f32 v27, v12;
	[tilespmem:s9+$0x1C0] =	vst v60  }
0x66d: {  	v16 =	vld [tilespmem:s9+$0x40];
	[tilespmem:s9+$0x0] =	vst v19;
	v2 =	vmul.f32 v2, v40  }
0x66e: {  	v18 =	vld [tilespmem:s9+$0x50];
	v57 =	vmul.f32 v51, v40;
	[tilespmem:s9+$0xB0] =	vst v36  }
0x66f: {  	v37 =	vld [tilespmem:s9+$0x120];
	[tilespmem:s9+$0xFFFFFFB0] =	vst v2;
	v2 =	vmul.f32 v56, v40  }
0x670: {  	v23 =	vld [tilespmem:s9+$0x90];
	v62 =	vmul.f32 v53, v40;
	[tilespmem:s9+$0xFFFFFF90] =	vst v57  }
0x671: {  	v42 =	vld [tilespmem:s9+$0x150];
	[tilespmem:s9+$0xFFFFFFE0] =	vst v2;
	v2 =	vmul.f32 v61, v9  }
0x672: {  	v28 =	vld [tilespmem:s9+$0xC0];
	v26 =	vmul.f32 v16, v9;
	[tilespmem:s9+$0xFFFFFFC0] =	vst v62  }
0x673: {  	v45 =	vld [tilespmem:s9+$0x170];
	[tilespmem:s9+$0x20] =	vst v2;
	v2 =	vmul.f32 v18, v9  }
0x674: {  	v33 =	vld [tilespmem:s9+$0xF0];
	v46 =	vmul.f32 v37, v17;
	[tilespmem:s9+$0x40] =	vst v26  }
0x675: {  	v47 =	vld [tilespmem:s9+$0x180];
	[tilespmem:s9+$0x50] =	vst v2;
	v2 =	vmul.f32 v23, v12  }
0x676: {  	v38 =	vld [tilespmem:s9+$0x130];
	v50 =	vmul.f32 v42, v17;
	[tilespmem:s9+$0x120] =	vst v46  }
0x677: {  	v51 =	vld [tilespmem:s9+$0x1B0];
	[tilespmem:s9+$0x90] =	vst v2;
	v2 =	vmul.f32 v28, v12  }
0x678: {  	v43 =	vld [tilespmem:s9+$0x160];
	v53 =	vmul.f32 v45, v17;
	[tilespmem:s9+$0x150] =	vst v50  }
0x679: {  	v57 =	vld [tilespmem:s9+$0x1F0];
	[tilespmem:s9+$0xC0] =	vst v2;
	v2 =	vmul.f32 v33, v12  }
0x67a: {  	v48 =	vld [tilespmem:s9+$0x190];
	v55 =	vmul.f32 v47, v17;
	[tilespmem:s9+$0x170] =	vst v53  }
0x67b: {  	v40 =	vld [tilespmem:s9+$0x140];
	[tilespmem:s9+$0xF0] =	vst v2;
	v2 =	vmul.f32 v38, v17  }
0x67c: {  	v54 =	vld [tilespmem:s9+$0x1D0];
	[tilespmem:s9+$0x180] =	vst v55;
	v58 =	vmul.f32 v51, v3  }
0x67d: {  	v56 =	vld [tilespmem:s9+$0x1E0];
	[tilespmem:s9+$0x130] =	vst v2;
	v2 =	vmul.f32 v43, v17  }
0x67e: {  	v59 =	vld [tilespmem:s9+$0x200];
	[tilespmem:s9+$0x1B0] =	vst v58;
	v63 =	vmul.f32 v57, v3  }
0x67f: {  	v61 =	vld [tilespmem:s9+$0x210];
	[tilespmem:s9+$0x160] =	vst v2;
	v2 =	vmul.f32 v48, v17  }
0x680: {  	[tilespmem:s9+$0x1F0] =	vst v63;
	v49 =	vmul.f32 v40, v17  }
0x681: {  	[tilespmem:s9+$0x190] =	vst v2;
	v2 =	vmul.f32 v54, v3  }
0x682: {  	v62 =	vmul.f32 v56, v3;
	[tilespmem:s9+$0x140] =	vst v49  }
0x683: {  	[tilespmem:s9+$0x1D0] =	vst v2;
	v2 =	vmul.f32 v59, v3  }
0x684: {  	[tilespmem:s9+$0x1E0] =	vst v62;
	v3 =	vmul.f32 v61, v3  }
0x685: {  	[tilespmem:s9+$0x200] =	vst v2  }
0x686: {  	[tilespmem:s9+$0x210] =	vst v3  }
0x687: {  	[spmem:s2] =	stream.indirect.scatter.add.f32 [tilespmem:s18], [sflag:$0x7], $0x90, s7, s7, $0xb8;
	[tilespmem:$0x1CE90] =	vst v63  }
0x688: {  	_ =	swait.ge [sflag:s31], $0x2D00  }
0x689: {  	[sflag:s31] =	ssyncset.done $0x0  }
0x68a: {  	s11 =	stileid.u32;
	[sflag:s31] =	ssyncadd.s32 $0xFFFFD300  }
0x68b: {  	s3 =	sshll.u32 s11, $0x6;
	[bflag:$0x0] =	sbarrier.arrive $0xFFFF  }
0x68c: {  	s8 =	sor.u32 $0x1C01, s3;
	s15 =	simm.s32 $0x12;
	s23 =	rddreg [dreg:$0x5]  }
0x68d: {  	s28 =	simm.s32 $0x10;
	s26 =	rddreg [dreg:$0x6];
	s14 =	sshrl.u32 s23, $0x3  }
0x68e: {  	[hbm:s26@s28], [sflag:s8] =	dma.strided [spmem:s14@s15], $0x800, s0, $0x10   }
0x68f: {  	s9 =	rddreg [dreg:$0xd]  }
0x690: {  	s3 =	sor.u32 $0x1C02, s3;
	s11 =	rddreg [dreg:$0x18]  }
0x691: {  	[hbm:s9@s20], [sflag:s3] =	dma.strided [spmem:s11@s15], $0x100, s0, $0x2   }
0x692: {  	s9 =	rddreg [dreg:$0x13]  }
0x693: {  	s11 =	rddreg [dreg:$0x7];
	s9 =	sshrl.u32 s9, $0x3  }
0x694: {  	[hbm:s11@s28], [sflag:s8] =	dma.strided [spmem:s9@s15], $0x800, s0, $0x10   }
0x695: {  	s9 =	rddreg [dreg:$0xe]  }
0x696: {  	s11 =	rddreg [dreg:$0x19]  }
0x697: {  	[hbm:s9@s20], [sflag:s3] =	dma.strided [spmem:s11@s15], $0x100, s0, $0x2   }
0x698: {  	s9 =	rddreg [dreg:$0x14]  }
0x699: {  	s11 =	rddreg [dreg:$0x8];
	s9 =	sshrl.u32 s9, $0x3  }
0x69a: {  	[hbm:s11@s28], [sflag:s8] =	dma.strided [spmem:s9@s15], $0x800, s0, $0x10   }
0x69b: {  	s9 =	rddreg [dreg:$0xf]  }
0x69c: {  	s11 =	rddreg [dreg:$0x1a]  }
0x69d: {  	[hbm:s9@s20], [sflag:s3] =	dma.strided [spmem:s11@s15], $0x100, s0, $0x2   }
0x69e: {  	s9 =	rddreg [dreg:$0x15]  }
0x69f: {  	s11 =	rddreg [dreg:$0x9];
	s9 =	sshrl.u32 s9, $0x3  }
0x6a0: {  	[hbm:s11@s28], [sflag:s8] =	dma.strided [spmem:s9@s15], $0x800, s0, $0x10   }
0x6a1: {  	s9 =	rddreg [dreg:$0x10]  }
0x6a2: {  	s11 =	rddreg [dreg:$0x1b]  }
0x6a3: {  	[hbm:s9@s20], [sflag:s3] =	dma.strided [spmem:s11@s15], $0x100, s0, $0x2   }
0x6a4: {  	s9 =	rddreg [dreg:$0x16]  }
0x6a5: {  	s11 =	rddreg [dreg:$0xa];
	s9 =	sshrl.u32 s9, $0x3  }
0x6a6: {  	[hbm:s11@s28], [sflag:s8] =	dma.strided [spmem:s9@s15], $0x800, s0, $0x10   }
0x6a7: {  	s8 =	rddreg [dreg:$0x11]  }
0x6a8: {  	s9 =	rddreg [dreg:$0x1c]  }
0x6a9: {  	[hbm:s8@s20], [sflag:s3] =	dma.strided [spmem:s9@s15], $0x100, s0, $0x2   }
0x6aa: {  	_ =	swait.ge [sflag:s0], $0x800  }
0x6ab: {  	[sflag:s0] =	ssyncset.done $0x0  }
0x6ac: {  	[sflag:s0] =	ssyncadd.s32 $0xFFFFF800  }
0x6ad: {  	_ =	swait.ge [sflag:s20], $0x100  }
0x6ae: {  	[sflag:s20] =	ssyncset.done $0x0  }
0x6af: {  	[sflag:s20] =	ssyncadd.s32 $0xFFFFFF00  }
0x6b0: {  	_ =	swait.ge [sflag:s0], $0x800  }
0x6b1: {  	[sflag:s0] =	ssyncset.done $0x0  }
0x6b2: {  	[sflag:s0] =	ssyncadd.s32 $0xFFFFF800  }
0x6b3: {  	_ =	swait.ge [sflag:s20], $0x100  }
0x6b4: {  	[sflag:s20] =	ssyncset.done $0x0  }
0x6b5: {  	[sflag:s20] =	ssyncadd.s32 $0xFFFFFF00  }
0x6b6: {  	_ =	swait.ge [sflag:s0], $0x800  }
0x6b7: {  	[sflag:s0] =	ssyncset.done $0x0  }
0x6b8: {  	[sflag:s0] =	ssyncadd.s32 $0xFFFFF800  }
0x6b9: {  	_ =	swait.ge [sflag:s20], $0x100  }
0x6ba: {  	[sflag:s20] =	ssyncset.done $0x0  }
0x6bb: {  	[sflag:s20] =	ssyncadd.s32 $0xFFFFFF00  }
0x6bc: {  	_ =	swait.ge [sflag:s0], $0x800  }
0x6bd: {  	[sflag:s0] =	ssyncset.done $0x0  }
0x6be: {  	[sflag:s0] =	ssyncadd.s32 $0xFFFFF800  }
0x6bf: {  	_ =	swait.ge [sflag:s20], $0x100  }
0x6c0: {  	[sflag:s20] =	ssyncset.done $0x0  }
0x6c1: {  	[sflag:s20] =	ssyncadd.s32 $0xFFFFFF00  }
0x6c2: {  	_ =	swait.ge [sflag:s0], $0x800  }
0x6c3: {  	[sflag:s0] =	ssyncset.done $0x0  }
0x6c4: {  	[sflag:s0] =	ssyncadd.s32 $0xFFFFF800  }
0x6c5: {  	_ =	swait.ge [sflag:s20], $0x100  }
0x6c6: {  	s26 =	sld [smem:$0x7F2];
	_ =	sdelay $0x2  }
0x6c7: {  	s28 =	rddreg [dreg:$0x17];
	s8 =	sadd.s32 $0x1, s26  }
0x6c8: {  	p0 =	sne.s32 s8, s28  }
.Ltmp8:
0x6c9: {  	_ = 	snop;
	(pc) =	sbr.rel @p0 .LBB2_1-.Ltmp8, $3  }
0x6ca: {  	_ =	sdelay $0x1  }
0x6cb: {  	[sflag:s20] =	ssyncset.done $0x0  }
0x6cc: {  	[sflag:s20] =	ssyncadd.s32 $0xFFFFFF00  }
0x6cd: {  	_ =	sfence.sel $0x180000  }
0x6ce: {  	[bflag:$0x0] =	sbarrier.arrive $0xFFFF  }
0x6cf: {  	_ =	strace $0x90000047  }
0x6d0: {  	s0 =	stileid.u32;
	[bflag:$0x2] =	sbarrier.arrive $0xFFFF  }
0x6d1: {  	p0 =	sne.s32 s0, $0x0;
	s0 =	rddreg [dreg:$0x3]  }
0x6d2: {  	s0 =	sadd.s32 @!p0 $0x100000, s0  }
0x6d3: {  	[sflag:s0] =	ssyncadd.tile.s32 @!p0 $0x1;
	_ =	shalt  }
.Lfunc_end2:
_tile_overlayer_lowered:
.L_overlay_start_2:
0x6d4: {  	(tag) =	ssettag $0x2  }
0x6d5: {  	s0 =	rddreg [dreg:$0x0];
	s2 =	stileid.u32  }
0x6d6: {  	s1 =	rddreg [dreg:$0x1];
	p0 =	sne.s32 s2, $0x0  }
0x6d7: {  	s3 =	rddreg [dreg:$0x2];
	[bflag:$0x3] =	sbarrier.arrive $0xFFFF;
	s2 =	simm.s32 @!p0 $0x1C07  }
0x6d8: {  	[timem:s3], [sflag:s2] =	dma.local @!p0 [hbm:s0], s1  }
0x6d9: {  	s0 =	simm.s32 @!p0 $0x7  }
0x6da: {  	_ =	swait.ge @!p0 [sflag:s0], s1  }
0x6db: {  	s1 =	ssub.s32 @!p0 $0x0, s1;
	[sflag:s0] =	ssyncset.done @!p0 $0x0  }
0x6dc: {  	[sflag:s0] =	ssyncadd.s32 @!p0 s1  }
0x6dd: {  	[bflag:$0x3] =	sbarrier.arrive $0xFFFF  }
0x6de: {  	_ =	shalt  }

</sc_bundles>
